<compile_context>
chip_gen: v7x
topology: tpu7x:2x2x1
jax: 0.10.2.dev20260603
libtpu: 0.0.44.dev20260713+nightly
codegen_flags: <defaults>
</compile_context>

<pallas_src>
import functools

import jax
import jax.numpy as jnp
from jax import lax
from jax.experimental import pallas as pl
from jax.experimental.pallas import tpu as pltpu
from jax.experimental.pallas import tpu_sc as plsc

_NEG = -1e30
_K = 100

_NB = 512
_BINSCALE = 512.0
_PADBASE = 1 << 23
_NW = 32
_PER_W = 32
_NCAND = _NW * _PER_W
_ROWS = 80 * 128
_RPW = _ROWS // _NW
_RPS = _ROWS // 16
_HCAP = 32
_NG = 320



def _nms_body(hm_ref, nms_ref, rmax_ref, gmax_ref):
    x = hm_ref[...]
    heat = jnp.clip(jax.nn.sigmoid(x), 1e-4, 1.0 - 1e-4)
    c, h, w = heat.shape
    neg = jnp.full((c, h, 1), _NEG, heat.dtype)
    row = jnp.maximum(heat,
                      jnp.maximum(jnp.concatenate([heat[:, :, 1:], neg], axis=2),
                                  jnp.concatenate([neg, heat[:, :, :-1]], axis=2)))
    negr = jnp.full((c, 1, w), _NEG, heat.dtype)
    hmax = jnp.maximum(row,
                       jnp.maximum(jnp.concatenate([row[:, 1:, :], negr], axis=1),
                                   jnp.concatenate([negr, row[:, :-1, :]], axis=1)))
    nms = jnp.where(hmax == heat, heat, 0.0)
    nms_ref[...] = nms
    rmax = jnp.max(nms, axis=2)
    rmax_ref[...] = rmax
    gmax_ref[...] = jnp.concatenate(
        [jnp.max(rmax[:, g * 32:(g + 1) * 32], axis=1, keepdims=True)
         for g in range(4)], axis=1)


def _nms_pallas(hm3):
    C, H, W = hm3.shape
    BC = 8
    return pl.pallas_call(
        _nms_body,
        grid=(C // BC,),
        in_specs=[pl.BlockSpec((BC, H, W), lambda i: (i, 0, 0))],
        out_specs=[pl.BlockSpec((BC, H, W), lambda i: (i, 0, 0)),
                   pl.BlockSpec((BC, H), lambda i: (i, 0)),
                   pl.BlockSpec((BC, 4), lambda i: (i, 0))],
        out_shape=[jax.ShapeDtypeStruct((C, H, W), jnp.float32),
                   jax.ShapeDtypeStruct((C, H), jnp.float32),
                   jax.ShapeDtypeStruct((C, 4), jnp.float32)],
    )(hm3)



def _sc_body(gm_hbm, rm_hbm, nms_hbm, vals_hbm, idx_hbm,
             gm_v, rm_v, binb_v, hist_v, slice_v, tmp_v, ghist_v,
             rlist_v, rows_v, valbuf_v, idxbuf_v,
             sh_hist, sh_ghist, dsem):
    nc = 2
    cid = lax.axis_index("c")
    sid = lax.axis_index("s")
    wid = sid * nc + cid
    lanes = jnp.arange(16, dtype=jnp.int32)
    zero16 = jnp.zeros((16,), jnp.int32)

    pltpu.sync_copy(gm_hbm, gm_v.at[pl.ds(0, _NG)])
    pltpu.sync_copy(rm_hbm, rm_v.at[pl.ds(0, _ROWS)])

    for k in range(2):
        v = gm_v[pl.ds(sid * 32 + k * 16, 16)]
        b = jnp.clip((v * _BINSCALE).astype(jnp.int32), 0, _NB - 1)
        binb_v[pl.ds(k * 16, 16)] = b
    for j in range(_NB // 16):
        hist_v[pl.ds(j * 16, 16)] = zero16
    ones16 = jnp.ones((16,), jnp.int32)
    for k in range(2):
        bv = binb_v[pl.ds(k * 16, 16)]
        for l in range(16):
            ml = jnp.logical_and(lanes == l, (lanes * 0 + sid) < 10)
            h = plsc.load_gather(hist_v, [bv], mask=ml)
            plsc.store_scatter(hist_v, [bv], h + 1, mask=ml)

    pltpu.sync_copy(hist_v, sh_hist.at[sid])
    plsc.subcore_barrier()
    nbs = _NB // 16
    for j in range(nbs // 16):
        slice_v[pl.ds(j * 16, 16)] = zero16
    for r in range(16):
        pltpu.sync_copy(sh_hist.at[r, pl.ds(sid * nbs, nbs)], tmp_v)
        for j in range(nbs // 16):
            slice_v[pl.ds(j * 16, 16)] = (slice_v[pl.ds(j * 16, 16)]
                                          + tmp_v[pl.ds(j * 16, 16)])
    pltpu.sync_copy(slice_v, sh_ghist.at[pl.ds(sid * nbs, nbs)])
    plsc.subcore_barrier()
    pltpu.sync_copy(sh_ghist, ghist_v)

    def _rc(t, carry):
        acc, bchunk, accab, found = carry
        j = _NB // 16 - 1 - t
        s = jnp.sum(ghist_v[pl.ds(j * 16, 16)])
        acc2 = acc + s
        newly = jnp.logical_and(found == 0, acc2 >= _K)
        bchunk = jnp.where(newly, j, bchunk)
        accab = jnp.where(newly, acc, accab)
        found = jnp.where(newly, 1, found)
        return (acc2, bchunk, accab, found)
    _, bchunk, accab, found = lax.fori_loop(
        0, _NB // 16, _rc, (jnp.int32(0), jnp.int32(0), jnp.int32(0), jnp.int32(0)))

    w = ghist_v[pl.ds(bchunk * 16, 16)]
    sfx = plsc.cumsum(lax.rev(w, (0,)))
    kstar = jnp.max(plsc.all_reduce_ffs(sfx >= (_K - accab)))
    bstar = bchunk * 16 + 15 - kstar
    bstar = jnp.where(found == 0, 0, bstar)
    thresh_s = bstar.astype(jnp.float32) * jnp.float32(1.0 / _BINSCALE)
    thresh_v = jnp.full((16,), thresh_s, dtype=jnp.float32)

    zerof16 = jnp.zeros((16,), jnp.float32)
    for k in range(_HCAP // 16 + 1):
        rlist_v[pl.ds(k * 16, 16)] = zero16 + wid * 16
    for k in range(_PER_W // 16 + 1):
        valbuf_v[pl.ds(k * 16, 16)] = zerof16
        pad = (lanes + (_PADBASE + wid * _PER_W + k * 16)).astype(jnp.float32)
        idxbuf_v[pl.ds(k * 16, 16)] = pad

    nhot = jnp.int32(0)
    for j in range(_ROWS // (16 * _NW)):
        rbase = (wid + _NW * j) * 16
        v = rm_v[pl.ds(rbase, 16)]
        m = v >= thresh_v
        mi = m.astype(jnp.int32)
        pos = nhot + plsc.cumsum(mi) - mi
        keep = jnp.logical_and(m, pos < _HCAP)
        plsc.store_scatter(rlist_v, [pos], lanes + rbase, mask=keep)
        nhot = jnp.minimum(nhot + jnp.sum(mi), _HCAP)

    pltpu.async_copy(nms_hbm.at[rlist_v.at[pl.ds(0, _HCAP)]], rows_v, dsem).wait()

    def _ext(t, off):
        rg = rlist_v[pl.ds(t, 16)][0]
        livev = (lanes * 0 + t) < nhot
        for k in range(8):
            v = rows_v[t, pl.ds(k * 16, 16)]
            m = jnp.logical_and(v >= thresh_v, livev)
            mi = m.astype(jnp.int32)
            pos = off + plsc.cumsum(mi) - mi
            keep = jnp.logical_and(m, pos < _PER_W)
            plsc.store_scatter(valbuf_v, [pos], v, mask=keep)
            iv = (lanes + (rg * 128 + k * 16)).astype(jnp.float32)
            plsc.store_scatter(idxbuf_v, [pos], iv, mask=keep)
            off = jnp.minimum(off + jnp.sum(mi), _PER_W)
        return off
    lax.fori_loop(0, _HCAP, _ext, jnp.int32(0))

    pltpu.sync_copy(valbuf_v.at[pl.ds(0, _PER_W)],
                    vals_hbm.at[pl.ds(wid * _PER_W, _PER_W)])
    pltpu.sync_copy(idxbuf_v.at[pl.ds(0, _PER_W)],
                    idx_hbm.at[pl.ds(wid * _PER_W, _PER_W)])


@functools.cache
def _sc_compact_fn():
  return functools.partial(
    pl.kernel,
    out_type=(jax.ShapeDtypeStruct((_NCAND,), jnp.float32),
              jax.ShapeDtypeStruct((_NCAND,), jnp.float32)),
    mesh=plsc.VectorSubcoreMesh(core_axis_name="c", subcore_axis_name="s",
                                num_cores=2, num_subcores=16),
    compiler_params=pltpu.CompilerParams(needs_layout_passes=False),
    scratch_types=[
        pltpu.VMEM((_NG + 16,), jnp.float32),
        pltpu.VMEM((_ROWS + 16,), jnp.float32),
        pltpu.VMEM((48,), jnp.int32),
        pltpu.VMEM((_NB,), jnp.int32),
        pltpu.VMEM((_NB // 16,), jnp.int32),
        pltpu.VMEM((_NB // 16,), jnp.int32),
        pltpu.VMEM((_NB,), jnp.int32),
        pltpu.VMEM((_HCAP + 16,), jnp.int32),
        pltpu.VMEM((_HCAP, 128), jnp.float32),
        pltpu.VMEM((_PER_W + 16,), jnp.float32),
        pltpu.VMEM((_PER_W + 16,), jnp.float32),
        pltpu.VMEM_SHARED((16, _NB), jnp.int32),
        pltpu.VMEM_SHARED((_NB,), jnp.int32),
        pltpu.SemaphoreType.DMA,
    ],
  )(_sc_body)



def _sel_body(vals_ref, idx_ref, rw_ref, out_ref):
    nb = _NCAND // 128
    eye = (lax.broadcasted_iota(jnp.int32, (128, 128), 0)
           == lax.broadcasted_iota(jnp.int32, (128, 128), 1)).astype(jnp.float32)

    def col(row):
        return lax.dot_general(eye, row, (((1,), (1,)), ((), ())),
                               preferred_element_type=jnp.float32,
                               precision=lax.Precision.HIGHEST)

    def rowv(c):
        return lax.dot_general(c, eye, (((0,), (0,)), ((), ())),
                               preferred_element_type=jnp.float32,
                               precision=lax.Precision.HIGHEST)

    oiota = lax.broadcasted_iota(jnp.int32, (128, 1), 0).astype(jnp.float32)
    sel = jnp.zeros((128, 2), jnp.float32)
    for a in range(nb):
        va_c = col(vals_ref[a:a + 1, :])
        ia_c = col(idx_ref[a:a + 1, :])
        rank = jnp.zeros((128, 1), jnp.float32)
        for b in range(nb):
            vb_r = vals_ref[b:b + 1, :]
            ib_r = idx_ref[b:b + 1, :]
            gt = (vb_r > va_c).astype(jnp.float32)
            tie = jnp.logical_and(vb_r == va_c, ib_r < ia_c).astype(jnp.float32)
            rank = rank + jnp.sum(gt + tie, axis=1, keepdims=True)
        oh = (oiota == rowv(rank)).astype(jnp.float32)
        fa = jnp.concatenate([va_c, ia_c], axis=1)
        sel = sel + lax.dot_general(oh, fa, (((1,), (0,)), ((), ())),
                                    preferred_element_type=jnp.float32,
                               precision=lax.Precision.HIGHEST)

    val_c = sel[:, 0:1]
    idx_c = sel[:, 1:2]
    clsf = jnp.floor(idx_c * (1.0 / 16384.0))
    pix = idx_c - clsf * 16384.0
    ysf = jnp.floor(pix * (1.0 / 128.0))
    xsf = pix - ysf * 128.0

    hiota = lax.broadcasted_iota(jnp.int32, (128, 128), 1).astype(jnp.float32)
    ohh = (hiota == ysf).astype(jnp.float32)
    ohw = (hiota == xsf).astype(jnp.float32)
    gat = []
    for c in range(4):
        rows = lax.dot_general(ohh, rw_ref[c], (((1,), (0,)), ((), ())),
                               preferred_element_type=jnp.float32,
                               precision=lax.Precision.HIGHEST)
        gat.append(jnp.sum(rows * ohw, axis=1, keepdims=True))
    xs = xsf + gat[0]
    ys = ysf + gat[1]
    w_ = gat[2]
    h_ = gat[3]
    out_ref[...] = jnp.concatenate(
        [(xs - w_ / 2.0) * 4.0, (ys - h_ / 2.0) * 4.0,
         (xs + w_ / 2.0) * 4.0, (ys + h_ / 2.0) * 4.0,
         val_c, clsf, jnp.zeros((128, 2), jnp.float32)], axis=1)


def _sel_pallas(vals2, idx2, rw4):
    return pl.pallas_call(
        _sel_body,
        in_specs=[pl.BlockSpec(vals2.shape, lambda: (0, 0)),
                  pl.BlockSpec(idx2.shape, lambda: (0, 0)),
                  pl.BlockSpec(rw4.shape, lambda: (0, 0, 0))],
        out_specs=pl.BlockSpec((128, 8), lambda: (0, 0)),
        out_shape=jax.ShapeDtypeStruct((128, 8), jnp.float32),
    )(vals2, idx2, rw4)


def kernel(hm, wh, reg):
    B, C, H, W = hm.shape
    nms, rmax, gmax = _nms_pallas(hm.reshape(C, H, W))
    cand_v, cand_i = _sc_compact_fn()(gmax.reshape(-1), rmax.reshape(-1),
                                      nms.reshape(_ROWS, W))
    rw4 = jnp.concatenate([reg.reshape(2, H, W), wh.reshape(2, H, W)], axis=0)
    out = _sel_pallas(cand_v.reshape(-1, 128), cand_i.reshape(-1, 128), rw4)
    det_bboxes = out[:_K, :5]
    clses_out = out[:_K, 5].astype(jnp.int32)
    return det_bboxes, clses_out

# --- scband reference (transcript-rebuilt; emitter-appended) ---
"""Pipeline reference for scband-key-point-head-28166395527839 (READ-ONLY COPY).

The authoritative reference and input builder live on the scoring server;
editing this copy changes nothing except your own understanding.
"""

import jax, jax.numpy as jnp
import numpy as np


def setup_inputs(seed: int = 0) -> dict:
    key = jax.random.key(seed)
    k1, k2, k3 = jax.random.split(key, 3)
    hm = jax.random.normal(k1, (1, 80, 128, 128), dtype=jnp.float32)
    wh = jax.random.uniform(k2, (1, 2, 128, 128), dtype=jnp.float32) * 8.0
    reg = jax.random.uniform(k3, (1, 2, 128, 128), dtype=jnp.float32)
    return {"hm": hm, "wh": wh, "reg": reg}


def _pool_nms(heat):
    # 3x3 max-pool, stride 1, pad 1; keep only local maxima (CenterNet pseudo-NMS)
    padded = jnp.pad(heat, ((0, 0), (0, 0), (1, 1), (1, 1)), constant_values=-jnp.inf)
    hmax = jax.lax.reduce_window(padded, -jnp.inf, jax.lax.max,
                                 (1, 1, 3, 3), (1, 1, 1, 1), 'VALID')
    keep = (hmax == heat).astype(heat.dtype)
    return heat * keep


def reference(hm, wh, reg):
    # Faithful translation of KeyPointHead.forward_single + get_bboxes / ctdet_decode
    # forward_single is a passthrough of (hm, wh, reg); get_bboxes does the decode.
    K = 100
    down_ratio = 4.0
    B, C, H, W = hm.shape
    heat = jnp.clip(jax.nn.sigmoid(hm), 1e-4, 1.0 - 1e-4)
    heat = _pool_nms(heat)
    # top-K over all classes and spatial positions
    scores, inds = jax.lax.top_k(heat.reshape(B, -1), K)
    clses = (inds // (H * W)).astype(jnp.int32)
    pix = inds % (H * W)
    ys = (pix // W).astype(jnp.float32)
    xs = (pix % W).astype(jnp.float32)
    reg_f = reg.reshape(B, 2, H * W)
    wh_f = wh.reshape(B, 2, H * W)
    rx = jnp.take_along_axis(reg_f[:, 0, :], pix, axis=1)
    ry = jnp.take_along_axis(reg_f[:, 1, :], pix, axis=1)
    w_ = jnp.take_along_axis(wh_f[:, 0, :], pix, axis=1)
    h_ = jnp.take_along_axis(wh_f[:, 1, :], pix, axis=1)
    xs = xs + rx
    ys = ys + ry
    bboxes = jnp.stack([xs - w_ / 2.0, ys - h_ / 2.0,
                        xs + w_ / 2.0, ys + h_ / 2.0], axis=-1)
    bboxes = bboxes * down_ratio
    det_bboxes = jnp.concatenate([bboxes, scores[..., None]], axis=-1)
    det_bboxes = det_bboxes.reshape(K, 5)
    clses_out = clses.reshape(K)
    return det_bboxes, clses_out

if __name__ == "__main__":
    import jax
    _d = setup_inputs()
    print(jax.jit(kernel)(*tuple(_d.values())))

</pallas_src>

<mosaic_0001>
#map = affine_map<(d0, d1) -> (0)>
#map1 = affine_map<(d0, d1) -> (0, 0)>
module attributes {stable_mosaic.version = 14 : i64} {
  func.func @_sc_body(%arg0: i32, %arg1: i32, %arg2: memref<320xf32, #tpu.memory_space<hbm>>, %arg3: memref<10240xf32, #tpu.memory_space<hbm>>, %arg4: memref<10240x128xf32, #tpu.memory_space<hbm>>, %arg5: memref<1024xf32, #tpu.memory_space<hbm>>, %arg6: memref<1024xf32, #tpu.memory_space<hbm>>, %arg7: memref<336xf32, #tpu.memory_space<vmem>>, %arg8: memref<10256xf32, #tpu.memory_space<vmem>>, %arg9: memref<48xi32, #tpu.memory_space<vmem>>, %arg10: memref<512xi32, #tpu.memory_space<vmem>>, %arg11: memref<32xi32, #tpu.memory_space<vmem>>, %arg12: memref<32xi32, #tpu.memory_space<vmem>>, %arg13: memref<512xi32, #tpu.memory_space<vmem>>, %arg14: memref<48xi32, #tpu.memory_space<vmem>>, %arg15: memref<32x128xf32, #tpu.memory_space<vmem>>, %arg16: memref<48xf32, #tpu.memory_space<vmem>>, %arg17: memref<48xf32, #tpu.memory_space<vmem>>, %arg18: memref<16x512xi32, #tpu.memory_space<vmem_shared>>, %arg19: memref<512xi32, #tpu.memory_space<vmem_shared>>, %arg20: memref<!tpu.dma_semaphore, #tpu.memory_space<semaphore_mem>>) attributes {dimension_semantics = [#tpu.dimension_semantics<core_parallel>, #tpu.dimension_semantics<subcore_parallel>], iteration_bounds = array<i64: 2, 16>, scalar_prefetch = 0 : i64, scratch_operands = 14 : i64, tpu.core_type = #tpu.core_type<sc_vector_subcore>, window_params = [{transform_indices = #map}, {transform_indices = #map}, {transform_indices = #map1}, {transform_indices = #map}, {transform_indices = #map}]} {
    %mul3A = arith.constant 2 : i32
    %mul3A_0 = arith.muli %arg1, %mul3A : i32
    %add3A = arith.addi %mul3A_0, %arg0 : i32
    %iota3A = tpu.iota {dimensions = array<i32: 0>} : vector<16xi32>
    %broadcast_in_dim3A = arith.constant 0 : i32
    %broadcast_in_dim3A_1 = vector.broadcast %broadcast_in_dim3A : i32 to vector<16xi32>
    "tpu.region"() ({
      %run_scoped3A_1547 = tpu.sem_alloc : memref<!tpu.dma_semaphore, #tpu.memory_space<semaphore_mem>>
      %dma_start3A_1548 = arith.constant 0 : i32
      %dma_start3A_1549 = tpu.memref_slice %arg7[%dma_start3A_1548] : memref<336xf32, #tpu.memory_space<vmem>> -> memref<320xf32, #tpu.memory_space<vmem>>
      %dma_start3A_1550 = arith.constant 0 : i32
      %dma_start3A_1551 = tpu.memref_slice %arg7[%dma_start3A_1550] : memref<336xf32, #tpu.memory_space<vmem>> -> memref<320xf32, #tpu.memory_space<vmem>>
      tpu.enqueue_dma source(%arg2 : memref<320xf32, #tpu.memory_space<hbm>>) target(%dma_start3A_1551 : memref<320xf32, #tpu.memory_space<vmem>>) target_semaphore(%run_scoped3A_1547 : memref<!tpu.dma_semaphore, #tpu.memory_space<semaphore_mem>>)
      %dma_wait3A_1552 = arith.constant 0 : i32
      %dma_wait3A_1553 = tpu.memref_slice %arg7[%dma_wait3A_1552] : memref<336xf32, #tpu.memory_space<vmem>> -> memref<320xf32, #tpu.memory_space<vmem>>
      %dma_wait3A_1554 = arith.constant 0 : i32
      %dma_wait3A_1555 = tpu.memref_slice %arg7[%dma_wait3A_1554] : memref<336xf32, #tpu.memory_space<vmem>> -> memref<320xf32, #tpu.memory_space<vmem>>
      tpu.wait_dma2 semaphore(%run_scoped3A_1547 : memref<!tpu.dma_semaphore, #tpu.memory_space<semaphore_mem>>) src(%arg2 : memref<320xf32, #tpu.memory_space<hbm>>) dst(%dma_wait3A_1555 : memref<320xf32, #tpu.memory_space<vmem>>)
      tpu.yield
    }) : () -> ()
    "tpu.region"() ({
      %run_scoped3A_1547 = tpu.sem_alloc : memref<!tpu.dma_semaphore, #tpu.memory_space<semaphore_mem>>
      %dma_start3A_1548 = arith.constant 0 : i32
      %dma_start3A_1549 = tpu.memref_slice %arg8[%dma_start3A_1548] : memref<10256xf32, #tpu.memory_space<vmem>> -> memref<10240xf32, #tpu.memory_space<vmem>>
      %dma_start3A_1550 = arith.constant 0 : i32
      %dma_start3A_1551 = tpu.memref_slice %arg8[%dma_start3A_1550] : memref<10256xf32, #tpu.memory_space<vmem>> -> memref<10240xf32, #tpu.memory_space<vmem>>
      tpu.enqueue_dma source(%arg3 : memref<10240xf32, #tpu.memory_space<hbm>>) target(%dma_start3A_1551 : memref<10240xf32, #tpu.memory_space<vmem>>) target_semaphore(%run_scoped3A_1547 : memref<!tpu.dma_semaphore, #tpu.memory_space<semaphore_mem>>)
      %dma_wait3A_1552 = arith.constant 0 : i32
      %dma_wait3A_1553 = tpu.memref_slice %arg8[%dma_wait3A_1552] : memref<10256xf32, #tpu.memory_space<vmem>> -> memref<10240xf32, #tpu.memory_space<vmem>>
      %dma_wait3A_1554 = arith.constant 0 : i32
      %dma_wait3A_1555 = tpu.memref_slice %arg8[%dma_wait3A_1554] : memref<10256xf32, #tpu.memory_space<vmem>> -> memref<10240xf32, #tpu.memory_space<vmem>>
      tpu.wait_dma2 semaphore(%run_scoped3A_1547 : memref<!tpu.dma_semaphore, #tpu.memory_space<semaphore_mem>>) src(%arg3 : memref<10240xf32, #tpu.memory_space<hbm>>) dst(%dma_wait3A_1555 : memref<10240xf32, #tpu.memory_space<vmem>>)
      tpu.yield
    }) : () -> ()
    %mul3A_2 = arith.constant 32 : i32
    %mul3A_3 = arith.muli %arg1, %mul3A_2 : i32
    %add3A_4 = arith.constant 0 : i32
    %add3A_5 = arith.addi %mul3A_3, %add3A_4 : i32
    %get3A = arith.index_cast %add3A_5 : i32 to index
    %get3A_6 = tpu.vector_load %arg7[%get3A] {strides = array<i32>} : memref<336xf32, #tpu.memory_space<vmem>>, vector<16xf32>,
    %mul3A_7 = arith.constant 5.120000e+02 : f32
    %mul3A_8 = vector.broadcast %mul3A_7 : f32 to vector<16xf32>
    %mul3A_9 = arith.mulf %get3A_6, %mul3A_8 : vector<16xf32>
    %convert_element_type3A = arith.fptosi %mul3A_9 : vector<16xf32> to vector<16xi32>
    %jit3A = arith.constant 0 : i32
    %jit3A_10 = arith.constant 511 : i32
    %max3A = vector.broadcast %jit3A : i32 to vector<16xi32>
    %max3A_11 = arith.maxsi %max3A, %convert_element_type3A : vector<16xi32>
    %min3A = vector.broadcast %jit3A_10 : i32 to vector<16xi32>
    %min3A_12 = arith.minsi %min3A, %max3A_11 : vector<16xi32>
    %swap3A = arith.constant 0 : index
    %swap3A_13 = tpu.vector_load %arg9[%swap3A] {strides = array<i32>} : memref<48xi32, #tpu.memory_space<vmem>>, vector<16xi32>,
    tpu.vector_store %arg9[%swap3A], %min3A_12 {strides = array<i32>} : memref<48xi32, #tpu.memory_space<vmem>>, vector<16xi32>,
    %mul3A_14 = arith.constant 32 : i32
    %mul3A_15 = arith.muli %arg1, %mul3A_14 : i32
    %add3A_16 = arith.constant 16 : i32
    %add3A_17 = arith.addi %mul3A_15, %add3A_16 : i32
    %get3A_18 = arith.index_cast %add3A_17 : i32 to index
    %get3A_19 = tpu.vector_load %arg7[%get3A_18] {strides = array<i32>} : memref<336xf32, #tpu.memory_space<vmem>>, vector<16xf32>,
    %mul3A_20 = arith.constant 5.120000e+02 : f32
    %mul3A_21 = vector.broadcast %mul3A_20 : f32 to vector<16xf32>
    %mul3A_22 = arith.mulf %get3A_19, %mul3A_21 : vector<16xf32>
    %convert_element_type3A_23 = arith.fptosi %mul3A_22 : vector<16xf32> to vector<16xi32>
    %jit3A_24 = arith.constant 0 : i32
    %jit3A_25 = arith.constant 511 : i32
    %max3A_26 = vector.broadcast %jit3A_24 : i32 to vector<16xi32>
    %max3A_27 = arith.maxsi %max3A_26, %convert_element_type3A_23 : vector<16xi32>
    %min3A_28 = vector.broadcast %jit3A_25 : i32 to vector<16xi32>
    %min3A_29 = arith.minsi %min3A_28, %max3A_27 : vector<16xi32>
    %swap3A_30 = arith.constant 16 : index
    %swap3A_31 = tpu.vector_load %arg9[%swap3A_30] {strides = array<i32>} : memref<48xi32, #tpu.memory_space<vmem>>, vector<16xi32>,
    tpu.vector_store %arg9[%swap3A_30], %min3A_29 {strides = array<i32>} : memref<48xi32, #tpu.memory_space<vmem>>, vector<16xi32>,
    %swap3A_32 = arith.constant 0 : index
    %swap3A_33 = tpu.vector_load %arg10[%swap3A_32] {strides = array<i32>} : memref<512xi32, #tpu.memory_space<vmem>>, vector<16xi32>,
    tpu.vector_store %arg10[%swap3A_32], %broadcast_in_dim3A_1 {strides = array<i32>} : memref<512xi32, #tpu.memory_space<vmem>>, vector<16xi32>,
    %swap3A_34 = arith.constant 16 : index
    %swap3A_35 = tpu.vector_load %arg10[%swap3A_34] {strides = array<i32>} : memref<512xi32, #tpu.memory_space<vmem>>, vector<16xi32>,
    tpu.vector_store %arg10[%swap3A_34], %broadcast_in_dim3A_1 {strides = array<i32>} : memref<512xi32, #tpu.memory_space<vmem>>, vector<16xi32>,
    %swap3A_36 = arith.constant 32 : index
    %swap3A_37 = tpu.vector_load %arg10[%swap3A_36] {strides = array<i32>} : memref<512xi32, #tpu.memory_space<vmem>>, vector<16xi32>,
    tpu.vector_store %arg10[%swap3A_36], %broadcast_in_dim3A_1 {strides = array<i32>} : memref<512xi32, #tpu.memory_space<vmem>>, vector<16xi32>,
    %swap3A_38 = arith.constant 48 : index
    %swap3A_39 = tpu.vector_load %arg10[%swap3A_38] {strides = array<i32>} : memref<512xi32, #tpu.memory_space<vmem>>, vector<16xi32>,
    tpu.vector_store %arg10[%swap3A_38], %broadcast_in_dim3A_1 {strides = array<i32>} : memref<512xi32, #tpu.memory_space<vmem>>, vector<16xi32>,
    %swap3A_40 = arith.constant 64 : index
    %swap3A_41 = tpu.vector_load %arg10[%swap3A_40] {strides = array<i32>} : memref<512xi32, #tpu.memory_space<vmem>>, vector<16xi32>,
    tpu.vector_store %arg10[%swap3A_40], %broadcast_in_dim3A_1 {strides = array<i32>} : memref<512xi32, #tpu.memory_space<vmem>>, vector<16xi32>,
    %swap3A_42 = arith.constant 80 : index
    %swap3A_43 = tpu.vector_load %arg10[%swap3A_42] {strides = array<i32>} : memref<512xi32, #tpu.memory_space<vmem>>, vector<16xi32>,
    tpu.vector_store %arg10[%swap3A_42], %broadcast_in_dim3A_1 {strides = array<i32>} : memref<512xi32, #tpu.memory_space<vmem>>, vector<16xi32>,
    %swap3A_44 = arith.constant 96 : index
    %swap3A_45 = tpu.vector_load %arg10[%swap3A_44] {strides = array<i32>} : memref<512xi32, #tpu.memory_space<vmem>>, vector<16xi32>,
    tpu.vector_store %arg10[%swap3A_44], %broadcast_in_dim3A_1 {strides = array<i32>} : memref<512xi32, #tpu.memory_space<vmem>>, vector<16xi32>,
    %swap3A_46 = arith.constant 112 : index
    %swap3A_47 = tpu.vector_load %arg10[%swap3A_46] {strides = array<i32>} : memref<512xi32, #tpu.memory_space<vmem>>, vector<16xi32>,
    tpu.vector_store %arg10[%swap3A_46], %broadcast_in_dim3A_1 {strides = array<i32>} : memref<512xi32, #tpu.memory_space<vmem>>, vector<16xi32>,
    %swap3A_48 = arith.constant 128 : index
    %swap3A_49 = tpu.vector_load %arg10[%swap3A_48] {strides = array<i32>} : memref<512xi32, #tpu.memory_space<vmem>>, vector<16xi32>,
    tpu.vector_store %arg10[%swap3A_48], %broadcast_in_dim3A_1 {strides = array<i32>} : memref<512xi32, #tpu.memory_space<vmem>>, vector<16xi32>,
    %swap3A_50 = arith.constant 144 : index
    %swap3A_51 = tpu.vector_load %arg10[%swap3A_50] {strides = array<i32>} : memref<512xi32, #tpu.memory_space<vmem>>, vector<16xi32>,
    tpu.vector_store %arg10[%swap3A_50], %broadcast_in_dim3A_1 {strides = array<i32>} : memref<512xi32, #tpu.memory_space<vmem>>, vector<16xi32>,
    %swap3A_52 = arith.constant 160 : index
    %swap3A_53 = tpu.vector_load %arg10[%swap3A_52] {strides = array<i32>} : memref<512xi32, #tpu.memory_space<vmem>>, vector<16xi32>,
    tpu.vector_store %arg10[%swap3A_52], %broadcast_in_dim3A_1 {strides = array<i32>} : memref<512xi32, #tpu.memory_space<vmem>>, vector<16xi32>,
    %swap3A_54 = arith.constant 176 : index
    %swap3A_55 = tpu.vector_load %arg10[%swap3A_54] {strides = array<i32>} : memref<512xi32, #tpu.memory_space<vmem>>, vector<16xi32>,
    tpu.vector_store %arg10[%swap3A_54], %broadcast_in_dim3A_1 {strides = array<i32>} : memref<512xi32, #tpu.memory_space<vmem>>, vector<16xi32>,
    %swap3A_56 = arith.constant 192 : index
    %swap3A_57 = tpu.vector_load %arg10[%swap3A_56] {strides = array<i32>} : memref<512xi32, #tpu.memory_space<vmem>>, vector<16xi32>,
    tpu.vector_store %arg10[%swap3A_56], %broadcast_in_dim3A_1 {strides = array<i32>} : memref<512xi32, #tpu.memory_space<vmem>>, vector<16xi32>,
    %swap3A_58 = arith.constant 208 : index
    %swap3A_59 = tpu.vector_load %arg10[%swap3A_58] {strides = array<i32>} : memref<512xi32, #tpu.memory_space<vmem>>, vector<16xi32>,
    tpu.vector_store %arg10[%swap3A_58], %broadcast_in_dim3A_1 {strides = array<i32>} : memref<512xi32, #tpu.memory_space<vmem>>, vector<16xi32>,
    %swap3A_60 = arith.constant 224 : index
    %swap3A_61 = tpu.vector_load %arg10[%swap3A_60] {strides = array<i32>} : memref<512xi32, #tpu.memory_space<vmem>>, vector<16xi32>,
    tpu.vector_store %arg10[%swap3A_60], %broadcast_in_dim3A_1 {strides = array<i32>} : memref<512xi32, #tpu.memory_space<vmem>>, vector<16xi32>,
    %swap3A_62 = arith.constant 240 : index
    %swap3A_63 = tpu.vector_load %arg10[%swap3A_62] {strides = array<i32>} : memref<512xi32, #tpu.memory_space<vmem>>, vector<16xi32>,
    tpu.vector_store %arg10[%swap3A_62], %broadcast_in_dim3A_1 {strides = array<i32>} : memref<512xi32, #tpu.memory_space<vmem>>, vector<16xi32>,
    %swap3A_64 = arith.constant 256 : index
    %swap3A_65 = tpu.vector_load %arg10[%swap3A_64] {strides = array<i32>} : memref<512xi32, #tpu.memory_space<vmem>>, vector<16xi32>,
    tpu.vector_store %arg10[%swap3A_64], %broadcast_in_dim3A_1 {strides = array<i32>} : memref<512xi32, #tpu.memory_space<vmem>>, vector<16xi32>,
    %swap3A_66 = arith.constant 272 : index
    %swap3A_67 = tpu.vector_load %arg10[%swap3A_66] {strides = array<i32>} : memref<512xi32, #tpu.memory_space<vmem>>, vector<16xi32>,
    tpu.vector_store %arg10[%swap3A_66], %broadcast_in_dim3A_1 {strides = array<i32>} : memref<512xi32, #tpu.memory_space<vmem>>, vector<16xi32>,
    %swap3A_68 = arith.constant 288 : index
    %swap3A_69 = tpu.vector_load %arg10[%swap3A_68] {strides = array<i32>} : memref<512xi32, #tpu.memory_space<vmem>>, vector<16xi32>,
    tpu.vector_store %arg10[%swap3A_68], %broadcast_in_dim3A_1 {strides = array<i32>} : memref<512xi32, #tpu.memory_space<vmem>>, vector<16xi32>,
    %swap3A_70 = arith.constant 304 : index
    %swap3A_71 = tpu.vector_load %arg10[%swap3A_70] {strides = array<i32>} : memref<512xi32, #tpu.memory_space<vmem>>, vector<16xi32>,
    tpu.vector_store %arg10[%swap3A_70], %broadcast_in_dim3A_1 {strides = array<i32>} : memref<512xi32, #tpu.memory_space<vmem>>, vector<16xi32>,
    %swap3A_72 = arith.constant 320 : index
    %swap3A_73 = tpu.vector_load %arg10[%swap3A_72] {strides = array<i32>} : memref<512xi32, #tpu.memory_space<vmem>>, vector<16xi32>,
    tpu.vector_store %arg10[%swap3A_72], %broadcast_in_dim3A_1 {strides = array<i32>} : memref<512xi32, #tpu.memory_space<vmem>>, vector<16xi32>,
    %swap3A_74 = arith.constant 336 : index
    %swap3A_75 = tpu.vector_load %arg10[%swap3A_74] {strides = array<i32>} : memref<512xi32, #tpu.memory_space<vmem>>, vector<16xi32>,
    tpu.vector_store %arg10[%swap3A_74], %broadcast_in_dim3A_1 {strides = array<i32>} : memref<512xi32, #tpu.memory_space<vmem>>, vector<16xi32>,
    %swap3A_76 = arith.constant 352 : index
    %swap3A_77 = tpu.vector_load %arg10[%swap3A_76] {strides = array<i32>} : memref<512xi32, #tpu.memory_space<vmem>>, vector<16xi32>,
    tpu.vector_store %arg10[%swap3A_76], %broadcast_in_dim3A_1 {strides = array<i32>} : memref<512xi32, #tpu.memory_space<vmem>>, vector<16xi32>,
    %swap3A_78 = arith.constant 368 : index
    %swap3A_79 = tpu.vector_load %arg10[%swap3A_78] {strides = array<i32>} : memref<512xi32, #tpu.memory_space<vmem>>, vector<16xi32>,
    tpu.vector_store %arg10[%swap3A_78], %broadcast_in_dim3A_1 {strides = array<i32>} : memref<512xi32, #tpu.memory_space<vmem>>, vector<16xi32>,
    %swap3A_80 = arith.constant 384 : index
    %swap3A_81 = tpu.vector_load %arg10[%swap3A_80] {strides = array<i32>} : memref<512xi32, #tpu.memory_space<vmem>>, vector<16xi32>,
    tpu.vector_store %arg10[%swap3A_80], %broadcast_in_dim3A_1 {strides = array<i32>} : memref<512xi32, #tpu.memory_space<vmem>>, vector<16xi32>,
    %swap3A_82 = arith.constant 400 : index
    %swap3A_83 = tpu.vector_load %arg10[%swap3A_82] {strides = array<i32>} : memref<512xi32, #tpu.memory_space<vmem>>, vector<16xi32>,
    tpu.vector_store %arg10[%swap3A_82], %broadcast_in_dim3A_1 {strides = array<i32>} : memref<512xi32, #tpu.memory_space<vmem>>, vector<16xi32>,
    %swap3A_84 = arith.constant 416 : index
    %swap3A_85 = tpu.vector_load %arg10[%swap3A_84] {strides = array<i32>} : memref<512xi32, #tpu.memory_space<vmem>>, vector<16xi32>,
    tpu.vector_store %arg10[%swap3A_84], %broadcast_in_dim3A_1 {strides = array<i32>} : memref<512xi32, #tpu.memory_space<vmem>>, vector<16xi32>,
    %swap3A_86 = arith.constant 432 : index
    %swap3A_87 = tpu.vector_load %arg10[%swap3A_86] {strides = array<i32>} : memref<512xi32, #tpu.memory_space<vmem>>, vector<16xi32>,
    tpu.vector_store %arg10[%swap3A_86], %broadcast_in_dim3A_1 {strides = array<i32>} : memref<512xi32, #tpu.memory_space<vmem>>, vector<16xi32>,
    %swap3A_88 = arith.constant 448 : index
    %swap3A_89 = tpu.vector_load %arg10[%swap3A_88] {strides = array<i32>} : memref<512xi32, #tpu.memory_space<vmem>>, vector<16xi32>,
    tpu.vector_store %arg10[%swap3A_88], %broadcast_in_dim3A_1 {strides = array<i32>} : memref<512xi32, #tpu.memory_space<vmem>>, vector<16xi32>,
    %swap3A_90 = arith.constant 464 : index
    %swap3A_91 = tpu.vector_load %arg10[%swap3A_90] {strides = array<i32>} : memref<512xi32, #tpu.memory_space<vmem>>, vector<16xi32>,
    tpu.vector_store %arg10[%swap3A_90], %broadcast_in_dim3A_1 {strides = array<i32>} : memref<512xi32, #tpu.memory_space<vmem>>, vector<16xi32>,
    %swap3A_92 = arith.constant 480 : index
    %swap3A_93 = tpu.vector_load %arg10[%swap3A_92] {strides = array<i32>} : memref<512xi32, #tpu.memory_space<vmem>>, vector<16xi32>,
    tpu.vector_store %arg10[%swap3A_92], %broadcast_in_dim3A_1 {strides = array<i32>} : memref<512xi32, #tpu.memory_space<vmem>>, vector<16xi32>,
    %swap3A_94 = arith.constant 496 : index
    %swap3A_95 = tpu.vector_load %arg10[%swap3A_94] {strides = array<i32>} : memref<512xi32, #tpu.memory_space<vmem>>, vector<16xi32>,
    tpu.vector_store %arg10[%swap3A_94], %broadcast_in_dim3A_1 {strides = array<i32>} : memref<512xi32, #tpu.memory_space<vmem>>, vector<16xi32>,
    %broadcast_in_dim3A_96 = arith.constant 1 : i32
    %broadcast_in_dim3A_97 = vector.broadcast %broadcast_in_dim3A_96 : i32 to vector<16xi32>
    %get3A_98 = arith.constant 0 : index
    %get3A_99 = tpu.vector_load %arg9[%get3A_98] {strides = array<i32>} : memref<48xi32, #tpu.memory_space<vmem>>, vector<16xi32>,
    %eq3A = arith.constant 0 : i32
    %eq3A_100 = vector.broadcast %eq3A : i32 to vector<16xi32>
    %eq3A_101 = arith.cmpi eq, %iota3A, %eq3A_100 : vector<16xi32>
    %mul3A_102 = arith.constant 0 : i32
    %mul3A_103 = vector.broadcast %mul3A_102 : i32 to vector<16xi32>
    %mul3A_104 = arith.muli %iota3A, %mul3A_103 : vector<16xi32>
    %add3A_105 = vector.broadcast %arg1 : i32 to vector<16xi32>
    %add3A_106 = arith.addi %mul3A_104, %add3A_105 : vector<16xi32>
    %lt3A = arith.constant 10 : i32
    %lt3A_107 = vector.broadcast %lt3A : i32 to vector<16xi32>
    %lt3A_108 = arith.cmpi slt, %add3A_106, %lt3A_107 : vector<16xi32>
    %and3A = arith.andi %eq3A_101, %lt3A_108 : vector<16xi1>
    %gather3A = tpu.vector_load_idx %arg10[%get3A_99] masked %and3A : memref<512xi32, #tpu.memory_space<vmem>>[vector<16xi32>], vector<16xi32>, vector<16xi1>
    %add3A_109 = arith.constant 1 : i32
    %add3A_110 = vector.broadcast %add3A_109 : i32 to vector<16xi32>
    %add3A_111 = arith.addi %gather3A, %add3A_110 : vector<16xi32>
    tpu.vector_store_idx %arg10[%get3A_99], %add3A_111 masked %and3A : memref<512xi32, #tpu.memory_space<vmem>>[vector<16xi32>], vector<16xi32>, vector<16xi1>
    %eq3A_112 = arith.constant 1 : i32
    %eq3A_113 = vector.broadcast %eq3A_112 : i32 to vector<16xi32>
    %eq3A_114 = arith.cmpi eq, %iota3A, %eq3A_113 : vector<16xi32>
    %mul3A_115 = arith.constant 0 : i32
    %mul3A_116 = vector.broadcast %mul3A_115 : i32 to vector<16xi32>
    %mul3A_117 = arith.muli %iota3A, %mul3A_116 : vector<16xi32>
    %add3A_118 = vector.broadcast %arg1 : i32 to vector<16xi32>
    %add3A_119 = arith.addi %mul3A_117, %add3A_118 : vector<16xi32>
    %lt3A_120 = arith.constant 10 : i32
    %lt3A_121 = vector.broadcast %lt3A_120 : i32 to vector<16xi32>
    %lt3A_122 = arith.cmpi slt, %add3A_119, %lt3A_121 : vector<16xi32>
    %and3A_123 = arith.andi %eq3A_114, %lt3A_122 : vector<16xi1>
    %gather3A_124 = tpu.vector_load_idx %arg10[%get3A_99] masked %and3A_123 : memref<512xi32, #tpu.memory_space<vmem>>[vector<16xi32>], vector<16xi32>, vector<16xi1>
    %add3A_125 = arith.constant 1 : i32
    %add3A_126 = vector.broadcast %add3A_125 : i32 to vector<16xi32>
    %add3A_127 = arith.addi %gather3A_124, %add3A_126 : vector<16xi32>
    tpu.vector_store_idx %arg10[%get3A_99], %add3A_127 masked %and3A_123 : memref<512xi32, #tpu.memory_space<vmem>>[vector<16xi32>], vector<16xi32>, vector<16xi1>
    %eq3A_128 = arith.constant 2 : i32
    %eq3A_129 = vector.broadcast %eq3A_128 : i32 to vector<16xi32>
    %eq3A_130 = arith.cmpi eq, %iota3A, %eq3A_129 : vector<16xi32>
    %mul3A_131 = arith.constant 0 : i32
    %mul3A_132 = vector.broadcast %mul3A_131 : i32 to vector<16xi32>
    %mul3A_133 = arith.muli %iota3A, %mul3A_132 : vector<16xi32>
    %add3A_134 = vector.broadcast %arg1 : i32 to vector<16xi32>
    %add3A_135 = arith.addi %mul3A_133, %add3A_134 : vector<16xi32>
    %lt3A_136 = arith.constant 10 : i32
    %lt3A_137 = vector.broadcast %lt3A_136 : i32 to vector<16xi32>
    %lt3A_138 = arith.cmpi slt, %add3A_135, %lt3A_137 : vector<16xi32>
    %and3A_139 = arith.andi %eq3A_130, %lt3A_138 : vector<16xi1>
    %gather3A_140 = tpu.vector_load_idx %arg10[%get3A_99] masked %and3A_139 : memref<512xi32, #tpu.memory_space<vmem>>[vector<16xi32>], vector<16xi32>, vector<16xi1>
    %add3A_141 = arith.constant 1 : i32
    %add3A_142 = vector.broadcast %add3A_141 : i32 to vector<16xi32>
    %add3A_143 = arith.addi %gather3A_140, %add3A_142 : vector<16xi32>
    tpu.vector_store_idx %arg10[%get3A_99], %add3A_143 masked %and3A_139 : memref<512xi32, #tpu.memory_space<vmem>>[vector<16xi32>], vector<16xi32>, vector<16xi1>
    %eq3A_144 = arith.constant 3 : i32
    %eq3A_145 = vector.broadcast %eq3A_144 : i32 to vector<16xi32>
    %eq3A_146 = arith.cmpi eq, %iota3A, %eq3A_145 : vector<16xi32>
    %mul3A_147 = arith.constant 0 : i32
    %mul3A_148 = vector.broadcast %mul3A_147 : i32 to vector<16xi32>
    %mul3A_149 = arith.muli %iota3A, %mul3A_148 : vector<16xi32>
    %add3A_150 = vector.broadcast %arg1 : i32 to vector<16xi32>
    %add3A_151 = arith.addi %mul3A_149, %add3A_150 : vector<16xi32>
    %lt3A_152 = arith.constant 10 : i32
    %lt3A_153 = vector.broadcast %lt3A_152 : i32 to vector<16xi32>
    %lt3A_154 = arith.cmpi slt, %add3A_151, %lt3A_153 : vector<16xi32>
    %and3A_155 = arith.andi %eq3A_146, %lt3A_154 : vector<16xi1>
    %gather3A_156 = tpu.vector_load_idx %arg10[%get3A_99] masked %and3A_155 : memref<512xi32, #tpu.memory_space<vmem>>[vector<16xi32>], vector<16xi32>, vector<16xi1>
    %add3A_157 = arith.constant 1 : i32
    %add3A_158 = vector.broadcast %add3A_157 : i32 to vector<16xi32>
    %add3A_159 = arith.addi %gather3A_156, %add3A_158 : vector<16xi32>
    tpu.vector_store_idx %arg10[%get3A_99], %add3A_159 masked %and3A_155 : memref<512xi32, #tpu.memory_space<vmem>>[vector<16xi32>], vector<16xi32>, vector<16xi1>
    %eq3A_160 = arith.constant 4 : i32
    %eq3A_161 = vector.broadcast %eq3A_160 : i32 to vector<16xi32>
    %eq3A_162 = arith.cmpi eq, %iota3A, %eq3A_161 : vector<16xi32>
    %mul3A_163 = arith.constant 0 : i32
    %mul3A_164 = vector.broadcast %mul3A_163 : i32 to vector<16xi32>
    %mul3A_165 = arith.muli %iota3A, %mul3A_164 : vector<16xi32>
    %add3A_166 = vector.broadcast %arg1 : i32 to vector<16xi32>
    %add3A_167 = arith.addi %mul3A_165, %add3A_166 : vector<16xi32>
    %lt3A_168 = arith.constant 10 : i32
    %lt3A_169 = vector.broadcast %lt3A_168 : i32 to vector<16xi32>
    %lt3A_170 = arith.cmpi slt, %add3A_167, %lt3A_169 : vector<16xi32>
    %and3A_171 = arith.andi %eq3A_162, %lt3A_170 : vector<16xi1>
    %gather3A_172 = tpu.vector_load_idx %arg10[%get3A_99] masked %and3A_171 : memref<512xi32, #tpu.memory_space<vmem>>[vector<16xi32>], vector<16xi32>, vector<16xi1>
    %add3A_173 = arith.constant 1 : i32
    %add3A_174 = vector.broadcast %add3A_173 : i32 to vector<16xi32>
    %add3A_175 = arith.addi %gather3A_172, %add3A_174 : vector<16xi32>
    tpu.vector_store_idx %arg10[%get3A_99], %add3A_175 masked %and3A_171 : memref<512xi32, #tpu.memory_space<vmem>>[vector<16xi32>], vector<16xi32>, vector<16xi1>
    %eq3A_176 = arith.constant 5 : i32
    %eq3A_177 = vector.broadcast %eq3A_176 : i32 to vector<16xi32>
    %eq3A_178 = arith.cmpi eq, %iota3A, %eq3A_177 : vector<16xi32>
    %mul3A_179 = arith.constant 0 : i32
    %mul3A_180 = vector.broadcast %mul3A_179 : i32 to vector<16xi32>
    %mul3A_181 = arith.muli %iota3A, %mul3A_180 : vector<16xi32>
    %add3A_182 = vector.broadcast %arg1 : i32 to vector<16xi32>
    %add3A_183 = arith.addi %mul3A_181, %add3A_182 : vector<16xi32>
    %lt3A_184 = arith.constant 10 : i32
    %lt3A_185 = vector.broadcast %lt3A_184 : i32 to vector<16xi32>
    %lt3A_186 = arith.cmpi slt, %add3A_183, %lt3A_185 : vector<16xi32>
    %and3A_187 = arith.andi %eq3A_178, %lt3A_186 : vector<16xi1>
    %gather3A_188 = tpu.vector_load_idx %arg10[%get3A_99] masked %and3A_187 : memref<512xi32, #tpu.memory_space<vmem>>[vector<16xi32>], vector<16xi32>, vector<16xi1>
    %add3A_189 = arith.constant 1 : i32
    %add3A_190 = vector.broadcast %add3A_189 : i32 to vector<16xi32>
    %add3A_191 = arith.addi %gather3A_188, %add3A_190 : vector<16xi32>
    tpu.vector_store_idx %arg10[%get3A_99], %add3A_191 masked %and3A_187 : memref<512xi32, #tpu.memory_space<vmem>>[vector<16xi32>], vector<16xi32>, vector<16xi1>
    %eq3A_192 = arith.constant 6 : i32
    %eq3A_193 = vector.broadcast %eq3A_192 : i32 to vector<16xi32>
    %eq3A_194 = arith.cmpi eq, %iota3A, %eq3A_193 : vector<16xi32>
    %mul3A_195 = arith.constant 0 : i32
    %mul3A_196 = vector.broadcast %mul3A_195 : i32 to vector<16xi32>
    %mul3A_197 = arith.muli %iota3A, %mul3A_196 : vector<16xi32>
    %add3A_198 = vector.broadcast %arg1 : i32 to vector<16xi32>
    %add3A_199 = arith.addi %mul3A_197, %add3A_198 : vector<16xi32>
    %lt3A_200 = arith.constant 10 : i32
    %lt3A_201 = vector.broadcast %lt3A_200 : i32 to vector<16xi32>
    %lt3A_202 = arith.cmpi slt, %add3A_199, %lt3A_201 : vector<16xi32>
    %and3A_203 = arith.andi %eq3A_194, %lt3A_202 : vector<16xi1>
    %gather3A_204 = tpu.vector_load_idx %arg10[%get3A_99] masked %and3A_203 : memref<512xi32, #tpu.memory_space<vmem>>[vector<16xi32>], vector<16xi32>, vector<16xi1>
    %add3A_205 = arith.constant 1 : i32
    %add3A_206 = vector.broadcast %add3A_205 : i32 to vector<16xi32>
    %add3A_207 = arith.addi %gather3A_204, %add3A_206 : vector<16xi32>
    tpu.vector_store_idx %arg10[%get3A_99], %add3A_207 masked %and3A_203 : memref<512xi32, #tpu.memory_space<vmem>>[vector<16xi32>], vector<16xi32>, vector<16xi1>
    %eq3A_208 = arith.constant 7 : i32
    %eq3A_209 = vector.broadcast %eq3A_208 : i32 to vector<16xi32>
    %eq3A_210 = arith.cmpi eq, %iota3A, %eq3A_209 : vector<16xi32>
    %mul3A_211 = arith.constant 0 : i32
    %mul3A_212 = vector.broadcast %mul3A_211 : i32 to vector<16xi32>
    %mul3A_213 = arith.muli %iota3A, %mul3A_212 : vector<16xi32>
    %add3A_214 = vector.broadcast %arg1 : i32 to vector<16xi32>
    %add3A_215 = arith.addi %mul3A_213, %add3A_214 : vector<16xi32>
    %lt3A_216 = arith.constant 10 : i32
    %lt3A_217 = vector.broadcast %lt3A_216 : i32 to vector<16xi32>
    %lt3A_218 = arith.cmpi slt, %add3A_215, %lt3A_217 : vector<16xi32>
    %and3A_219 = arith.andi %eq3A_210, %lt3A_218 : vector<16xi1>
    %gather3A_220 = tpu.vector_load_idx %arg10[%get3A_99] masked %and3A_219 : memref<512xi32, #tpu.memory_space<vmem>>[vector<16xi32>], vector<16xi32>, vector<16xi1>
    %add3A_221 = arith.constant 1 : i32
    %add3A_222 = vector.broadcast %add3A_221 : i32 to vector<16xi32>
    %add3A_223 = arith.addi %gather3A_220, %add3A_222 : vector<16xi32>
    tpu.vector_store_idx %arg10[%get3A_99], %add3A_223 masked %and3A_219 : memref<512xi32, #tpu.memory_space<vmem>>[vector<16xi32>], vector<16xi32>, vector<16xi1>
    %eq3A_224 = arith.constant 8 : i32
    %eq3A_225 = vector.broadcast %eq3A_224 : i32 to vector<16xi32>
    %eq3A_226 = arith.cmpi eq, %iota3A, %eq3A_225 : vector<16xi32>
    %mul3A_227 = arith.constant 0 : i32
    %mul3A_228 = vector.broadcast %mul3A_227 : i32 to vector<16xi32>
    %mul3A_229 = arith.muli %iota3A, %mul3A_228 : vector<16xi32>
    %add3A_230 = vector.broadcast %arg1 : i32 to vector<16xi32>
    %add3A_231 = arith.addi %mul3A_229, %add3A_230 : vector<16xi32>
    %lt3A_232 = arith.constant 10 : i32
    %lt3A_233 = vector.broadcast %lt3A_232 : i32 to vector<16xi32>
    %lt3A_234 = arith.cmpi slt, %add3A_231, %lt3A_233 : vector<16xi32>
    %and3A_235 = arith.andi %eq3A_226, %lt3A_234 : vector<16xi1>
    %gather3A_236 = tpu.vector_load_idx %arg10[%get3A_99] masked %and3A_235 : memref<512xi32, #tpu.memory_space<vmem>>[vector<16xi32>], vector<16xi32>, vector<16xi1>
    %add3A_237 = arith.constant 1 : i32
    %add3A_238 = vector.broadcast %add3A_237 : i32 to vector<16xi32>
    %add3A_239 = arith.addi %gather3A_236, %add3A_238 : vector<16xi32>
    tpu.vector_store_idx %arg10[%get3A_99], %add3A_239 masked %and3A_235 : memref<512xi32, #tpu.memory_space<vmem>>[vector<16xi32>], vector<16xi32>, vector<16xi1>
    %eq3A_240 = arith.constant 9 : i32
    %eq3A_241 = vector.broadcast %eq3A_240 : i32 to vector<16xi32>
    %eq3A_242 = arith.cmpi eq, %iota3A, %eq3A_241 : vector<16xi32>
    %mul3A_243 = arith.constant 0 : i32
    %mul3A_244 = vector.broadcast %mul3A_243 : i32 to vector<16xi32>
    %mul3A_245 = arith.muli %iota3A, %mul3A_244 : vector<16xi32>
    %add3A_246 = vector.broadcast %arg1 : i32 to vector<16xi32>
    %add3A_247 = arith.addi %mul3A_245, %add3A_246 : vector<16xi32>
    %lt3A_248 = arith.constant 10 : i32
    %lt3A_249 = vector.broadcast %lt3A_248 : i32 to vector<16xi32>
    %lt3A_250 = arith.cmpi slt, %add3A_247, %lt3A_249 : vector<16xi32>
    %and3A_251 = arith.andi %eq3A_242, %lt3A_250 : vector<16xi1>
    %gather3A_252 = tpu.vector_load_idx %arg10[%get3A_99] masked %and3A_251 : memref<512xi32, #tpu.memory_space<vmem>>[vector<16xi32>], vector<16xi32>, vector<16xi1>
    %add3A_253 = arith.constant 1 : i32
    %add3A_254 = vector.broadcast %add3A_253 : i32 to vector<16xi32>
    %add3A_255 = arith.addi %gather3A_252, %add3A_254 : vector<16xi32>
    tpu.vector_store_idx %arg10[%get3A_99], %add3A_255 masked %and3A_251 : memref<512xi32, #tpu.memory_space<vmem>>[vector<16xi32>], vector<16xi32>, vector<16xi1>
    %eq3A_256 = arith.constant 10 : i32
    %eq3A_257 = vector.broadcast %eq3A_256 : i32 to vector<16xi32>
    %eq3A_258 = arith.cmpi eq, %iota3A, %eq3A_257 : vector<16xi32>
    %mul3A_259 = arith.constant 0 : i32
    %mul3A_260 = vector.broadcast %mul3A_259 : i32 to vector<16xi32>
    %mul3A_261 = arith.muli %iota3A, %mul3A_260 : vector<16xi32>
    %add3A_262 = vector.broadcast %arg1 : i32 to vector<16xi32>
    %add3A_263 = arith.addi %mul3A_261, %add3A_262 : vector<16xi32>
    %lt3A_264 = arith.constant 10 : i32
    %lt3A_265 = vector.broadcast %lt3A_264 : i32 to vector<16xi32>
    %lt3A_266 = arith.cmpi slt, %add3A_263, %lt3A_265 : vector<16xi32>
    %and3A_267 = arith.andi %eq3A_258, %lt3A_266 : vector<16xi1>
    %gather3A_268 = tpu.vector_load_idx %arg10[%get3A_99] masked %and3A_267 : memref<512xi32, #tpu.memory_space<vmem>>[vector<16xi32>], vector<16xi32>, vector<16xi1>
    %add3A_269 = arith.constant 1 : i32
    %add3A_270 = vector.broadcast %add3A_269 : i32 to vector<16xi32>
    %add3A_271 = arith.addi %gather3A_268, %add3A_270 : vector<16xi32>
    tpu.vector_store_idx %arg10[%get3A_99], %add3A_271 masked %and3A_267 : memref<512xi32, #tpu.memory_space<vmem>>[vector<16xi32>], vector<16xi32>, vector<16xi1>
    %eq3A_272 = arith.constant 11 : i32
    %eq3A_273 = vector.broadcast %eq3A_272 : i32 to vector<16xi32>
    %eq3A_274 = arith.cmpi eq, %iota3A, %eq3A_273 : vector<16xi32>
    %mul3A_275 = arith.constant 0 : i32
    %mul3A_276 = vector.broadcast %mul3A_275 : i32 to vector<16xi32>
    %mul3A_277 = arith.muli %iota3A, %mul3A_276 : vector<16xi32>
    %add3A_278 = vector.broadcast %arg1 : i32 to vector<16xi32>
    %add3A_279 = arith.addi %mul3A_277, %add3A_278 : vector<16xi32>
    %lt3A_280 = arith.constant 10 : i32
    %lt3A_281 = vector.broadcast %lt3A_280 : i32 to vector<16xi32>
    %lt3A_282 = arith.cmpi slt, %add3A_279, %lt3A_281 : vector<16xi32>
    %and3A_283 = arith.andi %eq3A_274, %lt3A_282 : vector<16xi1>
    %gather3A_284 = tpu.vector_load_idx %arg10[%get3A_99] masked %and3A_283 : memref<512xi32, #tpu.memory_space<vmem>>[vector<16xi32>], vector<16xi32>, vector<16xi1>
    %add3A_285 = arith.constant 1 : i32
    %add3A_286 = vector.broadcast %add3A_285 : i32 to vector<16xi32>
    %add3A_287 = arith.addi %gather3A_284, %add3A_286 : vector<16xi32>
    tpu.vector_store_idx %arg10[%get3A_99], %add3A_287 masked %and3A_283 : memref<512xi32, #tpu.memory_space<vmem>>[vector<16xi32>], vector<16xi32>, vector<16xi1>
    %eq3A_288 = arith.constant 12 : i32
    %eq3A_289 = vector.broadcast %eq3A_288 : i32 to vector<16xi32>
    %eq3A_290 = arith.cmpi eq, %iota3A, %eq3A_289 : vector<16xi32>
    %mul3A_291 = arith.constant 0 : i32
    %mul3A_292 = vector.broadcast %mul3A_291 : i32 to vector<16xi32>
    %mul3A_293 = arith.muli %iota3A, %mul3A_292 : vector<16xi32>
    %add3A_294 = vector.broadcast %arg1 : i32 to vector<16xi32>
    %add3A_295 = arith.addi %mul3A_293, %add3A_294 : vector<16xi32>
    %lt3A_296 = arith.constant 10 : i32
    %lt3A_297 = vector.broadcast %lt3A_296 : i32 to vector<16xi32>
    %lt3A_298 = arith.cmpi slt, %add3A_295, %lt3A_297 : vector<16xi32>
    %and3A_299 = arith.andi %eq3A_290, %lt3A_298 : vector<16xi1>
    %gather3A_300 = tpu.vector_load_idx %arg10[%get3A_99] masked %and3A_299 : memref<512xi32, #tpu.memory_space<vmem>>[vector<16xi32>], vector<16xi32>, vector<16xi1>
    %add3A_301 = arith.constant 1 : i32
    %add3A_302 = vector.broadcast %add3A_301 : i32 to vector<16xi32>
    %add3A_303 = arith.addi %gather3A_300, %add3A_302 : vector<16xi32>
    tpu.vector_store_idx %arg10[%get3A_99], %add3A_303 masked %and3A_299 : memref<512xi32, #tpu.memory_space<vmem>>[vector<16xi32>], vector<16xi32>, vector<16xi1>
    %eq3A_304 = arith.constant 13 : i32
    %eq3A_305 = vector.broadcast %eq3A_304 : i32 to vector<16xi32>
    %eq3A_306 = arith.cmpi eq, %iota3A, %eq3A_305 : vector<16xi32>
    %mul3A_307 = arith.constant 0 : i32
    %mul3A_308 = vector.broadcast %mul3A_307 : i32 to vector<16xi32>
    %mul3A_309 = arith.muli %iota3A, %mul3A_308 : vector<16xi32>
    %add3A_310 = vector.broadcast %arg1 : i32 to vector<16xi32>
    %add3A_311 = arith.addi %mul3A_309, %add3A_310 : vector<16xi32>
    %lt3A_312 = arith.constant 10 : i32
    %lt3A_313 = vector.broadcast %lt3A_312 : i32 to vector<16xi32>
    %lt3A_314 = arith.cmpi slt, %add3A_311, %lt3A_313 : vector<16xi32>
    %and3A_315 = arith.andi %eq3A_306, %lt3A_314 : vector<16xi1>
    %gather3A_316 = tpu.vector_load_idx %arg10[%get3A_99] masked %and3A_315 : memref<512xi32, #tpu.memory_space<vmem>>[vector<16xi32>], vector<16xi32>, vector<16xi1>
    %add3A_317 = arith.constant 1 : i32
    %add3A_318 = vector.broadcast %add3A_317 : i32 to vector<16xi32>
    %add3A_319 = arith.addi %gather3A_316, %add3A_318 : vector<16xi32>
    tpu.vector_store_idx %arg10[%get3A_99], %add3A_319 masked %and3A_315 : memref<512xi32, #tpu.memory_space<vmem>>[vector<16xi32>], vector<16xi32>, vector<16xi1>
    %eq3A_320 = arith.constant 14 : i32
    %eq3A_321 = vector.broadcast %eq3A_320 : i32 to vector<16xi32>
    %eq3A_322 = arith.cmpi eq, %iota3A, %eq3A_321 : vector<16xi32>
    %mul3A_323 = arith.constant 0 : i32
    %mul3A_324 = vector.broadcast %mul3A_323 : i32 to vector<16xi32>
    %mul3A_325 = arith.muli %iota3A, %mul3A_324 : vector<16xi32>
    %add3A_326 = vector.broadcast %arg1 : i32 to vector<16xi32>
    %add3A_327 = arith.addi %mul3A_325, %add3A_326 : vector<16xi32>
    %lt3A_328 = arith.constant 10 : i32
    %lt3A_329 = vector.broadcast %lt3A_328 : i32 to vector<16xi32>
    %lt3A_330 = arith.cmpi slt, %add3A_327, %lt3A_329 : vector<16xi32>
    %and3A_331 = arith.andi %eq3A_322, %lt3A_330 : vector<16xi1>
    %gather3A_332 = tpu.vector_load_idx %arg10[%get3A_99] masked %and3A_331 : memref<512xi32, #tpu.memory_space<vmem>>[vector<16xi32>], vector<16xi32>, vector<16xi1>
    %add3A_333 = arith.constant 1 : i32
    %add3A_334 = vector.broadcast %add3A_333 : i32 to vector<16xi32>
    %add3A_335 = arith.addi %gather3A_332, %add3A_334 : vector<16xi32>
    tpu.vector_store_idx %arg10[%get3A_99], %add3A_335 masked %and3A_331 : memref<512xi32, #tpu.memory_space<vmem>>[vector<16xi32>], vector<16xi32>, vector<16xi1>
    %eq3A_336 = arith.constant 15 : i32
    %eq3A_337 = vector.broadcast %eq3A_336 : i32 to vector<16xi32>
    %eq3A_338 = arith.cmpi eq, %iota3A, %eq3A_337 : vector<16xi32>
    %mul3A_339 = arith.constant 0 : i32
    %mul3A_340 = vector.broadcast %mul3A_339 : i32 to vector<16xi32>
    %mul3A_341 = arith.muli %iota3A, %mul3A_340 : vector<16xi32>
    %add3A_342 = vector.broadcast %arg1 : i32 to vector<16xi32>
    %add3A_343 = arith.addi %mul3A_341, %add3A_342 : vector<16xi32>
    %lt3A_344 = arith.constant 10 : i32
    %lt3A_345 = vector.broadcast %lt3A_344 : i32 to vector<16xi32>
    %lt3A_346 = arith.cmpi slt, %add3A_343, %lt3A_345 : vector<16xi32>
    %and3A_347 = arith.andi %eq3A_338, %lt3A_346 : vector<16xi1>
    %gather3A_348 = tpu.vector_load_idx %arg10[%get3A_99] masked %and3A_347 : memref<512xi32, #tpu.memory_space<vmem>>[vector<16xi32>], vector<16xi32>, vector<16xi1>
    %add3A_349 = arith.constant 1 : i32
    %add3A_350 = vector.broadcast %add3A_349 : i32 to vector<16xi32>
    %add3A_351 = arith.addi %gather3A_348, %add3A_350 : vector<16xi32>
    tpu.vector_store_idx %arg10[%get3A_99], %add3A_351 masked %and3A_347 : memref<512xi32, #tpu.memory_space<vmem>>[vector<16xi32>], vector<16xi32>, vector<16xi1>
    %get3A_352 = arith.constant 16 : index
    %get3A_353 = tpu.vector_load %arg9[%get3A_352] {strides = array<i32>} : memref<48xi32, #tpu.memory_space<vmem>>, vector<16xi32>,
    %eq3A_354 = arith.constant 0 : i32
    %eq3A_355 = vector.broadcast %eq3A_354 : i32 to vector<16xi32>
    %eq3A_356 = arith.cmpi eq, %iota3A, %eq3A_355 : vector<16xi32>
    %mul3A_357 = arith.constant 0 : i32
    %mul3A_358 = vector.broadcast %mul3A_357 : i32 to vector<16xi32>
    %mul3A_359 = arith.muli %iota3A, %mul3A_358 : vector<16xi32>
    %add3A_360 = vector.broadcast %arg1 : i32 to vector<16xi32>
    %add3A_361 = arith.addi %mul3A_359, %add3A_360 : vector<16xi32>
    %lt3A_362 = arith.constant 10 : i32
    %lt3A_363 = vector.broadcast %lt3A_362 : i32 to vector<16xi32>
    %lt3A_364 = arith.cmpi slt, %add3A_361, %lt3A_363 : vector<16xi32>
    %and3A_365 = arith.andi %eq3A_356, %lt3A_364 : vector<16xi1>
    %gather3A_366 = tpu.vector_load_idx %arg10[%get3A_353] masked %and3A_365 : memref<512xi32, #tpu.memory_space<vmem>>[vector<16xi32>], vector<16xi32>, vector<16xi1>
    %add3A_367 = arith.constant 1 : i32
    %add3A_368 = vector.broadcast %add3A_367 : i32 to vector<16xi32>
    %add3A_369 = arith.addi %gather3A_366, %add3A_368 : vector<16xi32>
    tpu.vector_store_idx %arg10[%get3A_353], %add3A_369 masked %and3A_365 : memref<512xi32, #tpu.memory_space<vmem>>[vector<16xi32>], vector<16xi32>, vector<16xi1>
    %eq3A_370 = arith.constant 1 : i32
    %eq3A_371 = vector.broadcast %eq3A_370 : i32 to vector<16xi32>
    %eq3A_372 = arith.cmpi eq, %iota3A, %eq3A_371 : vector<16xi32>
    %mul3A_373 = arith.constant 0 : i32
    %mul3A_374 = vector.broadcast %mul3A_373 : i32 to vector<16xi32>
    %mul3A_375 = arith.muli %iota3A, %mul3A_374 : vector<16xi32>
    %add3A_376 = vector.broadcast %arg1 : i32 to vector<16xi32>
    %add3A_377 = arith.addi %mul3A_375, %add3A_376 : vector<16xi32>
    %lt3A_378 = arith.constant 10 : i32
    %lt3A_379 = vector.broadcast %lt3A_378 : i32 to vector<16xi32>
    %lt3A_380 = arith.cmpi slt, %add3A_377, %lt3A_379 : vector<16xi32>
    %and3A_381 = arith.andi %eq3A_372, %lt3A_380 : vector<16xi1>
    %gather3A_382 = tpu.vector_load_idx %arg10[%get3A_353] masked %and3A_381 : memref<512xi32, #tpu.memory_space<vmem>>[vector<16xi32>], vector<16xi32>, vector<16xi1>
    %add3A_383 = arith.constant 1 : i32
    %add3A_384 = vector.broadcast %add3A_383 : i32 to vector<16xi32>
    %add3A_385 = arith.addi %gather3A_382, %add3A_384 : vector<16xi32>
    tpu.vector_store_idx %arg10[%get3A_353], %add3A_385 masked %and3A_381 : memref<512xi32, #tpu.memory_space<vmem>>[vector<16xi32>], vector<16xi32>, vector<16xi1>
    %eq3A_386 = arith.constant 2 : i32
    %eq3A_387 = vector.broadcast %eq3A_386 : i32 to vector<16xi32>
    %eq3A_388 = arith.cmpi eq, %iota3A, %eq3A_387 : vector<16xi32>
    %mul3A_389 = arith.constant 0 : i32
    %mul3A_390 = vector.broadcast %mul3A_389 : i32 to vector<16xi32>
    %mul3A_391 = arith.muli %iota3A, %mul3A_390 : vector<16xi32>
    %add3A_392 = vector.broadcast %arg1 : i32 to vector<16xi32>
    %add3A_393 = arith.addi %mul3A_391, %add3A_392 : vector<16xi32>
    %lt3A_394 = arith.constant 10 : i32
    %lt3A_395 = vector.broadcast %lt3A_394 : i32 to vector<16xi32>
    %lt3A_396 = arith.cmpi slt, %add3A_393, %lt3A_395 : vector<16xi32>
    %and3A_397 = arith.andi %eq3A_388, %lt3A_396 : vector<16xi1>
    %gather3A_398 = tpu.vector_load_idx %arg10[%get3A_353] masked %and3A_397 : memref<512xi32, #tpu.memory_space<vmem>>[vector<16xi32>], vector<16xi32>, vector<16xi1>
    %add3A_399 = arith.constant 1 : i32
    %add3A_400 = vector.broadcast %add3A_399 : i32 to vector<16xi32>
    %add3A_401 = arith.addi %gather3A_398, %add3A_400 : vector<16xi32>
    tpu.vector_store_idx %arg10[%get3A_353], %add3A_401 masked %and3A_397 : memref<512xi32, #tpu.memory_space<vmem>>[vector<16xi32>], vector<16xi32>, vector<16xi1>
    %eq3A_402 = arith.constant 3 : i32
    %eq3A_403 = vector.broadcast %eq3A_402 : i32 to vector<16xi32>
    %eq3A_404 = arith.cmpi eq, %iota3A, %eq3A_403 : vector<16xi32>
    %mul3A_405 = arith.constant 0 : i32
    %mul3A_406 = vector.broadcast %mul3A_405 : i32 to vector<16xi32>
    %mul3A_407 = arith.muli %iota3A, %mul3A_406 : vector<16xi32>
    %add3A_408 = vector.broadcast %arg1 : i32 to vector<16xi32>
    %add3A_409 = arith.addi %mul3A_407, %add3A_408 : vector<16xi32>
    %lt3A_410 = arith.constant 10 : i32
    %lt3A_411 = vector.broadcast %lt3A_410 : i32 to vector<16xi32>
    %lt3A_412 = arith.cmpi slt, %add3A_409, %lt3A_411 : vector<16xi32>
    %and3A_413 = arith.andi %eq3A_404, %lt3A_412 : vector<16xi1>
    %gather3A_414 = tpu.vector_load_idx %arg10[%get3A_353] masked %and3A_413 : memref<512xi32, #tpu.memory_space<vmem>>[vector<16xi32>], vector<16xi32>, vector<16xi1>
    %add3A_415 = arith.constant 1 : i32
    %add3A_416 = vector.broadcast %add3A_415 : i32 to vector<16xi32>
    %add3A_417 = arith.addi %gather3A_414, %add3A_416 : vector<16xi32>
    tpu.vector_store_idx %arg10[%get3A_353], %add3A_417 masked %and3A_413 : memref<512xi32, #tpu.memory_space<vmem>>[vector<16xi32>], vector<16xi32>, vector<16xi1>
    %eq3A_418 = arith.constant 4 : i32
    %eq3A_419 = vector.broadcast %eq3A_418 : i32 to vector<16xi32>
    %eq3A_420 = arith.cmpi eq, %iota3A, %eq3A_419 : vector<16xi32>
    %mul3A_421 = arith.constant 0 : i32
    %mul3A_422 = vector.broadcast %mul3A_421 : i32 to vector<16xi32>
    %mul3A_423 = arith.muli %iota3A, %mul3A_422 : vector<16xi32>
    %add3A_424 = vector.broadcast %arg1 : i32 to vector<16xi32>
    %add3A_425 = arith.addi %mul3A_423, %add3A_424 : vector<16xi32>
    %lt3A_426 = arith.constant 10 : i32
    %lt3A_427 = vector.broadcast %lt3A_426 : i32 to vector<16xi32>
    %lt3A_428 = arith.cmpi slt, %add3A_425, %lt3A_427 : vector<16xi32>
    %and3A_429 = arith.andi %eq3A_420, %lt3A_428 : vector<16xi1>
    %gather3A_430 = tpu.vector_load_idx %arg10[%get3A_353] masked %and3A_429 : memref<512xi32, #tpu.memory_space<vmem>>[vector<16xi32>], vector<16xi32>, vector<16xi1>
    %add3A_431 = arith.constant 1 : i32
    %add3A_432 = vector.broadcast %add3A_431 : i32 to vector<16xi32>
    %add3A_433 = arith.addi %gather3A_430, %add3A_432 : vector<16xi32>
    tpu.vector_store_idx %arg10[%get3A_353], %add3A_433 masked %and3A_429 : memref<512xi32, #tpu.memory_space<vmem>>[vector<16xi32>], vector<16xi32>, vector<16xi1>
    %eq3A_434 = arith.constant 5 : i32
    %eq3A_435 = vector.broadcast %eq3A_434 : i32 to vector<16xi32>
    %eq3A_436 = arith.cmpi eq, %iota3A, %eq3A_435 : vector<16xi32>
    %mul3A_437 = arith.constant 0 : i32
    %mul3A_438 = vector.broadcast %mul3A_437 : i32 to vector<16xi32>
    %mul3A_439 = arith.muli %iota3A, %mul3A_438 : vector<16xi32>
    %add3A_440 = vector.broadcast %arg1 : i32 to vector<16xi32>
    %add3A_441 = arith.addi %mul3A_439, %add3A_440 : vector<16xi32>
    %lt3A_442 = arith.constant 10 : i32
    %lt3A_443 = vector.broadcast %lt3A_442 : i32 to vector<16xi32>
    %lt3A_444 = arith.cmpi slt, %add3A_441, %lt3A_443 : vector<16xi32>
    %and3A_445 = arith.andi %eq3A_436, %lt3A_444 : vector<16xi1>
    %gather3A_446 = tpu.vector_load_idx %arg10[%get3A_353] masked %and3A_445 : memref<512xi32, #tpu.memory_space<vmem>>[vector<16xi32>], vector<16xi32>, vector<16xi1>
    %add3A_447 = arith.constant 1 : i32
    %add3A_448 = vector.broadcast %add3A_447 : i32 to vector<16xi32>
    %add3A_449 = arith.addi %gather3A_446, %add3A_448 : vector<16xi32>
    tpu.vector_store_idx %arg10[%get3A_353], %add3A_449 masked %and3A_445 : memref<512xi32, #tpu.memory_space<vmem>>[vector<16xi32>], vector<16xi32>, vector<16xi1>
    %eq3A_450 = arith.constant 6 : i32
    %eq3A_451 = vector.broadcast %eq3A_450 : i32 to vector<16xi32>
    %eq3A_452 = arith.cmpi eq, %iota3A, %eq3A_451 : vector<16xi32>
    %mul3A_453 = arith.constant 0 : i32
    %mul3A_454 = vector.broadcast %mul3A_453 : i32 to vector<16xi32>
    %mul3A_455 = arith.muli %iota3A, %mul3A_454 : vector<16xi32>
    %add3A_456 = vector.broadcast %arg1 : i32 to vector<16xi32>
    %add3A_457 = arith.addi %mul3A_455, %add3A_456 : vector<16xi32>
    %lt3A_458 = arith.constant 10 : i32
    %lt3A_459 = vector.broadcast %lt3A_458 : i32 to vector<16xi32>
    %lt3A_460 = arith.cmpi slt, %add3A_457, %lt3A_459 : vector<16xi32>
    %and3A_461 = arith.andi %eq3A_452, %lt3A_460 : vector<16xi1>
    %gather3A_462 = tpu.vector_load_idx %arg10[%get3A_353] masked %and3A_461 : memref<512xi32, #tpu.memory_space<vmem>>[vector<16xi32>], vector<16xi32>, vector<16xi1>
    %add3A_463 = arith.constant 1 : i32
    %add3A_464 = vector.broadcast %add3A_463 : i32 to vector<16xi32>
    %add3A_465 = arith.addi %gather3A_462, %add3A_464 : vector<16xi32>
    tpu.vector_store_idx %arg10[%get3A_353], %add3A_465 masked %and3A_461 : memref<512xi32, #tpu.memory_space<vmem>>[vector<16xi32>], vector<16xi32>, vector<16xi1>
    %eq3A_466 = arith.constant 7 : i32
    %eq3A_467 = vector.broadcast %eq3A_466 : i32 to vector<16xi32>
    %eq3A_468 = arith.cmpi eq, %iota3A, %eq3A_467 : vector<16xi32>
    %mul3A_469 = arith.constant 0 : i32
    %mul3A_470 = vector.broadcast %mul3A_469 : i32 to vector<16xi32>
    %mul3A_471 = arith.muli %iota3A, %mul3A_470 : vector<16xi32>
    %add3A_472 = vector.broadcast %arg1 : i32 to vector<16xi32>
    %add3A_473 = arith.addi %mul3A_471, %add3A_472 : vector<16xi32>
    %lt3A_474 = arith.constant 10 : i32
    %lt3A_475 = vector.broadcast %lt3A_474 : i32 to vector<16xi32>
    %lt3A_476 = arith.cmpi slt, %add3A_473, %lt3A_475 : vector<16xi32>
    %and3A_477 = arith.andi %eq3A_468, %lt3A_476 : vector<16xi1>
    %gather3A_478 = tpu.vector_load_idx %arg10[%get3A_353] masked %and3A_477 : memref<512xi32, #tpu.memory_space<vmem>>[vector<16xi32>], vector<16xi32>, vector<16xi1>
    %add3A_479 = arith.constant 1 : i32
    %add3A_480 = vector.broadcast %add3A_479 : i32 to vector<16xi32>
    %add3A_481 = arith.addi %gather3A_478, %add3A_480 : vector<16xi32>
    tpu.vector_store_idx %arg10[%get3A_353], %add3A_481 masked %and3A_477 : memref<512xi32, #tpu.memory_space<vmem>>[vector<16xi32>], vector<16xi32>, vector<16xi1>
    %eq3A_482 = arith.constant 8 : i32
    %eq3A_483 = vector.broadcast %eq3A_482 : i32 to vector<16xi32>
    %eq3A_484 = arith.cmpi eq, %iota3A, %eq3A_483 : vector<16xi32>
    %mul3A_485 = arith.constant 0 : i32
    %mul3A_486 = vector.broadcast %mul3A_485 : i32 to vector<16xi32>
    %mul3A_487 = arith.muli %iota3A, %mul3A_486 : vector<16xi32>
    %add3A_488 = vector.broadcast %arg1 : i32 to vector<16xi32>
    %add3A_489 = arith.addi %mul3A_487, %add3A_488 : vector<16xi32>
    %lt3A_490 = arith.constant 10 : i32
    %lt3A_491 = vector.broadcast %lt3A_490 : i32 to vector<16xi32>
    %lt3A_492 = arith.cmpi slt, %add3A_489, %lt3A_491 : vector<16xi32>
    %and3A_493 = arith.andi %eq3A_484, %lt3A_492 : vector<16xi1>
    %gather3A_494 = tpu.vector_load_idx %arg10[%get3A_353] masked %and3A_493 : memref<512xi32, #tpu.memory_space<vmem>>[vector<16xi32>], vector<16xi32>, vector<16xi1>
    %add3A_495 = arith.constant 1 : i32
    %add3A_496 = vector.broadcast %add3A_495 : i32 to vector<16xi32>
    %add3A_497 = arith.addi %gather3A_494, %add3A_496 : vector<16xi32>
    tpu.vector_store_idx %arg10[%get3A_353], %add3A_497 masked %and3A_493 : memref<512xi32, #tpu.memory_space<vmem>>[vector<16xi32>], vector<16xi32>, vector<16xi1>
    %eq3A_498 = arith.constant 9 : i32
    %eq3A_499 = vector.broadcast %eq3A_498 : i32 to vector<16xi32>
    %eq3A_500 = arith.cmpi eq, %iota3A, %eq3A_499 : vector<16xi32>
    %mul3A_501 = arith.constant 0 : i32
    %mul3A_502 = vector.broadcast %mul3A_501 : i32 to vector<16xi32>
    %mul3A_503 = arith.muli %iota3A, %mul3A_502 : vector<16xi32>
    %add3A_504 = vector.broadcast %arg1 : i32 to vector<16xi32>
    %add3A_505 = arith.addi %mul3A_503, %add3A_504 : vector<16xi32>
    %lt3A_506 = arith.constant 10 : i32
    %lt3A_507 = vector.broadcast %lt3A_506 : i32 to vector<16xi32>
    %lt3A_508 = arith.cmpi slt, %add3A_505, %lt3A_507 : vector<16xi32>
    %and3A_509 = arith.andi %eq3A_500, %lt3A_508 : vector<16xi1>
    %gather3A_510 = tpu.vector_load_idx %arg10[%get3A_353] masked %and3A_509 : memref<512xi32, #tpu.memory_space<vmem>>[vector<16xi32>], vector<16xi32>, vector<16xi1>
    %add3A_511 = arith.constant 1 : i32
    %add3A_512 = vector.broadcast %add3A_511 : i32 to vector<16xi32>
    %add3A_513 = arith.addi %gather3A_510, %add3A_512 : vector<16xi32>
    tpu.vector_store_idx %arg10[%get3A_353], %add3A_513 masked %and3A_509 : memref<512xi32, #tpu.memory_space<vmem>>[vector<16xi32>], vector<16xi32>, vector<16xi1>
    %eq3A_514 = arith.constant 10 : i32
    %eq3A_515 = vector.broadcast %eq3A_514 : i32 to vector<16xi32>
    %eq3A_516 = arith.cmpi eq, %iota3A, %eq3A_515 : vector<16xi32>
    %mul3A_517 = arith.constant 0 : i32
    %mul3A_518 = vector.broadcast %mul3A_517 : i32 to vector<16xi32>
    %mul3A_519 = arith.muli %iota3A, %mul3A_518 : vector<16xi32>
    %add3A_520 = vector.broadcast %arg1 : i32 to vector<16xi32>
    %add3A_521 = arith.addi %mul3A_519, %add3A_520 : vector<16xi32>
    %lt3A_522 = arith.constant 10 : i32
    %lt3A_523 = vector.broadcast %lt3A_522 : i32 to vector<16xi32>
    %lt3A_524 = arith.cmpi slt, %add3A_521, %lt3A_523 : vector<16xi32>
    %and3A_525 = arith.andi %eq3A_516, %lt3A_524 : vector<16xi1>
    %gather3A_526 = tpu.vector_load_idx %arg10[%get3A_353] masked %and3A_525 : memref<512xi32, #tpu.memory_space<vmem>>[vector<16xi32>], vector<16xi32>, vector<16xi1>
    %add3A_527 = arith.constant 1 : i32
    %add3A_528 = vector.broadcast %add3A_527 : i32 to vector<16xi32>
    %add3A_529 = arith.addi %gather3A_526, %add3A_528 : vector<16xi32>
    tpu.vector_store_idx %arg10[%get3A_353], %add3A_529 masked %and3A_525 : memref<512xi32, #tpu.memory_space<vmem>>[vector<16xi32>], vector<16xi32>, vector<16xi1>
    %eq3A_530 = arith.constant 11 : i32
    %eq3A_531 = vector.broadcast %eq3A_530 : i32 to vector<16xi32>
    %eq3A_532 = arith.cmpi eq, %iota3A, %eq3A_531 : vector<16xi32>
    %mul3A_533 = arith.constant 0 : i32
    %mul3A_534 = vector.broadcast %mul3A_533 : i32 to vector<16xi32>
    %mul3A_535 = arith.muli %iota3A, %mul3A_534 : vector<16xi32>
    %add3A_536 = vector.broadcast %arg1 : i32 to vector<16xi32>
    %add3A_537 = arith.addi %mul3A_535, %add3A_536 : vector<16xi32>
    %lt3A_538 = arith.constant 10 : i32
    %lt3A_539 = vector.broadcast %lt3A_538 : i32 to vector<16xi32>
    %lt3A_540 = arith.cmpi slt, %add3A_537, %lt3A_539 : vector<16xi32>
    %and3A_541 = arith.andi %eq3A_532, %lt3A_540 : vector<16xi1>
    %gather3A_542 = tpu.vector_load_idx %arg10[%get3A_353] masked %and3A_541 : memref<512xi32, #tpu.memory_space<vmem>>[vector<16xi32>], vector<16xi32>, vector<16xi1>
    %add3A_543 = arith.constant 1 : i32
    %add3A_544 = vector.broadcast %add3A_543 : i32 to vector<16xi32>
    %add3A_545 = arith.addi %gather3A_542, %add3A_544 : vector<16xi32>
    tpu.vector_store_idx %arg10[%get3A_353], %add3A_545 masked %and3A_541 : memref<512xi32, #tpu.memory_space<vmem>>[vector<16xi32>], vector<16xi32>, vector<16xi1>
    %eq3A_546 = arith.constant 12 : i32
    %eq3A_547 = vector.broadcast %eq3A_546 : i32 to vector<16xi32>
    %eq3A_548 = arith.cmpi eq, %iota3A, %eq3A_547 : vector<16xi32>
    %mul3A_549 = arith.constant 0 : i32
    %mul3A_550 = vector.broadcast %mul3A_549 : i32 to vector<16xi32>
    %mul3A_551 = arith.muli %iota3A, %mul3A_550 : vector<16xi32>
    %add3A_552 = vector.broadcast %arg1 : i32 to vector<16xi32>
    %add3A_553 = arith.addi %mul3A_551, %add3A_552 : vector<16xi32>
    %lt3A_554 = arith.constant 10 : i32
    %lt3A_555 = vector.broadcast %lt3A_554 : i32 to vector<16xi32>
    %lt3A_556 = arith.cmpi slt, %add3A_553, %lt3A_555 : vector<16xi32>
    %and3A_557 = arith.andi %eq3A_548, %lt3A_556 : vector<16xi1>
    %gather3A_558 = tpu.vector_load_idx %arg10[%get3A_353] masked %and3A_557 : memref<512xi32, #tpu.memory_space<vmem>>[vector<16xi32>], vector<16xi32>, vector<16xi1>
    %add3A_559 = arith.constant 1 : i32
    %add3A_560 = vector.broadcast %add3A_559 : i32 to vector<16xi32>
    %add3A_561 = arith.addi %gather3A_558, %add3A_560 : vector<16xi32>
    tpu.vector_store_idx %arg10[%get3A_353], %add3A_561 masked %and3A_557 : memref<512xi32, #tpu.memory_space<vmem>>[vector<16xi32>], vector<16xi32>, vector<16xi1>
    %eq3A_562 = arith.constant 13 : i32
    %eq3A_563 = vector.broadcast %eq3A_562 : i32 to vector<16xi32>
    %eq3A_564 = arith.cmpi eq, %iota3A, %eq3A_563 : vector<16xi32>
    %mul3A_565 = arith.constant 0 : i32
    %mul3A_566 = vector.broadcast %mul3A_565 : i32 to vector<16xi32>
    %mul3A_567 = arith.muli %iota3A, %mul3A_566 : vector<16xi32>
    %add3A_568 = vector.broadcast %arg1 : i32 to vector<16xi32>
    %add3A_569 = arith.addi %mul3A_567, %add3A_568 : vector<16xi32>
    %lt3A_570 = arith.constant 10 : i32
    %lt3A_571 = vector.broadcast %lt3A_570 : i32 to vector<16xi32>
    %lt3A_572 = arith.cmpi slt, %add3A_569, %lt3A_571 : vector<16xi32>
    %and3A_573 = arith.andi %eq3A_564, %lt3A_572 : vector<16xi1>
    %gather3A_574 = tpu.vector_load_idx %arg10[%get3A_353] masked %and3A_573 : memref<512xi32, #tpu.memory_space<vmem>>[vector<16xi32>], vector<16xi32>, vector<16xi1>
    %add3A_575 = arith.constant 1 : i32
    %add3A_576 = vector.broadcast %add3A_575 : i32 to vector<16xi32>
    %add3A_577 = arith.addi %gather3A_574, %add3A_576 : vector<16xi32>
    tpu.vector_store_idx %arg10[%get3A_353], %add3A_577 masked %and3A_573 : memref<512xi32, #tpu.memory_space<vmem>>[vector<16xi32>], vector<16xi32>, vector<16xi1>
    %eq3A_578 = arith.constant 14 : i32
    %eq3A_579 = vector.broadcast %eq3A_578 : i32 to vector<16xi32>
    %eq3A_580 = arith.cmpi eq, %iota3A, %eq3A_579 : vector<16xi32>
    %mul3A_581 = arith.constant 0 : i32
    %mul3A_582 = vector.broadcast %mul3A_581 : i32 to vector<16xi32>
    %mul3A_583 = arith.muli %iota3A, %mul3A_582 : vector<16xi32>
    %add3A_584 = vector.broadcast %arg1 : i32 to vector<16xi32>
    %add3A_585 = arith.addi %mul3A_583, %add3A_584 : vector<16xi32>
    %lt3A_586 = arith.constant 10 : i32
    %lt3A_587 = vector.broadcast %lt3A_586 : i32 to vector<16xi32>
    %lt3A_588 = arith.cmpi slt, %add3A_585, %lt3A_587 : vector<16xi32>
    %and3A_589 = arith.andi %eq3A_580, %lt3A_588 : vector<16xi1>
    %gather3A_590 = tpu.vector_load_idx %arg10[%get3A_353] masked %and3A_589 : memref<512xi32, #tpu.memory_space<vmem>>[vector<16xi32>], vector<16xi32>, vector<16xi1>
    %add3A_591 = arith.constant 1 : i32
    %add3A_592 = vector.broadcast %add3A_591 : i32 to vector<16xi32>
    %add3A_593 = arith.addi %gather3A_590, %add3A_592 : vector<16xi32>
    tpu.vector_store_idx %arg10[%get3A_353], %add3A_593 masked %and3A_589 : memref<512xi32, #tpu.memory_space<vmem>>[vector<16xi32>], vector<16xi32>, vector<16xi1>
    %eq3A_594 = arith.constant 15 : i32
    %eq3A_595 = vector.broadcast %eq3A_594 : i32 to vector<16xi32>
    %eq3A_596 = arith.cmpi eq, %iota3A, %eq3A_595 : vector<16xi32>
    %mul3A_597 = arith.constant 0 : i32
    %mul3A_598 = vector.broadcast %mul3A_597 : i32 to vector<16xi32>
    %mul3A_599 = arith.muli %iota3A, %mul3A_598 : vector<16xi32>
    %add3A_600 = vector.broadcast %arg1 : i32 to vector<16xi32>
    %add3A_601 = arith.addi %mul3A_599, %add3A_600 : vector<16xi32>
    %lt3A_602 = arith.constant 10 : i32
    %lt3A_603 = vector.broadcast %lt3A_602 : i32 to vector<16xi32>
    %lt3A_604 = arith.cmpi slt, %add3A_601, %lt3A_603 : vector<16xi32>
    %and3A_605 = arith.andi %eq3A_596, %lt3A_604 : vector<16xi1>
    %gather3A_606 = tpu.vector_load_idx %arg10[%get3A_353] masked %and3A_605 : memref<512xi32, #tpu.memory_space<vmem>>[vector<16xi32>], vector<16xi32>, vector<16xi1>
    %add3A_607 = arith.constant 1 : i32
    %add3A_608 = vector.broadcast %add3A_607 : i32 to vector<16xi32>
    %add3A_609 = arith.addi %gather3A_606, %add3A_608 : vector<16xi32>
    tpu.vector_store_idx %arg10[%get3A_353], %add3A_609 masked %and3A_605 : memref<512xi32, #tpu.memory_space<vmem>>[vector<16xi32>], vector<16xi32>, vector<16xi1>
    "tpu.region"() ({
      %run_scoped3A_1547 = tpu.sem_alloc : memref<!tpu.dma_semaphore, #tpu.memory_space<semaphore_mem>>
      %dma_start3A_1548 = arith.constant 0 : i32
      %dma_start3A_1549 = tpu.memref_slice %arg18[%arg1, %dma_start3A_1548] : memref<16x512xi32, #tpu.memory_space<vmem_shared>> -> memref<1x512xi32, #tpu.memory_space<vmem_shared>>
      %dma_start3A_1550 = tpu.memref_squeeze %dma_start3A_1549 : memref<1x512xi32, #tpu.memory_space<vmem_shared>> -> memref<512xi32, #tpu.memory_space<vmem_shared>>
      %dma_start3A_1551 = arith.constant 0 : i32
      %dma_start3A_1552 = tpu.memref_slice %arg18[%arg1, %dma_start3A_1551] : memref<16x512xi32, #tpu.memory_space<vmem_shared>> -> memref<1x512xi32, #tpu.memory_space<vmem_shared>>
      %dma_start3A_1553 = tpu.memref_squeeze %dma_start3A_1552 : memref<1x512xi32, #tpu.memory_space<vmem_shared>> -> memref<512xi32, #tpu.memory_space<vmem_shared>>
      tpu.enqueue_dma source(%arg10 : memref<512xi32, #tpu.memory_space<vmem>>) target(%dma_start3A_1553 : memref<512xi32, #tpu.memory_space<vmem_shared>>) target_semaphore(%run_scoped3A_1547 : memref<!tpu.dma_semaphore, #tpu.memory_space<semaphore_mem>>)
      %dma_wait3A_1554 = arith.constant 0 : i32
      %dma_wait3A_1555 = tpu.memref_slice %arg18[%arg1, %dma_wait3A_1554] : memref<16x512xi32, #tpu.memory_space<vmem_shared>> -> memref<1x512xi32, #tpu.memory_space<vmem_shared>>
      %dma_wait3A_1556 = tpu.memref_squeeze %dma_wait3A_1555 : memref<1x512xi32, #tpu.memory_space<vmem_shared>> -> memref<512xi32, #tpu.memory_space<vmem_shared>>
      %dma_wait3A_1557 = arith.constant 0 : i32
      %dma_wait3A_1558 = tpu.memref_slice %arg18[%arg1, %dma_wait3A_1557] : memref<16x512xi32, #tpu.memory_space<vmem_shared>> -> memref<1x512xi32, #tpu.memory_space<vmem_shared>>
      %dma_wait3A_1559 = tpu.memref_squeeze %dma_wait3A_1558 : memref<1x512xi32, #tpu.memory_space<vmem_shared>> -> memref<512xi32, #tpu.memory_space<vmem_shared>>
      tpu.wait_dma2 semaphore(%run_scoped3A_1547 : memref<!tpu.dma_semaphore, #tpu.memory_space<semaphore_mem>>) src(%arg10 : memref<512xi32, #tpu.memory_space<vmem>>) dst(%dma_wait3A_1559 : memref<512xi32, #tpu.memory_space<vmem_shared>>)
      tpu.yield
    }) : () -> ()
    %barrier3A = arith.constant 0 : index
    tpu.barrier barrier_id(%barrier3A)
    %swap3A_610 = arith.constant 0 : index
    %swap3A_611 = tpu.vector_load %arg11[%swap3A_610] {strides = array<i32>} : memref<32xi32, #tpu.memory_space<vmem>>, vector<16xi32>,
    tpu.vector_store %arg11[%swap3A_610], %broadcast_in_dim3A_1 {strides = array<i32>} : memref<32xi32, #tpu.memory_space<vmem>>, vector<16xi32>,
    %swap3A_612 = arith.constant 16 : index
    %swap3A_613 = tpu.vector_load %arg11[%swap3A_612] {strides = array<i32>} : memref<32xi32, #tpu.memory_space<vmem>>, vector<16xi32>,
    tpu.vector_store %arg11[%swap3A_612], %broadcast_in_dim3A_1 {strides = array<i32>} : memref<32xi32, #tpu.memory_space<vmem>>, vector<16xi32>,
    %mul3A_614 = arith.constant 32 : i32
    %mul3A_615 = arith.muli %arg1, %mul3A_614 : i32
    %run_scoped3A = arith.constant 0 : i32
    "tpu.region"() ({
      %run_scoped3A_1547 = tpu.sem_alloc : memref<!tpu.dma_semaphore, #tpu.memory_space<semaphore_mem>>
      %dma_start3A_1548 = tpu.memref_slice %arg18[%run_scoped3A, %mul3A_615] : memref<16x512xi32, #tpu.memory_space<vmem_shared>> -> memref<1x32xi32, #tpu.memory_space<vmem_shared>>
      %dma_start3A_1549 = tpu.memref_squeeze %dma_start3A_1548 : memref<1x32xi32, #tpu.memory_space<vmem_shared>> -> memref<32xi32, #tpu.memory_space<vmem_shared>>
      %dma_start3A_1550 = tpu.memref_slice %arg18[%run_scoped3A, %mul3A_615] : memref<16x512xi32, #tpu.memory_space<vmem_shared>> -> memref<1x32xi32, #tpu.memory_space<vmem_shared>>
      %dma_start3A_1551 = tpu.memref_squeeze %dma_start3A_1550 : memref<1x32xi32, #tpu.memory_space<vmem_shared>> -> memref<32xi32, #tpu.memory_space<vmem_shared>>
      tpu.enqueue_dma source(%dma_start3A_1551 : memref<32xi32, #tpu.memory_space<vmem_shared>>) target(%arg12 : memref<32xi32, #tpu.memory_space<vmem>>) target_semaphore(%run_scoped3A_1547 : memref<!tpu.dma_semaphore, #tpu.memory_space<semaphore_mem>>)
      %dma_wait3A_1552 = tpu.memref_slice %arg18[%run_scoped3A, %mul3A_615] : memref<16x512xi32, #tpu.memory_space<vmem_shared>> -> memref<1x32xi32, #tpu.memory_space<vmem_shared>>
      %dma_wait3A_1553 = tpu.memref_squeeze %dma_wait3A_1552 : memref<1x32xi32, #tpu.memory_space<vmem_shared>> -> memref<32xi32, #tpu.memory_space<vmem_shared>>
      %dma_wait3A_1554 = tpu.memref_slice %arg18[%run_scoped3A, %mul3A_615] : memref<16x512xi32, #tpu.memory_space<vmem_shared>> -> memref<1x32xi32, #tpu.memory_space<vmem_shared>>
      %dma_wait3A_1555 = tpu.memref_squeeze %dma_wait3A_1554 : memref<1x32xi32, #tpu.memory_space<vmem_shared>> -> memref<32xi32, #tpu.memory_space<vmem_shared>>
      tpu.wait_dma2 semaphore(%run_scoped3A_1547 : memref<!tpu.dma_semaphore, #tpu.memory_space<semaphore_mem>>) src(%dma_wait3A_1555 : memref<32xi32, #tpu.memory_space<vmem_shared>>) dst(%arg12 : memref<32xi32, #tpu.memory_space<vmem>>)
      tpu.yield
    }) : () -> ()
    %get3A_616 = arith.constant 0 : index
    %get3A_617 = tpu.vector_load %arg11[%get3A_616] {strides = array<i32>} : memref<32xi32, #tpu.memory_space<vmem>>, vector<16xi32>,
    %get3A_618 = arith.constant 0 : index
    %get3A_619 = tpu.vector_load %arg12[%get3A_618] {strides = array<i32>} : memref<32xi32, #tpu.memory_space<vmem>>, vector<16xi32>,
    %add3A_620 = arith.addi %get3A_617, %get3A_619 : vector<16xi32>
    %swap3A_621 = arith.constant 0 : index
    %swap3A_622 = tpu.vector_load %arg11[%swap3A_621] {strides = array<i32>} : memref<32xi32, #tpu.memory_space<vmem>>, vector<16xi32>,
    tpu.vector_store %arg11[%swap3A_621], %add3A_620 {strides = array<i32>} : memref<32xi32, #tpu.memory_space<vmem>>, vector<16xi32>,
    %get3A_623 = arith.constant 16 : index
    %get3A_624 = tpu.vector_load %arg11[%get3A_623] {strides = array<i32>} : memref<32xi32, #tpu.memory_space<vmem>>, vector<16xi32>,
    %get3A_625 = arith.constant 16 : index
    %get3A_626 = tpu.vector_load %arg12[%get3A_625] {strides = array<i32>} : memref<32xi32, #tpu.memory_space<vmem>>, vector<16xi32>,
    %add3A_627 = arith.addi %get3A_624, %get3A_626 : vector<16xi32>
    %swap3A_628 = arith.constant 16 : index
    %swap3A_629 = tpu.vector_load %arg11[%swap3A_628] {strides = array<i32>} : memref<32xi32, #tpu.memory_space<vmem>>, vector<16xi32>,
    tpu.vector_store %arg11[%swap3A_628], %add3A_627 {strides = array<i32>} : memref<32xi32, #tpu.memory_space<vmem>>, vector<16xi32>,
    %mul3A_630 = arith.constant 32 : i32
    %mul3A_631 = arith.muli %arg1, %mul3A_630 : i32
    %run_scoped3A_632 = arith.constant 1 : i32
    "tpu.region"() ({
      %run_scoped3A_1547 = tpu.sem_alloc : memref<!tpu.dma_semaphore, #tpu.memory_space<semaphore_mem>>
      %dma_start3A_1548 = tpu.memref_slice %arg18[%run_scoped3A_632, %mul3A_631] : memref<16x512xi32, #tpu.memory_space<vmem_shared>> -> memref<1x32xi32, #tpu.memory_space<vmem_shared>>
      %dma_start3A_1549 = tpu.memref_squeeze %dma_start3A_1548 : memref<1x32xi32, #tpu.memory_space<vmem_shared>> -> memref<32xi32, #tpu.memory_space<vmem_shared>>
      %dma_start3A_1550 = tpu.memref_slice %arg18[%run_scoped3A_632, %mul3A_631] : memref<16x512xi32, #tpu.memory_space<vmem_shared>> -> memref<1x32xi32, #tpu.memory_space<vmem_shared>>
      %dma_start3A_1551 = tpu.memref_squeeze %dma_start3A_1550 : memref<1x32xi32, #tpu.memory_space<vmem_shared>> -> memref<32xi32, #tpu.memory_space<vmem_shared>>
      tpu.enqueue_dma source(%dma_start3A_1551 : memref<32xi32, #tpu.memory_space<vmem_shared>>) target(%arg12 : memref<32xi32, #tpu.memory_space<vmem>>) target_semaphore(%run_scoped3A_1547 : memref<!tpu.dma_semaphore, #tpu.memory_space<semaphore_mem>>)
      %dma_wait3A_1552 = tpu.memref_slice %arg18[%run_scoped3A_632, %mul3A_631] : memref<16x512xi32, #tpu.memory_space<vmem_shared>> -> memref<1x32xi32, #tpu.memory_space<vmem_shared>>
      %dma_wait3A_1553 = tpu.memref_squeeze %dma_wait3A_1552 : memref<1x32xi32, #tpu.memory_space<vmem_shared>> -> memref<32xi32, #tpu.memory_space<vmem_shared>>
      %dma_wait3A_1554 = tpu.memref_slice %arg18[%run_scoped3A_632, %mul3A_631] : memref<16x512xi32, #tpu.memory_space<vmem_shared>> -> memref<1x32xi32, #tpu.memory_space<vmem_shared>>
      %dma_wait3A_1555 = tpu.memref_squeeze %dma_wait3A_1554 : memref<1x32xi32, #tpu.memory_space<vmem_shared>> -> memref<32xi32, #tpu.memory_space<vmem_shared>>
      tpu.wait_dma2 semaphore(%run_scoped3A_1547 : memref<!tpu.dma_semaphore, #tpu.memory_space<semaphore_mem>>) src(%dma_wait3A_1555 : memref<32xi32, #tpu.memory_space<vmem_shared>>) dst(%arg12 : memref<32xi32, #tpu.memory_space<vmem>>)
      tpu.yield
    }) : () -> ()
    %get3A_633 = arith.constant 0 : index
    %get3A_634 = tpu.vector_load %arg11[%get3A_633] {strides = array<i32>} : memref<32xi32, #tpu.memory_space<vmem>>, vector<16xi32>,
    %get3A_635 = arith.constant 0 : index
    %get3A_636 = tpu.vector_load %arg12[%get3A_635] {strides = array<i32>} : memref<32xi32, #tpu.memory_space<vmem>>, vector<16xi32>,
    %add3A_637 = arith.addi %get3A_634, %get3A_636 : vector<16xi32>
    %swap3A_638 = arith.constant 0 : index
    %swap3A_639 = tpu.vector_load %arg11[%swap3A_638] {strides = array<i32>} : memref<32xi32, #tpu.memory_space<vmem>>, vector<16xi32>,
    tpu.vector_store %arg11[%swap3A_638], %add3A_637 {strides = array<i32>} : memref<32xi32, #tpu.memory_space<vmem>>, vector<16xi32>,
    %get3A_640 = arith.constant 16 : index
    %get3A_641 = tpu.vector_load %arg11[%get3A_640] {strides = array<i32>} : memref<32xi32, #tpu.memory_space<vmem>>, vector<16xi32>,
    %get3A_642 = arith.constant 16 : index
    %get3A_643 = tpu.vector_load %arg12[%get3A_642] {strides = array<i32>} : memref<32xi32, #tpu.memory_space<vmem>>, vector<16xi32>,
    %add3A_644 = arith.addi %get3A_641, %get3A_643 : vector<16xi32>
    %swap3A_645 = arith.constant 16 : index
    %swap3A_646 = tpu.vector_load %arg11[%swap3A_645] {strides = array<i32>} : memref<32xi32, #tpu.memory_space<vmem>>, vector<16xi32>,
    tpu.vector_store %arg11[%swap3A_645], %add3A_644 {strides = array<i32>} : memref<32xi32, #tpu.memory_space<vmem>>, vector<16xi32>,
    %mul3A_647 = arith.constant 32 : i32
    %mul3A_648 = arith.muli %arg1, %mul3A_647 : i32
    %run_scoped3A_649 = arith.constant 2 : i32
    "tpu.region"() ({
      %run_scoped3A_1547 = tpu.sem_alloc : memref<!tpu.dma_semaphore, #tpu.memory_space<semaphore_mem>>
      %dma_start3A_1548 = tpu.memref_slice %arg18[%run_scoped3A_649, %mul3A_648] : memref<16x512xi32, #tpu.memory_space<vmem_shared>> -> memref<1x32xi32, #tpu.memory_space<vmem_shared>>
      %dma_start3A_1549 = tpu.memref_squeeze %dma_start3A_1548 : memref<1x32xi32, #tpu.memory_space<vmem_shared>> -> memref<32xi32, #tpu.memory_space<vmem_shared>>
      %dma_start3A_1550 = tpu.memref_slice %arg18[%run_scoped3A_649, %mul3A_648] : memref<16x512xi32, #tpu.memory_space<vmem_shared>> -> memref<1x32xi32, #tpu.memory_space<vmem_shared>>
      %dma_start3A_1551 = tpu.memref_squeeze %dma_start3A_1550 : memref<1x32xi32, #tpu.memory_space<vmem_shared>> -> memref<32xi32, #tpu.memory_space<vmem_shared>>
      tpu.enqueue_dma source(%dma_start3A_1551 : memref<32xi32, #tpu.memory_space<vmem_shared>>) target(%arg12 : memref<32xi32, #tpu.memory_space<vmem>>) target_semaphore(%run_scoped3A_1547 : memref<!tpu.dma_semaphore, #tpu.memory_space<semaphore_mem>>)
      %dma_wait3A_1552 = tpu.memref_slice %arg18[%run_scoped3A_649, %mul3A_648] : memref<16x512xi32, #tpu.memory_space<vmem_shared>> -> memref<1x32xi32, #tpu.memory_space<vmem_shared>>
      %dma_wait3A_1553 = tpu.memref_squeeze %dma_wait3A_1552 : memref<1x32xi32, #tpu.memory_space<vmem_shared>> -> memref<32xi32, #tpu.memory_space<vmem_shared>>
      %dma_wait3A_1554 = tpu.memref_slice %arg18[%run_scoped3A_649, %mul3A_648] : memref<16x512xi32, #tpu.memory_space<vmem_shared>> -> memref<1x32xi32, #tpu.memory_space<vmem_shared>>
      %dma_wait3A_1555 = tpu.memref_squeeze %dma_wait3A_1554 : memref<1x32xi32, #tpu.memory_space<vmem_shared>> -> memref<32xi32, #tpu.memory_space<vmem_shared>>
      tpu.wait_dma2 semaphore(%run_scoped3A_1547 : memref<!tpu.dma_semaphore, #tpu.memory_space<semaphore_mem>>) src(%dma_wait3A_1555 : memref<32xi32, #tpu.memory_space<vmem_shared>>) dst(%arg12 : memref<32xi32, #tpu.memory_space<vmem>>)
      tpu.yield
    }) : () -> ()
    %get3A_650 = arith.constant 0 : index
    %get3A_651 = tpu.vector_load %arg11[%get3A_650] {strides = array<i32>} : memref<32xi32, #tpu.memory_space<vmem>>, vector<16xi32>,
    %get3A_652 = arith.constant 0 : index
    %get3A_653 = tpu.vector_load %arg12[%get3A_652] {strides = array<i32>} : memref<32xi32, #tpu.memory_space<vmem>>, vector<16xi32>,
    %add3A_654 = arith.addi %get3A_651, %get3A_653 : vector<16xi32>
    %swap3A_655 = arith.constant 0 : index
    %swap3A_656 = tpu.vector_load %arg11[%swap3A_655] {strides = array<i32>} : memref<32xi32, #tpu.memory_space<vmem>>, vector<16xi32>,
    tpu.vector_store %arg11[%swap3A_655], %add3A_654 {strides = array<i32>} : memref<32xi32, #tpu.memory_space<vmem>>, vector<16xi32>,
    %get3A_657 = arith.constant 16 : index
    %get3A_658 = tpu.vector_load %arg11[%get3A_657] {strides = array<i32>} : memref<32xi32, #tpu.memory_space<vmem>>, vector<16xi32>,
    %get3A_659 = arith.constant 16 : index
    %get3A_660 = tpu.vector_load %arg12[%get3A_659] {strides = array<i32>} : memref<32xi32, #tpu.memory_space<vmem>>, vector<16xi32>,
    %add3A_661 = arith.addi %get3A_658, %get3A_660 : vector<16xi32>
    %swap3A_662 = arith.constant 16 : index
    %swap3A_663 = tpu.vector_load %arg11[%swap3A_662] {strides = array<i32>} : memref<32xi32, #tpu.memory_space<vmem>>, vector<16xi32>,
    tpu.vector_store %arg11[%swap3A_662], %add3A_661 {strides = array<i32>} : memref<32xi32, #tpu.memory_space<vmem>>, vector<16xi32>,
    %mul3A_664 = arith.constant 32 : i32
    %mul3A_665 = arith.muli %arg1, %mul3A_664 : i32
    %run_scoped3A_666 = arith.constant 3 : i32
    "tpu.region"() ({
      %run_scoped3A_1547 = tpu.sem_alloc : memref<!tpu.dma_semaphore, #tpu.memory_space<semaphore_mem>>
      %dma_start3A_1548 = tpu.memref_slice %arg18[%run_scoped3A_666, %mul3A_665] : memref<16x512xi32, #tpu.memory_space<vmem_shared>> -> memref<1x32xi32, #tpu.memory_space<vmem_shared>>
      %dma_start3A_1549 = tpu.memref_squeeze %dma_start3A_1548 : memref<1x32xi32, #tpu.memory_space<vmem_shared>> -> memref<32xi32, #tpu.memory_space<vmem_shared>>
      %dma_start3A_1550 = tpu.memref_slice %arg18[%run_scoped3A_666, %mul3A_665] : memref<16x512xi32, #tpu.memory_space<vmem_shared>> -> memref<1x32xi32, #tpu.memory_space<vmem_shared>>
      %dma_start3A_1551 = tpu.memref_squeeze %dma_start3A_1550 : memref<1x32xi32, #tpu.memory_space<vmem_shared>> -> memref<32xi32, #tpu.memory_space<vmem_shared>>
      tpu.enqueue_dma source(%dma_start3A_1551 : memref<32xi32, #tpu.memory_space<vmem_shared>>) target(%arg12 : memref<32xi32, #tpu.memory_space<vmem>>) target_semaphore(%run_scoped3A_1547 : memref<!tpu.dma_semaphore, #tpu.memory_space<semaphore_mem>>)
      %dma_wait3A_1552 = tpu.memref_slice %arg18[%run_scoped3A_666, %mul3A_665] : memref<16x512xi32, #tpu.memory_space<vmem_shared>> -> memref<1x32xi32, #tpu.memory_space<vmem_shared>>
      %dma_wait3A_1553 = tpu.memref_squeeze %dma_wait3A_1552 : memref<1x32xi32, #tpu.memory_space<vmem_shared>> -> memref<32xi32, #tpu.memory_space<vmem_shared>>
      %dma_wait3A_1554 = tpu.memref_slice %arg18[%run_scoped3A_666, %mul3A_665] : memref<16x512xi32, #tpu.memory_space<vmem_shared>> -> memref<1x32xi32, #tpu.memory_space<vmem_shared>>
      %dma_wait3A_1555 = tpu.memref_squeeze %dma_wait3A_1554 : memref<1x32xi32, #tpu.memory_space<vmem_shared>> -> memref<32xi32, #tpu.memory_space<vmem_shared>>
      tpu.wait_dma2 semaphore(%run_scoped3A_1547 : memref<!tpu.dma_semaphore, #tpu.memory_space<semaphore_mem>>) src(%dma_wait3A_1555 : memref<32xi32, #tpu.memory_space<vmem_shared>>) dst(%arg12 : memref<32xi32, #tpu.memory_space<vmem>>)
      tpu.yield
    }) : () -> ()
    %get3A_667 = arith.constant 0 : index
    %get3A_668 = tpu.vector_load %arg11[%get3A_667] {strides = array<i32>} : memref<32xi32, #tpu.memory_space<vmem>>, vector<16xi32>,
    %get3A_669 = arith.constant 0 : index
    %get3A_670 = tpu.vector_load %arg12[%get3A_669] {strides = array<i32>} : memref<32xi32, #tpu.memory_space<vmem>>, vector<16xi32>,
    %add3A_671 = arith.addi %get3A_668, %get3A_670 : vector<16xi32>
    %swap3A_672 = arith.constant 0 : index
    %swap3A_673 = tpu.vector_load %arg11[%swap3A_672] {strides = array<i32>} : memref<32xi32, #tpu.memory_space<vmem>>, vector<16xi32>,
    tpu.vector_store %arg11[%swap3A_672], %add3A_671 {strides = array<i32>} : memref<32xi32, #tpu.memory_space<vmem>>, vector<16xi32>,
    %get3A_674 = arith.constant 16 : index
    %get3A_675 = tpu.vector_load %arg11[%get3A_674] {strides = array<i32>} : memref<32xi32, #tpu.memory_space<vmem>>, vector<16xi32>,
    %get3A_676 = arith.constant 16 : index
    %get3A_677 = tpu.vector_load %arg12[%get3A_676] {strides = array<i32>} : memref<32xi32, #tpu.memory_space<vmem>>, vector<16xi32>,
    %add3A_678 = arith.addi %get3A_675, %get3A_677 : vector<16xi32>
    %swap3A_679 = arith.constant 16 : index
    %swap3A_680 = tpu.vector_load %arg11[%swap3A_679] {strides = array<i32>} : memref<32xi32, #tpu.memory_space<vmem>>, vector<16xi32>,
    tpu.vector_store %arg11[%swap3A_679], %add3A_678 {strides = array<i32>} : memref<32xi32, #tpu.memory_space<vmem>>, vector<16xi32>,
    %mul3A_681 = arith.constant 32 : i32
    %mul3A_682 = arith.muli %arg1, %mul3A_681 : i32
    %run_scoped3A_683 = arith.constant 4 : i32
    "tpu.region"() ({
      %run_scoped3A_1547 = tpu.sem_alloc : memref<!tpu.dma_semaphore, #tpu.memory_space<semaphore_mem>>
      %dma_start3A_1548 = tpu.memref_slice %arg18[%run_scoped3A_683, %mul3A_682] : memref<16x512xi32, #tpu.memory_space<vmem_shared>> -> memref<1x32xi32, #tpu.memory_space<vmem_shared>>
      %dma_start3A_1549 = tpu.memref_squeeze %dma_start3A_1548 : memref<1x32xi32, #tpu.memory_space<vmem_shared>> -> memref<32xi32, #tpu.memory_space<vmem_shared>>
      %dma_start3A_1550 = tpu.memref_slice %arg18[%run_scoped3A_683, %mul3A_682] : memref<16x512xi32, #tpu.memory_space<vmem_shared>> -> memref<1x32xi32, #tpu.memory_space<vmem_shared>>
      %dma_start3A_1551 = tpu.memref_squeeze %dma_start3A_1550 : memref<1x32xi32, #tpu.memory_space<vmem_shared>> -> memref<32xi32, #tpu.memory_space<vmem_shared>>
      tpu.enqueue_dma source(%dma_start3A_1551 : memref<32xi32, #tpu.memory_space<vmem_shared>>) target(%arg12 : memref<32xi32, #tpu.memory_space<vmem>>) target_semaphore(%run_scoped3A_1547 : memref<!tpu.dma_semaphore, #tpu.memory_space<semaphore_mem>>)
      %dma_wait3A_1552 = tpu.memref_slice %arg18[%run_scoped3A_683, %mul3A_682] : memref<16x512xi32, #tpu.memory_space<vmem_shared>> -> memref<1x32xi32, #tpu.memory_space<vmem_shared>>
      %dma_wait3A_1553 = tpu.memref_squeeze %dma_wait3A_1552 : memref<1x32xi32, #tpu.memory_space<vmem_shared>> -> memref<32xi32, #tpu.memory_space<vmem_shared>>
      %dma_wait3A_1554 = tpu.memref_slice %arg18[%run_scoped3A_683, %mul3A_682] : memref<16x512xi32, #tpu.memory_space<vmem_shared>> -> memref<1x32xi32, #tpu.memory_space<vmem_shared>>
      %dma_wait3A_1555 = tpu.memref_squeeze %dma_wait3A_1554 : memref<1x32xi32, #tpu.memory_space<vmem_shared>> -> memref<32xi32, #tpu.memory_space<vmem_shared>>
      tpu.wait_dma2 semaphore(%run_scoped3A_1547 : memref<!tpu.dma_semaphore, #tpu.memory_space<semaphore_mem>>) src(%dma_wait3A_1555 : memref<32xi32, #tpu.memory_space<vmem_shared>>) dst(%arg12 : memref<32xi32, #tpu.memory_space<vmem>>)
      tpu.yield
    }) : () -> ()
    %get3A_684 = arith.constant 0 : index
    %get3A_685 = tpu.vector_load %arg11[%get3A_684] {strides = array<i32>} : memref<32xi32, #tpu.memory_space<vmem>>, vector<16xi32>,
    %get3A_686 = arith.constant 0 : index
    %get3A_687 = tpu.vector_load %arg12[%get3A_686] {strides = array<i32>} : memref<32xi32, #tpu.memory_space<vmem>>, vector<16xi32>,
    %add3A_688 = arith.addi %get3A_685, %get3A_687 : vector<16xi32>
    %swap3A_689 = arith.constant 0 : index
    %swap3A_690 = tpu.vector_load %arg11[%swap3A_689] {strides = array<i32>} : memref<32xi32, #tpu.memory_space<vmem>>, vector<16xi32>,
    tpu.vector_store %arg11[%swap3A_689], %add3A_688 {strides = array<i32>} : memref<32xi32, #tpu.memory_space<vmem>>, vector<16xi32>,
    %get3A_691 = arith.constant 16 : index
    %get3A_692 = tpu.vector_load %arg11[%get3A_691] {strides = array<i32>} : memref<32xi32, #tpu.memory_space<vmem>>, vector<16xi32>,
    %get3A_693 = arith.constant 16 : index
    %get3A_694 = tpu.vector_load %arg12[%get3A_693] {strides = array<i32>} : memref<32xi32, #tpu.memory_space<vmem>>, vector<16xi32>,
    %add3A_695 = arith.addi %get3A_692, %get3A_694 : vector<16xi32>
    %swap3A_696 = arith.constant 16 : index
    %swap3A_697 = tpu.vector_load %arg11[%swap3A_696] {strides = array<i32>} : memref<32xi32, #tpu.memory_space<vmem>>, vector<16xi32>,
    tpu.vector_store %arg11[%swap3A_696], %add3A_695 {strides = array<i32>} : memref<32xi32, #tpu.memory_space<vmem>>, vector<16xi32>,
    %mul3A_698 = arith.constant 32 : i32
    %mul3A_699 = arith.muli %arg1, %mul3A_698 : i32
    %run_scoped3A_700 = arith.constant 5 : i32
    "tpu.region"() ({
      %run_scoped3A_1547 = tpu.sem_alloc : memref<!tpu.dma_semaphore, #tpu.memory_space<semaphore_mem>>
      %dma_start3A_1548 = tpu.memref_slice %arg18[%run_scoped3A_700, %mul3A_699] : memref<16x512xi32, #tpu.memory_space<vmem_shared>> -> memref<1x32xi32, #tpu.memory_space<vmem_shared>>
      %dma_start3A_1549 = tpu.memref_squeeze %dma_start3A_1548 : memref<1x32xi32, #tpu.memory_space<vmem_shared>> -> memref<32xi32, #tpu.memory_space<vmem_shared>>
      %dma_start3A_1550 = tpu.memref_slice %arg18[%run_scoped3A_700, %mul3A_699] : memref<16x512xi32, #tpu.memory_space<vmem_shared>> -> memref<1x32xi32, #tpu.memory_space<vmem_shared>>
      %dma_start3A_1551 = tpu.memref_squeeze %dma_start3A_1550 : memref<1x32xi32, #tpu.memory_space<vmem_shared>> -> memref<32xi32, #tpu.memory_space<vmem_shared>>
      tpu.enqueue_dma source(%dma_start3A_1551 : memref<32xi32, #tpu.memory_space<vmem_shared>>) target(%arg12 : memref<32xi32, #tpu.memory_space<vmem>>) target_semaphore(%run_scoped3A_1547 : memref<!tpu.dma_semaphore, #tpu.memory_space<semaphore_mem>>)
      %dma_wait3A_1552 = tpu.memref_slice %arg18[%run_scoped3A_700, %mul3A_699] : memref<16x512xi32, #tpu.memory_space<vmem_shared>> -> memref<1x32xi32, #tpu.memory_space<vmem_shared>>
      %dma_wait3A_1553 = tpu.memref_squeeze %dma_wait3A_1552 : memref<1x32xi32, #tpu.memory_space<vmem_shared>> -> memref<32xi32, #tpu.memory_space<vmem_shared>>
      %dma_wait3A_1554 = tpu.memref_slice %arg18[%run_scoped3A_700, %mul3A_699] : memref<16x512xi32, #tpu.memory_space<vmem_shared>> -> memref<1x32xi32, #tpu.memory_space<vmem_shared>>
      %dma_wait3A_1555 = tpu.memref_squeeze %dma_wait3A_1554 : memref<1x32xi32, #tpu.memory_space<vmem_shared>> -> memref<32xi32, #tpu.memory_space<vmem_shared>>
      tpu.wait_dma2 semaphore(%run_scoped3A_1547 : memref<!tpu.dma_semaphore, #tpu.memory_space<semaphore_mem>>) src(%dma_wait3A_1555 : memref<32xi32, #tpu.memory_space<vmem_shared>>) dst(%arg12 : memref<32xi32, #tpu.memory_space<vmem>>)
      tpu.yield
    }) : () -> ()
    %get3A_701 = arith.constant 0 : index
    %get3A_702 = tpu.vector_load %arg11[%get3A_701] {strides = array<i32>} : memref<32xi32, #tpu.memory_space<vmem>>, vector<16xi32>,
    %get3A_703 = arith.constant 0 : index
    %get3A_704 = tpu.vector_load %arg12[%get3A_703] {strides = array<i32>} : memref<32xi32, #tpu.memory_space<vmem>>, vector<16xi32>,
    %add3A_705 = arith.addi %get3A_702, %get3A_704 : vector<16xi32>
    %swap3A_706 = arith.constant 0 : index
    %swap3A_707 = tpu.vector_load %arg11[%swap3A_706] {strides = array<i32>} : memref<32xi32, #tpu.memory_space<vmem>>, vector<16xi32>,
    tpu.vector_store %arg11[%swap3A_706], %add3A_705 {strides = array<i32>} : memref<32xi32, #tpu.memory_space<vmem>>, vector<16xi32>,
    %get3A_708 = arith.constant 16 : index
    %get3A_709 = tpu.vector_load %arg11[%get3A_708] {strides = array<i32>} : memref<32xi32, #tpu.memory_space<vmem>>, vector<16xi32>,
    %get3A_710 = arith.constant 16 : index
    %get3A_711 = tpu.vector_load %arg12[%get3A_710] {strides = array<i32>} : memref<32xi32, #tpu.memory_space<vmem>>, vector<16xi32>,
    %add3A_712 = arith.addi %get3A_709, %get3A_711 : vector<16xi32>
    %swap3A_713 = arith.constant 16 : index
    %swap3A_714 = tpu.vector_load %arg11[%swap3A_713] {strides = array<i32>} : memref<32xi32, #tpu.memory_space<vmem>>, vector<16xi32>,
    tpu.vector_store %arg11[%swap3A_713], %add3A_712 {strides = array<i32>} : memref<32xi32, #tpu.memory_space<vmem>>, vector<16xi32>,
    %mul3A_715 = arith.constant 32 : i32
    %mul3A_716 = arith.muli %arg1, %mul3A_715 : i32
    %run_scoped3A_717 = arith.constant 6 : i32
    "tpu.region"() ({
      %run_scoped3A_1547 = tpu.sem_alloc : memref<!tpu.dma_semaphore, #tpu.memory_space<semaphore_mem>>
      %dma_start3A_1548 = tpu.memref_slice %arg18[%run_scoped3A_717, %mul3A_716] : memref<16x512xi32, #tpu.memory_space<vmem_shared>> -> memref<1x32xi32, #tpu.memory_space<vmem_shared>>
      %dma_start3A_1549 = tpu.memref_squeeze %dma_start3A_1548 : memref<1x32xi32, #tpu.memory_space<vmem_shared>> -> memref<32xi32, #tpu.memory_space<vmem_shared>>
      %dma_start3A_1550 = tpu.memref_slice %arg18[%run_scoped3A_717, %mul3A_716] : memref<16x512xi32, #tpu.memory_space<vmem_shared>> -> memref<1x32xi32, #tpu.memory_space<vmem_shared>>
      %dma_start3A_1551 = tpu.memref_squeeze %dma_start3A_1550 : memref<1x32xi32, #tpu.memory_space<vmem_shared>> -> memref<32xi32, #tpu.memory_space<vmem_shared>>
      tpu.enqueue_dma source(%dma_start3A_1551 : memref<32xi32, #tpu.memory_space<vmem_shared>>) target(%arg12 : memref<32xi32, #tpu.memory_space<vmem>>) target_semaphore(%run_scoped3A_1547 : memref<!tpu.dma_semaphore, #tpu.memory_space<semaphore_mem>>)
      %dma_wait3A_1552 = tpu.memref_slice %arg18[%run_scoped3A_717, %mul3A_716] : memref<16x512xi32, #tpu.memory_space<vmem_shared>> -> memref<1x32xi32, #tpu.memory_space<vmem_shared>>
      %dma_wait3A_1553 = tpu.memref_squeeze %dma_wait3A_1552 : memref<1x32xi32, #tpu.memory_space<vmem_shared>> -> memref<32xi32, #tpu.memory_space<vmem_shared>>
      %dma_wait3A_1554 = tpu.memref_slice %arg18[%run_scoped3A_717, %mul3A_716] : memref<16x512xi32, #tpu.memory_space<vmem_shared>> -> memref<1x32xi32, #tpu.memory_space<vmem_shared>>
      %dma_wait3A_1555 = tpu.memref_squeeze %dma_wait3A_1554 : memref<1x32xi32, #tpu.memory_space<vmem_shared>> -> memref<32xi32, #tpu.memory_space<vmem_shared>>
      tpu.wait_dma2 semaphore(%run_scoped3A_1547 : memref<!tpu.dma_semaphore, #tpu.memory_space<semaphore_mem>>) src(%dma_wait3A_1555 : memref<32xi32, #tpu.memory_space<vmem_shared>>) dst(%arg12 : memref<32xi32, #tpu.memory_space<vmem>>)
      tpu.yield
    }) : () -> ()
    %get3A_718 = arith.constant 0 : index
    %get3A_719 = tpu.vector_load %arg11[%get3A_718] {strides = array<i32>} : memref<32xi32, #tpu.memory_space<vmem>>, vector<16xi32>,
    %get3A_720 = arith.constant 0 : index
    %get3A_721 = tpu.vector_load %arg12[%get3A_720] {strides = array<i32>} : memref<32xi32, #tpu.memory_space<vmem>>, vector<16xi32>,
    %add3A_722 = arith.addi %get3A_719, %get3A_721 : vector<16xi32>
    %swap3A_723 = arith.constant 0 : index
    %swap3A_724 = tpu.vector_load %arg11[%swap3A_723] {strides = array<i32>} : memref<32xi32, #tpu.memory_space<vmem>>, vector<16xi32>,
    tpu.vector_store %arg11[%swap3A_723], %add3A_722 {strides = array<i32>} : memref<32xi32, #tpu.memory_space<vmem>>, vector<16xi32>,
    %get3A_725 = arith.constant 16 : index
    %get3A_726 = tpu.vector_load %arg11[%get3A_725] {strides = array<i32>} : memref<32xi32, #tpu.memory_space<vmem>>, vector<16xi32>,
    %get3A_727 = arith.constant 16 : index
    %get3A_728 = tpu.vector_load %arg12[%get3A_727] {strides = array<i32>} : memref<32xi32, #tpu.memory_space<vmem>>, vector<16xi32>,
    %add3A_729 = arith.addi %get3A_726, %get3A_728 : vector<16xi32>
    %swap3A_730 = arith.constant 16 : index
    %swap3A_731 = tpu.vector_load %arg11[%swap3A_730] {strides = array<i32>} : memref<32xi32, #tpu.memory_space<vmem>>, vector<16xi32>,
    tpu.vector_store %arg11[%swap3A_730], %add3A_729 {strides = array<i32>} : memref<32xi32, #tpu.memory_space<vmem>>, vector<16xi32>,
    %mul3A_732 = arith.constant 32 : i32
    %mul3A_733 = arith.muli %arg1, %mul3A_732 : i32
    %run_scoped3A_734 = arith.constant 7 : i32
    "tpu.region"() ({
      %run_scoped3A_1547 = tpu.sem_alloc : memref<!tpu.dma_semaphore, #tpu.memory_space<semaphore_mem>>
      %dma_start3A_1548 = tpu.memref_slice %arg18[%run_scoped3A_734, %mul3A_733] : memref<16x512xi32, #tpu.memory_space<vmem_shared>> -> memref<1x32xi32, #tpu.memory_space<vmem_shared>>
      %dma_start3A_1549 = tpu.memref_squeeze %dma_start3A_1548 : memref<1x32xi32, #tpu.memory_space<vmem_shared>> -> memref<32xi32, #tpu.memory_space<vmem_shared>>
      %dma_start3A_1550 = tpu.memref_slice %arg18[%run_scoped3A_734, %mul3A_733] : memref<16x512xi32, #tpu.memory_space<vmem_shared>> -> memref<1x32xi32, #tpu.memory_space<vmem_shared>>
      %dma_start3A_1551 = tpu.memref_squeeze %dma_start3A_1550 : memref<1x32xi32, #tpu.memory_space<vmem_shared>> -> memref<32xi32, #tpu.memory_space<vmem_shared>>
      tpu.enqueue_dma source(%dma_start3A_1551 : memref<32xi32, #tpu.memory_space<vmem_shared>>) target(%arg12 : memref<32xi32, #tpu.memory_space<vmem>>) target_semaphore(%run_scoped3A_1547 : memref<!tpu.dma_semaphore, #tpu.memory_space<semaphore_mem>>)
      %dma_wait3A_1552 = tpu.memref_slice %arg18[%run_scoped3A_734, %mul3A_733] : memref<16x512xi32, #tpu.memory_space<vmem_shared>> -> memref<1x32xi32, #tpu.memory_space<vmem_shared>>
      %dma_wait3A_1553 = tpu.memref_squeeze %dma_wait3A_1552 : memref<1x32xi32, #tpu.memory_space<vmem_shared>> -> memref<32xi32, #tpu.memory_space<vmem_shared>>
      %dma_wait3A_1554 = tpu.memref_slice %arg18[%run_scoped3A_734, %mul3A_733] : memref<16x512xi32, #tpu.memory_space<vmem_shared>> -> memref<1x32xi32, #tpu.memory_space<vmem_shared>>
      %dma_wait3A_1555 = tpu.memref_squeeze %dma_wait3A_1554 : memref<1x32xi32, #tpu.memory_space<vmem_shared>> -> memref<32xi32, #tpu.memory_space<vmem_shared>>
      tpu.wait_dma2 semaphore(%run_scoped3A_1547 : memref<!tpu.dma_semaphore, #tpu.memory_space<semaphore_mem>>) src(%dma_wait3A_1555 : memref<32xi32, #tpu.memory_space<vmem_shared>>) dst(%arg12 : memref<32xi32, #tpu.memory_space<vmem>>)
      tpu.yield
    }) : () -> ()
    %get3A_735 = arith.constant 0 : index
    %get3A_736 = tpu.vector_load %arg11[%get3A_735] {strides = array<i32>} : memref<32xi32, #tpu.memory_space<vmem>>, vector<16xi32>,
    %get3A_737 = arith.constant 0 : index
    %get3A_738 = tpu.vector_load %arg12[%get3A_737] {strides = array<i32>} : memref<32xi32, #tpu.memory_space<vmem>>, vector<16xi32>,
    %add3A_739 = arith.addi %get3A_736, %get3A_738 : vector<16xi32>
    %swap3A_740 = arith.constant 0 : index
    %swap3A_741 = tpu.vector_load %arg11[%swap3A_740] {strides = array<i32>} : memref<32xi32, #tpu.memory_space<vmem>>, vector<16xi32>,
    tpu.vector_store %arg11[%swap3A_740], %add3A_739 {strides = array<i32>} : memref<32xi32, #tpu.memory_space<vmem>>, vector<16xi32>,
    %get3A_742 = arith.constant 16 : index
    %get3A_743 = tpu.vector_load %arg11[%get3A_742] {strides = array<i32>} : memref<32xi32, #tpu.memory_space<vmem>>, vector<16xi32>,
    %get3A_744 = arith.constant 16 : index
    %get3A_745 = tpu.vector_load %arg12[%get3A_744] {strides = array<i32>} : memref<32xi32, #tpu.memory_space<vmem>>, vector<16xi32>,
    %add3A_746 = arith.addi %get3A_743, %get3A_745 : vector<16xi32>
    %swap3A_747 = arith.constant 16 : index
    %swap3A_748 = tpu.vector_load %arg11[%swap3A_747] {strides = array<i32>} : memref<32xi32, #tpu.memory_space<vmem>>, vector<16xi32>,
    tpu.vector_store %arg11[%swap3A_747], %add3A_746 {strides = array<i32>} : memref<32xi32, #tpu.memory_space<vmem>>, vector<16xi32>,
    %mul3A_749 = arith.constant 32 : i32
    %mul3A_750 = arith.muli %arg1, %mul3A_749 : i32
    %run_scoped3A_751 = arith.constant 8 : i32
    "tpu.region"() ({
      %run_scoped3A_1547 = tpu.sem_alloc : memref<!tpu.dma_semaphore, #tpu.memory_space<semaphore_mem>>
      %dma_start3A_1548 = tpu.memref_slice %arg18[%run_scoped3A_751, %mul3A_750] : memref<16x512xi32, #tpu.memory_space<vmem_shared>> -> memref<1x32xi32, #tpu.memory_space<vmem_shared>>
      %dma_start3A_1549 = tpu.memref_squeeze %dma_start3A_1548 : memref<1x32xi32, #tpu.memory_space<vmem_shared>> -> memref<32xi32, #tpu.memory_space<vmem_shared>>
      %dma_start3A_1550 = tpu.memref_slice %arg18[%run_scoped3A_751, %mul3A_750] : memref<16x512xi32, #tpu.memory_space<vmem_shared>> -> memref<1x32xi32, #tpu.memory_space<vmem_shared>>
      %dma_start3A_1551 = tpu.memref_squeeze %dma_start3A_1550 : memref<1x32xi32, #tpu.memory_space<vmem_shared>> -> memref<32xi32, #tpu.memory_space<vmem_shared>>
      tpu.enqueue_dma source(%dma_start3A_1551 : memref<32xi32, #tpu.memory_space<vmem_shared>>) target(%arg12 : memref<32xi32, #tpu.memory_space<vmem>>) target_semaphore(%run_scoped3A_1547 : memref<!tpu.dma_semaphore, #tpu.memory_space<semaphore_mem>>)
      %dma_wait3A_1552 = tpu.memref_slice %arg18[%run_scoped3A_751, %mul3A_750] : memref<16x512xi32, #tpu.memory_space<vmem_shared>> -> memref<1x32xi32, #tpu.memory_space<vmem_shared>>
      %dma_wait3A_1553 = tpu.memref_squeeze %dma_wait3A_1552 : memref<1x32xi32, #tpu.memory_space<vmem_shared>> -> memref<32xi32, #tpu.memory_space<vmem_shared>>
      %dma_wait3A_1554 = tpu.memref_slice %arg18[%run_scoped3A_751, %mul3A_750] : memref<16x512xi32, #tpu.memory_space<vmem_shared>> -> memref<1x32xi32, #tpu.memory_space<vmem_shared>>
      %dma_wait3A_1555 = tpu.memref_squeeze %dma_wait3A_1554 : memref<1x32xi32, #tpu.memory_space<vmem_shared>> -> memref<32xi32, #tpu.memory_space<vmem_shared>>
      tpu.wait_dma2 semaphore(%run_scoped3A_1547 : memref<!tpu.dma_semaphore, #tpu.memory_space<semaphore_mem>>) src(%dma_wait3A_1555 : memref<32xi32, #tpu.memory_space<vmem_shared>>) dst(%arg12 : memref<32xi32, #tpu.memory_space<vmem>>)
      tpu.yield
    }) : () -> ()
    %get3A_752 = arith.constant 0 : index
    %get3A_753 = tpu.vector_load %arg11[%get3A_752] {strides = array<i32>} : memref<32xi32, #tpu.memory_space<vmem>>, vector<16xi32>,
    %get3A_754 = arith.constant 0 : index
    %get3A_755 = tpu.vector_load %arg12[%get3A_754] {strides = array<i32>} : memref<32xi32, #tpu.memory_space<vmem>>, vector<16xi32>,
    %add3A_756 = arith.addi %get3A_753, %get3A_755 : vector<16xi32>
    %swap3A_757 = arith.constant 0 : index
    %swap3A_758 = tpu.vector_load %arg11[%swap3A_757] {strides = array<i32>} : memref<32xi32, #tpu.memory_space<vmem>>, vector<16xi32>,
    tpu.vector_store %arg11[%swap3A_757], %add3A_756 {strides = array<i32>} : memref<32xi32, #tpu.memory_space<vmem>>, vector<16xi32>,
    %get3A_759 = arith.constant 16 : index
    %get3A_760 = tpu.vector_load %arg11[%get3A_759] {strides = array<i32>} : memref<32xi32, #tpu.memory_space<vmem>>, vector<16xi32>,
    %get3A_761 = arith.constant 16 : index
    %get3A_762 = tpu.vector_load %arg12[%get3A_761] {strides = array<i32>} : memref<32xi32, #tpu.memory_space<vmem>>, vector<16xi32>,
    %add3A_763 = arith.addi %get3A_760, %get3A_762 : vector<16xi32>
    %swap3A_764 = arith.constant 16 : index
    %swap3A_765 = tpu.vector_load %arg11[%swap3A_764] {strides = array<i32>} : memref<32xi32, #tpu.memory_space<vmem>>, vector<16xi32>,
    tpu.vector_store %arg11[%swap3A_764], %add3A_763 {strides = array<i32>} : memref<32xi32, #tpu.memory_space<vmem>>, vector<16xi32>,
    %mul3A_766 = arith.constant 32 : i32
    %mul3A_767 = arith.muli %arg1, %mul3A_766 : i32
    %run_scoped3A_768 = arith.constant 9 : i32
    "tpu.region"() ({
      %run_scoped3A_1547 = tpu.sem_alloc : memref<!tpu.dma_semaphore, #tpu.memory_space<semaphore_mem>>
      %dma_start3A_1548 = tpu.memref_slice %arg18[%run_scoped3A_768, %mul3A_767] : memref<16x512xi32, #tpu.memory_space<vmem_shared>> -> memref<1x32xi32, #tpu.memory_space<vmem_shared>>
      %dma_start3A_1549 = tpu.memref_squeeze %dma_start3A_1548 : memref<1x32xi32, #tpu.memory_space<vmem_shared>> -> memref<32xi32, #tpu.memory_space<vmem_shared>>
      %dma_start3A_1550 = tpu.memref_slice %arg18[%run_scoped3A_768, %mul3A_767] : memref<16x512xi32, #tpu.memory_space<vmem_shared>> -> memref<1x32xi32, #tpu.memory_space<vmem_shared>>
      %dma_start3A_1551 = tpu.memref_squeeze %dma_start3A_1550 : memref<1x32xi32, #tpu.memory_space<vmem_shared>> -> memref<32xi32, #tpu.memory_space<vmem_shared>>
      tpu.enqueue_dma source(%dma_start3A_1551 : memref<32xi32, #tpu.memory_space<vmem_shared>>) target(%arg12 : memref<32xi32, #tpu.memory_space<vmem>>) target_semaphore(%run_scoped3A_1547 : memref<!tpu.dma_semaphore, #tpu.memory_space<semaphore_mem>>)
      %dma_wait3A_1552 = tpu.memref_slice %arg18[%run_scoped3A_768, %mul3A_767] : memref<16x512xi32, #tpu.memory_space<vmem_shared>> -> memref<1x32xi32, #tpu.memory_space<vmem_shared>>
      %dma_wait3A_1553 = tpu.memref_squeeze %dma_wait3A_1552 : memref<1x32xi32, #tpu.memory_space<vmem_shared>> -> memref<32xi32, #tpu.memory_space<vmem_shared>>
      %dma_wait3A_1554 = tpu.memref_slice %arg18[%run_scoped3A_768, %mul3A_767] : memref<16x512xi32, #tpu.memory_space<vmem_shared>> -> memref<1x32xi32, #tpu.memory_space<vmem_shared>>
      %dma_wait3A_1555 = tpu.memref_squeeze %dma_wait3A_1554 : memref<1x32xi32, #tpu.memory_space<vmem_shared>> -> memref<32xi32, #tpu.memory_space<vmem_shared>>
      tpu.wait_dma2 semaphore(%run_scoped3A_1547 : memref<!tpu.dma_semaphore, #tpu.memory_space<semaphore_mem>>) src(%dma_wait3A_1555 : memref<32xi32, #tpu.memory_space<vmem_shared>>) dst(%arg12 : memref<32xi32, #tpu.memory_space<vmem>>)
      tpu.yield
    }) : () -> ()
    %get3A_769 = arith.constant 0 : index
    %get3A_770 = tpu.vector_load %arg11[%get3A_769] {strides = array<i32>} : memref<32xi32, #tpu.memory_space<vmem>>, vector<16xi32>,
    %get3A_771 = arith.constant 0 : index
    %get3A_772 = tpu.vector_load %arg12[%get3A_771] {strides = array<i32>} : memref<32xi32, #tpu.memory_space<vmem>>, vector<16xi32>,
    %add3A_773 = arith.addi %get3A_770, %get3A_772 : vector<16xi32>
    %swap3A_774 = arith.constant 0 : index
    %swap3A_775 = tpu.vector_load %arg11[%swap3A_774] {strides = array<i32>} : memref<32xi32, #tpu.memory_space<vmem>>, vector<16xi32>,
    tpu.vector_store %arg11[%swap3A_774], %add3A_773 {strides = array<i32>} : memref<32xi32, #tpu.memory_space<vmem>>, vector<16xi32>,
    %get3A_776 = arith.constant 16 : index
    %get3A_777 = tpu.vector_load %arg11[%get3A_776] {strides = array<i32>} : memref<32xi32, #tpu.memory_space<vmem>>, vector<16xi32>,
    %get3A_778 = arith.constant 16 : index
    %get3A_779 = tpu.vector_load %arg12[%get3A_778] {strides = array<i32>} : memref<32xi32, #tpu.memory_space<vmem>>, vector<16xi32>,
    %add3A_780 = arith.addi %get3A_777, %get3A_779 : vector<16xi32>
    %swap3A_781 = arith.constant 16 : index
    %swap3A_782 = tpu.vector_load %arg11[%swap3A_781] {strides = array<i32>} : memref<32xi32, #tpu.memory_space<vmem>>, vector<16xi32>,
    tpu.vector_store %arg11[%swap3A_781], %add3A_780 {strides = array<i32>} : memref<32xi32, #tpu.memory_space<vmem>>, vector<16xi32>,
    %mul3A_783 = arith.constant 32 : i32
    %mul3A_784 = arith.muli %arg1, %mul3A_783 : i32
    %run_scoped3A_785 = arith.constant 10 : i32
    "tpu.region"() ({
      %run_scoped3A_1547 = tpu.sem_alloc : memref<!tpu.dma_semaphore, #tpu.memory_space<semaphore_mem>>
      %dma_start3A_1548 = tpu.memref_slice %arg18[%run_scoped3A_785, %mul3A_784] : memref<16x512xi32, #tpu.memory_space<vmem_shared>> -> memref<1x32xi32, #tpu.memory_space<vmem_shared>>
      %dma_start3A_1549 = tpu.memref_squeeze %dma_start3A_1548 : memref<1x32xi32, #tpu.memory_space<vmem_shared>> -> memref<32xi32, #tpu.memory_space<vmem_shared>>
      %dma_start3A_1550 = tpu.memref_slice %arg18[%run_scoped3A_785, %mul3A_784] : memref<16x512xi32, #tpu.memory_space<vmem_shared>> -> memref<1x32xi32, #tpu.memory_space<vmem_shared>>
      %dma_start3A_1551 = tpu.memref_squeeze %dma_start3A_1550 : memref<1x32xi32, #tpu.memory_space<vmem_shared>> -> memref<32xi32, #tpu.memory_space<vmem_shared>>
      tpu.enqueue_dma source(%dma_start3A_1551 : memref<32xi32, #tpu.memory_space<vmem_shared>>) target(%arg12 : memref<32xi32, #tpu.memory_space<vmem>>) target_semaphore(%run_scoped3A_1547 : memref<!tpu.dma_semaphore, #tpu.memory_space<semaphore_mem>>)
      %dma_wait3A_1552 = tpu.memref_slice %arg18[%run_scoped3A_785, %mul3A_784] : memref<16x512xi32, #tpu.memory_space<vmem_shared>> -> memref<1x32xi32, #tpu.memory_space<vmem_shared>>
      %dma_wait3A_1553 = tpu.memref_squeeze %dma_wait3A_1552 : memref<1x32xi32, #tpu.memory_space<vmem_shared>> -> memref<32xi32, #tpu.memory_space<vmem_shared>>
      %dma_wait3A_1554 = tpu.memref_slice %arg18[%run_scoped3A_785, %mul3A_784] : memref<16x512xi32, #tpu.memory_space<vmem_shared>> -> memref<1x32xi32, #tpu.memory_space<vmem_shared>>
      %dma_wait3A_1555 = tpu.memref_squeeze %dma_wait3A_1554 : memref<1x32xi32, #tpu.memory_space<vmem_shared>> -> memref<32xi32, #tpu.memory_space<vmem_shared>>
      tpu.wait_dma2 semaphore(%run_scoped3A_1547 : memref<!tpu.dma_semaphore, #tpu.memory_space<semaphore_mem>>) src(%dma_wait3A_1555 : memref<32xi32, #tpu.memory_space<vmem_shared>>) dst(%arg12 : memref<32xi32, #tpu.memory_space<vmem>>)
      tpu.yield
    }) : () -> ()
    %get3A_786 = arith.constant 0 : index
    %get3A_787 = tpu.vector_load %arg11[%get3A_786] {strides = array<i32>} : memref<32xi32, #tpu.memory_space<vmem>>, vector<16xi32>,
    %get3A_788 = arith.constant 0 : index
    %get3A_789 = tpu.vector_load %arg12[%get3A_788] {strides = array<i32>} : memref<32xi32, #tpu.memory_space<vmem>>, vector<16xi32>,
    %add3A_790 = arith.addi %get3A_787, %get3A_789 : vector<16xi32>
    %swap3A_791 = arith.constant 0 : index
    %swap3A_792 = tpu.vector_load %arg11[%swap3A_791] {strides = array<i32>} : memref<32xi32, #tpu.memory_space<vmem>>, vector<16xi32>,
    tpu.vector_store %arg11[%swap3A_791], %add3A_790 {strides = array<i32>} : memref<32xi32, #tpu.memory_space<vmem>>, vector<16xi32>,
    %get3A_793 = arith.constant 16 : index
    %get3A_794 = tpu.vector_load %arg11[%get3A_793] {strides = array<i32>} : memref<32xi32, #tpu.memory_space<vmem>>, vector<16xi32>,
    %get3A_795 = arith.constant 16 : index
    %get3A_796 = tpu.vector_load %arg12[%get3A_795] {strides = array<i32>} : memref<32xi32, #tpu.memory_space<vmem>>, vector<16xi32>,
    %add3A_797 = arith.addi %get3A_794, %get3A_796 : vector<16xi32>
    %swap3A_798 = arith.constant 16 : index
    %swap3A_799 = tpu.vector_load %arg11[%swap3A_798] {strides = array<i32>} : memref<32xi32, #tpu.memory_space<vmem>>, vector<16xi32>,
    tpu.vector_store %arg11[%swap3A_798], %add3A_797 {strides = array<i32>} : memref<32xi32, #tpu.memory_space<vmem>>, vector<16xi32>,
    %mul3A_800 = arith.constant 32 : i32
    %mul3A_801 = arith.muli %arg1, %mul3A_800 : i32
    %run_scoped3A_802 = arith.constant 11 : i32
    "tpu.region"() ({
      %run_scoped3A_1547 = tpu.sem_alloc : memref<!tpu.dma_semaphore, #tpu.memory_space<semaphore_mem>>
      %dma_start3A_1548 = tpu.memref_slice %arg18[%run_scoped3A_802, %mul3A_801] : memref<16x512xi32, #tpu.memory_space<vmem_shared>> -> memref<1x32xi32, #tpu.memory_space<vmem_shared>>
      %dma_start3A_1549 = tpu.memref_squeeze %dma_start3A_1548 : memref<1x32xi32, #tpu.memory_space<vmem_shared>> -> memref<32xi32, #tpu.memory_space<vmem_shared>>
      %dma_start3A_1550 = tpu.memref_slice %arg18[%run_scoped3A_802, %mul3A_801] : memref<16x512xi32, #tpu.memory_space<vmem_shared>> -> memref<1x32xi32, #tpu.memory_space<vmem_shared>>
      %dma_start3A_1551 = tpu.memref_squeeze %dma_start3A_1550 : memref<1x32xi32, #tpu.memory_space<vmem_shared>> -> memref<32xi32, #tpu.memory_space<vmem_shared>>
      tpu.enqueue_dma source(%dma_start3A_1551 : memref<32xi32, #tpu.memory_space<vmem_shared>>) target(%arg12 : memref<32xi32, #tpu.memory_space<vmem>>) target_semaphore(%run_scoped3A_1547 : memref<!tpu.dma_semaphore, #tpu.memory_space<semaphore_mem>>)
      %dma_wait3A_1552 = tpu.memref_slice %arg18[%run_scoped3A_802, %mul3A_801] : memref<16x512xi32, #tpu.memory_space<vmem_shared>> -> memref<1x32xi32, #tpu.memory_space<vmem_shared>>
      %dma_wait3A_1553 = tpu.memref_squeeze %dma_wait3A_1552 : memref<1x32xi32, #tpu.memory_space<vmem_shared>> -> memref<32xi32, #tpu.memory_space<vmem_shared>>
      %dma_wait3A_1554 = tpu.memref_slice %arg18[%run_scoped3A_802, %mul3A_801] : memref<16x512xi32, #tpu.memory_space<vmem_shared>> -> memref<1x32xi32, #tpu.memory_space<vmem_shared>>
      %dma_wait3A_1555 = tpu.memref_squeeze %dma_wait3A_1554 : memref<1x32xi32, #tpu.memory_space<vmem_shared>> -> memref<32xi32, #tpu.memory_space<vmem_shared>>
      tpu.wait_dma2 semaphore(%run_scoped3A_1547 : memref<!tpu.dma_semaphore, #tpu.memory_space<semaphore_mem>>) src(%dma_wait3A_1555 : memref<32xi32, #tpu.memory_space<vmem_shared>>) dst(%arg12 : memref<32xi32, #tpu.memory_space<vmem>>)
      tpu.yield
    }) : () -> ()
    %get3A_803 = arith.constant 0 : index
    %get3A_804 = tpu.vector_load %arg11[%get3A_803] {strides = array<i32>} : memref<32xi32, #tpu.memory_space<vmem>>, vector<16xi32>,
    %get3A_805 = arith.constant 0 : index
    %get3A_806 = tpu.vector_load %arg12[%get3A_805] {strides = array<i32>} : memref<32xi32, #tpu.memory_space<vmem>>, vector<16xi32>,
    %add3A_807 = arith.addi %get3A_804, %get3A_806 : vector<16xi32>
    %swap3A_808 = arith.constant 0 : index
    %swap3A_809 = tpu.vector_load %arg11[%swap3A_808] {strides = array<i32>} : memref<32xi32, #tpu.memory_space<vmem>>, vector<16xi32>,
    tpu.vector_store %arg11[%swap3A_808], %add3A_807 {strides = array<i32>} : memref<32xi32, #tpu.memory_space<vmem>>, vector<16xi32>,
    %get3A_810 = arith.constant 16 : index
    %get3A_811 = tpu.vector_load %arg11[%get3A_810] {strides = array<i32>} : memref<32xi32, #tpu.memory_space<vmem>>, vector<16xi32>,
    %get3A_812 = arith.constant 16 : index
    %get3A_813 = tpu.vector_load %arg12[%get3A_812] {strides = array<i32>} : memref<32xi32, #tpu.memory_space<vmem>>, vector<16xi32>,
    %add3A_814 = arith.addi %get3A_811, %get3A_813 : vector<16xi32>
    %swap3A_815 = arith.constant 16 : index
    %swap3A_816 = tpu.vector_load %arg11[%swap3A_815] {strides = array<i32>} : memref<32xi32, #tpu.memory_space<vmem>>, vector<16xi32>,
    tpu.vector_store %arg11[%swap3A_815], %add3A_814 {strides = array<i32>} : memref<32xi32, #tpu.memory_space<vmem>>, vector<16xi32>,
    %mul3A_817 = arith.constant 32 : i32
    %mul3A_818 = arith.muli %arg1, %mul3A_817 : i32
    %run_scoped3A_819 = arith.constant 12 : i32
    "tpu.region"() ({
      %run_scoped3A_1547 = tpu.sem_alloc : memref<!tpu.dma_semaphore, #tpu.memory_space<semaphore_mem>>
      %dma_start3A_1548 = tpu.memref_slice %arg18[%run_scoped3A_819, %mul3A_818] : memref<16x512xi32, #tpu.memory_space<vmem_shared>> -> memref<1x32xi32, #tpu.memory_space<vmem_shared>>
      %dma_start3A_1549 = tpu.memref_squeeze %dma_start3A_1548 : memref<1x32xi32, #tpu.memory_space<vmem_shared>> -> memref<32xi32, #tpu.memory_space<vmem_shared>>
      %dma_start3A_1550 = tpu.memref_slice %arg18[%run_scoped3A_819, %mul3A_818] : memref<16x512xi32, #tpu.memory_space<vmem_shared>> -> memref<1x32xi32, #tpu.memory_space<vmem_shared>>
      %dma_start3A_1551 = tpu.memref_squeeze %dma_start3A_1550 : memref<1x32xi32, #tpu.memory_space<vmem_shared>> -> memref<32xi32, #tpu.memory_space<vmem_shared>>
      tpu.enqueue_dma source(%dma_start3A_1551 : memref<32xi32, #tpu.memory_space<vmem_shared>>) target(%arg12 : memref<32xi32, #tpu.memory_space<vmem>>) target_semaphore(%run_scoped3A_1547 : memref<!tpu.dma_semaphore, #tpu.memory_space<semaphore_mem>>)
      %dma_wait3A_1552 = tpu.memref_slice %arg18[%run_scoped3A_819, %mul3A_818] : memref<16x512xi32, #tpu.memory_space<vmem_shared>> -> memref<1x32xi32, #tpu.memory_space<vmem_shared>>
      %dma_wait3A_1553 = tpu.memref_squeeze %dma_wait3A_1552 : memref<1x32xi32, #tpu.memory_space<vmem_shared>> -> memref<32xi32, #tpu.memory_space<vmem_shared>>
      %dma_wait3A_1554 = tpu.memref_slice %arg18[%run_scoped3A_819, %mul3A_818] : memref<16x512xi32, #tpu.memory_space<vmem_shared>> -> memref<1x32xi32, #tpu.memory_space<vmem_shared>>
      %dma_wait3A_1555 = tpu.memref_squeeze %dma_wait3A_1554 : memref<1x32xi32, #tpu.memory_space<vmem_shared>> -> memref<32xi32, #tpu.memory_space<vmem_shared>>
      tpu.wait_dma2 semaphore(%run_scoped3A_1547 : memref<!tpu.dma_semaphore, #tpu.memory_space<semaphore_mem>>) src(%dma_wait3A_1555 : memref<32xi32, #tpu.memory_space<vmem_shared>>) dst(%arg12 : memref<32xi32, #tpu.memory_space<vmem>>)
      tpu.yield
    }) : () -> ()
    %get3A_820 = arith.constant 0 : index
    %get3A_821 = tpu.vector_load %arg11[%get3A_820] {strides = array<i32>} : memref<32xi32, #tpu.memory_space<vmem>>, vector<16xi32>,
    %get3A_822 = arith.constant 0 : index
    %get3A_823 = tpu.vector_load %arg12[%get3A_822] {strides = array<i32>} : memref<32xi32, #tpu.memory_space<vmem>>, vector<16xi32>,
    %add3A_824 = arith.addi %get3A_821, %get3A_823 : vector<16xi32>
    %swap3A_825 = arith.constant 0 : index
    %swap3A_826 = tpu.vector_load %arg11[%swap3A_825] {strides = array<i32>} : memref<32xi32, #tpu.memory_space<vmem>>, vector<16xi32>,
    tpu.vector_store %arg11[%swap3A_825], %add3A_824 {strides = array<i32>} : memref<32xi32, #tpu.memory_space<vmem>>, vector<16xi32>,
    %get3A_827 = arith.constant 16 : index
    %get3A_828 = tpu.vector_load %arg11[%get3A_827] {strides = array<i32>} : memref<32xi32, #tpu.memory_space<vmem>>, vector<16xi32>,
    %get3A_829 = arith.constant 16 : index
    %get3A_830 = tpu.vector_load %arg12[%get3A_829] {strides = array<i32>} : memref<32xi32, #tpu.memory_space<vmem>>, vector<16xi32>,
    %add3A_831 = arith.addi %get3A_828, %get3A_830 : vector<16xi32>
    %swap3A_832 = arith.constant 16 : index
    %swap3A_833 = tpu.vector_load %arg11[%swap3A_832] {strides = array<i32>} : memref<32xi32, #tpu.memory_space<vmem>>, vector<16xi32>,
    tpu.vector_store %arg11[%swap3A_832], %add3A_831 {strides = array<i32>} : memref<32xi32, #tpu.memory_space<vmem>>, vector<16xi32>,
    %mul3A_834 = arith.constant 32 : i32
    %mul3A_835 = arith.muli %arg1, %mul3A_834 : i32
    %run_scoped3A_836 = arith.constant 13 : i32
    "tpu.region"() ({
      %run_scoped3A_1547 = tpu.sem_alloc : memref<!tpu.dma_semaphore, #tpu.memory_space<semaphore_mem>>
      %dma_start3A_1548 = tpu.memref_slice %arg18[%run_scoped3A_836, %mul3A_835] : memref<16x512xi32, #tpu.memory_space<vmem_shared>> -> memref<1x32xi32, #tpu.memory_space<vmem_shared>>
      %dma_start3A_1549 = tpu.memref_squeeze %dma_start3A_1548 : memref<1x32xi32, #tpu.memory_space<vmem_shared>> -> memref<32xi32, #tpu.memory_space<vmem_shared>>
      %dma_start3A_1550 = tpu.memref_slice %arg18[%run_scoped3A_836, %mul3A_835] : memref<16x512xi32, #tpu.memory_space<vmem_shared>> -> memref<1x32xi32, #tpu.memory_space<vmem_shared>>
      %dma_start3A_1551 = tpu.memref_squeeze %dma_start3A_1550 : memref<1x32xi32, #tpu.memory_space<vmem_shared>> -> memref<32xi32, #tpu.memory_space<vmem_shared>>
      tpu.enqueue_dma source(%dma_start3A_1551 : memref<32xi32, #tpu.memory_space<vmem_shared>>) target(%arg12 : memref<32xi32, #tpu.memory_space<vmem>>) target_semaphore(%run_scoped3A_1547 : memref<!tpu.dma_semaphore, #tpu.memory_space<semaphore_mem>>)
      %dma_wait3A_1552 = tpu.memref_slice %arg18[%run_scoped3A_836, %mul3A_835] : memref<16x512xi32, #tpu.memory_space<vmem_shared>> -> memref<1x32xi32, #tpu.memory_space<vmem_shared>>
      %dma_wait3A_1553 = tpu.memref_squeeze %dma_wait3A_1552 : memref<1x32xi32, #tpu.memory_space<vmem_shared>> -> memref<32xi32, #tpu.memory_space<vmem_shared>>
      %dma_wait3A_1554 = tpu.memref_slice %arg18[%run_scoped3A_836, %mul3A_835] : memref<16x512xi32, #tpu.memory_space<vmem_shared>> -> memref<1x32xi32, #tpu.memory_space<vmem_shared>>
      %dma_wait3A_1555 = tpu.memref_squeeze %dma_wait3A_1554 : memref<1x32xi32, #tpu.memory_space<vmem_shared>> -> memref<32xi32, #tpu.memory_space<vmem_shared>>
      tpu.wait_dma2 semaphore(%run_scoped3A_1547 : memref<!tpu.dma_semaphore, #tpu.memory_space<semaphore_mem>>) src(%dma_wait3A_1555 : memref<32xi32, #tpu.memory_space<vmem_shared>>) dst(%arg12 : memref<32xi32, #tpu.memory_space<vmem>>)
      tpu.yield
    }) : () -> ()
    %get3A_837 = arith.constant 0 : index
    %get3A_838 = tpu.vector_load %arg11[%get3A_837] {strides = array<i32>} : memref<32xi32, #tpu.memory_space<vmem>>, vector<16xi32>,
    %get3A_839 = arith.constant 0 : index
    %get3A_840 = tpu.vector_load %arg12[%get3A_839] {strides = array<i32>} : memref<32xi32, #tpu.memory_space<vmem>>, vector<16xi32>,
    %add3A_841 = arith.addi %get3A_838, %get3A_840 : vector<16xi32>
    %swap3A_842 = arith.constant 0 : index
    %swap3A_843 = tpu.vector_load %arg11[%swap3A_842] {strides = array<i32>} : memref<32xi32, #tpu.memory_space<vmem>>, vector<16xi32>,
    tpu.vector_store %arg11[%swap3A_842], %add3A_841 {strides = array<i32>} : memref<32xi32, #tpu.memory_space<vmem>>, vector<16xi32>,
    %get3A_844 = arith.constant 16 : index
    %get3A_845 = tpu.vector_load %arg11[%get3A_844] {strides = array<i32>} : memref<32xi32, #tpu.memory_space<vmem>>, vector<16xi32>,
    %get3A_846 = arith.constant 16 : index
    %get3A_847 = tpu.vector_load %arg12[%get3A_846] {strides = array<i32>} : memref<32xi32, #tpu.memory_space<vmem>>, vector<16xi32>,
    %add3A_848 = arith.addi %get3A_845, %get3A_847 : vector<16xi32>
    %swap3A_849 = arith.constant 16 : index
    %swap3A_850 = tpu.vector_load %arg11[%swap3A_849] {strides = array<i32>} : memref<32xi32, #tpu.memory_space<vmem>>, vector<16xi32>,
    tpu.vector_store %arg11[%swap3A_849], %add3A_848 {strides = array<i32>} : memref<32xi32, #tpu.memory_space<vmem>>, vector<16xi32>,
    %mul3A_851 = arith.constant 32 : i32
    %mul3A_852 = arith.muli %arg1, %mul3A_851 : i32
    %run_scoped3A_853 = arith.constant 14 : i32
    "tpu.region"() ({
      %run_scoped3A_1547 = tpu.sem_alloc : memref<!tpu.dma_semaphore, #tpu.memory_space<semaphore_mem>>
      %dma_start3A_1548 = tpu.memref_slice %arg18[%run_scoped3A_853, %mul3A_852] : memref<16x512xi32, #tpu.memory_space<vmem_shared>> -> memref<1x32xi32, #tpu.memory_space<vmem_shared>>
      %dma_start3A_1549 = tpu.memref_squeeze %dma_start3A_1548 : memref<1x32xi32, #tpu.memory_space<vmem_shared>> -> memref<32xi32, #tpu.memory_space<vmem_shared>>
      %dma_start3A_1550 = tpu.memref_slice %arg18[%run_scoped3A_853, %mul3A_852] : memref<16x512xi32, #tpu.memory_space<vmem_shared>> -> memref<1x32xi32, #tpu.memory_space<vmem_shared>>
      %dma_start3A_1551 = tpu.memref_squeeze %dma_start3A_1550 : memref<1x32xi32, #tpu.memory_space<vmem_shared>> -> memref<32xi32, #tpu.memory_space<vmem_shared>>
      tpu.enqueue_dma source(%dma_start3A_1551 : memref<32xi32, #tpu.memory_space<vmem_shared>>) target(%arg12 : memref<32xi32, #tpu.memory_space<vmem>>) target_semaphore(%run_scoped3A_1547 : memref<!tpu.dma_semaphore, #tpu.memory_space<semaphore_mem>>)
      %dma_wait3A_1552 = tpu.memref_slice %arg18[%run_scoped3A_853, %mul3A_852] : memref<16x512xi32, #tpu.memory_space<vmem_shared>> -> memref<1x32xi32, #tpu.memory_space<vmem_shared>>
      %dma_wait3A_1553 = tpu.memref_squeeze %dma_wait3A_1552 : memref<1x32xi32, #tpu.memory_space<vmem_shared>> -> memref<32xi32, #tpu.memory_space<vmem_shared>>
      %dma_wait3A_1554 = tpu.memref_slice %arg18[%run_scoped3A_853, %mul3A_852] : memref<16x512xi32, #tpu.memory_space<vmem_shared>> -> memref<1x32xi32, #tpu.memory_space<vmem_shared>>
      %dma_wait3A_1555 = tpu.memref_squeeze %dma_wait3A_1554 : memref<1x32xi32, #tpu.memory_space<vmem_shared>> -> memref<32xi32, #tpu.memory_space<vmem_shared>>
      tpu.wait_dma2 semaphore(%run_scoped3A_1547 : memref<!tpu.dma_semaphore, #tpu.memory_space<semaphore_mem>>) src(%dma_wait3A_1555 : memref<32xi32, #tpu.memory_space<vmem_shared>>) dst(%arg12 : memref<32xi32, #tpu.memory_space<vmem>>)
      tpu.yield
    }) : () -> ()
    %get3A_854 = arith.constant 0 : index
    %get3A_855 = tpu.vector_load %arg11[%get3A_854] {strides = array<i32>} : memref<32xi32, #tpu.memory_space<vmem>>, vector<16xi32>,
    %get3A_856 = arith.constant 0 : index
    %get3A_857 = tpu.vector_load %arg12[%get3A_856] {strides = array<i32>} : memref<32xi32, #tpu.memory_space<vmem>>, vector<16xi32>,
    %add3A_858 = arith.addi %get3A_855, %get3A_857 : vector<16xi32>
    %swap3A_859 = arith.constant 0 : index
    %swap3A_860 = tpu.vector_load %arg11[%swap3A_859] {strides = array<i32>} : memref<32xi32, #tpu.memory_space<vmem>>, vector<16xi32>,
    tpu.vector_store %arg11[%swap3A_859], %add3A_858 {strides = array<i32>} : memref<32xi32, #tpu.memory_space<vmem>>, vector<16xi32>,
    %get3A_861 = arith.constant 16 : index
    %get3A_862 = tpu.vector_load %arg11[%get3A_861] {strides = array<i32>} : memref<32xi32, #tpu.memory_space<vmem>>, vector<16xi32>,
    %get3A_863 = arith.constant 16 : index
    %get3A_864 = tpu.vector_load %arg12[%get3A_863] {strides = array<i32>} : memref<32xi32, #tpu.memory_space<vmem>>, vector<16xi32>,
    %add3A_865 = arith.addi %get3A_862, %get3A_864 : vector<16xi32>
    %swap3A_866 = arith.constant 16 : index
    %swap3A_867 = tpu.vector_load %arg11[%swap3A_866] {strides = array<i32>} : memref<32xi32, #tpu.memory_space<vmem>>, vector<16xi32>,
    tpu.vector_store %arg11[%swap3A_866], %add3A_865 {strides = array<i32>} : memref<32xi32, #tpu.memory_space<vmem>>, vector<16xi32>,
    %mul3A_868 = arith.constant 32 : i32
    %mul3A_869 = arith.muli %arg1, %mul3A_868 : i32
    %run_scoped3A_870 = arith.constant 15 : i32
    "tpu.region"() ({
      %run_scoped3A_1547 = tpu.sem_alloc : memref<!tpu.dma_semaphore, #tpu.memory_space<semaphore_mem>>
      %dma_start3A_1548 = tpu.memref_slice %arg18[%run_scoped3A_870, %mul3A_869] : memref<16x512xi32, #tpu.memory_space<vmem_shared>> -> memref<1x32xi32, #tpu.memory_space<vmem_shared>>
      %dma_start3A_1549 = tpu.memref_squeeze %dma_start3A_1548 : memref<1x32xi32, #tpu.memory_space<vmem_shared>> -> memref<32xi32, #tpu.memory_space<vmem_shared>>
      %dma_start3A_1550 = tpu.memref_slice %arg18[%run_scoped3A_870, %mul3A_869] : memref<16x512xi32, #tpu.memory_space<vmem_shared>> -> memref<1x32xi32, #tpu.memory_space<vmem_shared>>
      %dma_start3A_1551 = tpu.memref_squeeze %dma_start3A_1550 : memref<1x32xi32, #tpu.memory_space<vmem_shared>> -> memref<32xi32, #tpu.memory_space<vmem_shared>>
      tpu.enqueue_dma source(%dma_start3A_1551 : memref<32xi32, #tpu.memory_space<vmem_shared>>) target(%arg12 : memref<32xi32, #tpu.memory_space<vmem>>) target_semaphore(%run_scoped3A_1547 : memref<!tpu.dma_semaphore, #tpu.memory_space<semaphore_mem>>)
      %dma_wait3A_1552 = tpu.memref_slice %arg18[%run_scoped3A_870, %mul3A_869] : memref<16x512xi32, #tpu.memory_space<vmem_shared>> -> memref<1x32xi32, #tpu.memory_space<vmem_shared>>
      %dma_wait3A_1553 = tpu.memref_squeeze %dma_wait3A_1552 : memref<1x32xi32, #tpu.memory_space<vmem_shared>> -> memref<32xi32, #tpu.memory_space<vmem_shared>>
      %dma_wait3A_1554 = tpu.memref_slice %arg18[%run_scoped3A_870, %mul3A_869] : memref<16x512xi32, #tpu.memory_space<vmem_shared>> -> memref<1x32xi32, #tpu.memory_space<vmem_shared>>
      %dma_wait3A_1555 = tpu.memref_squeeze %dma_wait3A_1554 : memref<1x32xi32, #tpu.memory_space<vmem_shared>> -> memref<32xi32, #tpu.memory_space<vmem_shared>>
      tpu.wait_dma2 semaphore(%run_scoped3A_1547 : memref<!tpu.dma_semaphore, #tpu.memory_space<semaphore_mem>>) src(%dma_wait3A_1555 : memref<32xi32, #tpu.memory_space<vmem_shared>>) dst(%arg12 : memref<32xi32, #tpu.memory_space<vmem>>)
      tpu.yield
    }) : () -> ()
    %get3A_871 = arith.constant 0 : index
    %get3A_872 = tpu.vector_load %arg11[%get3A_871] {strides = array<i32>} : memref<32xi32, #tpu.memory_space<vmem>>, vector<16xi32>,
    %get3A_873 = arith.constant 0 : index
    %get3A_874 = tpu.vector_load %arg12[%get3A_873] {strides = array<i32>} : memref<32xi32, #tpu.memory_space<vmem>>, vector<16xi32>,
    %add3A_875 = arith.addi %get3A_872, %get3A_874 : vector<16xi32>
    %swap3A_876 = arith.constant 0 : index
    %swap3A_877 = tpu.vector_load %arg11[%swap3A_876] {strides = array<i32>} : memref<32xi32, #tpu.memory_space<vmem>>, vector<16xi32>,
    tpu.vector_store %arg11[%swap3A_876], %add3A_875 {strides = array<i32>} : memref<32xi32, #tpu.memory_space<vmem>>, vector<16xi32>,
    %get3A_878 = arith.constant 16 : index
    %get3A_879 = tpu.vector_load %arg11[%get3A_878] {strides = array<i32>} : memref<32xi32, #tpu.memory_space<vmem>>, vector<16xi32>,
    %get3A_880 = arith.constant 16 : index
    %get3A_881 = tpu.vector_load %arg12[%get3A_880] {strides = array<i32>} : memref<32xi32, #tpu.memory_space<vmem>>, vector<16xi32>,
    %add3A_882 = arith.addi %get3A_879, %get3A_881 : vector<16xi32>
    %swap3A_883 = arith.constant 16 : index
    %swap3A_884 = tpu.vector_load %arg11[%swap3A_883] {strides = array<i32>} : memref<32xi32, #tpu.memory_space<vmem>>, vector<16xi32>,
    tpu.vector_store %arg11[%swap3A_883], %add3A_882 {strides = array<i32>} : memref<32xi32, #tpu.memory_space<vmem>>, vector<16xi32>,
    %mul3A_885 = arith.constant 32 : i32
    %mul3A_886 = arith.muli %arg1, %mul3A_885 : i32
    "tpu.region"() ({
      %run_scoped3A_1547 = tpu.sem_alloc : memref<!tpu.dma_semaphore, #tpu.memory_space<semaphore_mem>>
      %dma_start3A_1548 = tpu.memref_slice %arg19[%mul3A_886] : memref<512xi32, #tpu.memory_space<vmem_shared>> -> memref<32xi32, #tpu.memory_space<vmem_shared>>
      %dma_start3A_1549 = tpu.memref_slice %arg19[%mul3A_886] : memref<512xi32, #tpu.memory_space<vmem_shared>> -> memref<32xi32, #tpu.memory_space<vmem_shared>>
      tpu.enqueue_dma source(%arg11 : memref<32xi32, #tpu.memory_space<vmem>>) target(%dma_start3A_1549 : memref<32xi32, #tpu.memory_space<vmem_shared>>) target_semaphore(%run_scoped3A_1547 : memref<!tpu.dma_semaphore, #tpu.memory_space<semaphore_mem>>)
      %dma_wait3A_1550 = tpu.memref_slice %arg19[%mul3A_886] : memref<512xi32, #tpu.memory_space<vmem_shared>> -> memref<32xi32, #tpu.memory_space<vmem_shared>>
      %dma_wait3A_1551 = tpu.memref_slice %arg19[%mul3A_886] : memref<512xi32, #tpu.memory_space<vmem_shared>> -> memref<32xi32, #tpu.memory_space<vmem_shared>>
      tpu.wait_dma2 semaphore(%run_scoped3A_1547 : memref<!tpu.dma_semaphore, #tpu.memory_space<semaphore_mem>>) src(%arg11 : memref<32xi32, #tpu.memory_space<vmem>>) dst(%dma_wait3A_1551 : memref<32xi32, #tpu.memory_space<vmem_shared>>)
      tpu.yield
    }) : () -> ()
    %barrier3A_887 = arith.constant 0 : index
    tpu.barrier barrier_id(%barrier3A_887)
    "tpu.region"() ({
      %run_scoped3A_1547 = tpu.sem_alloc : memref<!tpu.dma_semaphore, #tpu.memory_space<semaphore_mem>>
      tpu.enqueue_dma source(%arg19 : memref<512xi32, #tpu.memory_space<vmem_shared>>) target(%arg13 : memref<512xi32, #tpu.memory_space<vmem>>) target_semaphore(%run_scoped3A_1547 : memref<!tpu.dma_semaphore, #tpu.memory_space<semaphore_mem>>)
      tpu.wait_dma2 semaphore(%run_scoped3A_1547 : memref<!tpu.dma_semaphore, #tpu.memory_space<semaphore_mem>>) src(%arg19 : memref<512xi32, #tpu.memory_space<vmem_shared>>) dst(%arg13 : memref<512xi32, #tpu.memory_space<vmem>>)
      tpu.yield
    }) : () -> ()
    %scan3A = arith.constant 0 : i32
    %scan3A_888 = arith.constant 0 : i32
    %scan3A_889 = arith.constant 0 : i32
    %scan3A_890 = arith.constant 0 : i32
    %scan3A_891 = arith.constant 0 : i32
    %scan3A_892 = arith.constant 32 : i32
    %scan3A_893 = arith.addi %scan3A_891, %scan3A_892 : i32
    %scan3A_894 = arith.constant 1 : i32
    %scan3A_895:4 = scf.for %scan3A_1547 = %scan3A_891 to %scan3A_893 step %scan3A_894 iter_args(%scan3A_1548 = %scan3A, %scan3A_1549 = %scan3A_888, %scan3A_1550 = %scan3A_889, %scan3A_1551 = %scan3A_890) -> (i32, i32, i32, i32)  : i32 {
      %sub3A_1552 = arith.constant 31 : i32
      %sub3A_1553 = arith.subi %sub3A_1552, %scan3A_1547 : i32
      %mul3A_1554 = arith.constant 16 : i32
      %mul3A_1555 = arith.muli %sub3A_1553, %mul3A_1554 : i32
      %get3A_1556 = arith.index_cast %mul3A_1555 : i32 to index
      %get3A_1557 = tpu.vector_load %arg13[%get3A_1556] {strides = array<i32>} : memref<512xi32, #tpu.memory_space<vmem>>, vector<16xi32>,
      %reduce_sum3A_1558 = arith.constant true
      %reduce_sum3A_1559 = vector.broadcast %reduce_sum3A_1558 : i1 to vector<16xi1>
      %reduce_sum3A_1560 = tpu.scan <sum>, %get3A_1557 masked %reduce_sum3A_1559 : vector<16xi32>, vector<16xi1> -> vector<16xi32>
      %reduce_sum3A_1561 = vector.extract %reduce_sum3A_1560[15] : i32 from vector<16xi32>
      %add3A_1562 = arith.addi %scan3A_1548, %reduce_sum3A_1561 : i32
      %eq3A_1563 = arith.constant 0 : i32
      %eq3A_1564 = arith.cmpi eq, %scan3A_1551, %eq3A_1563 : i32
      %ge3A_1565 = arith.constant 100 : i32
      %ge3A_1566 = arith.cmpi sge, %add3A_1562, %ge3A_1565 : i32
      %and3A_1567 = arith.andi %eq3A_1564, %ge3A_1566 : i1
      %select_n3A_1568 = arith.select %and3A_1567, %sub3A_1553, %scan3A_1549 : i32
      %select_n3A_1569 = arith.select %and3A_1567, %scan3A_1548, %scan3A_1550 : i32
      %jit3A_1570 = arith.constant 1 : i32
      %select_n3A_1571 = arith.select %and3A_1567, %jit3A_1570, %scan3A_1551 : i32
      scf.yield %add3A_1562, %select_n3A_1568, %select_n3A_1569, %select_n3A_1571 : i32, i32, i32, i32
    }
    %scan3A_896 = arith.constant 32 : i32
    %mul3A_897 = arith.constant 16 : i32
    %mul3A_898 = arith.muli %scan3A_895#1, %mul3A_897 : i32
    %get3A_899 = arith.index_cast %mul3A_898 : i32 to index
    %get3A_900 = tpu.vector_load %arg13[%get3A_899] {strides = array<i32>} : memref<512xi32, #tpu.memory_space<vmem>>, vector<16xi32>,
    %rev3A = arith.constant 15 : i32
    %rev3A_901 = vector.broadcast %rev3A : i32 to vector<16xi32>
    %rev3A_902 = tpu.iota {dimensions = array<i32: 0>} : vector<16xi32>
    %rev3A_903 = arith.subi %rev3A_901, %rev3A_902 : vector<16xi32>
    %rev3A_904 = tpu.dynamic_gather %get3A_900[%rev3A_903] in [0] : vector<16xi32>, vector<16xi32> -> vector<16xi32>
    %broadcast_in_dim3A_905 = arith.constant true
    %broadcast_in_dim3A_906 = vector.broadcast %broadcast_in_dim3A_905 : i1 to vector<16xi1>
    %masked_cumsum3A = tpu.scan <sum>, %rev3A_904 masked %broadcast_in_dim3A_906 : vector<16xi32>, vector<16xi1> -> vector<16xi32>
    %sub3A = arith.constant 100 : i32
    %sub3A_907 = arith.subi %sub3A, %scan3A_895#2 : i32
    %ge3A = vector.broadcast %sub3A_907 : i32 to vector<16xi32>
    %ge3A_908 = arith.cmpi sge, %masked_cumsum3A, %ge3A : vector<16xi32>
    %all_reduce_ffs3A = tpu.all_reduce %ge3A_908 {dim = 0 : i64, kind = #tpu.reduction_kind<find_first_set>} : vector<16xi1> -> vector<16xi32>
    %reduce_max3A = arith.constant true
    %reduce_max3A_909 = vector.broadcast %reduce_max3A : i1 to vector<16xi1>
    %reduce_max3A_910 = arith.constant -2147483648 : i32
    %reduce_max3A_911 = vector.broadcast %reduce_max3A_910 : i32 to vector<16xi32>
    %reduce_max3A_912 = arith.xori %all_reduce_ffs3A, %reduce_max3A_911 : vector<16xi32>
    %reduce_max3A_913 = tpu.scan <max>, %reduce_max3A_912 masked %reduce_max3A_909 : vector<16xi32>, vector<16xi1> -> vector<16xi32>
    %reduce_max3A_914 = arith.xori %reduce_max3A_913, %reduce_max3A_911 : vector<16xi32>
    %reduce_max3A_915 = vector.extract %reduce_max3A_914[15] : i32 from vector<16xi32>
    %mul3A_916 = arith.constant 16 : i32
    %mul3A_917 = arith.muli %scan3A_895#1, %mul3A_916 : i32
    %add3A_918 = arith.constant 15 : i32
    %add3A_919 = arith.addi %mul3A_917, %add3A_918 : i32
    %sub3A_920 = arith.subi %add3A_919, %reduce_max3A_915 : i32
    %eq3A_921 = arith.constant 0 : i32
    %eq3A_922 = arith.cmpi eq, %scan3A_895#3, %eq3A_921 : i32
    %jit3A_923 = arith.constant 0 : i32
    %select_n3A = arith.select %eq3A_922, %jit3A_923, %sub3A_920 : i32
    %convert_element_type3A_924 = arith.sitofp %select_n3A : i32 to f32
    %mul3A_925 = arith.constant 0.001953125 : f32
    %mul3A_926 = arith.mulf %convert_element_type3A_924, %mul3A_925 : f32
    %broadcast_in_dim3A_927 = vector.broadcast %mul3A_926 : f32 to vector<16xf32>
    %broadcast_in_dim3A_928 = arith.constant 0.000000e+00 : f32
    %broadcast_in_dim3A_929 = vector.broadcast %broadcast_in_dim3A_928 : f32 to vector<16xf32>
    %mul3A_930 = arith.constant 16 : i32
    %mul3A_931 = arith.muli %add3A, %mul3A_930 : i32
    %add3A_932 = vector.broadcast %mul3A_931 : i32 to vector<16xi32>
    %add3A_933 = arith.addi %broadcast_in_dim3A_1, %add3A_932 : vector<16xi32>
    %swap3A_934 = arith.constant 0 : index
    %swap3A_935 = tpu.vector_load %arg14[%swap3A_934] {strides = array<i32>} : memref<48xi32, #tpu.memory_space<vmem>>, vector<16xi32>,
    tpu.vector_store %arg14[%swap3A_934], %add3A_933 {strides = array<i32>} : memref<48xi32, #tpu.memory_space<vmem>>, vector<16xi32>,
    %mul3A_936 = arith.constant 16 : i32
    %mul3A_937 = arith.muli %add3A, %mul3A_936 : i32
    %add3A_938 = vector.broadcast %mul3A_937 : i32 to vector<16xi32>
    %add3A_939 = arith.addi %broadcast_in_dim3A_1, %add3A_938 : vector<16xi32>
    %swap3A_940 = arith.constant 16 : index
    %swap3A_941 = tpu.vector_load %arg14[%swap3A_940] {strides = array<i32>} : memref<48xi32, #tpu.memory_space<vmem>>, vector<16xi32>,
    tpu.vector_store %arg14[%swap3A_940], %add3A_939 {strides = array<i32>} : memref<48xi32, #tpu.memory_space<vmem>>, vector<16xi32>,
    %mul3A_942 = arith.constant 16 : i32
    %mul3A_943 = arith.muli %add3A, %mul3A_942 : i32
    %add3A_944 = vector.broadcast %mul3A_943 : i32 to vector<16xi32>
    %add3A_945 = arith.addi %broadcast_in_dim3A_1, %add3A_944 : vector<16xi32>
    %swap3A_946 = arith.constant 32 : index
    %swap3A_947 = tpu.vector_load %arg14[%swap3A_946] {strides = array<i32>} : memref<48xi32, #tpu.memory_space<vmem>>, vector<16xi32>,
    tpu.vector_store %arg14[%swap3A_946], %add3A_945 {strides = array<i32>} : memref<48xi32, #tpu.memory_space<vmem>>, vector<16xi32>,
    %swap3A_948 = arith.constant 0 : index
    %swap3A_949 = tpu.vector_load %arg16[%swap3A_948] {strides = array<i32>} : memref<48xf32, #tpu.memory_space<vmem>>, vector<16xf32>,
    tpu.vector_store %arg16[%swap3A_948], %broadcast_in_dim3A_929 {strides = array<i32>} : memref<48xf32, #tpu.memory_space<vmem>>, vector<16xf32>,
    %mul3A_950 = arith.constant 32 : i32
    %mul3A_951 = arith.muli %add3A, %mul3A_950 : i32
    %add3A_952 = arith.constant 8388608 : i32
    %add3A_953 = arith.addi %add3A_952, %mul3A_951 : i32
    %add3A_954 = arith.constant 0 : i32
    %add3A_955 = arith.addi %add3A_953, %add3A_954 : i32
    %add3A_956 = vector.broadcast %add3A_955 : i32 to vector<16xi32>
    %add3A_957 = arith.addi %iota3A, %add3A_956 : vector<16xi32>
    %convert_element_type3A_958 = arith.sitofp %add3A_957 : vector<16xi32> to vector<16xf32>
    %swap3A_959 = arith.constant 0 : index
    %swap3A_960 = tpu.vector_load %arg17[%swap3A_959] {strides = array<i32>} : memref<48xf32, #tpu.memory_space<vmem>>, vector<16xf32>,
    tpu.vector_store %arg17[%swap3A_959], %convert_element_type3A_958 {strides = array<i32>} : memref<48xf32, #tpu.memory_space<vmem>>, vector<16xf32>,
    %swap3A_961 = arith.constant 16 : index
    %swap3A_962 = tpu.vector_load %arg16[%swap3A_961] {strides = array<i32>} : memref<48xf32, #tpu.memory_space<vmem>>, vector<16xf32>,
    tpu.vector_store %arg16[%swap3A_961], %broadcast_in_dim3A_929 {strides = array<i32>} : memref<48xf32, #tpu.memory_space<vmem>>, vector<16xf32>,
    %mul3A_963 = arith.constant 32 : i32
    %mul3A_964 = arith.muli %add3A, %mul3A_963 : i32
    %add3A_965 = arith.constant 8388608 : i32
    %add3A_966 = arith.addi %add3A_965, %mul3A_964 : i32
    %add3A_967 = arith.constant 16 : i32
    %add3A_968 = arith.addi %add3A_966, %add3A_967 : i32
    %add3A_969 = vector.broadcast %add3A_968 : i32 to vector<16xi32>
    %add3A_970 = arith.addi %iota3A, %add3A_969 : vector<16xi32>
    %convert_element_type3A_971 = arith.sitofp %add3A_970 : vector<16xi32> to vector<16xf32>
    %swap3A_972 = arith.constant 16 : index
    %swap3A_973 = tpu.vector_load %arg17[%swap3A_972] {strides = array<i32>} : memref<48xf32, #tpu.memory_space<vmem>>, vector<16xf32>,
    tpu.vector_store %arg17[%swap3A_972], %convert_element_type3A_971 {strides = array<i32>} : memref<48xf32, #tpu.memory_space<vmem>>, vector<16xf32>,
    %swap3A_974 = arith.constant 32 : index
    %swap3A_975 = tpu.vector_load %arg16[%swap3A_974] {strides = array<i32>} : memref<48xf32, #tpu.memory_space<vmem>>, vector<16xf32>,
    tpu.vector_store %arg16[%swap3A_974], %broadcast_in_dim3A_929 {strides = array<i32>} : memref<48xf32, #tpu.memory_space<vmem>>, vector<16xf32>,
    %mul3A_976 = arith.constant 32 : i32
    %mul3A_977 = arith.muli %add3A, %mul3A_976 : i32
    %add3A_978 = arith.constant 8388608 : i32
    %add3A_979 = arith.addi %add3A_978, %mul3A_977 : i32
    %add3A_980 = arith.constant 32 : i32
    %add3A_981 = arith.addi %add3A_979, %add3A_980 : i32
    %add3A_982 = vector.broadcast %add3A_981 : i32 to vector<16xi32>
    %add3A_983 = arith.addi %iota3A, %add3A_982 : vector<16xi32>
    %convert_element_type3A_984 = arith.sitofp %add3A_983 : vector<16xi32> to vector<16xf32>
    %swap3A_985 = arith.constant 32 : index
    %swap3A_986 = tpu.vector_load %arg17[%swap3A_985] {strides = array<i32>} : memref<48xf32, #tpu.memory_space<vmem>>, vector<16xf32>,
    tpu.vector_store %arg17[%swap3A_985], %convert_element_type3A_984 {strides = array<i32>} : memref<48xf32, #tpu.memory_space<vmem>>, vector<16xf32>,
    %add3A_987 = arith.constant 0 : i32
    %add3A_988 = arith.addi %add3A, %add3A_987 : i32
    %mul3A_989 = arith.constant 16 : i32
    %mul3A_990 = arith.muli %add3A_988, %mul3A_989 : i32
    %get3A_991 = arith.index_cast %mul3A_990 : i32 to index
    %get3A_992 = tpu.vector_load %arg8[%get3A_991] {strides = array<i32>} : memref<10256xf32, #tpu.memory_space<vmem>>, vector<16xf32>,
    %ge3A_993 = arith.cmpf oge, %get3A_992, %broadcast_in_dim3A_927 : vector<16xf32>
    %convert_element_type3A_994 = arith.extui %ge3A_993 : vector<16xi1> to vector<16xi32>
    %broadcast_in_dim3A_995 = arith.constant true
    %broadcast_in_dim3A_996 = vector.broadcast %broadcast_in_dim3A_995 : i1 to vector<16xi1>
    %masked_cumsum3A_997 = tpu.scan <sum>, %convert_element_type3A_994 masked %broadcast_in_dim3A_996 : vector<16xi32>, vector<16xi1> -> vector<16xi32>
    %add3A_998 = arith.constant 0 : i32
    %add3A_999 = vector.broadcast %add3A_998 : i32 to vector<16xi32>
    %add3A_1000 = arith.addi %add3A_999, %masked_cumsum3A_997 : vector<16xi32>
    %sub3A_1001 = arith.subi %add3A_1000, %convert_element_type3A_994 : vector<16xi32>
    %lt3A_1002 = arith.constant 32 : i32
    %lt3A_1003 = vector.broadcast %lt3A_1002 : i32 to vector<16xi32>
    %lt3A_1004 = arith.cmpi slt, %sub3A_1001, %lt3A_1003 : vector<16xi32>
    %and3A_1005 = arith.andi %ge3A_993, %lt3A_1004 : vector<16xi1>
    %add3A_1006 = vector.broadcast %mul3A_990 : i32 to vector<16xi32>
    %add3A_1007 = arith.addi %iota3A, %add3A_1006 : vector<16xi32>
    tpu.vector_store_idx %arg14[%sub3A_1001], %add3A_1007 masked %and3A_1005 : memref<48xi32, #tpu.memory_space<vmem>>[vector<16xi32>], vector<16xi32>, vector<16xi1>
    %reduce_sum3A = arith.constant true
    %reduce_sum3A_1008 = vector.broadcast %reduce_sum3A : i1 to vector<16xi1>
    %reduce_sum3A_1009 = tpu.scan <sum>, %convert_element_type3A_994 masked %reduce_sum3A_1008 : vector<16xi32>, vector<16xi1> -> vector<16xi32>
    %reduce_sum3A_1010 = vector.extract %reduce_sum3A_1009[15] : i32 from vector<16xi32>
    %add3A_1011 = arith.constant 0 : i32
    %add3A_1012 = arith.addi %add3A_1011, %reduce_sum3A_1010 : i32
    %min3A_1013 = arith.constant 32 : i32
    %min3A_1014 = arith.minsi %add3A_1012, %min3A_1013 : i32
    %add3A_1015 = arith.constant 32 : i32
    %add3A_1016 = arith.addi %add3A, %add3A_1015 : i32
    %mul3A_1017 = arith.constant 16 : i32
    %mul3A_1018 = arith.muli %add3A_1016, %mul3A_1017 : i32
    %get3A_1019 = arith.index_cast %mul3A_1018 : i32 to index
    %get3A_1020 = tpu.vector_load %arg8[%get3A_1019] {strides = array<i32>} : memref<10256xf32, #tpu.memory_space<vmem>>, vector<16xf32>,
    %ge3A_1021 = arith.cmpf oge, %get3A_1020, %broadcast_in_dim3A_927 : vector<16xf32>
    %convert_element_type3A_1022 = arith.extui %ge3A_1021 : vector<16xi1> to vector<16xi32>
    %broadcast_in_dim3A_1023 = arith.constant true
    %broadcast_in_dim3A_1024 = vector.broadcast %broadcast_in_dim3A_1023 : i1 to vector<16xi1>
    %masked_cumsum3A_1025 = tpu.scan <sum>, %convert_element_type3A_1022 masked %broadcast_in_dim3A_1024 : vector<16xi32>, vector<16xi1> -> vector<16xi32>
    %add3A_1026 = vector.broadcast %min3A_1014 : i32 to vector<16xi32>
    %add3A_1027 = arith.addi %add3A_1026, %masked_cumsum3A_1025 : vector<16xi32>
    %sub3A_1028 = arith.subi %add3A_1027, %convert_element_type3A_1022 : vector<16xi32>
    %lt3A_1029 = arith.constant 32 : i32
    %lt3A_1030 = vector.broadcast %lt3A_1029 : i32 to vector<16xi32>
    %lt3A_1031 = arith.cmpi slt, %sub3A_1028, %lt3A_1030 : vector<16xi32>
    %and3A_1032 = arith.andi %ge3A_1021, %lt3A_1031 : vector<16xi1>
    %add3A_1033 = vector.broadcast %mul3A_1018 : i32 to vector<16xi32>
    %add3A_1034 = arith.addi %iota3A, %add3A_1033 : vector<16xi32>
    tpu.vector_store_idx %arg14[%sub3A_1028], %add3A_1034 masked %and3A_1032 : memref<48xi32, #tpu.memory_space<vmem>>[vector<16xi32>], vector<16xi32>, vector<16xi1>
    %reduce_sum3A_1035 = arith.constant true
    %reduce_sum3A_1036 = vector.broadcast %reduce_sum3A_1035 : i1 to vector<16xi1>
    %reduce_sum3A_1037 = tpu.scan <sum>, %convert_element_type3A_1022 masked %reduce_sum3A_1036 : vector<16xi32>, vector<16xi1> -> vector<16xi32>
    %reduce_sum3A_1038 = vector.extract %reduce_sum3A_1037[15] : i32 from vector<16xi32>
    %add3A_1039 = arith.addi %min3A_1014, %reduce_sum3A_1038 : i32
    %min3A_1040 = arith.constant 32 : i32
    %min3A_1041 = arith.minsi %add3A_1039, %min3A_1040 : i32
    %add3A_1042 = arith.constant 64 : i32
    %add3A_1043 = arith.addi %add3A, %add3A_1042 : i32
    %mul3A_1044 = arith.constant 16 : i32
    %mul3A_1045 = arith.muli %add3A_1043, %mul3A_1044 : i32
    %get3A_1046 = arith.index_cast %mul3A_1045 : i32 to index
    %get3A_1047 = tpu.vector_load %arg8[%get3A_1046] {strides = array<i32>} : memref<10256xf32, #tpu.memory_space<vmem>>, vector<16xf32>,
    %ge3A_1048 = arith.cmpf oge, %get3A_1047, %broadcast_in_dim3A_927 : vector<16xf32>
    %convert_element_type3A_1049 = arith.extui %ge3A_1048 : vector<16xi1> to vector<16xi32>
    %broadcast_in_dim3A_1050 = arith.constant true
    %broadcast_in_dim3A_1051 = vector.broadcast %broadcast_in_dim3A_1050 : i1 to vector<16xi1>
    %masked_cumsum3A_1052 = tpu.scan <sum>, %convert_element_type3A_1049 masked %broadcast_in_dim3A_1051 : vector<16xi32>, vector<16xi1> -> vector<16xi32>
    %add3A_1053 = vector.broadcast %min3A_1041 : i32 to vector<16xi32>
    %add3A_1054 = arith.addi %add3A_1053, %masked_cumsum3A_1052 : vector<16xi32>
    %sub3A_1055 = arith.subi %add3A_1054, %convert_element_type3A_1049 : vector<16xi32>
    %lt3A_1056 = arith.constant 32 : i32
    %lt3A_1057 = vector.broadcast %lt3A_1056 : i32 to vector<16xi32>
    %lt3A_1058 = arith.cmpi slt, %sub3A_1055, %lt3A_1057 : vector<16xi32>
    %and3A_1059 = arith.andi %ge3A_1048, %lt3A_1058 : vector<16xi1>
    %add3A_1060 = vector.broadcast %mul3A_1045 : i32 to vector<16xi32>
    %add3A_1061 = arith.addi %iota3A, %add3A_1060 : vector<16xi32>
    tpu.vector_store_idx %arg14[%sub3A_1055], %add3A_1061 masked %and3A_1059 : memref<48xi32, #tpu.memory_space<vmem>>[vector<16xi32>], vector<16xi32>, vector<16xi1>
    %reduce_sum3A_1062 = arith.constant true
    %reduce_sum3A_1063 = vector.broadcast %reduce_sum3A_1062 : i1 to vector<16xi1>
    %reduce_sum3A_1064 = tpu.scan <sum>, %convert_element_type3A_1049 masked %reduce_sum3A_1063 : vector<16xi32>, vector<16xi1> -> vector<16xi32>
    %reduce_sum3A_1065 = vector.extract %reduce_sum3A_1064[15] : i32 from vector<16xi32>
    %add3A_1066 = arith.addi %min3A_1041, %reduce_sum3A_1065 : i32
    %min3A_1067 = arith.constant 32 : i32
    %min3A_1068 = arith.minsi %add3A_1066, %min3A_1067 : i32
    %add3A_1069 = arith.constant 96 : i32
    %add3A_1070 = arith.addi %add3A, %add3A_1069 : i32
    %mul3A_1071 = arith.constant 16 : i32
    %mul3A_1072 = arith.muli %add3A_1070, %mul3A_1071 : i32
    %get3A_1073 = arith.index_cast %mul3A_1072 : i32 to index
    %get3A_1074 = tpu.vector_load %arg8[%get3A_1073] {strides = array<i32>} : memref<10256xf32, #tpu.memory_space<vmem>>, vector<16xf32>,
    %ge3A_1075 = arith.cmpf oge, %get3A_1074, %broadcast_in_dim3A_927 : vector<16xf32>
    %convert_element_type3A_1076 = arith.extui %ge3A_1075 : vector<16xi1> to vector<16xi32>
    %broadcast_in_dim3A_1077 = arith.constant true
    %broadcast_in_dim3A_1078 = vector.broadcast %broadcast_in_dim3A_1077 : i1 to vector<16xi1>
    %masked_cumsum3A_1079 = tpu.scan <sum>, %convert_element_type3A_1076 masked %broadcast_in_dim3A_1078 : vector<16xi32>, vector<16xi1> -> vector<16xi32>
    %add3A_1080 = vector.broadcast %min3A_1068 : i32 to vector<16xi32>
    %add3A_1081 = arith.addi %add3A_1080, %masked_cumsum3A_1079 : vector<16xi32>
    %sub3A_1082 = arith.subi %add3A_1081, %convert_element_type3A_1076 : vector<16xi32>
    %lt3A_1083 = arith.constant 32 : i32
    %lt3A_1084 = vector.broadcast %lt3A_1083 : i32 to vector<16xi32>
    %lt3A_1085 = arith.cmpi slt, %sub3A_1082, %lt3A_1084 : vector<16xi32>
    %and3A_1086 = arith.andi %ge3A_1075, %lt3A_1085 : vector<16xi1>
    %add3A_1087 = vector.broadcast %mul3A_1072 : i32 to vector<16xi32>
    %add3A_1088 = arith.addi %iota3A, %add3A_1087 : vector<16xi32>
    tpu.vector_store_idx %arg14[%sub3A_1082], %add3A_1088 masked %and3A_1086 : memref<48xi32, #tpu.memory_space<vmem>>[vector<16xi32>], vector<16xi32>, vector<16xi1>
    %reduce_sum3A_1089 = arith.constant true
    %reduce_sum3A_1090 = vector.broadcast %reduce_sum3A_1089 : i1 to vector<16xi1>
    %reduce_sum3A_1091 = tpu.scan <sum>, %convert_element_type3A_1076 masked %reduce_sum3A_1090 : vector<16xi32>, vector<16xi1> -> vector<16xi32>
    %reduce_sum3A_1092 = vector.extract %reduce_sum3A_1091[15] : i32 from vector<16xi32>
    %add3A_1093 = arith.addi %min3A_1068, %reduce_sum3A_1092 : i32
    %min3A_1094 = arith.constant 32 : i32
    %min3A_1095 = arith.minsi %add3A_1093, %min3A_1094 : i32
    %add3A_1096 = arith.constant 128 : i32
    %add3A_1097 = arith.addi %add3A, %add3A_1096 : i32
    %mul3A_1098 = arith.constant 16 : i32
    %mul3A_1099 = arith.muli %add3A_1097, %mul3A_1098 : i32
    %get3A_1100 = arith.index_cast %mul3A_1099 : i32 to index
    %get3A_1101 = tpu.vector_load %arg8[%get3A_1100] {strides = array<i32>} : memref<10256xf32, #tpu.memory_space<vmem>>, vector<16xf32>,
    %ge3A_1102 = arith.cmpf oge, %get3A_1101, %broadcast_in_dim3A_927 : vector<16xf32>
    %convert_element_type3A_1103 = arith.extui %ge3A_1102 : vector<16xi1> to vector<16xi32>
    %broadcast_in_dim3A_1104 = arith.constant true
    %broadcast_in_dim3A_1105 = vector.broadcast %broadcast_in_dim3A_1104 : i1 to vector<16xi1>
    %masked_cumsum3A_1106 = tpu.scan <sum>, %convert_element_type3A_1103 masked %broadcast_in_dim3A_1105 : vector<16xi32>, vector<16xi1> -> vector<16xi32>
    %add3A_1107 = vector.broadcast %min3A_1095 : i32 to vector<16xi32>
    %add3A_1108 = arith.addi %add3A_1107, %masked_cumsum3A_1106 : vector<16xi32>
    %sub3A_1109 = arith.subi %add3A_1108, %convert_element_type3A_1103 : vector<16xi32>
    %lt3A_1110 = arith.constant 32 : i32
    %lt3A_1111 = vector.broadcast %lt3A_1110 : i32 to vector<16xi32>
    %lt3A_1112 = arith.cmpi slt, %sub3A_1109, %lt3A_1111 : vector<16xi32>
    %and3A_1113 = arith.andi %ge3A_1102, %lt3A_1112 : vector<16xi1>
    %add3A_1114 = vector.broadcast %mul3A_1099 : i32 to vector<16xi32>
    %add3A_1115 = arith.addi %iota3A, %add3A_1114 : vector<16xi32>
    tpu.vector_store_idx %arg14[%sub3A_1109], %add3A_1115 masked %and3A_1113 : memref<48xi32, #tpu.memory_space<vmem>>[vector<16xi32>], vector<16xi32>, vector<16xi1>
    %reduce_sum3A_1116 = arith.constant true
    %reduce_sum3A_1117 = vector.broadcast %reduce_sum3A_1116 : i1 to vector<16xi1>
    %reduce_sum3A_1118 = tpu.scan <sum>, %convert_element_type3A_1103 masked %reduce_sum3A_1117 : vector<16xi32>, vector<16xi1> -> vector<16xi32>
    %reduce_sum3A_1119 = vector.extract %reduce_sum3A_1118[15] : i32 from vector<16xi32>
    %add3A_1120 = arith.addi %min3A_1095, %reduce_sum3A_1119 : i32
    %min3A_1121 = arith.constant 32 : i32
    %min3A_1122 = arith.minsi %add3A_1120, %min3A_1121 : i32
    %add3A_1123 = arith.constant 160 : i32
    %add3A_1124 = arith.addi %add3A, %add3A_1123 : i32
    %mul3A_1125 = arith.constant 16 : i32
    %mul3A_1126 = arith.muli %add3A_1124, %mul3A_1125 : i32
    %get3A_1127 = arith.index_cast %mul3A_1126 : i32 to index
    %get3A_1128 = tpu.vector_load %arg8[%get3A_1127] {strides = array<i32>} : memref<10256xf32, #tpu.memory_space<vmem>>, vector<16xf32>,
    %ge3A_1129 = arith.cmpf oge, %get3A_1128, %broadcast_in_dim3A_927 : vector<16xf32>
    %convert_element_type3A_1130 = arith.extui %ge3A_1129 : vector<16xi1> to vector<16xi32>
    %broadcast_in_dim3A_1131 = arith.constant true
    %broadcast_in_dim3A_1132 = vector.broadcast %broadcast_in_dim3A_1131 : i1 to vector<16xi1>
    %masked_cumsum3A_1133 = tpu.scan <sum>, %convert_element_type3A_1130 masked %broadcast_in_dim3A_1132 : vector<16xi32>, vector<16xi1> -> vector<16xi32>
    %add3A_1134 = vector.broadcast %min3A_1122 : i32 to vector<16xi32>
    %add3A_1135 = arith.addi %add3A_1134, %masked_cumsum3A_1133 : vector<16xi32>
    %sub3A_1136 = arith.subi %add3A_1135, %convert_element_type3A_1130 : vector<16xi32>
    %lt3A_1137 = arith.constant 32 : i32
    %lt3A_1138 = vector.broadcast %lt3A_1137 : i32 to vector<16xi32>
    %lt3A_1139 = arith.cmpi slt, %sub3A_1136, %lt3A_1138 : vector<16xi32>
    %and3A_1140 = arith.andi %ge3A_1129, %lt3A_1139 : vector<16xi1>
    %add3A_1141 = vector.broadcast %mul3A_1126 : i32 to vector<16xi32>
    %add3A_1142 = arith.addi %iota3A, %add3A_1141 : vector<16xi32>
    tpu.vector_store_idx %arg14[%sub3A_1136], %add3A_1142 masked %and3A_1140 : memref<48xi32, #tpu.memory_space<vmem>>[vector<16xi32>], vector<16xi32>, vector<16xi1>
    %reduce_sum3A_1143 = arith.constant true
    %reduce_sum3A_1144 = vector.broadcast %reduce_sum3A_1143 : i1 to vector<16xi1>
    %reduce_sum3A_1145 = tpu.scan <sum>, %convert_element_type3A_1130 masked %reduce_sum3A_1144 : vector<16xi32>, vector<16xi1> -> vector<16xi32>
    %reduce_sum3A_1146 = vector.extract %reduce_sum3A_1145[15] : i32 from vector<16xi32>
    %add3A_1147 = arith.addi %min3A_1122, %reduce_sum3A_1146 : i32
    %min3A_1148 = arith.constant 32 : i32
    %min3A_1149 = arith.minsi %add3A_1147, %min3A_1148 : i32
    %add3A_1150 = arith.constant 192 : i32
    %add3A_1151 = arith.addi %add3A, %add3A_1150 : i32
    %mul3A_1152 = arith.constant 16 : i32
    %mul3A_1153 = arith.muli %add3A_1151, %mul3A_1152 : i32
    %get3A_1154 = arith.index_cast %mul3A_1153 : i32 to index
    %get3A_1155 = tpu.vector_load %arg8[%get3A_1154] {strides = array<i32>} : memref<10256xf32, #tpu.memory_space<vmem>>, vector<16xf32>,
    %ge3A_1156 = arith.cmpf oge, %get3A_1155, %broadcast_in_dim3A_927 : vector<16xf32>
    %convert_element_type3A_1157 = arith.extui %ge3A_1156 : vector<16xi1> to vector<16xi32>
    %broadcast_in_dim3A_1158 = arith.constant true
    %broadcast_in_dim3A_1159 = vector.broadcast %broadcast_in_dim3A_1158 : i1 to vector<16xi1>
    %masked_cumsum3A_1160 = tpu.scan <sum>, %convert_element_type3A_1157 masked %broadcast_in_dim3A_1159 : vector<16xi32>, vector<16xi1> -> vector<16xi32>
    %add3A_1161 = vector.broadcast %min3A_1149 : i32 to vector<16xi32>
    %add3A_1162 = arith.addi %add3A_1161, %masked_cumsum3A_1160 : vector<16xi32>
    %sub3A_1163 = arith.subi %add3A_1162, %convert_element_type3A_1157 : vector<16xi32>
    %lt3A_1164 = arith.constant 32 : i32
    %lt3A_1165 = vector.broadcast %lt3A_1164 : i32 to vector<16xi32>
    %lt3A_1166 = arith.cmpi slt, %sub3A_1163, %lt3A_1165 : vector<16xi32>
    %and3A_1167 = arith.andi %ge3A_1156, %lt3A_1166 : vector<16xi1>
    %add3A_1168 = vector.broadcast %mul3A_1153 : i32 to vector<16xi32>
    %add3A_1169 = arith.addi %iota3A, %add3A_1168 : vector<16xi32>
    tpu.vector_store_idx %arg14[%sub3A_1163], %add3A_1169 masked %and3A_1167 : memref<48xi32, #tpu.memory_space<vmem>>[vector<16xi32>], vector<16xi32>, vector<16xi1>
    %reduce_sum3A_1170 = arith.constant true
    %reduce_sum3A_1171 = vector.broadcast %reduce_sum3A_1170 : i1 to vector<16xi1>
    %reduce_sum3A_1172 = tpu.scan <sum>, %convert_element_type3A_1157 masked %reduce_sum3A_1171 : vector<16xi32>, vector<16xi1> -> vector<16xi32>
    %reduce_sum3A_1173 = vector.extract %reduce_sum3A_1172[15] : i32 from vector<16xi32>
    %add3A_1174 = arith.addi %min3A_1149, %reduce_sum3A_1173 : i32
    %min3A_1175 = arith.constant 32 : i32
    %min3A_1176 = arith.minsi %add3A_1174, %min3A_1175 : i32
    %add3A_1177 = arith.constant 224 : i32
    %add3A_1178 = arith.addi %add3A, %add3A_1177 : i32
    %mul3A_1179 = arith.constant 16 : i32
    %mul3A_1180 = arith.muli %add3A_1178, %mul3A_1179 : i32
    %get3A_1181 = arith.index_cast %mul3A_1180 : i32 to index
    %get3A_1182 = tpu.vector_load %arg8[%get3A_1181] {strides = array<i32>} : memref<10256xf32, #tpu.memory_space<vmem>>, vector<16xf32>,
    %ge3A_1183 = arith.cmpf oge, %get3A_1182, %broadcast_in_dim3A_927 : vector<16xf32>
    %convert_element_type3A_1184 = arith.extui %ge3A_1183 : vector<16xi1> to vector<16xi32>
    %broadcast_in_dim3A_1185 = arith.constant true
    %broadcast_in_dim3A_1186 = vector.broadcast %broadcast_in_dim3A_1185 : i1 to vector<16xi1>
    %masked_cumsum3A_1187 = tpu.scan <sum>, %convert_element_type3A_1184 masked %broadcast_in_dim3A_1186 : vector<16xi32>, vector<16xi1> -> vector<16xi32>
    %add3A_1188 = vector.broadcast %min3A_1176 : i32 to vector<16xi32>
    %add3A_1189 = arith.addi %add3A_1188, %masked_cumsum3A_1187 : vector<16xi32>
    %sub3A_1190 = arith.subi %add3A_1189, %convert_element_type3A_1184 : vector<16xi32>
    %lt3A_1191 = arith.constant 32 : i32
    %lt3A_1192 = vector.broadcast %lt3A_1191 : i32 to vector<16xi32>
    %lt3A_1193 = arith.cmpi slt, %sub3A_1190, %lt3A_1192 : vector<16xi32>
    %and3A_1194 = arith.andi %ge3A_1183, %lt3A_1193 : vector<16xi1>
    %add3A_1195 = vector.broadcast %mul3A_1180 : i32 to vector<16xi32>
    %add3A_1196 = arith.addi %iota3A, %add3A_1195 : vector<16xi32>
    tpu.vector_store_idx %arg14[%sub3A_1190], %add3A_1196 masked %and3A_1194 : memref<48xi32, #tpu.memory_space<vmem>>[vector<16xi32>], vector<16xi32>, vector<16xi1>
    %reduce_sum3A_1197 = arith.constant true
    %reduce_sum3A_1198 = vector.broadcast %reduce_sum3A_1197 : i1 to vector<16xi1>
    %reduce_sum3A_1199 = tpu.scan <sum>, %convert_element_type3A_1184 masked %reduce_sum3A_1198 : vector<16xi32>, vector<16xi1> -> vector<16xi32>
    %reduce_sum3A_1200 = vector.extract %reduce_sum3A_1199[15] : i32 from vector<16xi32>
    %add3A_1201 = arith.addi %min3A_1176, %reduce_sum3A_1200 : i32
    %min3A_1202 = arith.constant 32 : i32
    %min3A_1203 = arith.minsi %add3A_1201, %min3A_1202 : i32
    %add3A_1204 = arith.constant 256 : i32
    %add3A_1205 = arith.addi %add3A, %add3A_1204 : i32
    %mul3A_1206 = arith.constant 16 : i32
    %mul3A_1207 = arith.muli %add3A_1205, %mul3A_1206 : i32
    %get3A_1208 = arith.index_cast %mul3A_1207 : i32 to index
    %get3A_1209 = tpu.vector_load %arg8[%get3A_1208] {strides = array<i32>} : memref<10256xf32, #tpu.memory_space<vmem>>, vector<16xf32>,
    %ge3A_1210 = arith.cmpf oge, %get3A_1209, %broadcast_in_dim3A_927 : vector<16xf32>
    %convert_element_type3A_1211 = arith.extui %ge3A_1210 : vector<16xi1> to vector<16xi32>
    %broadcast_in_dim3A_1212 = arith.constant true
    %broadcast_in_dim3A_1213 = vector.broadcast %broadcast_in_dim3A_1212 : i1 to vector<16xi1>
    %masked_cumsum3A_1214 = tpu.scan <sum>, %convert_element_type3A_1211 masked %broadcast_in_dim3A_1213 : vector<16xi32>, vector<16xi1> -> vector<16xi32>
    %add3A_1215 = vector.broadcast %min3A_1203 : i32 to vector<16xi32>
    %add3A_1216 = arith.addi %add3A_1215, %masked_cumsum3A_1214 : vector<16xi32>
    %sub3A_1217 = arith.subi %add3A_1216, %convert_element_type3A_1211 : vector<16xi32>
    %lt3A_1218 = arith.constant 32 : i32
    %lt3A_1219 = vector.broadcast %lt3A_1218 : i32 to vector<16xi32>
    %lt3A_1220 = arith.cmpi slt, %sub3A_1217, %lt3A_1219 : vector<16xi32>
    %and3A_1221 = arith.andi %ge3A_1210, %lt3A_1220 : vector<16xi1>
    %add3A_1222 = vector.broadcast %mul3A_1207 : i32 to vector<16xi32>
    %add3A_1223 = arith.addi %iota3A, %add3A_1222 : vector<16xi32>
    tpu.vector_store_idx %arg14[%sub3A_1217], %add3A_1223 masked %and3A_1221 : memref<48xi32, #tpu.memory_space<vmem>>[vector<16xi32>], vector<16xi32>, vector<16xi1>
    %reduce_sum3A_1224 = arith.constant true
    %reduce_sum3A_1225 = vector.broadcast %reduce_sum3A_1224 : i1 to vector<16xi1>
    %reduce_sum3A_1226 = tpu.scan <sum>, %convert_element_type3A_1211 masked %reduce_sum3A_1225 : vector<16xi32>, vector<16xi1> -> vector<16xi32>
    %reduce_sum3A_1227 = vector.extract %reduce_sum3A_1226[15] : i32 from vector<16xi32>
    %add3A_1228 = arith.addi %min3A_1203, %reduce_sum3A_1227 : i32
    %min3A_1229 = arith.constant 32 : i32
    %min3A_1230 = arith.minsi %add3A_1228, %min3A_1229 : i32
    %add3A_1231 = arith.constant 288 : i32
    %add3A_1232 = arith.addi %add3A, %add3A_1231 : i32
    %mul3A_1233 = arith.constant 16 : i32
    %mul3A_1234 = arith.muli %add3A_1232, %mul3A_1233 : i32
    %get3A_1235 = arith.index_cast %mul3A_1234 : i32 to index
    %get3A_1236 = tpu.vector_load %arg8[%get3A_1235] {strides = array<i32>} : memref<10256xf32, #tpu.memory_space<vmem>>, vector<16xf32>,
    %ge3A_1237 = arith.cmpf oge, %get3A_1236, %broadcast_in_dim3A_927 : vector<16xf32>
    %convert_element_type3A_1238 = arith.extui %ge3A_1237 : vector<16xi1> to vector<16xi32>
    %broadcast_in_dim3A_1239 = arith.constant true
    %broadcast_in_dim3A_1240 = vector.broadcast %broadcast_in_dim3A_1239 : i1 to vector<16xi1>
    %masked_cumsum3A_1241 = tpu.scan <sum>, %convert_element_type3A_1238 masked %broadcast_in_dim3A_1240 : vector<16xi32>, vector<16xi1> -> vector<16xi32>
    %add3A_1242 = vector.broadcast %min3A_1230 : i32 to vector<16xi32>
    %add3A_1243 = arith.addi %add3A_1242, %masked_cumsum3A_1241 : vector<16xi32>
    %sub3A_1244 = arith.subi %add3A_1243, %convert_element_type3A_1238 : vector<16xi32>
    %lt3A_1245 = arith.constant 32 : i32
    %lt3A_1246 = vector.broadcast %lt3A_1245 : i32 to vector<16xi32>
    %lt3A_1247 = arith.cmpi slt, %sub3A_1244, %lt3A_1246 : vector<16xi32>
    %and3A_1248 = arith.andi %ge3A_1237, %lt3A_1247 : vector<16xi1>
    %add3A_1249 = vector.broadcast %mul3A_1234 : i32 to vector<16xi32>
    %add3A_1250 = arith.addi %iota3A, %add3A_1249 : vector<16xi32>
    tpu.vector_store_idx %arg14[%sub3A_1244], %add3A_1250 masked %and3A_1248 : memref<48xi32, #tpu.memory_space<vmem>>[vector<16xi32>], vector<16xi32>, vector<16xi1>
    %reduce_sum3A_1251 = arith.constant true
    %reduce_sum3A_1252 = vector.broadcast %reduce_sum3A_1251 : i1 to vector<16xi1>
    %reduce_sum3A_1253 = tpu.scan <sum>, %convert_element_type3A_1238 masked %reduce_sum3A_1252 : vector<16xi32>, vector<16xi1> -> vector<16xi32>
    %reduce_sum3A_1254 = vector.extract %reduce_sum3A_1253[15] : i32 from vector<16xi32>
    %add3A_1255 = arith.addi %min3A_1230, %reduce_sum3A_1254 : i32
    %min3A_1256 = arith.constant 32 : i32
    %min3A_1257 = arith.minsi %add3A_1255, %min3A_1256 : i32
    %add3A_1258 = arith.constant 320 : i32
    %add3A_1259 = arith.addi %add3A, %add3A_1258 : i32
    %mul3A_1260 = arith.constant 16 : i32
    %mul3A_1261 = arith.muli %add3A_1259, %mul3A_1260 : i32
    %get3A_1262 = arith.index_cast %mul3A_1261 : i32 to index
    %get3A_1263 = tpu.vector_load %arg8[%get3A_1262] {strides = array<i32>} : memref<10256xf32, #tpu.memory_space<vmem>>, vector<16xf32>,
    %ge3A_1264 = arith.cmpf oge, %get3A_1263, %broadcast_in_dim3A_927 : vector<16xf32>
    %convert_element_type3A_1265 = arith.extui %ge3A_1264 : vector<16xi1> to vector<16xi32>
    %broadcast_in_dim3A_1266 = arith.constant true
    %broadcast_in_dim3A_1267 = vector.broadcast %broadcast_in_dim3A_1266 : i1 to vector<16xi1>
    %masked_cumsum3A_1268 = tpu.scan <sum>, %convert_element_type3A_1265 masked %broadcast_in_dim3A_1267 : vector<16xi32>, vector<16xi1> -> vector<16xi32>
    %add3A_1269 = vector.broadcast %min3A_1257 : i32 to vector<16xi32>
    %add3A_1270 = arith.addi %add3A_1269, %masked_cumsum3A_1268 : vector<16xi32>
    %sub3A_1271 = arith.subi %add3A_1270, %convert_element_type3A_1265 : vector<16xi32>
    %lt3A_1272 = arith.constant 32 : i32
    %lt3A_1273 = vector.broadcast %lt3A_1272 : i32 to vector<16xi32>
    %lt3A_1274 = arith.cmpi slt, %sub3A_1271, %lt3A_1273 : vector<16xi32>
    %and3A_1275 = arith.andi %ge3A_1264, %lt3A_1274 : vector<16xi1>
    %add3A_1276 = vector.broadcast %mul3A_1261 : i32 to vector<16xi32>
    %add3A_1277 = arith.addi %iota3A, %add3A_1276 : vector<16xi32>
    tpu.vector_store_idx %arg14[%sub3A_1271], %add3A_1277 masked %and3A_1275 : memref<48xi32, #tpu.memory_space<vmem>>[vector<16xi32>], vector<16xi32>, vector<16xi1>
    %reduce_sum3A_1278 = arith.constant true
    %reduce_sum3A_1279 = vector.broadcast %reduce_sum3A_1278 : i1 to vector<16xi1>
    %reduce_sum3A_1280 = tpu.scan <sum>, %convert_element_type3A_1265 masked %reduce_sum3A_1279 : vector<16xi32>, vector<16xi1> -> vector<16xi32>
    %reduce_sum3A_1281 = vector.extract %reduce_sum3A_1280[15] : i32 from vector<16xi32>
    %add3A_1282 = arith.addi %min3A_1257, %reduce_sum3A_1281 : i32
    %min3A_1283 = arith.constant 32 : i32
    %min3A_1284 = arith.minsi %add3A_1282, %min3A_1283 : i32
    %add3A_1285 = arith.constant 352 : i32
    %add3A_1286 = arith.addi %add3A, %add3A_1285 : i32
    %mul3A_1287 = arith.constant 16 : i32
    %mul3A_1288 = arith.muli %add3A_1286, %mul3A_1287 : i32
    %get3A_1289 = arith.index_cast %mul3A_1288 : i32 to index
    %get3A_1290 = tpu.vector_load %arg8[%get3A_1289] {strides = array<i32>} : memref<10256xf32, #tpu.memory_space<vmem>>, vector<16xf32>,
    %ge3A_1291 = arith.cmpf oge, %get3A_1290, %broadcast_in_dim3A_927 : vector<16xf32>
    %convert_element_type3A_1292 = arith.extui %ge3A_1291 : vector<16xi1> to vector<16xi32>
    %broadcast_in_dim3A_1293 = arith.constant true
    %broadcast_in_dim3A_1294 = vector.broadcast %broadcast_in_dim3A_1293 : i1 to vector<16xi1>
    %masked_cumsum3A_1295 = tpu.scan <sum>, %convert_element_type3A_1292 masked %broadcast_in_dim3A_1294 : vector<16xi32>, vector<16xi1> -> vector<16xi32>
    %add3A_1296 = vector.broadcast %min3A_1284 : i32 to vector<16xi32>
    %add3A_1297 = arith.addi %add3A_1296, %masked_cumsum3A_1295 : vector<16xi32>
    %sub3A_1298 = arith.subi %add3A_1297, %convert_element_type3A_1292 : vector<16xi32>
    %lt3A_1299 = arith.constant 32 : i32
    %lt3A_1300 = vector.broadcast %lt3A_1299 : i32 to vector<16xi32>
    %lt3A_1301 = arith.cmpi slt, %sub3A_1298, %lt3A_1300 : vector<16xi32>
    %and3A_1302 = arith.andi %ge3A_1291, %lt3A_1301 : vector<16xi1>
    %add3A_1303 = vector.broadcast %mul3A_1288 : i32 to vector<16xi32>
    %add3A_1304 = arith.addi %iota3A, %add3A_1303 : vector<16xi32>
    tpu.vector_store_idx %arg14[%sub3A_1298], %add3A_1304 masked %and3A_1302 : memref<48xi32, #tpu.memory_space<vmem>>[vector<16xi32>], vector<16xi32>, vector<16xi1>
    %reduce_sum3A_1305 = arith.constant true
    %reduce_sum3A_1306 = vector.broadcast %reduce_sum3A_1305 : i1 to vector<16xi1>
    %reduce_sum3A_1307 = tpu.scan <sum>, %convert_element_type3A_1292 masked %reduce_sum3A_1306 : vector<16xi32>, vector<16xi1> -> vector<16xi32>
    %reduce_sum3A_1308 = vector.extract %reduce_sum3A_1307[15] : i32 from vector<16xi32>
    %add3A_1309 = arith.addi %min3A_1284, %reduce_sum3A_1308 : i32
    %min3A_1310 = arith.constant 32 : i32
    %min3A_1311 = arith.minsi %add3A_1309, %min3A_1310 : i32
    %add3A_1312 = arith.constant 384 : i32
    %add3A_1313 = arith.addi %add3A, %add3A_1312 : i32
    %mul3A_1314 = arith.constant 16 : i32
    %mul3A_1315 = arith.muli %add3A_1313, %mul3A_1314 : i32
    %get3A_1316 = arith.index_cast %mul3A_1315 : i32 to index
    %get3A_1317 = tpu.vector_load %arg8[%get3A_1316] {strides = array<i32>} : memref<10256xf32, #tpu.memory_space<vmem>>, vector<16xf32>,
    %ge3A_1318 = arith.cmpf oge, %get3A_1317, %broadcast_in_dim3A_927 : vector<16xf32>
    %convert_element_type3A_1319 = arith.extui %ge3A_1318 : vector<16xi1> to vector<16xi32>
    %broadcast_in_dim3A_1320 = arith.constant true
    %broadcast_in_dim3A_1321 = vector.broadcast %broadcast_in_dim3A_1320 : i1 to vector<16xi1>
    %masked_cumsum3A_1322 = tpu.scan <sum>, %convert_element_type3A_1319 masked %broadcast_in_dim3A_1321 : vector<16xi32>, vector<16xi1> -> vector<16xi32>
    %add3A_1323 = vector.broadcast %min3A_1311 : i32 to vector<16xi32>
    %add3A_1324 = arith.addi %add3A_1323, %masked_cumsum3A_1322 : vector<16xi32>
    %sub3A_1325 = arith.subi %add3A_1324, %convert_element_type3A_1319 : vector<16xi32>
    %lt3A_1326 = arith.constant 32 : i32
    %lt3A_1327 = vector.broadcast %lt3A_1326 : i32 to vector<16xi32>
    %lt3A_1328 = arith.cmpi slt, %sub3A_1325, %lt3A_1327 : vector<16xi32>
    %and3A_1329 = arith.andi %ge3A_1318, %lt3A_1328 : vector<16xi1>
    %add3A_1330 = vector.broadcast %mul3A_1315 : i32 to vector<16xi32>
    %add3A_1331 = arith.addi %iota3A, %add3A_1330 : vector<16xi32>
    tpu.vector_store_idx %arg14[%sub3A_1325], %add3A_1331 masked %and3A_1329 : memref<48xi32, #tpu.memory_space<vmem>>[vector<16xi32>], vector<16xi32>, vector<16xi1>
    %reduce_sum3A_1332 = arith.constant true
    %reduce_sum3A_1333 = vector.broadcast %reduce_sum3A_1332 : i1 to vector<16xi1>
    %reduce_sum3A_1334 = tpu.scan <sum>, %convert_element_type3A_1319 masked %reduce_sum3A_1333 : vector<16xi32>, vector<16xi1> -> vector<16xi32>
    %reduce_sum3A_1335 = vector.extract %reduce_sum3A_1334[15] : i32 from vector<16xi32>
    %add3A_1336 = arith.addi %min3A_1311, %reduce_sum3A_1335 : i32
    %min3A_1337 = arith.constant 32 : i32
    %min3A_1338 = arith.minsi %add3A_1336, %min3A_1337 : i32
    %add3A_1339 = arith.constant 416 : i32
    %add3A_1340 = arith.addi %add3A, %add3A_1339 : i32
    %mul3A_1341 = arith.constant 16 : i32
    %mul3A_1342 = arith.muli %add3A_1340, %mul3A_1341 : i32
    %get3A_1343 = arith.index_cast %mul3A_1342 : i32 to index
    %get3A_1344 = tpu.vector_load %arg8[%get3A_1343] {strides = array<i32>} : memref<10256xf32, #tpu.memory_space<vmem>>, vector<16xf32>,
    %ge3A_1345 = arith.cmpf oge, %get3A_1344, %broadcast_in_dim3A_927 : vector<16xf32>
    %convert_element_type3A_1346 = arith.extui %ge3A_1345 : vector<16xi1> to vector<16xi32>
    %broadcast_in_dim3A_1347 = arith.constant true
    %broadcast_in_dim3A_1348 = vector.broadcast %broadcast_in_dim3A_1347 : i1 to vector<16xi1>
    %masked_cumsum3A_1349 = tpu.scan <sum>, %convert_element_type3A_1346 masked %broadcast_in_dim3A_1348 : vector<16xi32>, vector<16xi1> -> vector<16xi32>
    %add3A_1350 = vector.broadcast %min3A_1338 : i32 to vector<16xi32>
    %add3A_1351 = arith.addi %add3A_1350, %masked_cumsum3A_1349 : vector<16xi32>
    %sub3A_1352 = arith.subi %add3A_1351, %convert_element_type3A_1346 : vector<16xi32>
    %lt3A_1353 = arith.constant 32 : i32
    %lt3A_1354 = vector.broadcast %lt3A_1353 : i32 to vector<16xi32>
    %lt3A_1355 = arith.cmpi slt, %sub3A_1352, %lt3A_1354 : vector<16xi32>
    %and3A_1356 = arith.andi %ge3A_1345, %lt3A_1355 : vector<16xi1>
    %add3A_1357 = vector.broadcast %mul3A_1342 : i32 to vector<16xi32>
    %add3A_1358 = arith.addi %iota3A, %add3A_1357 : vector<16xi32>
    tpu.vector_store_idx %arg14[%sub3A_1352], %add3A_1358 masked %and3A_1356 : memref<48xi32, #tpu.memory_space<vmem>>[vector<16xi32>], vector<16xi32>, vector<16xi1>
    %reduce_sum3A_1359 = arith.constant true
    %reduce_sum3A_1360 = vector.broadcast %reduce_sum3A_1359 : i1 to vector<16xi1>
    %reduce_sum3A_1361 = tpu.scan <sum>, %convert_element_type3A_1346 masked %reduce_sum3A_1360 : vector<16xi32>, vector<16xi1> -> vector<16xi32>
    %reduce_sum3A_1362 = vector.extract %reduce_sum3A_1361[15] : i32 from vector<16xi32>
    %add3A_1363 = arith.addi %min3A_1338, %reduce_sum3A_1362 : i32
    %min3A_1364 = arith.constant 32 : i32
    %min3A_1365 = arith.minsi %add3A_1363, %min3A_1364 : i32
    %add3A_1366 = arith.constant 448 : i32
    %add3A_1367 = arith.addi %add3A, %add3A_1366 : i32
    %mul3A_1368 = arith.constant 16 : i32
    %mul3A_1369 = arith.muli %add3A_1367, %mul3A_1368 : i32
    %get3A_1370 = arith.index_cast %mul3A_1369 : i32 to index
    %get3A_1371 = tpu.vector_load %arg8[%get3A_1370] {strides = array<i32>} : memref<10256xf32, #tpu.memory_space<vmem>>, vector<16xf32>,
    %ge3A_1372 = arith.cmpf oge, %get3A_1371, %broadcast_in_dim3A_927 : vector<16xf32>
    %convert_element_type3A_1373 = arith.extui %ge3A_1372 : vector<16xi1> to vector<16xi32>
    %broadcast_in_dim3A_1374 = arith.constant true
    %broadcast_in_dim3A_1375 = vector.broadcast %broadcast_in_dim3A_1374 : i1 to vector<16xi1>
    %masked_cumsum3A_1376 = tpu.scan <sum>, %convert_element_type3A_1373 masked %broadcast_in_dim3A_1375 : vector<16xi32>, vector<16xi1> -> vector<16xi32>
    %add3A_1377 = vector.broadcast %min3A_1365 : i32 to vector<16xi32>
    %add3A_1378 = arith.addi %add3A_1377, %masked_cumsum3A_1376 : vector<16xi32>
    %sub3A_1379 = arith.subi %add3A_1378, %convert_element_type3A_1373 : vector<16xi32>
    %lt3A_1380 = arith.constant 32 : i32
    %lt3A_1381 = vector.broadcast %lt3A_1380 : i32 to vector<16xi32>
    %lt3A_1382 = arith.cmpi slt, %sub3A_1379, %lt3A_1381 : vector<16xi32>
    %and3A_1383 = arith.andi %ge3A_1372, %lt3A_1382 : vector<16xi1>
    %add3A_1384 = vector.broadcast %mul3A_1369 : i32 to vector<16xi32>
    %add3A_1385 = arith.addi %iota3A, %add3A_1384 : vector<16xi32>
    tpu.vector_store_idx %arg14[%sub3A_1379], %add3A_1385 masked %and3A_1383 : memref<48xi32, #tpu.memory_space<vmem>>[vector<16xi32>], vector<16xi32>, vector<16xi1>
    %reduce_sum3A_1386 = arith.constant true
    %reduce_sum3A_1387 = vector.broadcast %reduce_sum3A_1386 : i1 to vector<16xi1>
    %reduce_sum3A_1388 = tpu.scan <sum>, %convert_element_type3A_1373 masked %reduce_sum3A_1387 : vector<16xi32>, vector<16xi1> -> vector<16xi32>
    %reduce_sum3A_1389 = vector.extract %reduce_sum3A_1388[15] : i32 from vector<16xi32>
    %add3A_1390 = arith.addi %min3A_1365, %reduce_sum3A_1389 : i32
    %min3A_1391 = arith.constant 32 : i32
    %min3A_1392 = arith.minsi %add3A_1390, %min3A_1391 : i32
    %add3A_1393 = arith.constant 480 : i32
    %add3A_1394 = arith.addi %add3A, %add3A_1393 : i32
    %mul3A_1395 = arith.constant 16 : i32
    %mul3A_1396 = arith.muli %add3A_1394, %mul3A_1395 : i32
    %get3A_1397 = arith.index_cast %mul3A_1396 : i32 to index
    %get3A_1398 = tpu.vector_load %arg8[%get3A_1397] {strides = array<i32>} : memref<10256xf32, #tpu.memory_space<vmem>>, vector<16xf32>,
    %ge3A_1399 = arith.cmpf oge, %get3A_1398, %broadcast_in_dim3A_927 : vector<16xf32>
    %convert_element_type3A_1400 = arith.extui %ge3A_1399 : vector<16xi1> to vector<16xi32>
    %broadcast_in_dim3A_1401 = arith.constant true
    %broadcast_in_dim3A_1402 = vector.broadcast %broadcast_in_dim3A_1401 : i1 to vector<16xi1>
    %masked_cumsum3A_1403 = tpu.scan <sum>, %convert_element_type3A_1400 masked %broadcast_in_dim3A_1402 : vector<16xi32>, vector<16xi1> -> vector<16xi32>
    %add3A_1404 = vector.broadcast %min3A_1392 : i32 to vector<16xi32>
    %add3A_1405 = arith.addi %add3A_1404, %masked_cumsum3A_1403 : vector<16xi32>
    %sub3A_1406 = arith.subi %add3A_1405, %convert_element_type3A_1400 : vector<16xi32>
    %lt3A_1407 = arith.constant 32 : i32
    %lt3A_1408 = vector.broadcast %lt3A_1407 : i32 to vector<16xi32>
    %lt3A_1409 = arith.cmpi slt, %sub3A_1406, %lt3A_1408 : vector<16xi32>
    %and3A_1410 = arith.andi %ge3A_1399, %lt3A_1409 : vector<16xi1>
    %add3A_1411 = vector.broadcast %mul3A_1396 : i32 to vector<16xi32>
    %add3A_1412 = arith.addi %iota3A, %add3A_1411 : vector<16xi32>
    tpu.vector_store_idx %arg14[%sub3A_1406], %add3A_1412 masked %and3A_1410 : memref<48xi32, #tpu.memory_space<vmem>>[vector<16xi32>], vector<16xi32>, vector<16xi1>
    %reduce_sum3A_1413 = arith.constant true
    %reduce_sum3A_1414 = vector.broadcast %reduce_sum3A_1413 : i1 to vector<16xi1>
    %reduce_sum3A_1415 = tpu.scan <sum>, %convert_element_type3A_1400 masked %reduce_sum3A_1414 : vector<16xi32>, vector<16xi1> -> vector<16xi32>
    %reduce_sum3A_1416 = vector.extract %reduce_sum3A_1415[15] : i32 from vector<16xi32>
    %add3A_1417 = arith.addi %min3A_1392, %reduce_sum3A_1416 : i32
    %min3A_1418 = arith.constant 32 : i32
    %min3A_1419 = arith.minsi %add3A_1417, %min3A_1418 : i32
    %add3A_1420 = arith.constant 512 : i32
    %add3A_1421 = arith.addi %add3A, %add3A_1420 : i32
    %mul3A_1422 = arith.constant 16 : i32
    %mul3A_1423 = arith.muli %add3A_1421, %mul3A_1422 : i32
    %get3A_1424 = arith.index_cast %mul3A_1423 : i32 to index
    %get3A_1425 = tpu.vector_load %arg8[%get3A_1424] {strides = array<i32>} : memref<10256xf32, #tpu.memory_space<vmem>>, vector<16xf32>,
    %ge3A_1426 = arith.cmpf oge, %get3A_1425, %broadcast_in_dim3A_927 : vector<16xf32>
    %convert_element_type3A_1427 = arith.extui %ge3A_1426 : vector<16xi1> to vector<16xi32>
    %broadcast_in_dim3A_1428 = arith.constant true
    %broadcast_in_dim3A_1429 = vector.broadcast %broadcast_in_dim3A_1428 : i1 to vector<16xi1>
    %masked_cumsum3A_1430 = tpu.scan <sum>, %convert_element_type3A_1427 masked %broadcast_in_dim3A_1429 : vector<16xi32>, vector<16xi1> -> vector<16xi32>
    %add3A_1431 = vector.broadcast %min3A_1419 : i32 to vector<16xi32>
    %add3A_1432 = arith.addi %add3A_1431, %masked_cumsum3A_1430 : vector<16xi32>
    %sub3A_1433 = arith.subi %add3A_1432, %convert_element_type3A_1427 : vector<16xi32>
    %lt3A_1434 = arith.constant 32 : i32
    %lt3A_1435 = vector.broadcast %lt3A_1434 : i32 to vector<16xi32>
    %lt3A_1436 = arith.cmpi slt, %sub3A_1433, %lt3A_1435 : vector<16xi32>
    %and3A_1437 = arith.andi %ge3A_1426, %lt3A_1436 : vector<16xi1>
    %add3A_1438 = vector.broadcast %mul3A_1423 : i32 to vector<16xi32>
    %add3A_1439 = arith.addi %iota3A, %add3A_1438 : vector<16xi32>
    tpu.vector_store_idx %arg14[%sub3A_1433], %add3A_1439 masked %and3A_1437 : memref<48xi32, #tpu.memory_space<vmem>>[vector<16xi32>], vector<16xi32>, vector<16xi1>
    %reduce_sum3A_1440 = arith.constant true
    %reduce_sum3A_1441 = vector.broadcast %reduce_sum3A_1440 : i1 to vector<16xi1>
    %reduce_sum3A_1442 = tpu.scan <sum>, %convert_element_type3A_1427 masked %reduce_sum3A_1441 : vector<16xi32>, vector<16xi1> -> vector<16xi32>
    %reduce_sum3A_1443 = vector.extract %reduce_sum3A_1442[15] : i32 from vector<16xi32>
    %add3A_1444 = arith.addi %min3A_1419, %reduce_sum3A_1443 : i32
    %min3A_1445 = arith.constant 32 : i32
    %min3A_1446 = arith.minsi %add3A_1444, %min3A_1445 : i32
    %add3A_1447 = arith.constant 544 : i32
    %add3A_1448 = arith.addi %add3A, %add3A_1447 : i32
    %mul3A_1449 = arith.constant 16 : i32
    %mul3A_1450 = arith.muli %add3A_1448, %mul3A_1449 : i32
    %get3A_1451 = arith.index_cast %mul3A_1450 : i32 to index
    %get3A_1452 = tpu.vector_load %arg8[%get3A_1451] {strides = array<i32>} : memref<10256xf32, #tpu.memory_space<vmem>>, vector<16xf32>,
    %ge3A_1453 = arith.cmpf oge, %get3A_1452, %broadcast_in_dim3A_927 : vector<16xf32>
    %convert_element_type3A_1454 = arith.extui %ge3A_1453 : vector<16xi1> to vector<16xi32>
    %broadcast_in_dim3A_1455 = arith.constant true
    %broadcast_in_dim3A_1456 = vector.broadcast %broadcast_in_dim3A_1455 : i1 to vector<16xi1>
    %masked_cumsum3A_1457 = tpu.scan <sum>, %convert_element_type3A_1454 masked %broadcast_in_dim3A_1456 : vector<16xi32>, vector<16xi1> -> vector<16xi32>
    %add3A_1458 = vector.broadcast %min3A_1446 : i32 to vector<16xi32>
    %add3A_1459 = arith.addi %add3A_1458, %masked_cumsum3A_1457 : vector<16xi32>
    %sub3A_1460 = arith.subi %add3A_1459, %convert_element_type3A_1454 : vector<16xi32>
    %lt3A_1461 = arith.constant 32 : i32
    %lt3A_1462 = vector.broadcast %lt3A_1461 : i32 to vector<16xi32>
    %lt3A_1463 = arith.cmpi slt, %sub3A_1460, %lt3A_1462 : vector<16xi32>
    %and3A_1464 = arith.andi %ge3A_1453, %lt3A_1463 : vector<16xi1>
    %add3A_1465 = vector.broadcast %mul3A_1450 : i32 to vector<16xi32>
    %add3A_1466 = arith.addi %iota3A, %add3A_1465 : vector<16xi32>
    tpu.vector_store_idx %arg14[%sub3A_1460], %add3A_1466 masked %and3A_1464 : memref<48xi32, #tpu.memory_space<vmem>>[vector<16xi32>], vector<16xi32>, vector<16xi1>
    %reduce_sum3A_1467 = arith.constant true
    %reduce_sum3A_1468 = vector.broadcast %reduce_sum3A_1467 : i1 to vector<16xi1>
    %reduce_sum3A_1469 = tpu.scan <sum>, %convert_element_type3A_1454 masked %reduce_sum3A_1468 : vector<16xi32>, vector<16xi1> -> vector<16xi32>
    %reduce_sum3A_1470 = vector.extract %reduce_sum3A_1469[15] : i32 from vector<16xi32>
    %add3A_1471 = arith.addi %min3A_1446, %reduce_sum3A_1470 : i32
    %min3A_1472 = arith.constant 32 : i32
    %min3A_1473 = arith.minsi %add3A_1471, %min3A_1472 : i32
    %add3A_1474 = arith.constant 576 : i32
    %add3A_1475 = arith.addi %add3A, %add3A_1474 : i32
    %mul3A_1476 = arith.constant 16 : i32
    %mul3A_1477 = arith.muli %add3A_1475, %mul3A_1476 : i32
    %get3A_1478 = arith.index_cast %mul3A_1477 : i32 to index
    %get3A_1479 = tpu.vector_load %arg8[%get3A_1478] {strides = array<i32>} : memref<10256xf32, #tpu.memory_space<vmem>>, vector<16xf32>,
    %ge3A_1480 = arith.cmpf oge, %get3A_1479, %broadcast_in_dim3A_927 : vector<16xf32>
    %convert_element_type3A_1481 = arith.extui %ge3A_1480 : vector<16xi1> to vector<16xi32>
    %broadcast_in_dim3A_1482 = arith.constant true
    %broadcast_in_dim3A_1483 = vector.broadcast %broadcast_in_dim3A_1482 : i1 to vector<16xi1>
    %masked_cumsum3A_1484 = tpu.scan <sum>, %convert_element_type3A_1481 masked %broadcast_in_dim3A_1483 : vector<16xi32>, vector<16xi1> -> vector<16xi32>
    %add3A_1485 = vector.broadcast %min3A_1473 : i32 to vector<16xi32>
    %add3A_1486 = arith.addi %add3A_1485, %masked_cumsum3A_1484 : vector<16xi32>
    %sub3A_1487 = arith.subi %add3A_1486, %convert_element_type3A_1481 : vector<16xi32>
    %lt3A_1488 = arith.constant 32 : i32
    %lt3A_1489 = vector.broadcast %lt3A_1488 : i32 to vector<16xi32>
    %lt3A_1490 = arith.cmpi slt, %sub3A_1487, %lt3A_1489 : vector<16xi32>
    %and3A_1491 = arith.andi %ge3A_1480, %lt3A_1490 : vector<16xi1>
    %add3A_1492 = vector.broadcast %mul3A_1477 : i32 to vector<16xi32>
    %add3A_1493 = arith.addi %iota3A, %add3A_1492 : vector<16xi32>
    tpu.vector_store_idx %arg14[%sub3A_1487], %add3A_1493 masked %and3A_1491 : memref<48xi32, #tpu.memory_space<vmem>>[vector<16xi32>], vector<16xi32>, vector<16xi1>
    %reduce_sum3A_1494 = arith.constant true
    %reduce_sum3A_1495 = vector.broadcast %reduce_sum3A_1494 : i1 to vector<16xi1>
    %reduce_sum3A_1496 = tpu.scan <sum>, %convert_element_type3A_1481 masked %reduce_sum3A_1495 : vector<16xi32>, vector<16xi1> -> vector<16xi32>
    %reduce_sum3A_1497 = vector.extract %reduce_sum3A_1496[15] : i32 from vector<16xi32>
    %add3A_1498 = arith.addi %min3A_1473, %reduce_sum3A_1497 : i32
    %min3A_1499 = arith.constant 32 : i32
    %min3A_1500 = arith.minsi %add3A_1498, %min3A_1499 : i32
    %add3A_1501 = arith.constant 608 : i32
    %add3A_1502 = arith.addi %add3A, %add3A_1501 : i32
    %mul3A_1503 = arith.constant 16 : i32
    %mul3A_1504 = arith.muli %add3A_1502, %mul3A_1503 : i32
    %get3A_1505 = arith.index_cast %mul3A_1504 : i32 to index
    %get3A_1506 = tpu.vector_load %arg8[%get3A_1505] {strides = array<i32>} : memref<10256xf32, #tpu.memory_space<vmem>>, vector<16xf32>,
    %ge3A_1507 = arith.cmpf oge, %get3A_1506, %broadcast_in_dim3A_927 : vector<16xf32>
    %convert_element_type3A_1508 = arith.extui %ge3A_1507 : vector<16xi1> to vector<16xi32>
    %broadcast_in_dim3A_1509 = arith.constant true
    %broadcast_in_dim3A_1510 = vector.broadcast %broadcast_in_dim3A_1509 : i1 to vector<16xi1>
    %masked_cumsum3A_1511 = tpu.scan <sum>, %convert_element_type3A_1508 masked %broadcast_in_dim3A_1510 : vector<16xi32>, vector<16xi1> -> vector<16xi32>
    %add3A_1512 = vector.broadcast %min3A_1500 : i32 to vector<16xi32>
    %add3A_1513 = arith.addi %add3A_1512, %masked_cumsum3A_1511 : vector<16xi32>
    %sub3A_1514 = arith.subi %add3A_1513, %convert_element_type3A_1508 : vector<16xi32>
    %lt3A_1515 = arith.constant 32 : i32
    %lt3A_1516 = vector.broadcast %lt3A_1515 : i32 to vector<16xi32>
    %lt3A_1517 = arith.cmpi slt, %sub3A_1514, %lt3A_1516 : vector<16xi32>
    %and3A_1518 = arith.andi %ge3A_1507, %lt3A_1517 : vector<16xi1>
    %add3A_1519 = vector.broadcast %mul3A_1504 : i32 to vector<16xi32>
    %add3A_1520 = arith.addi %iota3A, %add3A_1519 : vector<16xi32>
    tpu.vector_store_idx %arg14[%sub3A_1514], %add3A_1520 masked %and3A_1518 : memref<48xi32, #tpu.memory_space<vmem>>[vector<16xi32>], vector<16xi32>, vector<16xi1>
    %reduce_sum3A_1521 = arith.constant true
    %reduce_sum3A_1522 = vector.broadcast %reduce_sum3A_1521 : i1 to vector<16xi1>
    %reduce_sum3A_1523 = tpu.scan <sum>, %convert_element_type3A_1508 masked %reduce_sum3A_1522 : vector<16xi32>, vector<16xi1> -> vector<16xi32>
    %reduce_sum3A_1524 = vector.extract %reduce_sum3A_1523[15] : i32 from vector<16xi32>
    %add3A_1525 = arith.addi %min3A_1500, %reduce_sum3A_1524 : i32
    %min3A_1526 = arith.constant 32 : i32
    %min3A_1527 = arith.minsi %add3A_1525, %min3A_1526 : i32
    %dma_start3A = arith.constant 0 : i32
    %dma_start3A_1528 = tpu.memref_slice %arg14[%dma_start3A] : memref<48xi32, #tpu.memory_space<vmem>> -> memref<32xi32, #tpu.memory_space<vmem>>
    %dma_start3A_1529 = arith.constant 0 : i32
    %dma_start3A_1530 = arith.constant 0 : i32
    %dma_start3A_1531 = tpu.memref_slice %arg4[%dma_start3A_1529, %dma_start3A_1530] : memref<10240x128xf32, #tpu.memory_space<hbm>> -> memref<10240x128xf32, #tpu.memory_space<hbm>>
    tpu.enqueue_indirect_dma source(%dma_start3A_1531 : memref<10240x128xf32, #tpu.memory_space<hbm>>) target(%arg15 : memref<32x128xf32, #tpu.memory_space<vmem>>) offsets(%dma_start3A_1528 : memref<32xi32, #tpu.memory_space<vmem>>) semaphore(%arg20 : memref<!tpu.dma_semaphore, #tpu.memory_space<semaphore_mem>>)
    %dma_wait3A = arith.constant 0 : i32
    %dma_wait3A_1532 = tpu.memref_slice %arg14[%dma_wait3A] : memref<48xi32, #tpu.memory_space<vmem>> -> memref<32xi32, #tpu.memory_space<vmem>>
    %dma_wait3A_1533 = arith.constant 0 : i32
    %dma_wait3A_1534 = arith.constant 0 : i32
    %dma_wait3A_1535 = tpu.memref_slice %arg4[%dma_wait3A_1533, %dma_wait3A_1534] : memref<10240x128xf32, #tpu.memory_space<hbm>> -> memref<10240x128xf32, #tpu.memory_space<hbm>>
    tpu.wait_indirect_dma semaphore(%arg20 : memref<!tpu.dma_semaphore, #tpu.memory_space<semaphore_mem>>) src(%dma_wait3A_1535 : memref<10240x128xf32, #tpu.memory_space<hbm>>) dst(%arg15 : memref<32x128xf32, #tpu.memory_space<vmem>>)
    %scan3A_1536 = arith.constant 0 : i32
    %scan3A_1537 = arith.constant 0 : i32
    %scan3A_1538 = arith.constant 32 : i32
    %scan3A_1539 = arith.addi %scan3A_1537, %scan3A_1538 : i32
    %scan3A_1540 = arith.constant 1 : i32
    %scan3A_1541 = scf.for %scan3A_1547 = %scan3A_1537 to %scan3A_1539 step %scan3A_1540 iter_args(%scan3A_1548 = %scan3A_1536) -> (i32)  : i32 {
      %get3A_1549 = arith.index_cast %scan3A_1547 : i32 to index
      %get3A_1550 = tpu.vector_load %arg14[%get3A_1549] {strides = array<i32>} : memref<48xi32, #tpu.memory_space<vmem>>, vector<16xi32>,
      %slice3A = vector.extract_strided_slice %get3A_1550 {offsets = [0], sizes = [1], strides = [1]} : vector<16xi32> to vector<1xi32>
      %squeeze3A = vector.extract %slice3A[0] : i32 from vector<1xi32>
      %mul3A_1551 = arith.constant 0 : i32
      %mul3A_1552 = vector.broadcast %mul3A_1551 : i32 to vector<16xi32>
      %mul3A_1553 = arith.muli %iota3A, %mul3A_1552 : vector<16xi32>
      %add3A_1554 = vector.broadcast %scan3A_1547 : i32 to vector<16xi32>
      %add3A_1555 = arith.addi %mul3A_1553, %add3A_1554 : vector<16xi32>
      %lt3A_1556 = vector.broadcast %min3A_1527 : i32 to vector<16xi32>
      %lt3A_1557 = arith.cmpi slt, %add3A_1555, %lt3A_1556 : vector<16xi32>
      %get3A_1558 = arith.index_cast %scan3A_1547 : i32 to index
      %get3A_1559 = arith.constant 0 : index
      %get3A_1560 = tpu.vector_load %arg15[%get3A_1558, %get3A_1559] {strides = array<i32>} : memref<32x128xf32, #tpu.memory_space<vmem>>, vector<16xf32>,
      %ge3A_1561 = arith.cmpf oge, %get3A_1560, %broadcast_in_dim3A_927 : vector<16xf32>
      %and3A_1562 = arith.andi %ge3A_1561, %lt3A_1557 : vector<16xi1>
      %convert_element_type3A_1563 = arith.extui %and3A_1562 : vector<16xi1> to vector<16xi32>
      %broadcast_in_dim3A_1564 = arith.constant true
      %broadcast_in_dim3A_1565 = vector.broadcast %broadcast_in_dim3A_1564 : i1 to vector<16xi1>
      %masked_cumsum3A_1566 = tpu.scan <sum>, %convert_element_type3A_1563 masked %broadcast_in_dim3A_1565 : vector<16xi32>, vector<16xi1> -> vector<16xi32>
      %add3A_1567 = vector.broadcast %scan3A_1548 : i32 to vector<16xi32>
      %add3A_1568 = arith.addi %add3A_1567, %masked_cumsum3A_1566 : vector<16xi32>
      %sub3A_1569 = arith.subi %add3A_1568, %convert_element_type3A_1563 : vector<16xi32>
      %lt3A_1570 = arith.constant 32 : i32
      %lt3A_1571 = vector.broadcast %lt3A_1570 : i32 to vector<16xi32>
      %lt3A_1572 = arith.cmpi slt, %sub3A_1569, %lt3A_1571 : vector<16xi32>
      %and3A_1573 = arith.andi %and3A_1562, %lt3A_1572 : vector<16xi1>
      tpu.vector_store_idx %arg16[%sub3A_1569], %get3A_1560 masked %and3A_1573 : memref<48xf32, #tpu.memory_space<vmem>>[vector<16xi32>], vector<16xf32>, vector<16xi1>
      %mul3A_1574 = arith.constant 128 : i32
      %mul3A_1575 = arith.muli %squeeze3A, %mul3A_1574 : i32
      %add3A_1576 = arith.constant 0 : i32
      %add3A_1577 = arith.addi %mul3A_1575, %add3A_1576 : i32
      %add3A_1578 = vector.broadcast %add3A_1577 : i32 to vector<16xi32>
      %add3A_1579 = arith.addi %iota3A, %add3A_1578 : vector<16xi32>
      %convert_element_type3A_1580 = arith.sitofp %add3A_1579 : vector<16xi32> to vector<16xf32>
      tpu.vector_store_idx %arg17[%sub3A_1569], %convert_element_type3A_1580 masked %and3A_1573 : memref<48xf32, #tpu.memory_space<vmem>>[vector<16xi32>], vector<16xf32>, vector<16xi1>
      %reduce_sum3A_1581 = arith.constant true
      %reduce_sum3A_1582 = vector.broadcast %reduce_sum3A_1581 : i1 to vector<16xi1>
      %reduce_sum3A_1583 = tpu.scan <sum>, %convert_element_type3A_1563 masked %reduce_sum3A_1582 : vector<16xi32>, vector<16xi1> -> vector<16xi32>
      %reduce_sum3A_1584 = vector.extract %reduce_sum3A_1583[15] : i32 from vector<16xi32>
      %add3A_1585 = arith.addi %scan3A_1548, %reduce_sum3A_1584 : i32
      %min3A_1586 = arith.constant 32 : i32
      %min3A_1587 = arith.minsi %add3A_1585, %min3A_1586 : i32
      %get3A_1588 = arith.index_cast %scan3A_1547 : i32 to index
      %get3A_1589 = arith.constant 16 : index
      %get3A_1590 = tpu.vector_load %arg15[%get3A_1588, %get3A_1589] {strides = array<i32>} : memref<32x128xf32, #tpu.memory_space<vmem>>, vector<16xf32>,
      %ge3A_1591 = arith.cmpf oge, %get3A_1590, %broadcast_in_dim3A_927 : vector<16xf32>
      %and3A_1592 = arith.andi %ge3A_1591, %lt3A_1557 : vector<16xi1>
      %convert_element_type3A_1593 = arith.extui %and3A_1592 : vector<16xi1> to vector<16xi32>
      %broadcast_in_dim3A_1594 = arith.constant true
      %broadcast_in_dim3A_1595 = vector.broadcast %broadcast_in_dim3A_1594 : i1 to vector<16xi1>
      %masked_cumsum3A_1596 = tpu.scan <sum>, %convert_element_type3A_1593 masked %broadcast_in_dim3A_1595 : vector<16xi32>, vector<16xi1> -> vector<16xi32>
      %add3A_1597 = vector.broadcast %min3A_1587 : i32 to vector<16xi32>
      %add3A_1598 = arith.addi %add3A_1597, %masked_cumsum3A_1596 : vector<16xi32>
      %sub3A_1599 = arith.subi %add3A_1598, %convert_element_type3A_1593 : vector<16xi32>
      %lt3A_1600 = arith.constant 32 : i32
      %lt3A_1601 = vector.broadcast %lt3A_1600 : i32 to vector<16xi32>
      %lt3A_1602 = arith.cmpi slt, %sub3A_1599, %lt3A_1601 : vector<16xi32>
      %and3A_1603 = arith.andi %and3A_1592, %lt3A_1602 : vector<16xi1>
      tpu.vector_store_idx %arg16[%sub3A_1599], %get3A_1590 masked %and3A_1603 : memref<48xf32, #tpu.memory_space<vmem>>[vector<16xi32>], vector<16xf32>, vector<16xi1>
      %mul3A_1604 = arith.constant 128 : i32
      %mul3A_1605 = arith.muli %squeeze3A, %mul3A_1604 : i32
      %add3A_1606 = arith.constant 16 : i32
      %add3A_1607 = arith.addi %mul3A_1605, %add3A_1606 : i32
      %add3A_1608 = vector.broadcast %add3A_1607 : i32 to vector<16xi32>
      %add3A_1609 = arith.addi %iota3A, %add3A_1608 : vector<16xi32>
      %convert_element_type3A_1610 = arith.sitofp %add3A_1609 : vector<16xi32> to vector<16xf32>
      tpu.vector_store_idx %arg17[%sub3A_1599], %convert_element_type3A_1610 masked %and3A_1603 : memref<48xf32, #tpu.memory_space<vmem>>[vector<16xi32>], vector<16xf32>, vector<16xi1>
      %reduce_sum3A_1611 = arith.constant true
      %reduce_sum3A_1612 = vector.broadcast %reduce_sum3A_1611 : i1 to vector<16xi1>
      %reduce_sum3A_1613 = tpu.scan <sum>, %convert_element_type3A_1593 masked %reduce_sum3A_1612 : vector<16xi32>, vector<16xi1> -> vector<16xi32>
      %reduce_sum3A_1614 = vector.extract %reduce_sum3A_1613[15] : i32 from vector<16xi32>
      %add3A_1615 = arith.addi %min3A_1587, %reduce_sum3A_1614 : i32
      %min3A_1616 = arith.constant 32 : i32
      %min3A_1617 = arith.minsi %add3A_1615, %min3A_1616 : i32
      %get3A_1618 = arith.index_cast %scan3A_1547 : i32 to index
      %get3A_1619 = arith.constant 32 : index
      %get3A_1620 = tpu.vector_load %arg15[%get3A_1618, %get3A_1619] {strides = array<i32>} : memref<32x128xf32, #tpu.memory_space<vmem>>, vector<16xf32>,
      %ge3A_1621 = arith.cmpf oge, %get3A_1620, %broadcast_in_dim3A_927 : vector<16xf32>
      %and3A_1622 = arith.andi %ge3A_1621, %lt3A_1557 : vector<16xi1>
      %convert_element_type3A_1623 = arith.extui %and3A_1622 : vector<16xi1> to vector<16xi32>
      %broadcast_in_dim3A_1624 = arith.constant true
      %broadcast_in_dim3A_1625 = vector.broadcast %broadcast_in_dim3A_1624 : i1 to vector<16xi1>
      %masked_cumsum3A_1626 = tpu.scan <sum>, %convert_element_type3A_1623 masked %broadcast_in_dim3A_1625 : vector<16xi32>, vector<16xi1> -> vector<16xi32>
      %add3A_1627 = vector.broadcast %min3A_1617 : i32 to vector<16xi32>
      %add3A_1628 = arith.addi %add3A_1627, %masked_cumsum3A_1626 : vector<16xi32>
      %sub3A_1629 = arith.subi %add3A_1628, %convert_element_type3A_1623 : vector<16xi32>
      %lt3A_1630 = arith.constant 32 : i32
      %lt3A_1631 = vector.broadcast %lt3A_1630 : i32 to vector<16xi32>
      %lt3A_1632 = arith.cmpi slt, %sub3A_1629, %lt3A_1631 : vector<16xi32>
      %and3A_1633 = arith.andi %and3A_1622, %lt3A_1632 : vector<16xi1>
      tpu.vector_store_idx %arg16[%sub3A_1629], %get3A_1620 masked %and3A_1633 : memref<48xf32, #tpu.memory_space<vmem>>[vector<16xi32>], vector<16xf32>, vector<16xi1>
      %mul3A_1634 = arith.constant 128 : i32
      %mul3A_1635 = arith.muli %squeeze3A, %mul3A_1634 : i32
      %add3A_1636 = arith.constant 32 : i32
      %add3A_1637 = arith.addi %mul3A_1635, %add3A_1636 : i32
      %add3A_1638 = vector.broadcast %add3A_1637 : i32 to vector<16xi32>
      %add3A_1639 = arith.addi %iota3A, %add3A_1638 : vector<16xi32>
      %convert_element_type3A_1640 = arith.sitofp %add3A_1639 : vector<16xi32> to vector<16xf32>
      tpu.vector_store_idx %arg17[%sub3A_1629], %convert_element_type3A_1640 masked %and3A_1633 : memref<48xf32, #tpu.memory_space<vmem>>[vector<16xi32>], vector<16xf32>, vector<16xi1>
      %reduce_sum3A_1641 = arith.constant true
      %reduce_sum3A_1642 = vector.broadcast %reduce_sum3A_1641 : i1 to vector<16xi1>
      %reduce_sum3A_1643 = tpu.scan <sum>, %convert_element_type3A_1623 masked %reduce_sum3A_1642 : vector<16xi32>, vector<16xi1> -> vector<16xi32>
      %reduce_sum3A_1644 = vector.extract %reduce_sum3A_1643[15] : i32 from vector<16xi32>
      %add3A_1645 = arith.addi %min3A_1617, %reduce_sum3A_1644 : i32
      %min3A_1646 = arith.constant 32 : i32
      %min3A_1647 = arith.minsi %add3A_1645, %min3A_1646 : i32
      %get3A_1648 = arith.index_cast %scan3A_1547 : i32 to index
      %get3A_1649 = arith.constant 48 : index
      %get3A_1650 = tpu.vector_load %arg15[%get3A_1648, %get3A_1649] {strides = array<i32>} : memref<32x128xf32, #tpu.memory_space<vmem>>, vector<16xf32>,
      %ge3A_1651 = arith.cmpf oge, %get3A_1650, %broadcast_in_dim3A_927 : vector<16xf32>
      %and3A_1652 = arith.andi %ge3A_1651, %lt3A_1557 : vector<16xi1>
      %convert_element_type3A_1653 = arith.extui %and3A_1652 : vector<16xi1> to vector<16xi32>
      %broadcast_in_dim3A_1654 = arith.constant true
      %broadcast_in_dim3A_1655 = vector.broadcast %broadcast_in_dim3A_1654 : i1 to vector<16xi1>
      %masked_cumsum3A_1656 = tpu.scan <sum>, %convert_element_type3A_1653 masked %broadcast_in_dim3A_1655 : vector<16xi32>, vector<16xi1> -> vector<16xi32>
      %add3A_1657 = vector.broadcast %min3A_1647 : i32 to vector<16xi32>
      %add3A_1658 = arith.addi %add3A_1657, %masked_cumsum3A_1656 : vector<16xi32>
      %sub3A_1659 = arith.subi %add3A_1658, %convert_element_type3A_1653 : vector<16xi32>
      %lt3A_1660 = arith.constant 32 : i32
      %lt3A_1661 = vector.broadcast %lt3A_1660 : i32 to vector<16xi32>
      %lt3A_1662 = arith.cmpi slt, %sub3A_1659, %lt3A_1661 : vector<16xi32>
      %and3A_1663 = arith.andi %and3A_1652, %lt3A_1662 : vector<16xi1>
      tpu.vector_store_idx %arg16[%sub3A_1659], %get3A_1650 masked %and3A_1663 : memref<48xf32, #tpu.memory_space<vmem>>[vector<16xi32>], vector<16xf32>, vector<16xi1>
      %mul3A_1664 = arith.constant 128 : i32
      %mul3A_1665 = arith.muli %squeeze3A, %mul3A_1664 : i32
      %add3A_1666 = arith.constant 48 : i32
      %add3A_1667 = arith.addi %mul3A_1665, %add3A_1666 : i32
      %add3A_1668 = vector.broadcast %add3A_1667 : i32 to vector<16xi32>
      %add3A_1669 = arith.addi %iota3A, %add3A_1668 : vector<16xi32>
      %convert_element_type3A_1670 = arith.sitofp %add3A_1669 : vector<16xi32> to vector<16xf32>
      tpu.vector_store_idx %arg17[%sub3A_1659], %convert_element_type3A_1670 masked %and3A_1663 : memref<48xf32, #tpu.memory_space<vmem>>[vector<16xi32>], vector<16xf32>, vector<16xi1>
      %reduce_sum3A_1671 = arith.constant true
      %reduce_sum3A_1672 = vector.broadcast %reduce_sum3A_1671 : i1 to vector<16xi1>
      %reduce_sum3A_1673 = tpu.scan <sum>, %convert_element_type3A_1653 masked %reduce_sum3A_1672 : vector<16xi32>, vector<16xi1> -> vector<16xi32>
      %reduce_sum3A_1674 = vector.extract %reduce_sum3A_1673[15] : i32 from vector<16xi32>
      %add3A_1675 = arith.addi %min3A_1647, %reduce_sum3A_1674 : i32
      %min3A_1676 = arith.constant 32 : i32
      %min3A_1677 = arith.minsi %add3A_1675, %min3A_1676 : i32
      %get3A_1678 = arith.index_cast %scan3A_1547 : i32 to index
      %get3A_1679 = arith.constant 64 : index
      %get3A_1680 = tpu.vector_load %arg15[%get3A_1678, %get3A_1679] {strides = array<i32>} : memref<32x128xf32, #tpu.memory_space<vmem>>, vector<16xf32>,
      %ge3A_1681 = arith.cmpf oge, %get3A_1680, %broadcast_in_dim3A_927 : vector<16xf32>
      %and3A_1682 = arith.andi %ge3A_1681, %lt3A_1557 : vector<16xi1>
      %convert_element_type3A_1683 = arith.extui %and3A_1682 : vector<16xi1> to vector<16xi32>
      %broadcast_in_dim3A_1684 = arith.constant true
      %broadcast_in_dim3A_1685 = vector.broadcast %broadcast_in_dim3A_1684 : i1 to vector<16xi1>
      %masked_cumsum3A_1686 = tpu.scan <sum>, %convert_element_type3A_1683 masked %broadcast_in_dim3A_1685 : vector<16xi32>, vector<16xi1> -> vector<16xi32>
      %add3A_1687 = vector.broadcast %min3A_1677 : i32 to vector<16xi32>
      %add3A_1688 = arith.addi %add3A_1687, %masked_cumsum3A_1686 : vector<16xi32>
      %sub3A_1689 = arith.subi %add3A_1688, %convert_element_type3A_1683 : vector<16xi32>
      %lt3A_1690 = arith.constant 32 : i32
      %lt3A_1691 = vector.broadcast %lt3A_1690 : i32 to vector<16xi32>
      %lt3A_1692 = arith.cmpi slt, %sub3A_1689, %lt3A_1691 : vector<16xi32>
      %and3A_1693 = arith.andi %and3A_1682, %lt3A_1692 : vector<16xi1>
      tpu.vector_store_idx %arg16[%sub3A_1689], %get3A_1680 masked %and3A_1693 : memref<48xf32, #tpu.memory_space<vmem>>[vector<16xi32>], vector<16xf32>, vector<16xi1>
      %mul3A_1694 = arith.constant 128 : i32
      %mul3A_1695 = arith.muli %squeeze3A, %mul3A_1694 : i32
      %add3A_1696 = arith.constant 64 : i32
      %add3A_1697 = arith.addi %mul3A_1695, %add3A_1696 : i32
      %add3A_1698 = vector.broadcast %add3A_1697 : i32 to vector<16xi32>
      %add3A_1699 = arith.addi %iota3A, %add3A_1698 : vector<16xi32>
      %convert_element_type3A_1700 = arith.sitofp %add3A_1699 : vector<16xi32> to vector<16xf32>
      tpu.vector_store_idx %arg17[%sub3A_1689], %convert_element_type3A_1700 masked %and3A_1693 : memref<48xf32, #tpu.memory_space<vmem>>[vector<16xi32>], vector<16xf32>, vector<16xi1>
      %reduce_sum3A_1701 = arith.constant true
      %reduce_sum3A_1702 = vector.broadcast %reduce_sum3A_1701 : i1 to vector<16xi1>
      %reduce_sum3A_1703 = tpu.scan <sum>, %convert_element_type3A_1683 masked %reduce_sum3A_1702 : vector<16xi32>, vector<16xi1> -> vector<16xi32>
      %reduce_sum3A_1704 = vector.extract %reduce_sum3A_1703[15] : i32 from vector<16xi32>
      %add3A_1705 = arith.addi %min3A_1677, %reduce_sum3A_1704 : i32
      %min3A_1706 = arith.constant 32 : i32
      %min3A_1707 = arith.minsi %add3A_1705, %min3A_1706 : i32
      %get3A_1708 = arith.index_cast %scan3A_1547 : i32 to index
      %get3A_1709 = arith.constant 80 : index
      %get3A_1710 = tpu.vector_load %arg15[%get3A_1708, %get3A_1709] {strides = array<i32>} : memref<32x128xf32, #tpu.memory_space<vmem>>, vector<16xf32>,
      %ge3A_1711 = arith.cmpf oge, %get3A_1710, %broadcast_in_dim3A_927 : vector<16xf32>
      %and3A_1712 = arith.andi %ge3A_1711, %lt3A_1557 : vector<16xi1>
      %convert_element_type3A_1713 = arith.extui %and3A_1712 : vector<16xi1> to vector<16xi32>
      %broadcast_in_dim3A_1714 = arith.constant true
      %broadcast_in_dim3A_1715 = vector.broadcast %broadcast_in_dim3A_1714 : i1 to vector<16xi1>
      %masked_cumsum3A_1716 = tpu.scan <sum>, %convert_element_type3A_1713 masked %broadcast_in_dim3A_1715 : vector<16xi32>, vector<16xi1> -> vector<16xi32>
      %add3A_1717 = vector.broadcast %min3A_1707 : i32 to vector<16xi32>
      %add3A_1718 = arith.addi %add3A_1717, %masked_cumsum3A_1716 : vector<16xi32>
      %sub3A_1719 = arith.subi %add3A_1718, %convert_element_type3A_1713 : vector<16xi32>
      %lt3A_1720 = arith.constant 32 : i32
      %lt3A_1721 = vector.broadcast %lt3A_1720 : i32 to vector<16xi32>
      %lt3A_1722 = arith.cmpi slt, %sub3A_1719, %lt3A_1721 : vector<16xi32>
      %and3A_1723 = arith.andi %and3A_1712, %lt3A_1722 : vector<16xi1>
      tpu.vector_store_idx %arg16[%sub3A_1719], %get3A_1710 masked %and3A_1723 : memref<48xf32, #tpu.memory_space<vmem>>[vector<16xi32>], vector<16xf32>, vector<16xi1>
      %mul3A_1724 = arith.constant 128 : i32
      %mul3A_1725 = arith.muli %squeeze3A, %mul3A_1724 : i32
      %add3A_1726 = arith.constant 80 : i32
      %add3A_1727 = arith.addi %mul3A_1725, %add3A_1726 : i32
      %add3A_1728 = vector.broadcast %add3A_1727 : i32 to vector<16xi32>
      %add3A_1729 = arith.addi %iota3A, %add3A_1728 : vector<16xi32>
      %convert_element_type3A_1730 = arith.sitofp %add3A_1729 : vector<16xi32> to vector<16xf32>
      tpu.vector_store_idx %arg17[%sub3A_1719], %convert_element_type3A_1730 masked %and3A_1723 : memref<48xf32, #tpu.memory_space<vmem>>[vector<16xi32>], vector<16xf32>, vector<16xi1>
      %reduce_sum3A_1731 = arith.constant true
      %reduce_sum3A_1732 = vector.broadcast %reduce_sum3A_1731 : i1 to vector<16xi1>
      %reduce_sum3A_1733 = tpu.scan <sum>, %convert_element_type3A_1713 masked %reduce_sum3A_1732 : vector<16xi32>, vector<16xi1> -> vector<16xi32>
      %reduce_sum3A_1734 = vector.extract %reduce_sum3A_1733[15] : i32 from vector<16xi32>
      %add3A_1735 = arith.addi %min3A_1707, %reduce_sum3A_1734 : i32
      %min3A_1736 = arith.constant 32 : i32
      %min3A_1737 = arith.minsi %add3A_1735, %min3A_1736 : i32
      %get3A_1738 = arith.index_cast %scan3A_1547 : i32 to index
      %get3A_1739 = arith.constant 96 : index
      %get3A_1740 = tpu.vector_load %arg15[%get3A_1738, %get3A_1739] {strides = array<i32>} : memref<32x128xf32, #tpu.memory_space<vmem>>, vector<16xf32>,
      %ge3A_1741 = arith.cmpf oge, %get3A_1740, %broadcast_in_dim3A_927 : vector<16xf32>
      %and3A_1742 = arith.andi %ge3A_1741, %lt3A_1557 : vector<16xi1>
      %convert_element_type3A_1743 = arith.extui %and3A_1742 : vector<16xi1> to vector<16xi32>
      %broadcast_in_dim3A_1744 = arith.constant true
      %broadcast_in_dim3A_1745 = vector.broadcast %broadcast_in_dim3A_1744 : i1 to vector<16xi1>
      %masked_cumsum3A_1746 = tpu.scan <sum>, %convert_element_type3A_1743 masked %broadcast_in_dim3A_1745 : vector<16xi32>, vector<16xi1> -> vector<16xi32>
      %add3A_1747 = vector.broadcast %min3A_1737 : i32 to vector<16xi32>
      %add3A_1748 = arith.addi %add3A_1747, %masked_cumsum3A_1746 : vector<16xi32>
      %sub3A_1749 = arith.subi %add3A_1748, %convert_element_type3A_1743 : vector<16xi32>
      %lt3A_1750 = arith.constant 32 : i32
      %lt3A_1751 = vector.broadcast %lt3A_1750 : i32 to vector<16xi32>
      %lt3A_1752 = arith.cmpi slt, %sub3A_1749, %lt3A_1751 : vector<16xi32>
      %and3A_1753 = arith.andi %and3A_1742, %lt3A_1752 : vector<16xi1>
      tpu.vector_store_idx %arg16[%sub3A_1749], %get3A_1740 masked %and3A_1753 : memref<48xf32, #tpu.memory_space<vmem>>[vector<16xi32>], vector<16xf32>, vector<16xi1>
      %mul3A_1754 = arith.constant 128 : i32
      %mul3A_1755 = arith.muli %squeeze3A, %mul3A_1754 : i32
      %add3A_1756 = arith.constant 96 : i32
      %add3A_1757 = arith.addi %mul3A_1755, %add3A_1756 : i32
      %add3A_1758 = vector.broadcast %add3A_1757 : i32 to vector<16xi32>
      %add3A_1759 = arith.addi %iota3A, %add3A_1758 : vector<16xi32>
      %convert_element_type3A_1760 = arith.sitofp %add3A_1759 : vector<16xi32> to vector<16xf32>
      tpu.vector_store_idx %arg17[%sub3A_1749], %convert_element_type3A_1760 masked %and3A_1753 : memref<48xf32, #tpu.memory_space<vmem>>[vector<16xi32>], vector<16xf32>, vector<16xi1>
      %reduce_sum3A_1761 = arith.constant true
      %reduce_sum3A_1762 = vector.broadcast %reduce_sum3A_1761 : i1 to vector<16xi1>
      %reduce_sum3A_1763 = tpu.scan <sum>, %convert_element_type3A_1743 masked %reduce_sum3A_1762 : vector<16xi32>, vector<16xi1> -> vector<16xi32>
      %reduce_sum3A_1764 = vector.extract %reduce_sum3A_1763[15] : i32 from vector<16xi32>
      %add3A_1765 = arith.addi %min3A_1737, %reduce_sum3A_1764 : i32
      %min3A_1766 = arith.constant 32 : i32
      %min3A_1767 = arith.minsi %add3A_1765, %min3A_1766 : i32
      %get3A_1768 = arith.index_cast %scan3A_1547 : i32 to index
      %get3A_1769 = arith.constant 112 : index
      %get3A_1770 = tpu.vector_load %arg15[%get3A_1768, %get3A_1769] {strides = array<i32>} : memref<32x128xf32, #tpu.memory_space<vmem>>, vector<16xf32>,
      %ge3A_1771 = arith.cmpf oge, %get3A_1770, %broadcast_in_dim3A_927 : vector<16xf32>
      %and3A_1772 = arith.andi %ge3A_1771, %lt3A_1557 : vector<16xi1>
      %convert_element_type3A_1773 = arith.extui %and3A_1772 : vector<16xi1> to vector<16xi32>
      %broadcast_in_dim3A_1774 = arith.constant true
      %broadcast_in_dim3A_1775 = vector.broadcast %broadcast_in_dim3A_1774 : i1 to vector<16xi1>
      %masked_cumsum3A_1776 = tpu.scan <sum>, %convert_element_type3A_1773 masked %broadcast_in_dim3A_1775 : vector<16xi32>, vector<16xi1> -> vector<16xi32>
      %add3A_1777 = vector.broadcast %min3A_1767 : i32 to vector<16xi32>
      %add3A_1778 = arith.addi %add3A_1777, %masked_cumsum3A_1776 : vector<16xi32>
      %sub3A_1779 = arith.subi %add3A_1778, %convert_element_type3A_1773 : vector<16xi32>
      %lt3A_1780 = arith.constant 32 : i32
      %lt3A_1781 = vector.broadcast %lt3A_1780 : i32 to vector<16xi32>
      %lt3A_1782 = arith.cmpi slt, %sub3A_1779, %lt3A_1781 : vector<16xi32>
      %and3A_1783 = arith.andi %and3A_1772, %lt3A_1782 : vector<16xi1>
      tpu.vector_store_idx %arg16[%sub3A_1779], %get3A_1770 masked %and3A_1783 : memref<48xf32, #tpu.memory_space<vmem>>[vector<16xi32>], vector<16xf32>, vector<16xi1>
      %mul3A_1784 = arith.constant 128 : i32
      %mul3A_1785 = arith.muli %squeeze3A, %mul3A_1784 : i32
      %add3A_1786 = arith.constant 112 : i32
      %add3A_1787 = arith.addi %mul3A_1785, %add3A_1786 : i32
      %add3A_1788 = vector.broadcast %add3A_1787 : i32 to vector<16xi32>
      %add3A_1789 = arith.addi %iota3A, %add3A_1788 : vector<16xi32>
      %convert_element_type3A_1790 = arith.sitofp %add3A_1789 : vector<16xi32> to vector<16xf32>
      tpu.vector_store_idx %arg17[%sub3A_1779], %convert_element_type3A_1790 masked %and3A_1783 : memref<48xf32, #tpu.memory_space<vmem>>[vector<16xi32>], vector<16xf32>, vector<16xi1>
      %reduce_sum3A_1791 = arith.constant true
      %reduce_sum3A_1792 = vector.broadcast %reduce_sum3A_1791 : i1 to vector<16xi1>
      %reduce_sum3A_1793 = tpu.scan <sum>, %convert_element_type3A_1773 masked %reduce_sum3A_1792 : vector<16xi32>, vector<16xi1> -> vector<16xi32>
      %reduce_sum3A_1794 = vector.extract %reduce_sum3A_1793[15] : i32 from vector<16xi32>
      %add3A_1795 = arith.addi %min3A_1767, %reduce_sum3A_1794 : i32
      %min3A_1796 = arith.constant 32 : i32
      %min3A_1797 = arith.minsi %add3A_1795, %min3A_1796 : i32
      scf.yield %min3A_1797 : i32
    }
    %scan3A_1542 = arith.constant 32 : i32
    %mul3A_1543 = arith.constant 32 : i32
    %mul3A_1544 = arith.muli %add3A, %mul3A_1543 : i32
    "tpu.region"() ({
      %run_scoped3A_1547 = tpu.sem_alloc : memref<!tpu.dma_semaphore, #tpu.memory_space<semaphore_mem>>
      %dma_start3A_1548 = arith.constant 0 : i32
      %dma_start3A_1549 = tpu.memref_slice %arg16[%dma_start3A_1548] : memref<48xf32, #tpu.memory_space<vmem>> -> memref<32xf32, #tpu.memory_space<vmem>>
      %dma_start3A_1550 = tpu.memref_slice %arg5[%mul3A_1544] : memref<1024xf32, #tpu.memory_space<hbm>> -> memref<32xf32, #tpu.memory_space<hbm>>
      %dma_start3A_1551 = tpu.memref_slice %arg5[%mul3A_1544] : memref<1024xf32, #tpu.memory_space<hbm>> -> memref<32xf32, #tpu.memory_space<hbm>>
      %dma_start3A_1552 = arith.constant 0 : i32
      %dma_start3A_1553 = tpu.memref_slice %arg16[%dma_start3A_1552] : memref<48xf32, #tpu.memory_space<vmem>> -> memref<32xf32, #tpu.memory_space<vmem>>
      tpu.enqueue_dma source(%dma_start3A_1553 : memref<32xf32, #tpu.memory_space<vmem>>) target(%dma_start3A_1551 : memref<32xf32, #tpu.memory_space<hbm>>) target_semaphore(%run_scoped3A_1547 : memref<!tpu.dma_semaphore, #tpu.memory_space<semaphore_mem>>)
      %dma_wait3A_1554 = arith.constant 0 : i32
      %dma_wait3A_1555 = tpu.memref_slice %arg16[%dma_wait3A_1554] : memref<48xf32, #tpu.memory_space<vmem>> -> memref<32xf32, #tpu.memory_space<vmem>>
      %dma_wait3A_1556 = tpu.memref_slice %arg5[%mul3A_1544] : memref<1024xf32, #tpu.memory_space<hbm>> -> memref<32xf32, #tpu.memory_space<hbm>>
      %dma_wait3A_1557 = tpu.memref_slice %arg5[%mul3A_1544] : memref<1024xf32, #tpu.memory_space<hbm>> -> memref<32xf32, #tpu.memory_space<hbm>>
      %dma_wait3A_1558 = arith.constant 0 : i32
      %dma_wait3A_1559 = tpu.memref_slice %arg16[%dma_wait3A_1558] : memref<48xf32, #tpu.memory_space<vmem>> -> memref<32xf32, #tpu.memory_space<vmem>>
      tpu.wait_dma2 semaphore(%run_scoped3A_1547 : memref<!tpu.dma_semaphore, #tpu.memory_space<semaphore_mem>>) src(%dma_wait3A_1559 : memref<32xf32, #tpu.memory_space<vmem>>) dst(%dma_wait3A_1557 : memref<32xf32, #tpu.memory_space<hbm>>)
      tpu.yield
    }) : () -> ()
    %mul3A_1545 = arith.constant 32 : i32
    %mul3A_1546 = arith.muli %add3A, %mul3A_1545 : i32
    "tpu.region"() ({
      %run_scoped3A_1547 = tpu.sem_alloc : memref<!tpu.dma_semaphore, #tpu.memory_space<semaphore_mem>>
      %dma_start3A_1548 = arith.constant 0 : i32
      %dma_start3A_1549 = tpu.memref_slice %arg17[%dma_start3A_1548] : memref<48xf32, #tpu.memory_space<vmem>> -> memref<32xf32, #tpu.memory_space<vmem>>
      %dma_start3A_1550 = tpu.memref_slice %arg6[%mul3A_1546] : memref<1024xf32, #tpu.memory_space<hbm>> -> memref<32xf32, #tpu.memory_space<hbm>>
      %dma_start3A_1551 = tpu.memref_slice %arg6[%mul3A_1546] : memref<1024xf32, #tpu.memory_space<hbm>> -> memref<32xf32, #tpu.memory_space<hbm>>
      %dma_start3A_1552 = arith.constant 0 : i32
      %dma_start3A_1553 = tpu.memref_slice %arg17[%dma_start3A_1552] : memref<48xf32, #tpu.memory_space<vmem>> -> memref<32xf32, #tpu.memory_space<vmem>>
      tpu.enqueue_dma source(%dma_start3A_1553 : memref<32xf32, #tpu.memory_space<vmem>>) target(%dma_start3A_1551 : memref<32xf32, #tpu.memory_space<hbm>>) target_semaphore(%run_scoped3A_1547 : memref<!tpu.dma_semaphore, #tpu.memory_space<semaphore_mem>>)
      %dma_wait3A_1554 = arith.constant 0 : i32
      %dma_wait3A_1555 = tpu.memref_slice %arg17[%dma_wait3A_1554] : memref<48xf32, #tpu.memory_space<vmem>> -> memref<32xf32, #tpu.memory_space<vmem>>
      %dma_wait3A_1556 = tpu.memref_slice %arg6[%mul3A_1546] : memref<1024xf32, #tpu.memory_space<hbm>> -> memref<32xf32, #tpu.memory_space<hbm>>
      %dma_wait3A_1557 = tpu.memref_slice %arg6[%mul3A_1546] : memref<1024xf32, #tpu.memory_space<hbm>> -> memref<32xf32, #tpu.memory_space<hbm>>
      %dma_wait3A_1558 = arith.constant 0 : i32
      %dma_wait3A_1559 = tpu.memref_slice %arg17[%dma_wait3A_1558] : memref<48xf32, #tpu.memory_space<vmem>> -> memref<32xf32, #tpu.memory_space<vmem>>
      tpu.wait_dma2 semaphore(%run_scoped3A_1547 : memref<!tpu.dma_semaphore, #tpu.memory_space<semaphore_mem>>) src(%dma_wait3A_1559 : memref<32xf32, #tpu.memory_space<vmem>>) dst(%dma_wait3A_1557 : memref<32xf32, #tpu.memory_space<hbm>>)
      tpu.yield
    }) : () -> ()
    return
  }
}

module attributes {stable_mosaic.version = 14 : i64} {
  func.func @_nms_body(%arg0: i32, %arg1: memref<8x128x128xf32, #tpu.memory_space<vmem>>, %arg2: memref<8x128x128xf32, #tpu.memory_space<vmem>>, %arg3: memref<8x128xf32, #tpu.memory_space<vmem>>, %arg4: memref<8x4xf32, #tpu.memory_space<vmem>>) attributes {dimension_semantics = [#tpu.dimension_semantics<arbitrary>], iteration_bounds = array<i64: 10>, scalar_prefetch = 0 : i64, scratch_operands = 0 : i64, tpu.core_type = #tpu.core_type<tc>, window_params = [{transform_indices = @transform_0, window_bounds = array<i64: 8, 128, 128>}, {transform_indices = @transform_1, window_bounds = array<i64: 8, 128, 128>}, {transform_indices = @transform_2, window_bounds = array<i64: 8, 128>}, {transform_indices = @transform_3, window_bounds = array<i64: 8, 4>}]} {
    %get3A = arith.constant 0 : index
    %get3A_0 = arith.constant 0 : index
    %get3A_1 = arith.constant 0 : index
    %get3A_2 = vector.load %arg1[%get3A, %get3A_0, %get3A_1] : memref<8x128x128xf32, #tpu.memory_space<vmem>>, vector<8x128x128xf32>
    %logistic3A = arith.negf %get3A_2 : vector<8x128x128xf32>
    %logistic3A_3 = math.exp %logistic3A : vector<8x128x128xf32>
    %logistic3A_4 = arith.constant 1.000000e+00 : f32
    %logistic3A_5 = vector.broadcast %logistic3A_4 : f32 to vector<8x128x128xf32>
    %logistic3A_6 = arith.addf %logistic3A_5, %logistic3A_3 : vector<8x128x128xf32>
    %logistic3A_7 = arith.divf %logistic3A_5, %logistic3A_6 : vector<8x128x128xf32>
    %jit3A = arith.constant 9.99999974E-5 : f32
    %jit3A_8 = arith.constant 0.999899983 : f32
    %max3A = vector.broadcast %jit3A : f32 to vector<8x128x128xf32>
    %max3A_9 = arith.maximumf %max3A, %logistic3A_7 : vector<8x128x128xf32>
    %min3A = vector.broadcast %jit3A_8 : f32 to vector<8x128x128xf32>
    %min3A_10 = arith.minimumf %min3A, %max3A_9 : vector<8x128x128xf32>
    %broadcast_in_dim3A = arith.constant -1.000000e+30 : f32
    %broadcast_in_dim3A_11 = vector.broadcast %broadcast_in_dim3A : f32 to vector<8x128x1xf32>
    %slice3A = vector.extract_strided_slice %min3A_10 {offsets = [0, 0, 1], sizes = [8, 128, 127], strides = [1, 1, 1]} : vector<8x128x128xf32> to vector<8x128x127xf32>
    %concatenate3A = tpu.concatenate %slice3A, %broadcast_in_dim3A_11 in 2 : vector<8x128x127xf32>, vector<8x128x1xf32> -> vector<8x128x128xf32>
    %slice3A_12 = vector.extract_strided_slice %min3A_10 {offsets = [0, 0, 0], sizes = [8, 128, 127], strides = [1, 1, 1]} : vector<8x128x128xf32> to vector<8x128x127xf32>
    %concatenate3A_13 = tpu.concatenate %broadcast_in_dim3A_11, %slice3A_12 in 2 : vector<8x128x1xf32>, vector<8x128x127xf32> -> vector<8x128x128xf32>
    %max3A_14 = arith.maximumf %concatenate3A, %concatenate3A_13 : vector<8x128x128xf32>
    %max3A_15 = arith.maximumf %min3A_10, %max3A_14 : vector<8x128x128xf32>
    %broadcast_in_dim3A_16 = arith.constant -1.000000e+30 : f32
    %broadcast_in_dim3A_17 = vector.broadcast %broadcast_in_dim3A_16 : f32 to vector<8x1x128xf32>
    %slice3A_18 = vector.extract_strided_slice %max3A_15 {offsets = [0, 1, 0], sizes = [8, 127, 128], strides = [1, 1, 1]} : vector<8x128x128xf32> to vector<8x127x128xf32>
    %concatenate3A_19 = tpu.concatenate %slice3A_18, %broadcast_in_dim3A_17 in 1 : vector<8x127x128xf32>, vector<8x1x128xf32> -> vector<8x128x128xf32>
    %slice3A_20 = vector.extract_strided_slice %max3A_15 {offsets = [0, 0, 0], sizes = [8, 127, 128], strides = [1, 1, 1]} : vector<8x128x128xf32> to vector<8x127x128xf32>
    %concatenate3A_21 = tpu.concatenate %broadcast_in_dim3A_17, %slice3A_20 in 1 : vector<8x1x128xf32>, vector<8x127x128xf32> -> vector<8x128x128xf32>
    %max3A_22 = arith.maximumf %concatenate3A_19, %concatenate3A_21 : vector<8x128x128xf32>
    %max3A_23 = arith.maximumf %max3A_15, %max3A_22 : vector<8x128x128xf32>
    %eq3A = arith.cmpf oeq, %max3A_23, %min3A_10 : vector<8x128x128xf32>
    %jit3A_24 = arith.constant 0.000000e+00 : f32
    %broadcast_in_dim3A_25 = vector.broadcast %jit3A_24 : f32 to vector<8x128x128xf32>
    %select_n3A = arith.select %eq3A, %min3A_10, %broadcast_in_dim3A_25 : vector<8x128x128xi1>, vector<8x128x128xf32>
    %swap3A = arith.constant 0 : index
    %swap3A_26 = arith.constant 0 : index
    %swap3A_27 = arith.constant 0 : index
    %swap3A_28 = vector.load %arg2[%swap3A, %swap3A_26, %swap3A_27] : memref<8x128x128xf32, #tpu.memory_space<vmem>>, vector<8x128x128xf32>
    tpu.vector_store %arg2[%swap3A, %swap3A_26, %swap3A_27], %select_n3A {strides = array<i32>} : memref<8x128x128xf32, #tpu.memory_space<vmem>>, vector<8x128x128xf32>,
    %reduce_max3A = arith.constant dense<0xFF800000> : vector<8x128xf32>
    %reduce_max3A_29 = vector.multi_reduction <maximumf>, %select_n3A, %reduce_max3A [2] : vector<8x128x128xf32> to vector<8x128xf32>
    %swap3A_30 = arith.constant 0 : index
    %swap3A_31 = arith.constant 0 : index
    %swap3A_32 = vector.load %arg3[%swap3A_30, %swap3A_31] : memref<8x128xf32, #tpu.memory_space<vmem>>, vector<8x128xf32>
    tpu.vector_store %arg3[%swap3A_30, %swap3A_31], %reduce_max3A_29 {strides = array<i32>} : memref<8x128xf32, #tpu.memory_space<vmem>>, vector<8x128xf32>,
    %slice3A_33 = vector.extract_strided_slice %reduce_max3A_29 {offsets = [0, 0], sizes = [8, 32], strides = [1, 1]} : vector<8x128xf32> to vector<8x32xf32>
    %reduce_max3A_34 = arith.constant dense<0xFF800000> : vector<8xf32>
    %reduce_max3A_35 = vector.multi_reduction <maximumf>, %slice3A_33, %reduce_max3A_34 [1] : vector<8x32xf32> to vector<8xf32>
    %broadcast_in_dim3A_36 = vector.shape_cast %reduce_max3A_35 : vector<8xf32> to vector<8x1xf32>
    %slice3A_37 = vector.extract_strided_slice %reduce_max3A_29 {offsets = [0, 32], sizes = [8, 32], strides = [1, 1]} : vector<8x128xf32> to vector<8x32xf32>
    %reduce_max3A_38 = arith.constant dense<0xFF800000> : vector<8xf32>
    %reduce_max3A_39 = vector.multi_reduction <maximumf>, %slice3A_37, %reduce_max3A_38 [1] : vector<8x32xf32> to vector<8xf32>
    %broadcast_in_dim3A_40 = vector.shape_cast %reduce_max3A_39 : vector<8xf32> to vector<8x1xf32>
    %slice3A_41 = vector.extract_strided_slice %reduce_max3A_29 {offsets = [0, 64], sizes = [8, 32], strides = [1, 1]} : vector<8x128xf32> to vector<8x32xf32>
    %reduce_max3A_42 = arith.constant dense<0xFF800000> : vector<8xf32>
    %reduce_max3A_43 = vector.multi_reduction <maximumf>, %slice3A_41, %reduce_max3A_42 [1] : vector<8x32xf32> to vector<8xf32>
    %broadcast_in_dim3A_44 = vector.shape_cast %reduce_max3A_43 : vector<8xf32> to vector<8x1xf32>
    %slice3A_45 = vector.extract_strided_slice %reduce_max3A_29 {offsets = [0, 96], sizes = [8, 32], strides = [1, 1]} : vector<8x128xf32> to vector<8x32xf32>
    %reduce_max3A_46 = arith.constant dense<0xFF800000> : vector<8xf32>
    %reduce_max3A_47 = vector.multi_reduction <maximumf>, %slice3A_45, %reduce_max3A_46 [1] : vector<8x32xf32> to vector<8xf32>
    %broadcast_in_dim3A_48 = vector.shape_cast %reduce_max3A_47 : vector<8xf32> to vector<8x1xf32>
    %concatenate3A_49 = tpu.concatenate %broadcast_in_dim3A_36, %broadcast_in_dim3A_40, %broadcast_in_dim3A_44, %broadcast_in_dim3A_48 in 1 : vector<8x1xf32>, vector<8x1xf32>, vector<8x1xf32>, vector<8x1xf32> -> vector<8x4xf32>
    %swap3A_50 = arith.constant 0 : index
    %swap3A_51 = arith.constant 0 : index
    %swap3A_52 = vector.load %arg4[%swap3A_50, %swap3A_51] : memref<8x4xf32, #tpu.memory_space<vmem>>, vector<8x4xf32>
    tpu.vector_store %arg4[%swap3A_50, %swap3A_51], %concatenate3A_49 {strides = array<i32>} : memref<8x4xf32, #tpu.memory_space<vmem>>, vector<8x4xf32>,
    return
  }
  func.func @transform_0(%arg0: i32) -> (i32, i32, i32) {
    %c0_i32 = arith.constant 0 : i32
    %c0_i32_0 = arith.constant 0 : i32
    %c0_i32_1 = arith.constant 0 : i32
    return %arg0, %c0_i32, %c0_i32_0 : i32, i32, i32
  }
  func.func @transform_1(%arg0: i32) -> (i32, i32, i32) {
    %c0_i32 = arith.constant 0 : i32
    %c0_i32_0 = arith.constant 0 : i32
    %c0_i32_1 = arith.constant 0 : i32
    return %arg0, %c0_i32, %c0_i32_0 : i32, i32, i32
  }
  func.func @transform_2(%arg0: i32) -> (i32, i32) {
    %c0_i32 = arith.constant 0 : i32
    %c0_i32_0 = arith.constant 0 : i32
    return %arg0, %c0_i32 : i32, i32
  }
  func.func @transform_3(%arg0: i32) -> (i32, i32) {
    %c0_i32 = arith.constant 0 : i32
    %c0_i32_0 = arith.constant 0 : i32
    return %arg0, %c0_i32 : i32, i32
  }
}

module attributes {stable_mosaic.version = 14 : i64} {
  func.func @_sel_body(%arg0: memref<8x128xf32, #tpu.memory_space<vmem>>, %arg1: memref<8x128xf32, #tpu.memory_space<vmem>>, %arg2: memref<4x128x128xf32, #tpu.memory_space<vmem>>, %arg3: memref<128x8xf32, #tpu.memory_space<vmem>>) attributes {dimension_semantics = [], scalar_prefetch = 0 : i64, scratch_operands = 0 : i64, tpu.core_type = #tpu.core_type<tc>} {
    %iota3A = tpu.iota {dimensions = array<i32: 0>} : vector<128x128xi32>
    %iota3A_0 = tpu.iota {dimensions = array<i32: 1>} : vector<128x128xi32>
    %eq3A = arith.cmpi eq, %iota3A, %iota3A_0 : vector<128x128xi32>
    %convert_element_type3A = arith.extui %eq3A : vector<128x128xi1> to vector<128x128xi32>
    %convert_element_type3A_1 = arith.sitofp %convert_element_type3A : vector<128x128xi32> to vector<128x128xf32>
    %iota3A_2 = tpu.iota {dimensions = array<i32: 0>} : vector<128x1xi32>
    %convert_element_type3A_3 = arith.sitofp %iota3A_2 : vector<128x1xi32> to vector<128x1xf32>
    %broadcast_in_dim3A = arith.constant 0.000000e+00 : f32
    %broadcast_in_dim3A_4 = vector.broadcast %broadcast_in_dim3A : f32 to vector<128x2xf32>
    %get3A = arith.constant 0 : index
    %get3A_5 = arith.constant 0 : index
    %get3A_6 = vector.load %arg0[%get3A, %get3A_5] : memref<8x128xf32, #tpu.memory_space<vmem>>, vector<1x128xf32>
    %dot_general3A = arith.constant dense<0.000000e+00> : vector<128x1xf32>
    %dot_general3A_7 = tpu.matmul %convert_element_type3A_1, %get3A_6, %dot_general3A {dimension_numbers = #tpu.dot_dimension_numbers<[1], [1], [0], [0], [0, 0, 1, 0], [], []>, precision = #tpu.contract_precision<fp32>, transpose_lhs_hint = false} : vector<128x128xf32>, vector<1x128xf32>, vector<128x1xf32> -> vector<128x1xf32>
    %get3A_8 = arith.constant 0 : index
    %get3A_9 = arith.constant 0 : index
    %get3A_10 = vector.load %arg1[%get3A_8, %get3A_9] : memref<8x128xf32, #tpu.memory_space<vmem>>, vector<1x128xf32>
    %dot_general3A_11 = arith.constant dense<0.000000e+00> : vector<128x1xf32>
    %dot_general3A_12 = tpu.matmul %convert_element_type3A_1, %get3A_10, %dot_general3A_11 {dimension_numbers = #tpu.dot_dimension_numbers<[1], [1], [0], [0], [0, 0, 1, 0], [], []>, precision = #tpu.contract_precision<fp32>, transpose_lhs_hint = false} : vector<128x128xf32>, vector<1x128xf32>, vector<128x1xf32> -> vector<128x1xf32>
    %broadcast_in_dim3A_13 = arith.constant 0.000000e+00 : f32
    %broadcast_in_dim3A_14 = vector.broadcast %broadcast_in_dim3A_13 : f32 to vector<128x1xf32>
    %get3A_15 = arith.constant 0 : index
    %get3A_16 = arith.constant 0 : index
    %get3A_17 = vector.load %arg0[%get3A_15, %get3A_16] : memref<8x128xf32, #tpu.memory_space<vmem>>, vector<1x128xf32>
    %get3A_18 = arith.constant 0 : index
    %get3A_19 = arith.constant 0 : index
    %get3A_20 = vector.load %arg1[%get3A_18, %get3A_19] : memref<8x128xf32, #tpu.memory_space<vmem>>, vector<1x128xf32>
    %gt3A = vector.broadcast %get3A_17 : vector<1x128xf32> to vector<128x128xf32>
    %gt3A_21 = vector.broadcast %dot_general3A_7 : vector<128x1xf32> to vector<128x128xf32>
    %gt3A_22 = arith.cmpf ogt, %gt3A, %gt3A_21 : vector<128x128xf32>
    %convert_element_type3A_23 = arith.extui %gt3A_22 : vector<128x128xi1> to vector<128x128xi32>
    %convert_element_type3A_24 = arith.sitofp %convert_element_type3A_23 : vector<128x128xi32> to vector<128x128xf32>
    %eq3A_25 = vector.broadcast %get3A_17 : vector<1x128xf32> to vector<128x128xf32>
    %eq3A_26 = vector.broadcast %dot_general3A_7 : vector<128x1xf32> to vector<128x128xf32>
    %eq3A_27 = arith.cmpf oeq, %eq3A_25, %eq3A_26 : vector<128x128xf32>
    %lt3A = vector.broadcast %get3A_20 : vector<1x128xf32> to vector<128x128xf32>
    %lt3A_28 = vector.broadcast %dot_general3A_12 : vector<128x1xf32> to vector<128x128xf32>
    %lt3A_29 = arith.cmpf olt, %lt3A, %lt3A_28 : vector<128x128xf32>
    %and3A = arith.andi %eq3A_27, %lt3A_29 : vector<128x128xi1>
    %convert_element_type3A_30 = arith.extui %and3A : vector<128x128xi1> to vector<128x128xi32>
    %convert_element_type3A_31 = arith.sitofp %convert_element_type3A_30 : vector<128x128xi32> to vector<128x128xf32>
    %add3A = arith.addf %convert_element_type3A_24, %convert_element_type3A_31 : vector<128x128xf32>
    %reduce_sum3A = arith.constant dense<0.000000e+00> : vector<128xf32>
    %reduce_sum3A_32 = vector.multi_reduction <add>, %add3A, %reduce_sum3A [1] : vector<128x128xf32> to vector<128xf32>
    %broadcast_in_dim3A_33 = vector.shape_cast %reduce_sum3A_32 : vector<128xf32> to vector<128x1xf32>
    %add3A_34 = arith.addf %broadcast_in_dim3A_14, %broadcast_in_dim3A_33 : vector<128x1xf32>
    %get3A_35 = arith.constant 1 : index
    %get3A_36 = arith.constant 0 : index
    %get3A_37 = vector.load %arg0[%get3A_35, %get3A_36] : memref<8x128xf32, #tpu.memory_space<vmem>>, vector<1x128xf32>
    %get3A_38 = arith.constant 1 : index
    %get3A_39 = arith.constant 0 : index
    %get3A_40 = vector.load %arg1[%get3A_38, %get3A_39] : memref<8x128xf32, #tpu.memory_space<vmem>>, vector<1x128xf32>
    %gt3A_41 = vector.broadcast %get3A_37 : vector<1x128xf32> to vector<128x128xf32>
    %gt3A_42 = vector.broadcast %dot_general3A_7 : vector<128x1xf32> to vector<128x128xf32>
    %gt3A_43 = arith.cmpf ogt, %gt3A_41, %gt3A_42 : vector<128x128xf32>
    %convert_element_type3A_44 = arith.extui %gt3A_43 : vector<128x128xi1> to vector<128x128xi32>
    %convert_element_type3A_45 = arith.sitofp %convert_element_type3A_44 : vector<128x128xi32> to vector<128x128xf32>
    %eq3A_46 = vector.broadcast %get3A_37 : vector<1x128xf32> to vector<128x128xf32>
    %eq3A_47 = vector.broadcast %dot_general3A_7 : vector<128x1xf32> to vector<128x128xf32>
    %eq3A_48 = arith.cmpf oeq, %eq3A_46, %eq3A_47 : vector<128x128xf32>
    %lt3A_49 = vector.broadcast %get3A_40 : vector<1x128xf32> to vector<128x128xf32>
    %lt3A_50 = vector.broadcast %dot_general3A_12 : vector<128x1xf32> to vector<128x128xf32>
    %lt3A_51 = arith.cmpf olt, %lt3A_49, %lt3A_50 : vector<128x128xf32>
    %and3A_52 = arith.andi %eq3A_48, %lt3A_51 : vector<128x128xi1>
    %convert_element_type3A_53 = arith.extui %and3A_52 : vector<128x128xi1> to vector<128x128xi32>
    %convert_element_type3A_54 = arith.sitofp %convert_element_type3A_53 : vector<128x128xi32> to vector<128x128xf32>
    %add3A_55 = arith.addf %convert_element_type3A_45, %convert_element_type3A_54 : vector<128x128xf32>
    %reduce_sum3A_56 = arith.constant dense<0.000000e+00> : vector<128xf32>
    %reduce_sum3A_57 = vector.multi_reduction <add>, %add3A_55, %reduce_sum3A_56 [1] : vector<128x128xf32> to vector<128xf32>
    %broadcast_in_dim3A_58 = vector.shape_cast %reduce_sum3A_57 : vector<128xf32> to vector<128x1xf32>
    %add3A_59 = arith.addf %add3A_34, %broadcast_in_dim3A_58 : vector<128x1xf32>
    %get3A_60 = arith.constant 2 : index
    %get3A_61 = arith.constant 0 : index
    %get3A_62 = vector.load %arg0[%get3A_60, %get3A_61] : memref<8x128xf32, #tpu.memory_space<vmem>>, vector<1x128xf32>
    %get3A_63 = arith.constant 2 : index
    %get3A_64 = arith.constant 0 : index
    %get3A_65 = vector.load %arg1[%get3A_63, %get3A_64] : memref<8x128xf32, #tpu.memory_space<vmem>>, vector<1x128xf32>
    %gt3A_66 = vector.broadcast %get3A_62 : vector<1x128xf32> to vector<128x128xf32>
    %gt3A_67 = vector.broadcast %dot_general3A_7 : vector<128x1xf32> to vector<128x128xf32>
    %gt3A_68 = arith.cmpf ogt, %gt3A_66, %gt3A_67 : vector<128x128xf32>
    %convert_element_type3A_69 = arith.extui %gt3A_68 : vector<128x128xi1> to vector<128x128xi32>
    %convert_element_type3A_70 = arith.sitofp %convert_element_type3A_69 : vector<128x128xi32> to vector<128x128xf32>
    %eq3A_71 = vector.broadcast %get3A_62 : vector<1x128xf32> to vector<128x128xf32>
    %eq3A_72 = vector.broadcast %dot_general3A_7 : vector<128x1xf32> to vector<128x128xf32>
    %eq3A_73 = arith.cmpf oeq, %eq3A_71, %eq3A_72 : vector<128x128xf32>
    %lt3A_74 = vector.broadcast %get3A_65 : vector<1x128xf32> to vector<128x128xf32>
    %lt3A_75 = vector.broadcast %dot_general3A_12 : vector<128x1xf32> to vector<128x128xf32>
    %lt3A_76 = arith.cmpf olt, %lt3A_74, %lt3A_75 : vector<128x128xf32>
    %and3A_77 = arith.andi %eq3A_73, %lt3A_76 : vector<128x128xi1>
    %convert_element_type3A_78 = arith.extui %and3A_77 : vector<128x128xi1> to vector<128x128xi32>
    %convert_element_type3A_79 = arith.sitofp %convert_element_type3A_78 : vector<128x128xi32> to vector<128x128xf32>
    %add3A_80 = arith.addf %convert_element_type3A_70, %convert_element_type3A_79 : vector<128x128xf32>
    %reduce_sum3A_81 = arith.constant dense<0.000000e+00> : vector<128xf32>
    %reduce_sum3A_82 = vector.multi_reduction <add>, %add3A_80, %reduce_sum3A_81 [1] : vector<128x128xf32> to vector<128xf32>
    %broadcast_in_dim3A_83 = vector.shape_cast %reduce_sum3A_82 : vector<128xf32> to vector<128x1xf32>
    %add3A_84 = arith.addf %add3A_59, %broadcast_in_dim3A_83 : vector<128x1xf32>
    %get3A_85 = arith.constant 3 : index
    %get3A_86 = arith.constant 0 : index
    %get3A_87 = vector.load %arg0[%get3A_85, %get3A_86] : memref<8x128xf32, #tpu.memory_space<vmem>>, vector<1x128xf32>
    %get3A_88 = arith.constant 3 : index
    %get3A_89 = arith.constant 0 : index
    %get3A_90 = vector.load %arg1[%get3A_88, %get3A_89] : memref<8x128xf32, #tpu.memory_space<vmem>>, vector<1x128xf32>
    %gt3A_91 = vector.broadcast %get3A_87 : vector<1x128xf32> to vector<128x128xf32>
    %gt3A_92 = vector.broadcast %dot_general3A_7 : vector<128x1xf32> to vector<128x128xf32>
    %gt3A_93 = arith.cmpf ogt, %gt3A_91, %gt3A_92 : vector<128x128xf32>
    %convert_element_type3A_94 = arith.extui %gt3A_93 : vector<128x128xi1> to vector<128x128xi32>
    %convert_element_type3A_95 = arith.sitofp %convert_element_type3A_94 : vector<128x128xi32> to vector<128x128xf32>
    %eq3A_96 = vector.broadcast %get3A_87 : vector<1x128xf32> to vector<128x128xf32>
    %eq3A_97 = vector.broadcast %dot_general3A_7 : vector<128x1xf32> to vector<128x128xf32>
    %eq3A_98 = arith.cmpf oeq, %eq3A_96, %eq3A_97 : vector<128x128xf32>
    %lt3A_99 = vector.broadcast %get3A_90 : vector<1x128xf32> to vector<128x128xf32>
    %lt3A_100 = vector.broadcast %dot_general3A_12 : vector<128x1xf32> to vector<128x128xf32>
    %lt3A_101 = arith.cmpf olt, %lt3A_99, %lt3A_100 : vector<128x128xf32>
    %and3A_102 = arith.andi %eq3A_98, %lt3A_101 : vector<128x128xi1>
    %convert_element_type3A_103 = arith.extui %and3A_102 : vector<128x128xi1> to vector<128x128xi32>
    %convert_element_type3A_104 = arith.sitofp %convert_element_type3A_103 : vector<128x128xi32> to vector<128x128xf32>
    %add3A_105 = arith.addf %convert_element_type3A_95, %convert_element_type3A_104 : vector<128x128xf32>
    %reduce_sum3A_106 = arith.constant dense<0.000000e+00> : vector<128xf32>
    %reduce_sum3A_107 = vector.multi_reduction <add>, %add3A_105, %reduce_sum3A_106 [1] : vector<128x128xf32> to vector<128xf32>
    %broadcast_in_dim3A_108 = vector.shape_cast %reduce_sum3A_107 : vector<128xf32> to vector<128x1xf32>
    %add3A_109 = arith.addf %add3A_84, %broadcast_in_dim3A_108 : vector<128x1xf32>
    %get3A_110 = arith.constant 4 : index
    %get3A_111 = arith.constant 0 : index
    %get3A_112 = vector.load %arg0[%get3A_110, %get3A_111] : memref<8x128xf32, #tpu.memory_space<vmem>>, vector<1x128xf32>
    %get3A_113 = arith.constant 4 : index
    %get3A_114 = arith.constant 0 : index
    %get3A_115 = vector.load %arg1[%get3A_113, %get3A_114] : memref<8x128xf32, #tpu.memory_space<vmem>>, vector<1x128xf32>
    %gt3A_116 = vector.broadcast %get3A_112 : vector<1x128xf32> to vector<128x128xf32>
    %gt3A_117 = vector.broadcast %dot_general3A_7 : vector<128x1xf32> to vector<128x128xf32>
    %gt3A_118 = arith.cmpf ogt, %gt3A_116, %gt3A_117 : vector<128x128xf32>
    %convert_element_type3A_119 = arith.extui %gt3A_118 : vector<128x128xi1> to vector<128x128xi32>
    %convert_element_type3A_120 = arith.sitofp %convert_element_type3A_119 : vector<128x128xi32> to vector<128x128xf32>
    %eq3A_121 = vector.broadcast %get3A_112 : vector<1x128xf32> to vector<128x128xf32>
    %eq3A_122 = vector.broadcast %dot_general3A_7 : vector<128x1xf32> to vector<128x128xf32>
    %eq3A_123 = arith.cmpf oeq, %eq3A_121, %eq3A_122 : vector<128x128xf32>
    %lt3A_124 = vector.broadcast %get3A_115 : vector<1x128xf32> to vector<128x128xf32>
    %lt3A_125 = vector.broadcast %dot_general3A_12 : vector<128x1xf32> to vector<128x128xf32>
    %lt3A_126 = arith.cmpf olt, %lt3A_124, %lt3A_125 : vector<128x128xf32>
    %and3A_127 = arith.andi %eq3A_123, %lt3A_126 : vector<128x128xi1>
    %convert_element_type3A_128 = arith.extui %and3A_127 : vector<128x128xi1> to vector<128x128xi32>
    %convert_element_type3A_129 = arith.sitofp %convert_element_type3A_128 : vector<128x128xi32> to vector<128x128xf32>
    %add3A_130 = arith.addf %convert_element_type3A_120, %convert_element_type3A_129 : vector<128x128xf32>
    %reduce_sum3A_131 = arith.constant dense<0.000000e+00> : vector<128xf32>
    %reduce_sum3A_132 = vector.multi_reduction <add>, %add3A_130, %reduce_sum3A_131 [1] : vector<128x128xf32> to vector<128xf32>
    %broadcast_in_dim3A_133 = vector.shape_cast %reduce_sum3A_132 : vector<128xf32> to vector<128x1xf32>
    %add3A_134 = arith.addf %add3A_109, %broadcast_in_dim3A_133 : vector<128x1xf32>
    %get3A_135 = arith.constant 5 : index
    %get3A_136 = arith.constant 0 : index
    %get3A_137 = vector.load %arg0[%get3A_135, %get3A_136] : memref<8x128xf32, #tpu.memory_space<vmem>>, vector<1x128xf32>
    %get3A_138 = arith.constant 5 : index
    %get3A_139 = arith.constant 0 : index
    %get3A_140 = vector.load %arg1[%get3A_138, %get3A_139] : memref<8x128xf32, #tpu.memory_space<vmem>>, vector<1x128xf32>
    %gt3A_141 = vector.broadcast %get3A_137 : vector<1x128xf32> to vector<128x128xf32>
    %gt3A_142 = vector.broadcast %dot_general3A_7 : vector<128x1xf32> to vector<128x128xf32>
    %gt3A_143 = arith.cmpf ogt, %gt3A_141, %gt3A_142 : vector<128x128xf32>
    %convert_element_type3A_144 = arith.extui %gt3A_143 : vector<128x128xi1> to vector<128x128xi32>
    %convert_element_type3A_145 = arith.sitofp %convert_element_type3A_144 : vector<128x128xi32> to vector<128x128xf32>
    %eq3A_146 = vector.broadcast %get3A_137 : vector<1x128xf32> to vector<128x128xf32>
    %eq3A_147 = vector.broadcast %dot_general3A_7 : vector<128x1xf32> to vector<128x128xf32>
    %eq3A_148 = arith.cmpf oeq, %eq3A_146, %eq3A_147 : vector<128x128xf32>
    %lt3A_149 = vector.broadcast %get3A_140 : vector<1x128xf32> to vector<128x128xf32>
    %lt3A_150 = vector.broadcast %dot_general3A_12 : vector<128x1xf32> to vector<128x128xf32>
    %lt3A_151 = arith.cmpf olt, %lt3A_149, %lt3A_150 : vector<128x128xf32>
    %and3A_152 = arith.andi %eq3A_148, %lt3A_151 : vector<128x128xi1>
    %convert_element_type3A_153 = arith.extui %and3A_152 : vector<128x128xi1> to vector<128x128xi32>
    %convert_element_type3A_154 = arith.sitofp %convert_element_type3A_153 : vector<128x128xi32> to vector<128x128xf32>
    %add3A_155 = arith.addf %convert_element_type3A_145, %convert_element_type3A_154 : vector<128x128xf32>
    %reduce_sum3A_156 = arith.constant dense<0.000000e+00> : vector<128xf32>
    %reduce_sum3A_157 = vector.multi_reduction <add>, %add3A_155, %reduce_sum3A_156 [1] : vector<128x128xf32> to vector<128xf32>
    %broadcast_in_dim3A_158 = vector.shape_cast %reduce_sum3A_157 : vector<128xf32> to vector<128x1xf32>
    %add3A_159 = arith.addf %add3A_134, %broadcast_in_dim3A_158 : vector<128x1xf32>
    %get3A_160 = arith.constant 6 : index
    %get3A_161 = arith.constant 0 : index
    %get3A_162 = vector.load %arg0[%get3A_160, %get3A_161] : memref<8x128xf32, #tpu.memory_space<vmem>>, vector<1x128xf32>
    %get3A_163 = arith.constant 6 : index
    %get3A_164 = arith.constant 0 : index
    %get3A_165 = vector.load %arg1[%get3A_163, %get3A_164] : memref<8x128xf32, #tpu.memory_space<vmem>>, vector<1x128xf32>
    %gt3A_166 = vector.broadcast %get3A_162 : vector<1x128xf32> to vector<128x128xf32>
    %gt3A_167 = vector.broadcast %dot_general3A_7 : vector<128x1xf32> to vector<128x128xf32>
    %gt3A_168 = arith.cmpf ogt, %gt3A_166, %gt3A_167 : vector<128x128xf32>
    %convert_element_type3A_169 = arith.extui %gt3A_168 : vector<128x128xi1> to vector<128x128xi32>
    %convert_element_type3A_170 = arith.sitofp %convert_element_type3A_169 : vector<128x128xi32> to vector<128x128xf32>
    %eq3A_171 = vector.broadcast %get3A_162 : vector<1x128xf32> to vector<128x128xf32>
    %eq3A_172 = vector.broadcast %dot_general3A_7 : vector<128x1xf32> to vector<128x128xf32>
    %eq3A_173 = arith.cmpf oeq, %eq3A_171, %eq3A_172 : vector<128x128xf32>
    %lt3A_174 = vector.broadcast %get3A_165 : vector<1x128xf32> to vector<128x128xf32>
    %lt3A_175 = vector.broadcast %dot_general3A_12 : vector<128x1xf32> to vector<128x128xf32>
    %lt3A_176 = arith.cmpf olt, %lt3A_174, %lt3A_175 : vector<128x128xf32>
    %and3A_177 = arith.andi %eq3A_173, %lt3A_176 : vector<128x128xi1>
    %convert_element_type3A_178 = arith.extui %and3A_177 : vector<128x128xi1> to vector<128x128xi32>
    %convert_element_type3A_179 = arith.sitofp %convert_element_type3A_178 : vector<128x128xi32> to vector<128x128xf32>
    %add3A_180 = arith.addf %convert_element_type3A_170, %convert_element_type3A_179 : vector<128x128xf32>
    %reduce_sum3A_181 = arith.constant dense<0.000000e+00> : vector<128xf32>
    %reduce_sum3A_182 = vector.multi_reduction <add>, %add3A_180, %reduce_sum3A_181 [1] : vector<128x128xf32> to vector<128xf32>
    %broadcast_in_dim3A_183 = vector.shape_cast %reduce_sum3A_182 : vector<128xf32> to vector<128x1xf32>
    %add3A_184 = arith.addf %add3A_159, %broadcast_in_dim3A_183 : vector<128x1xf32>
    %get3A_185 = arith.constant 7 : index
    %get3A_186 = arith.constant 0 : index
    %get3A_187 = vector.load %arg0[%get3A_185, %get3A_186] : memref<8x128xf32, #tpu.memory_space<vmem>>, vector<1x128xf32>
    %get3A_188 = arith.constant 7 : index
    %get3A_189 = arith.constant 0 : index
    %get3A_190 = vector.load %arg1[%get3A_188, %get3A_189] : memref<8x128xf32, #tpu.memory_space<vmem>>, vector<1x128xf32>
    %gt3A_191 = vector.broadcast %get3A_187 : vector<1x128xf32> to vector<128x128xf32>
    %gt3A_192 = vector.broadcast %dot_general3A_7 : vector<128x1xf32> to vector<128x128xf32>
    %gt3A_193 = arith.cmpf ogt, %gt3A_191, %gt3A_192 : vector<128x128xf32>
    %convert_element_type3A_194 = arith.extui %gt3A_193 : vector<128x128xi1> to vector<128x128xi32>
    %convert_element_type3A_195 = arith.sitofp %convert_element_type3A_194 : vector<128x128xi32> to vector<128x128xf32>
    %eq3A_196 = vector.broadcast %get3A_187 : vector<1x128xf32> to vector<128x128xf32>
    %eq3A_197 = vector.broadcast %dot_general3A_7 : vector<128x1xf32> to vector<128x128xf32>
    %eq3A_198 = arith.cmpf oeq, %eq3A_196, %eq3A_197 : vector<128x128xf32>
    %lt3A_199 = vector.broadcast %get3A_190 : vector<1x128xf32> to vector<128x128xf32>
    %lt3A_200 = vector.broadcast %dot_general3A_12 : vector<128x1xf32> to vector<128x128xf32>
    %lt3A_201 = arith.cmpf olt, %lt3A_199, %lt3A_200 : vector<128x128xf32>
    %and3A_202 = arith.andi %eq3A_198, %lt3A_201 : vector<128x128xi1>
    %convert_element_type3A_203 = arith.extui %and3A_202 : vector<128x128xi1> to vector<128x128xi32>
    %convert_element_type3A_204 = arith.sitofp %convert_element_type3A_203 : vector<128x128xi32> to vector<128x128xf32>
    %add3A_205 = arith.addf %convert_element_type3A_195, %convert_element_type3A_204 : vector<128x128xf32>
    %reduce_sum3A_206 = arith.constant dense<0.000000e+00> : vector<128xf32>
    %reduce_sum3A_207 = vector.multi_reduction <add>, %add3A_205, %reduce_sum3A_206 [1] : vector<128x128xf32> to vector<128xf32>
    %broadcast_in_dim3A_208 = vector.shape_cast %reduce_sum3A_207 : vector<128xf32> to vector<128x1xf32>
    %add3A_209 = arith.addf %add3A_184, %broadcast_in_dim3A_208 : vector<128x1xf32>
    %dot_general3A_210 = arith.constant dense<0.000000e+00> : vector<1x128xf32>
    %dot_general3A_211 = tpu.matmul %add3A_209, %convert_element_type3A_1, %dot_general3A_210 {dimension_numbers = #tpu.dot_dimension_numbers<[0], [0], [1], [1], [0, 1, 1, 1], [], []>, precision = #tpu.contract_precision<fp32>, transpose_lhs_hint = false} : vector<128x1xf32>, vector<128x128xf32>, vector<1x128xf32> -> vector<1x128xf32>
    %eq3A_212 = vector.broadcast %convert_element_type3A_3 : vector<128x1xf32> to vector<128x128xf32>
    %eq3A_213 = vector.broadcast %dot_general3A_211 : vector<1x128xf32> to vector<128x128xf32>
    %eq3A_214 = arith.cmpf oeq, %eq3A_212, %eq3A_213 : vector<128x128xf32>
    %convert_element_type3A_215 = arith.extui %eq3A_214 : vector<128x128xi1> to vector<128x128xi32>
    %convert_element_type3A_216 = arith.sitofp %convert_element_type3A_215 : vector<128x128xi32> to vector<128x128xf32>
    %concatenate3A = tpu.concatenate %dot_general3A_7, %dot_general3A_12 in 1 : vector<128x1xf32>, vector<128x1xf32> -> vector<128x2xf32>
    %dot_general3A_217 = arith.constant dense<0.000000e+00> : vector<128x2xf32>
    %dot_general3A_218 = tpu.matmul %convert_element_type3A_216, %concatenate3A, %dot_general3A_217 {dimension_numbers = #tpu.dot_dimension_numbers<[1], [0], [0], [1], [0, 0, 1, 1], [], []>, precision = #tpu.contract_precision<fp32>, transpose_lhs_hint = false} : vector<128x128xf32>, vector<128x2xf32>, vector<128x2xf32> -> vector<128x2xf32>
    %add3A_219 = arith.addf %broadcast_in_dim3A_4, %dot_general3A_218 : vector<128x2xf32>
    %get3A_220 = arith.constant 1 : index
    %get3A_221 = arith.constant 0 : index
    %get3A_222 = vector.load %arg0[%get3A_220, %get3A_221] : memref<8x128xf32, #tpu.memory_space<vmem>>, vector<1x128xf32>
    %dot_general3A_223 = arith.constant dense<0.000000e+00> : vector<128x1xf32>
    %dot_general3A_224 = tpu.matmul %convert_element_type3A_1, %get3A_222, %dot_general3A_223 {dimension_numbers = #tpu.dot_dimension_numbers<[1], [1], [0], [0], [0, 0, 1, 0], [], []>, precision = #tpu.contract_precision<fp32>, transpose_lhs_hint = false} : vector<128x128xf32>, vector<1x128xf32>, vector<128x1xf32> -> vector<128x1xf32>
    %get3A_225 = arith.constant 1 : index
    %get3A_226 = arith.constant 0 : index
    %get3A_227 = vector.load %arg1[%get3A_225, %get3A_226] : memref<8x128xf32, #tpu.memory_space<vmem>>, vector<1x128xf32>
    %dot_general3A_228 = arith.constant dense<0.000000e+00> : vector<128x1xf32>
    %dot_general3A_229 = tpu.matmul %convert_element_type3A_1, %get3A_227, %dot_general3A_228 {dimension_numbers = #tpu.dot_dimension_numbers<[1], [1], [0], [0], [0, 0, 1, 0], [], []>, precision = #tpu.contract_precision<fp32>, transpose_lhs_hint = false} : vector<128x128xf32>, vector<1x128xf32>, vector<128x1xf32> -> vector<128x1xf32>
    %broadcast_in_dim3A_230 = arith.constant 0.000000e+00 : f32
    %broadcast_in_dim3A_231 = vector.broadcast %broadcast_in_dim3A_230 : f32 to vector<128x1xf32>
    %get3A_232 = arith.constant 0 : index
    %get3A_233 = arith.constant 0 : index
    %get3A_234 = vector.load %arg0[%get3A_232, %get3A_233] : memref<8x128xf32, #tpu.memory_space<vmem>>, vector<1x128xf32>
    %get3A_235 = arith.constant 0 : index
    %get3A_236 = arith.constant 0 : index
    %get3A_237 = vector.load %arg1[%get3A_235, %get3A_236] : memref<8x128xf32, #tpu.memory_space<vmem>>, vector<1x128xf32>
    %gt3A_238 = vector.broadcast %get3A_234 : vector<1x128xf32> to vector<128x128xf32>
    %gt3A_239 = vector.broadcast %dot_general3A_224 : vector<128x1xf32> to vector<128x128xf32>
    %gt3A_240 = arith.cmpf ogt, %gt3A_238, %gt3A_239 : vector<128x128xf32>
    %convert_element_type3A_241 = arith.extui %gt3A_240 : vector<128x128xi1> to vector<128x128xi32>
    %convert_element_type3A_242 = arith.sitofp %convert_element_type3A_241 : vector<128x128xi32> to vector<128x128xf32>
    %eq3A_243 = vector.broadcast %get3A_234 : vector<1x128xf32> to vector<128x128xf32>
    %eq3A_244 = vector.broadcast %dot_general3A_224 : vector<128x1xf32> to vector<128x128xf32>
    %eq3A_245 = arith.cmpf oeq, %eq3A_243, %eq3A_244 : vector<128x128xf32>
    %lt3A_246 = vector.broadcast %get3A_237 : vector<1x128xf32> to vector<128x128xf32>
    %lt3A_247 = vector.broadcast %dot_general3A_229 : vector<128x1xf32> to vector<128x128xf32>
    %lt3A_248 = arith.cmpf olt, %lt3A_246, %lt3A_247 : vector<128x128xf32>
    %and3A_249 = arith.andi %eq3A_245, %lt3A_248 : vector<128x128xi1>
    %convert_element_type3A_250 = arith.extui %and3A_249 : vector<128x128xi1> to vector<128x128xi32>
    %convert_element_type3A_251 = arith.sitofp %convert_element_type3A_250 : vector<128x128xi32> to vector<128x128xf32>
    %add3A_252 = arith.addf %convert_element_type3A_242, %convert_element_type3A_251 : vector<128x128xf32>
    %reduce_sum3A_253 = arith.constant dense<0.000000e+00> : vector<128xf32>
    %reduce_sum3A_254 = vector.multi_reduction <add>, %add3A_252, %reduce_sum3A_253 [1] : vector<128x128xf32> to vector<128xf32>
    %broadcast_in_dim3A_255 = vector.shape_cast %reduce_sum3A_254 : vector<128xf32> to vector<128x1xf32>
    %add3A_256 = arith.addf %broadcast_in_dim3A_231, %broadcast_in_dim3A_255 : vector<128x1xf32>
    %get3A_257 = arith.constant 1 : index
    %get3A_258 = arith.constant 0 : index
    %get3A_259 = vector.load %arg0[%get3A_257, %get3A_258] : memref<8x128xf32, #tpu.memory_space<vmem>>, vector<1x128xf32>
    %get3A_260 = arith.constant 1 : index
    %get3A_261 = arith.constant 0 : index
    %get3A_262 = vector.load %arg1[%get3A_260, %get3A_261] : memref<8x128xf32, #tpu.memory_space<vmem>>, vector<1x128xf32>
    %gt3A_263 = vector.broadcast %get3A_259 : vector<1x128xf32> to vector<128x128xf32>
    %gt3A_264 = vector.broadcast %dot_general3A_224 : vector<128x1xf32> to vector<128x128xf32>
    %gt3A_265 = arith.cmpf ogt, %gt3A_263, %gt3A_264 : vector<128x128xf32>
    %convert_element_type3A_266 = arith.extui %gt3A_265 : vector<128x128xi1> to vector<128x128xi32>
    %convert_element_type3A_267 = arith.sitofp %convert_element_type3A_266 : vector<128x128xi32> to vector<128x128xf32>
    %eq3A_268 = vector.broadcast %get3A_259 : vector<1x128xf32> to vector<128x128xf32>
    %eq3A_269 = vector.broadcast %dot_general3A_224 : vector<128x1xf32> to vector<128x128xf32>
    %eq3A_270 = arith.cmpf oeq, %eq3A_268, %eq3A_269 : vector<128x128xf32>
    %lt3A_271 = vector.broadcast %get3A_262 : vector<1x128xf32> to vector<128x128xf32>
    %lt3A_272 = vector.broadcast %dot_general3A_229 : vector<128x1xf32> to vector<128x128xf32>
    %lt3A_273 = arith.cmpf olt, %lt3A_271, %lt3A_272 : vector<128x128xf32>
    %and3A_274 = arith.andi %eq3A_270, %lt3A_273 : vector<128x128xi1>
    %convert_element_type3A_275 = arith.extui %and3A_274 : vector<128x128xi1> to vector<128x128xi32>
    %convert_element_type3A_276 = arith.sitofp %convert_element_type3A_275 : vector<128x128xi32> to vector<128x128xf32>
    %add3A_277 = arith.addf %convert_element_type3A_267, %convert_element_type3A_276 : vector<128x128xf32>
    %reduce_sum3A_278 = arith.constant dense<0.000000e+00> : vector<128xf32>
    %reduce_sum3A_279 = vector.multi_reduction <add>, %add3A_277, %reduce_sum3A_278 [1] : vector<128x128xf32> to vector<128xf32>
    %broadcast_in_dim3A_280 = vector.shape_cast %reduce_sum3A_279 : vector<128xf32> to vector<128x1xf32>
    %add3A_281 = arith.addf %add3A_256, %broadcast_in_dim3A_280 : vector<128x1xf32>
    %get3A_282 = arith.constant 2 : index
    %get3A_283 = arith.constant 0 : index
    %get3A_284 = vector.load %arg0[%get3A_282, %get3A_283] : memref<8x128xf32, #tpu.memory_space<vmem>>, vector<1x128xf32>
    %get3A_285 = arith.constant 2 : index
    %get3A_286 = arith.constant 0 : index
    %get3A_287 = vector.load %arg1[%get3A_285, %get3A_286] : memref<8x128xf32, #tpu.memory_space<vmem>>, vector<1x128xf32>
    %gt3A_288 = vector.broadcast %get3A_284 : vector<1x128xf32> to vector<128x128xf32>
    %gt3A_289 = vector.broadcast %dot_general3A_224 : vector<128x1xf32> to vector<128x128xf32>
    %gt3A_290 = arith.cmpf ogt, %gt3A_288, %gt3A_289 : vector<128x128xf32>
    %convert_element_type3A_291 = arith.extui %gt3A_290 : vector<128x128xi1> to vector<128x128xi32>
    %convert_element_type3A_292 = arith.sitofp %convert_element_type3A_291 : vector<128x128xi32> to vector<128x128xf32>
    %eq3A_293 = vector.broadcast %get3A_284 : vector<1x128xf32> to vector<128x128xf32>
    %eq3A_294 = vector.broadcast %dot_general3A_224 : vector<128x1xf32> to vector<128x128xf32>
    %eq3A_295 = arith.cmpf oeq, %eq3A_293, %eq3A_294 : vector<128x128xf32>
    %lt3A_296 = vector.broadcast %get3A_287 : vector<1x128xf32> to vector<128x128xf32>
    %lt3A_297 = vector.broadcast %dot_general3A_229 : vector<128x1xf32> to vector<128x128xf32>
    %lt3A_298 = arith.cmpf olt, %lt3A_296, %lt3A_297 : vector<128x128xf32>
    %and3A_299 = arith.andi %eq3A_295, %lt3A_298 : vector<128x128xi1>
    %convert_element_type3A_300 = arith.extui %and3A_299 : vector<128x128xi1> to vector<128x128xi32>
    %convert_element_type3A_301 = arith.sitofp %convert_element_type3A_300 : vector<128x128xi32> to vector<128x128xf32>
    %add3A_302 = arith.addf %convert_element_type3A_292, %convert_element_type3A_301 : vector<128x128xf32>
    %reduce_sum3A_303 = arith.constant dense<0.000000e+00> : vector<128xf32>
    %reduce_sum3A_304 = vector.multi_reduction <add>, %add3A_302, %reduce_sum3A_303 [1] : vector<128x128xf32> to vector<128xf32>
    %broadcast_in_dim3A_305 = vector.shape_cast %reduce_sum3A_304 : vector<128xf32> to vector<128x1xf32>
    %add3A_306 = arith.addf %add3A_281, %broadcast_in_dim3A_305 : vector<128x1xf32>
    %get3A_307 = arith.constant 3 : index
    %get3A_308 = arith.constant 0 : index
    %get3A_309 = vector.load %arg0[%get3A_307, %get3A_308] : memref<8x128xf32, #tpu.memory_space<vmem>>, vector<1x128xf32>
    %get3A_310 = arith.constant 3 : index
    %get3A_311 = arith.constant 0 : index
    %get3A_312 = vector.load %arg1[%get3A_310, %get3A_311] : memref<8x128xf32, #tpu.memory_space<vmem>>, vector<1x128xf32>
    %gt3A_313 = vector.broadcast %get3A_309 : vector<1x128xf32> to vector<128x128xf32>
    %gt3A_314 = vector.broadcast %dot_general3A_224 : vector<128x1xf32> to vector<128x128xf32>
    %gt3A_315 = arith.cmpf ogt, %gt3A_313, %gt3A_314 : vector<128x128xf32>
    %convert_element_type3A_316 = arith.extui %gt3A_315 : vector<128x128xi1> to vector<128x128xi32>
    %convert_element_type3A_317 = arith.sitofp %convert_element_type3A_316 : vector<128x128xi32> to vector<128x128xf32>
    %eq3A_318 = vector.broadcast %get3A_309 : vector<1x128xf32> to vector<128x128xf32>
    %eq3A_319 = vector.broadcast %dot_general3A_224 : vector<128x1xf32> to vector<128x128xf32>
    %eq3A_320 = arith.cmpf oeq, %eq3A_318, %eq3A_319 : vector<128x128xf32>
    %lt3A_321 = vector.broadcast %get3A_312 : vector<1x128xf32> to vector<128x128xf32>
    %lt3A_322 = vector.broadcast %dot_general3A_229 : vector<128x1xf32> to vector<128x128xf32>
    %lt3A_323 = arith.cmpf olt, %lt3A_321, %lt3A_322 : vector<128x128xf32>
    %and3A_324 = arith.andi %eq3A_320, %lt3A_323 : vector<128x128xi1>
    %convert_element_type3A_325 = arith.extui %and3A_324 : vector<128x128xi1> to vector<128x128xi32>
    %convert_element_type3A_326 = arith.sitofp %convert_element_type3A_325 : vector<128x128xi32> to vector<128x128xf32>
    %add3A_327 = arith.addf %convert_element_type3A_317, %convert_element_type3A_326 : vector<128x128xf32>
    %reduce_sum3A_328 = arith.constant dense<0.000000e+00> : vector<128xf32>
    %reduce_sum3A_329 = vector.multi_reduction <add>, %add3A_327, %reduce_sum3A_328 [1] : vector<128x128xf32> to vector<128xf32>
    %broadcast_in_dim3A_330 = vector.shape_cast %reduce_sum3A_329 : vector<128xf32> to vector<128x1xf32>
    %add3A_331 = arith.addf %add3A_306, %broadcast_in_dim3A_330 : vector<128x1xf32>
    %get3A_332 = arith.constant 4 : index
    %get3A_333 = arith.constant 0 : index
    %get3A_334 = vector.load %arg0[%get3A_332, %get3A_333] : memref<8x128xf32, #tpu.memory_space<vmem>>, vector<1x128xf32>
    %get3A_335 = arith.constant 4 : index
    %get3A_336 = arith.constant 0 : index
    %get3A_337 = vector.load %arg1[%get3A_335, %get3A_336] : memref<8x128xf32, #tpu.memory_space<vmem>>, vector<1x128xf32>
    %gt3A_338 = vector.broadcast %get3A_334 : vector<1x128xf32> to vector<128x128xf32>
    %gt3A_339 = vector.broadcast %dot_general3A_224 : vector<128x1xf32> to vector<128x128xf32>
    %gt3A_340 = arith.cmpf ogt, %gt3A_338, %gt3A_339 : vector<128x128xf32>
    %convert_element_type3A_341 = arith.extui %gt3A_340 : vector<128x128xi1> to vector<128x128xi32>
    %convert_element_type3A_342 = arith.sitofp %convert_element_type3A_341 : vector<128x128xi32> to vector<128x128xf32>
    %eq3A_343 = vector.broadcast %get3A_334 : vector<1x128xf32> to vector<128x128xf32>
    %eq3A_344 = vector.broadcast %dot_general3A_224 : vector<128x1xf32> to vector<128x128xf32>
    %eq3A_345 = arith.cmpf oeq, %eq3A_343, %eq3A_344 : vector<128x128xf32>
    %lt3A_346 = vector.broadcast %get3A_337 : vector<1x128xf32> to vector<128x128xf32>
    %lt3A_347 = vector.broadcast %dot_general3A_229 : vector<128x1xf32> to vector<128x128xf32>
    %lt3A_348 = arith.cmpf olt, %lt3A_346, %lt3A_347 : vector<128x128xf32>
    %and3A_349 = arith.andi %eq3A_345, %lt3A_348 : vector<128x128xi1>
    %convert_element_type3A_350 = arith.extui %and3A_349 : vector<128x128xi1> to vector<128x128xi32>
    %convert_element_type3A_351 = arith.sitofp %convert_element_type3A_350 : vector<128x128xi32> to vector<128x128xf32>
    %add3A_352 = arith.addf %convert_element_type3A_342, %convert_element_type3A_351 : vector<128x128xf32>
    %reduce_sum3A_353 = arith.constant dense<0.000000e+00> : vector<128xf32>
    %reduce_sum3A_354 = vector.multi_reduction <add>, %add3A_352, %reduce_sum3A_353 [1] : vector<128x128xf32> to vector<128xf32>
    %broadcast_in_dim3A_355 = vector.shape_cast %reduce_sum3A_354 : vector<128xf32> to vector<128x1xf32>
    %add3A_356 = arith.addf %add3A_331, %broadcast_in_dim3A_355 : vector<128x1xf32>
    %get3A_357 = arith.constant 5 : index
    %get3A_358 = arith.constant 0 : index
    %get3A_359 = vector.load %arg0[%get3A_357, %get3A_358] : memref<8x128xf32, #tpu.memory_space<vmem>>, vector<1x128xf32>
    %get3A_360 = arith.constant 5 : index
    %get3A_361 = arith.constant 0 : index
    %get3A_362 = vector.load %arg1[%get3A_360, %get3A_361] : memref<8x128xf32, #tpu.memory_space<vmem>>, vector<1x128xf32>
    %gt3A_363 = vector.broadcast %get3A_359 : vector<1x128xf32> to vector<128x128xf32>
    %gt3A_364 = vector.broadcast %dot_general3A_224 : vector<128x1xf32> to vector<128x128xf32>
    %gt3A_365 = arith.cmpf ogt, %gt3A_363, %gt3A_364 : vector<128x128xf32>
    %convert_element_type3A_366 = arith.extui %gt3A_365 : vector<128x128xi1> to vector<128x128xi32>
    %convert_element_type3A_367 = arith.sitofp %convert_element_type3A_366 : vector<128x128xi32> to vector<128x128xf32>
    %eq3A_368 = vector.broadcast %get3A_359 : vector<1x128xf32> to vector<128x128xf32>
    %eq3A_369 = vector.broadcast %dot_general3A_224 : vector<128x1xf32> to vector<128x128xf32>
    %eq3A_370 = arith.cmpf oeq, %eq3A_368, %eq3A_369 : vector<128x128xf32>
    %lt3A_371 = vector.broadcast %get3A_362 : vector<1x128xf32> to vector<128x128xf32>
    %lt3A_372 = vector.broadcast %dot_general3A_229 : vector<128x1xf32> to vector<128x128xf32>
    %lt3A_373 = arith.cmpf olt, %lt3A_371, %lt3A_372 : vector<128x128xf32>
    %and3A_374 = arith.andi %eq3A_370, %lt3A_373 : vector<128x128xi1>
    %convert_element_type3A_375 = arith.extui %and3A_374 : vector<128x128xi1> to vector<128x128xi32>
    %convert_element_type3A_376 = arith.sitofp %convert_element_type3A_375 : vector<128x128xi32> to vector<128x128xf32>
    %add3A_377 = arith.addf %convert_element_type3A_367, %convert_element_type3A_376 : vector<128x128xf32>
    %reduce_sum3A_378 = arith.constant dense<0.000000e+00> : vector<128xf32>
    %reduce_sum3A_379 = vector.multi_reduction <add>, %add3A_377, %reduce_sum3A_378 [1] : vector<128x128xf32> to vector<128xf32>
    %broadcast_in_dim3A_380 = vector.shape_cast %reduce_sum3A_379 : vector<128xf32> to vector<128x1xf32>
    %add3A_381 = arith.addf %add3A_356, %broadcast_in_dim3A_380 : vector<128x1xf32>
    %get3A_382 = arith.constant 6 : index
    %get3A_383 = arith.constant 0 : index
    %get3A_384 = vector.load %arg0[%get3A_382, %get3A_383] : memref<8x128xf32, #tpu.memory_space<vmem>>, vector<1x128xf32>
    %get3A_385 = arith.constant 6 : index
    %get3A_386 = arith.constant 0 : index
    %get3A_387 = vector.load %arg1[%get3A_385, %get3A_386] : memref<8x128xf32, #tpu.memory_space<vmem>>, vector<1x128xf32>
    %gt3A_388 = vector.broadcast %get3A_384 : vector<1x128xf32> to vector<128x128xf32>
    %gt3A_389 = vector.broadcast %dot_general3A_224 : vector<128x1xf32> to vector<128x128xf32>
    %gt3A_390 = arith.cmpf ogt, %gt3A_388, %gt3A_389 : vector<128x128xf32>
    %convert_element_type3A_391 = arith.extui %gt3A_390 : vector<128x128xi1> to vector<128x128xi32>
    %convert_element_type3A_392 = arith.sitofp %convert_element_type3A_391 : vector<128x128xi32> to vector<128x128xf32>
    %eq3A_393 = vector.broadcast %get3A_384 : vector<1x128xf32> to vector<128x128xf32>
    %eq3A_394 = vector.broadcast %dot_general3A_224 : vector<128x1xf32> to vector<128x128xf32>
    %eq3A_395 = arith.cmpf oeq, %eq3A_393, %eq3A_394 : vector<128x128xf32>
    %lt3A_396 = vector.broadcast %get3A_387 : vector<1x128xf32> to vector<128x128xf32>
    %lt3A_397 = vector.broadcast %dot_general3A_229 : vector<128x1xf32> to vector<128x128xf32>
    %lt3A_398 = arith.cmpf olt, %lt3A_396, %lt3A_397 : vector<128x128xf32>
    %and3A_399 = arith.andi %eq3A_395, %lt3A_398 : vector<128x128xi1>
    %convert_element_type3A_400 = arith.extui %and3A_399 : vector<128x128xi1> to vector<128x128xi32>
    %convert_element_type3A_401 = arith.sitofp %convert_element_type3A_400 : vector<128x128xi32> to vector<128x128xf32>
    %add3A_402 = arith.addf %convert_element_type3A_392, %convert_element_type3A_401 : vector<128x128xf32>
    %reduce_sum3A_403 = arith.constant dense<0.000000e+00> : vector<128xf32>
    %reduce_sum3A_404 = vector.multi_reduction <add>, %add3A_402, %reduce_sum3A_403 [1] : vector<128x128xf32> to vector<128xf32>
    %broadcast_in_dim3A_405 = vector.shape_cast %reduce_sum3A_404 : vector<128xf32> to vector<128x1xf32>
    %add3A_406 = arith.addf %add3A_381, %broadcast_in_dim3A_405 : vector<128x1xf32>
    %get3A_407 = arith.constant 7 : index
    %get3A_408 = arith.constant 0 : index
    %get3A_409 = vector.load %arg0[%get3A_407, %get3A_408] : memref<8x128xf32, #tpu.memory_space<vmem>>, vector<1x128xf32>
    %get3A_410 = arith.constant 7 : index
    %get3A_411 = arith.constant 0 : index
    %get3A_412 = vector.load %arg1[%get3A_410, %get3A_411] : memref<8x128xf32, #tpu.memory_space<vmem>>, vector<1x128xf32>
    %gt3A_413 = vector.broadcast %get3A_409 : vector<1x128xf32> to vector<128x128xf32>
    %gt3A_414 = vector.broadcast %dot_general3A_224 : vector<128x1xf32> to vector<128x128xf32>
    %gt3A_415 = arith.cmpf ogt, %gt3A_413, %gt3A_414 : vector<128x128xf32>
    %convert_element_type3A_416 = arith.extui %gt3A_415 : vector<128x128xi1> to vector<128x128xi32>
    %convert_element_type3A_417 = arith.sitofp %convert_element_type3A_416 : vector<128x128xi32> to vector<128x128xf32>
    %eq3A_418 = vector.broadcast %get3A_409 : vector<1x128xf32> to vector<128x128xf32>
    %eq3A_419 = vector.broadcast %dot_general3A_224 : vector<128x1xf32> to vector<128x128xf32>
    %eq3A_420 = arith.cmpf oeq, %eq3A_418, %eq3A_419 : vector<128x128xf32>
    %lt3A_421 = vector.broadcast %get3A_412 : vector<1x128xf32> to vector<128x128xf32>
    %lt3A_422 = vector.broadcast %dot_general3A_229 : vector<128x1xf32> to vector<128x128xf32>
    %lt3A_423 = arith.cmpf olt, %lt3A_421, %lt3A_422 : vector<128x128xf32>
    %and3A_424 = arith.andi %eq3A_420, %lt3A_423 : vector<128x128xi1>
    %convert_element_type3A_425 = arith.extui %and3A_424 : vector<128x128xi1> to vector<128x128xi32>
    %convert_element_type3A_426 = arith.sitofp %convert_element_type3A_425 : vector<128x128xi32> to vector<128x128xf32>
    %add3A_427 = arith.addf %convert_element_type3A_417, %convert_element_type3A_426 : vector<128x128xf32>
    %reduce_sum3A_428 = arith.constant dense<0.000000e+00> : vector<128xf32>
    %reduce_sum3A_429 = vector.multi_reduction <add>, %add3A_427, %reduce_sum3A_428 [1] : vector<128x128xf32> to vector<128xf32>
    %broadcast_in_dim3A_430 = vector.shape_cast %reduce_sum3A_429 : vector<128xf32> to vector<128x1xf32>
    %add3A_431 = arith.addf %add3A_406, %broadcast_in_dim3A_430 : vector<128x1xf32>
    %dot_general3A_432 = arith.constant dense<0.000000e+00> : vector<1x128xf32>
    %dot_general3A_433 = tpu.matmul %add3A_431, %convert_element_type3A_1, %dot_general3A_432 {dimension_numbers = #tpu.dot_dimension_numbers<[0], [0], [1], [1], [0, 1, 1, 1], [], []>, precision = #tpu.contract_precision<fp32>, transpose_lhs_hint = false} : vector<128x1xf32>, vector<128x128xf32>, vector<1x128xf32> -> vector<1x128xf32>
    %eq3A_434 = vector.broadcast %convert_element_type3A_3 : vector<128x1xf32> to vector<128x128xf32>
    %eq3A_435 = vector.broadcast %dot_general3A_433 : vector<1x128xf32> to vector<128x128xf32>
    %eq3A_436 = arith.cmpf oeq, %eq3A_434, %eq3A_435 : vector<128x128xf32>
    %convert_element_type3A_437 = arith.extui %eq3A_436 : vector<128x128xi1> to vector<128x128xi32>
    %convert_element_type3A_438 = arith.sitofp %convert_element_type3A_437 : vector<128x128xi32> to vector<128x128xf32>
    %concatenate3A_439 = tpu.concatenate %dot_general3A_224, %dot_general3A_229 in 1 : vector<128x1xf32>, vector<128x1xf32> -> vector<128x2xf32>
    %dot_general3A_440 = arith.constant dense<0.000000e+00> : vector<128x2xf32>
    %dot_general3A_441 = tpu.matmul %convert_element_type3A_438, %concatenate3A_439, %dot_general3A_440 {dimension_numbers = #tpu.dot_dimension_numbers<[1], [0], [0], [1], [0, 0, 1, 1], [], []>, precision = #tpu.contract_precision<fp32>, transpose_lhs_hint = false} : vector<128x128xf32>, vector<128x2xf32>, vector<128x2xf32> -> vector<128x2xf32>
    %add3A_442 = arith.addf %add3A_219, %dot_general3A_441 : vector<128x2xf32>
    %get3A_443 = arith.constant 2 : index
    %get3A_444 = arith.constant 0 : index
    %get3A_445 = vector.load %arg0[%get3A_443, %get3A_444] : memref<8x128xf32, #tpu.memory_space<vmem>>, vector<1x128xf32>
    %dot_general3A_446 = arith.constant dense<0.000000e+00> : vector<128x1xf32>
    %dot_general3A_447 = tpu.matmul %convert_element_type3A_1, %get3A_445, %dot_general3A_446 {dimension_numbers = #tpu.dot_dimension_numbers<[1], [1], [0], [0], [0, 0, 1, 0], [], []>, precision = #tpu.contract_precision<fp32>, transpose_lhs_hint = false} : vector<128x128xf32>, vector<1x128xf32>, vector<128x1xf32> -> vector<128x1xf32>
    %get3A_448 = arith.constant 2 : index
    %get3A_449 = arith.constant 0 : index
    %get3A_450 = vector.load %arg1[%get3A_448, %get3A_449] : memref<8x128xf32, #tpu.memory_space<vmem>>, vector<1x128xf32>
    %dot_general3A_451 = arith.constant dense<0.000000e+00> : vector<128x1xf32>
    %dot_general3A_452 = tpu.matmul %convert_element_type3A_1, %get3A_450, %dot_general3A_451 {dimension_numbers = #tpu.dot_dimension_numbers<[1], [1], [0], [0], [0, 0, 1, 0], [], []>, precision = #tpu.contract_precision<fp32>, transpose_lhs_hint = false} : vector<128x128xf32>, vector<1x128xf32>, vector<128x1xf32> -> vector<128x1xf32>
    %broadcast_in_dim3A_453 = arith.constant 0.000000e+00 : f32
    %broadcast_in_dim3A_454 = vector.broadcast %broadcast_in_dim3A_453 : f32 to vector<128x1xf32>
    %get3A_455 = arith.constant 0 : index
    %get3A_456 = arith.constant 0 : index
    %get3A_457 = vector.load %arg0[%get3A_455, %get3A_456] : memref<8x128xf32, #tpu.memory_space<vmem>>, vector<1x128xf32>
    %get3A_458 = arith.constant 0 : index
    %get3A_459 = arith.constant 0 : index
    %get3A_460 = vector.load %arg1[%get3A_458, %get3A_459] : memref<8x128xf32, #tpu.memory_space<vmem>>, vector<1x128xf32>
    %gt3A_461 = vector.broadcast %get3A_457 : vector<1x128xf32> to vector<128x128xf32>
    %gt3A_462 = vector.broadcast %dot_general3A_447 : vector<128x1xf32> to vector<128x128xf32>
    %gt3A_463 = arith.cmpf ogt, %gt3A_461, %gt3A_462 : vector<128x128xf32>
    %convert_element_type3A_464 = arith.extui %gt3A_463 : vector<128x128xi1> to vector<128x128xi32>
    %convert_element_type3A_465 = arith.sitofp %convert_element_type3A_464 : vector<128x128xi32> to vector<128x128xf32>
    %eq3A_466 = vector.broadcast %get3A_457 : vector<1x128xf32> to vector<128x128xf32>
    %eq3A_467 = vector.broadcast %dot_general3A_447 : vector<128x1xf32> to vector<128x128xf32>
    %eq3A_468 = arith.cmpf oeq, %eq3A_466, %eq3A_467 : vector<128x128xf32>
    %lt3A_469 = vector.broadcast %get3A_460 : vector<1x128xf32> to vector<128x128xf32>
    %lt3A_470 = vector.broadcast %dot_general3A_452 : vector<128x1xf32> to vector<128x128xf32>
    %lt3A_471 = arith.cmpf olt, %lt3A_469, %lt3A_470 : vector<128x128xf32>
    %and3A_472 = arith.andi %eq3A_468, %lt3A_471 : vector<128x128xi1>
    %convert_element_type3A_473 = arith.extui %and3A_472 : vector<128x128xi1> to vector<128x128xi32>
    %convert_element_type3A_474 = arith.sitofp %convert_element_type3A_473 : vector<128x128xi32> to vector<128x128xf32>
    %add3A_475 = arith.addf %convert_element_type3A_465, %convert_element_type3A_474 : vector<128x128xf32>
    %reduce_sum3A_476 = arith.constant dense<0.000000e+00> : vector<128xf32>
    %reduce_sum3A_477 = vector.multi_reduction <add>, %add3A_475, %reduce_sum3A_476 [1] : vector<128x128xf32> to vector<128xf32>
    %broadcast_in_dim3A_478 = vector.shape_cast %reduce_sum3A_477 : vector<128xf32> to vector<128x1xf32>
    %add3A_479 = arith.addf %broadcast_in_dim3A_454, %broadcast_in_dim3A_478 : vector<128x1xf32>
    %get3A_480 = arith.constant 1 : index
    %get3A_481 = arith.constant 0 : index
    %get3A_482 = vector.load %arg0[%get3A_480, %get3A_481] : memref<8x128xf32, #tpu.memory_space<vmem>>, vector<1x128xf32>
    %get3A_483 = arith.constant 1 : index
    %get3A_484 = arith.constant 0 : index
    %get3A_485 = vector.load %arg1[%get3A_483, %get3A_484] : memref<8x128xf32, #tpu.memory_space<vmem>>, vector<1x128xf32>
    %gt3A_486 = vector.broadcast %get3A_482 : vector<1x128xf32> to vector<128x128xf32>
    %gt3A_487 = vector.broadcast %dot_general3A_447 : vector<128x1xf32> to vector<128x128xf32>
    %gt3A_488 = arith.cmpf ogt, %gt3A_486, %gt3A_487 : vector<128x128xf32>
    %convert_element_type3A_489 = arith.extui %gt3A_488 : vector<128x128xi1> to vector<128x128xi32>
    %convert_element_type3A_490 = arith.sitofp %convert_element_type3A_489 : vector<128x128xi32> to vector<128x128xf32>
    %eq3A_491 = vector.broadcast %get3A_482 : vector<1x128xf32> to vector<128x128xf32>
    %eq3A_492 = vector.broadcast %dot_general3A_447 : vector<128x1xf32> to vector<128x128xf32>
    %eq3A_493 = arith.cmpf oeq, %eq3A_491, %eq3A_492 : vector<128x128xf32>
    %lt3A_494 = vector.broadcast %get3A_485 : vector<1x128xf32> to vector<128x128xf32>
    %lt3A_495 = vector.broadcast %dot_general3A_452 : vector<128x1xf32> to vector<128x128xf32>
    %lt3A_496 = arith.cmpf olt, %lt3A_494, %lt3A_495 : vector<128x128xf32>
    %and3A_497 = arith.andi %eq3A_493, %lt3A_496 : vector<128x128xi1>
    %convert_element_type3A_498 = arith.extui %and3A_497 : vector<128x128xi1> to vector<128x128xi32>
    %convert_element_type3A_499 = arith.sitofp %convert_element_type3A_498 : vector<128x128xi32> to vector<128x128xf32>
    %add3A_500 = arith.addf %convert_element_type3A_490, %convert_element_type3A_499 : vector<128x128xf32>
    %reduce_sum3A_501 = arith.constant dense<0.000000e+00> : vector<128xf32>
    %reduce_sum3A_502 = vector.multi_reduction <add>, %add3A_500, %reduce_sum3A_501 [1] : vector<128x128xf32> to vector<128xf32>
    %broadcast_in_dim3A_503 = vector.shape_cast %reduce_sum3A_502 : vector<128xf32> to vector<128x1xf32>
    %add3A_504 = arith.addf %add3A_479, %broadcast_in_dim3A_503 : vector<128x1xf32>
    %get3A_505 = arith.constant 2 : index
    %get3A_506 = arith.constant 0 : index
    %get3A_507 = vector.load %arg0[%get3A_505, %get3A_506] : memref<8x128xf32, #tpu.memory_space<vmem>>, vector<1x128xf32>
    %get3A_508 = arith.constant 2 : index
    %get3A_509 = arith.constant 0 : index
    %get3A_510 = vector.load %arg1[%get3A_508, %get3A_509] : memref<8x128xf32, #tpu.memory_space<vmem>>, vector<1x128xf32>
    %gt3A_511 = vector.broadcast %get3A_507 : vector<1x128xf32> to vector<128x128xf32>
    %gt3A_512 = vector.broadcast %dot_general3A_447 : vector<128x1xf32> to vector<128x128xf32>
    %gt3A_513 = arith.cmpf ogt, %gt3A_511, %gt3A_512 : vector<128x128xf32>
    %convert_element_type3A_514 = arith.extui %gt3A_513 : vector<128x128xi1> to vector<128x128xi32>
    %convert_element_type3A_515 = arith.sitofp %convert_element_type3A_514 : vector<128x128xi32> to vector<128x128xf32>
    %eq3A_516 = vector.broadcast %get3A_507 : vector<1x128xf32> to vector<128x128xf32>
    %eq3A_517 = vector.broadcast %dot_general3A_447 : vector<128x1xf32> to vector<128x128xf32>
    %eq3A_518 = arith.cmpf oeq, %eq3A_516, %eq3A_517 : vector<128x128xf32>
    %lt3A_519 = vector.broadcast %get3A_510 : vector<1x128xf32> to vector<128x128xf32>
    %lt3A_520 = vector.broadcast %dot_general3A_452 : vector<128x1xf32> to vector<128x128xf32>
    %lt3A_521 = arith.cmpf olt, %lt3A_519, %lt3A_520 : vector<128x128xf32>
    %and3A_522 = arith.andi %eq3A_518, %lt3A_521 : vector<128x128xi1>
    %convert_element_type3A_523 = arith.extui %and3A_522 : vector<128x128xi1> to vector<128x128xi32>
    %convert_element_type3A_524 = arith.sitofp %convert_element_type3A_523 : vector<128x128xi32> to vector<128x128xf32>
    %add3A_525 = arith.addf %convert_element_type3A_515, %convert_element_type3A_524 : vector<128x128xf32>
    %reduce_sum3A_526 = arith.constant dense<0.000000e+00> : vector<128xf32>
    %reduce_sum3A_527 = vector.multi_reduction <add>, %add3A_525, %reduce_sum3A_526 [1] : vector<128x128xf32> to vector<128xf32>
    %broadcast_in_dim3A_528 = vector.shape_cast %reduce_sum3A_527 : vector<128xf32> to vector<128x1xf32>
    %add3A_529 = arith.addf %add3A_504, %broadcast_in_dim3A_528 : vector<128x1xf32>
    %get3A_530 = arith.constant 3 : index
    %get3A_531 = arith.constant 0 : index
    %get3A_532 = vector.load %arg0[%get3A_530, %get3A_531] : memref<8x128xf32, #tpu.memory_space<vmem>>, vector<1x128xf32>
    %get3A_533 = arith.constant 3 : index
    %get3A_534 = arith.constant 0 : index
    %get3A_535 = vector.load %arg1[%get3A_533, %get3A_534] : memref<8x128xf32, #tpu.memory_space<vmem>>, vector<1x128xf32>
    %gt3A_536 = vector.broadcast %get3A_532 : vector<1x128xf32> to vector<128x128xf32>
    %gt3A_537 = vector.broadcast %dot_general3A_447 : vector<128x1xf32> to vector<128x128xf32>
    %gt3A_538 = arith.cmpf ogt, %gt3A_536, %gt3A_537 : vector<128x128xf32>
    %convert_element_type3A_539 = arith.extui %gt3A_538 : vector<128x128xi1> to vector<128x128xi32>
    %convert_element_type3A_540 = arith.sitofp %convert_element_type3A_539 : vector<128x128xi32> to vector<128x128xf32>
    %eq3A_541 = vector.broadcast %get3A_532 : vector<1x128xf32> to vector<128x128xf32>
    %eq3A_542 = vector.broadcast %dot_general3A_447 : vector<128x1xf32> to vector<128x128xf32>
    %eq3A_543 = arith.cmpf oeq, %eq3A_541, %eq3A_542 : vector<128x128xf32>
    %lt3A_544 = vector.broadcast %get3A_535 : vector<1x128xf32> to vector<128x128xf32>
    %lt3A_545 = vector.broadcast %dot_general3A_452 : vector<128x1xf32> to vector<128x128xf32>
    %lt3A_546 = arith.cmpf olt, %lt3A_544, %lt3A_545 : vector<128x128xf32>
    %and3A_547 = arith.andi %eq3A_543, %lt3A_546 : vector<128x128xi1>
    %convert_element_type3A_548 = arith.extui %and3A_547 : vector<128x128xi1> to vector<128x128xi32>
    %convert_element_type3A_549 = arith.sitofp %convert_element_type3A_548 : vector<128x128xi32> to vector<128x128xf32>
    %add3A_550 = arith.addf %convert_element_type3A_540, %convert_element_type3A_549 : vector<128x128xf32>
    %reduce_sum3A_551 = arith.constant dense<0.000000e+00> : vector<128xf32>
    %reduce_sum3A_552 = vector.multi_reduction <add>, %add3A_550, %reduce_sum3A_551 [1] : vector<128x128xf32> to vector<128xf32>
    %broadcast_in_dim3A_553 = vector.shape_cast %reduce_sum3A_552 : vector<128xf32> to vector<128x1xf32>
    %add3A_554 = arith.addf %add3A_529, %broadcast_in_dim3A_553 : vector<128x1xf32>
    %get3A_555 = arith.constant 4 : index
    %get3A_556 = arith.constant 0 : index
    %get3A_557 = vector.load %arg0[%get3A_555, %get3A_556] : memref<8x128xf32, #tpu.memory_space<vmem>>, vector<1x128xf32>
    %get3A_558 = arith.constant 4 : index
    %get3A_559 = arith.constant 0 : index
    %get3A_560 = vector.load %arg1[%get3A_558, %get3A_559] : memref<8x128xf32, #tpu.memory_space<vmem>>, vector<1x128xf32>
    %gt3A_561 = vector.broadcast %get3A_557 : vector<1x128xf32> to vector<128x128xf32>
    %gt3A_562 = vector.broadcast %dot_general3A_447 : vector<128x1xf32> to vector<128x128xf32>
    %gt3A_563 = arith.cmpf ogt, %gt3A_561, %gt3A_562 : vector<128x128xf32>
    %convert_element_type3A_564 = arith.extui %gt3A_563 : vector<128x128xi1> to vector<128x128xi32>
    %convert_element_type3A_565 = arith.sitofp %convert_element_type3A_564 : vector<128x128xi32> to vector<128x128xf32>
    %eq3A_566 = vector.broadcast %get3A_557 : vector<1x128xf32> to vector<128x128xf32>
    %eq3A_567 = vector.broadcast %dot_general3A_447 : vector<128x1xf32> to vector<128x128xf32>
    %eq3A_568 = arith.cmpf oeq, %eq3A_566, %eq3A_567 : vector<128x128xf32>
    %lt3A_569 = vector.broadcast %get3A_560 : vector<1x128xf32> to vector<128x128xf32>
    %lt3A_570 = vector.broadcast %dot_general3A_452 : vector<128x1xf32> to vector<128x128xf32>
    %lt3A_571 = arith.cmpf olt, %lt3A_569, %lt3A_570 : vector<128x128xf32>
    %and3A_572 = arith.andi %eq3A_568, %lt3A_571 : vector<128x128xi1>
    %convert_element_type3A_573 = arith.extui %and3A_572 : vector<128x128xi1> to vector<128x128xi32>
    %convert_element_type3A_574 = arith.sitofp %convert_element_type3A_573 : vector<128x128xi32> to vector<128x128xf32>
    %add3A_575 = arith.addf %convert_element_type3A_565, %convert_element_type3A_574 : vector<128x128xf32>
    %reduce_sum3A_576 = arith.constant dense<0.000000e+00> : vector<128xf32>
    %reduce_sum3A_577 = vector.multi_reduction <add>, %add3A_575, %reduce_sum3A_576 [1] : vector<128x128xf32> to vector<128xf32>
    %broadcast_in_dim3A_578 = vector.shape_cast %reduce_sum3A_577 : vector<128xf32> to vector<128x1xf32>
    %add3A_579 = arith.addf %add3A_554, %broadcast_in_dim3A_578 : vector<128x1xf32>
    %get3A_580 = arith.constant 5 : index
    %get3A_581 = arith.constant 0 : index
    %get3A_582 = vector.load %arg0[%get3A_580, %get3A_581] : memref<8x128xf32, #tpu.memory_space<vmem>>, vector<1x128xf32>
    %get3A_583 = arith.constant 5 : index
    %get3A_584 = arith.constant 0 : index
    %get3A_585 = vector.load %arg1[%get3A_583, %get3A_584] : memref<8x128xf32, #tpu.memory_space<vmem>>, vector<1x128xf32>
    %gt3A_586 = vector.broadcast %get3A_582 : vector<1x128xf32> to vector<128x128xf32>
    %gt3A_587 = vector.broadcast %dot_general3A_447 : vector<128x1xf32> to vector<128x128xf32>
    %gt3A_588 = arith.cmpf ogt, %gt3A_586, %gt3A_587 : vector<128x128xf32>
    %convert_element_type3A_589 = arith.extui %gt3A_588 : vector<128x128xi1> to vector<128x128xi32>
    %convert_element_type3A_590 = arith.sitofp %convert_element_type3A_589 : vector<128x128xi32> to vector<128x128xf32>
    %eq3A_591 = vector.broadcast %get3A_582 : vector<1x128xf32> to vector<128x128xf32>
    %eq3A_592 = vector.broadcast %dot_general3A_447 : vector<128x1xf32> to vector<128x128xf32>
    %eq3A_593 = arith.cmpf oeq, %eq3A_591, %eq3A_592 : vector<128x128xf32>
    %lt3A_594 = vector.broadcast %get3A_585 : vector<1x128xf32> to vector<128x128xf32>
    %lt3A_595 = vector.broadcast %dot_general3A_452 : vector<128x1xf32> to vector<128x128xf32>
    %lt3A_596 = arith.cmpf olt, %lt3A_594, %lt3A_595 : vector<128x128xf32>
    %and3A_597 = arith.andi %eq3A_593, %lt3A_596 : vector<128x128xi1>
    %convert_element_type3A_598 = arith.extui %and3A_597 : vector<128x128xi1> to vector<128x128xi32>
    %convert_element_type3A_599 = arith.sitofp %convert_element_type3A_598 : vector<128x128xi32> to vector<128x128xf32>
    %add3A_600 = arith.addf %convert_element_type3A_590, %convert_element_type3A_599 : vector<128x128xf32>
    %reduce_sum3A_601 = arith.constant dense<0.000000e+00> : vector<128xf32>
    %reduce_sum3A_602 = vector.multi_reduction <add>, %add3A_600, %reduce_sum3A_601 [1] : vector<128x128xf32> to vector<128xf32>
    %broadcast_in_dim3A_603 = vector.shape_cast %reduce_sum3A_602 : vector<128xf32> to vector<128x1xf32>
    %add3A_604 = arith.addf %add3A_579, %broadcast_in_dim3A_603 : vector<128x1xf32>
    %get3A_605 = arith.constant 6 : index
    %get3A_606 = arith.constant 0 : index
    %get3A_607 = vector.load %arg0[%get3A_605, %get3A_606] : memref<8x128xf32, #tpu.memory_space<vmem>>, vector<1x128xf32>
    %get3A_608 = arith.constant 6 : index
    %get3A_609 = arith.constant 0 : index
    %get3A_610 = vector.load %arg1[%get3A_608, %get3A_609] : memref<8x128xf32, #tpu.memory_space<vmem>>, vector<1x128xf32>
    %gt3A_611 = vector.broadcast %get3A_607 : vector<1x128xf32> to vector<128x128xf32>
    %gt3A_612 = vector.broadcast %dot_general3A_447 : vector<128x1xf32> to vector<128x128xf32>
    %gt3A_613 = arith.cmpf ogt, %gt3A_611, %gt3A_612 : vector<128x128xf32>
    %convert_element_type3A_614 = arith.extui %gt3A_613 : vector<128x128xi1> to vector<128x128xi32>
    %convert_element_type3A_615 = arith.sitofp %convert_element_type3A_614 : vector<128x128xi32> to vector<128x128xf32>
    %eq3A_616 = vector.broadcast %get3A_607 : vector<1x128xf32> to vector<128x128xf32>
    %eq3A_617 = vector.broadcast %dot_general3A_447 : vector<128x1xf32> to vector<128x128xf32>
    %eq3A_618 = arith.cmpf oeq, %eq3A_616, %eq3A_617 : vector<128x128xf32>
    %lt3A_619 = vector.broadcast %get3A_610 : vector<1x128xf32> to vector<128x128xf32>
    %lt3A_620 = vector.broadcast %dot_general3A_452 : vector<128x1xf32> to vector<128x128xf32>
    %lt3A_621 = arith.cmpf olt, %lt3A_619, %lt3A_620 : vector<128x128xf32>
    %and3A_622 = arith.andi %eq3A_618, %lt3A_621 : vector<128x128xi1>
    %convert_element_type3A_623 = arith.extui %and3A_622 : vector<128x128xi1> to vector<128x128xi32>
    %convert_element_type3A_624 = arith.sitofp %convert_element_type3A_623 : vector<128x128xi32> to vector<128x128xf32>
    %add3A_625 = arith.addf %convert_element_type3A_615, %convert_element_type3A_624 : vector<128x128xf32>
    %reduce_sum3A_626 = arith.constant dense<0.000000e+00> : vector<128xf32>
    %reduce_sum3A_627 = vector.multi_reduction <add>, %add3A_625, %reduce_sum3A_626 [1] : vector<128x128xf32> to vector<128xf32>
    %broadcast_in_dim3A_628 = vector.shape_cast %reduce_sum3A_627 : vector<128xf32> to vector<128x1xf32>
    %add3A_629 = arith.addf %add3A_604, %broadcast_in_dim3A_628 : vector<128x1xf32>
    %get3A_630 = arith.constant 7 : index
    %get3A_631 = arith.constant 0 : index
    %get3A_632 = vector.load %arg0[%get3A_630, %get3A_631] : memref<8x128xf32, #tpu.memory_space<vmem>>, vector<1x128xf32>
    %get3A_633 = arith.constant 7 : index
    %get3A_634 = arith.constant 0 : index
    %get3A_635 = vector.load %arg1[%get3A_633, %get3A_634] : memref<8x128xf32, #tpu.memory_space<vmem>>, vector<1x128xf32>
    %gt3A_636 = vector.broadcast %get3A_632 : vector<1x128xf32> to vector<128x128xf32>
    %gt3A_637 = vector.broadcast %dot_general3A_447 : vector<128x1xf32> to vector<128x128xf32>
    %gt3A_638 = arith.cmpf ogt, %gt3A_636, %gt3A_637 : vector<128x128xf32>
    %convert_element_type3A_639 = arith.extui %gt3A_638 : vector<128x128xi1> to vector<128x128xi32>
    %convert_element_type3A_640 = arith.sitofp %convert_element_type3A_639 : vector<128x128xi32> to vector<128x128xf32>
    %eq3A_641 = vector.broadcast %get3A_632 : vector<1x128xf32> to vector<128x128xf32>
    %eq3A_642 = vector.broadcast %dot_general3A_447 : vector<128x1xf32> to vector<128x128xf32>
    %eq3A_643 = arith.cmpf oeq, %eq3A_641, %eq3A_642 : vector<128x128xf32>
    %lt3A_644 = vector.broadcast %get3A_635 : vector<1x128xf32> to vector<128x128xf32>
    %lt3A_645 = vector.broadcast %dot_general3A_452 : vector<128x1xf32> to vector<128x128xf32>
    %lt3A_646 = arith.cmpf olt, %lt3A_644, %lt3A_645 : vector<128x128xf32>
    %and3A_647 = arith.andi %eq3A_643, %lt3A_646 : vector<128x128xi1>
    %convert_element_type3A_648 = arith.extui %and3A_647 : vector<128x128xi1> to vector<128x128xi32>
    %convert_element_type3A_649 = arith.sitofp %convert_element_type3A_648 : vector<128x128xi32> to vector<128x128xf32>
    %add3A_650 = arith.addf %convert_element_type3A_640, %convert_element_type3A_649 : vector<128x128xf32>
    %reduce_sum3A_651 = arith.constant dense<0.000000e+00> : vector<128xf32>
    %reduce_sum3A_652 = vector.multi_reduction <add>, %add3A_650, %reduce_sum3A_651 [1] : vector<128x128xf32> to vector<128xf32>
    %broadcast_in_dim3A_653 = vector.shape_cast %reduce_sum3A_652 : vector<128xf32> to vector<128x1xf32>
    %add3A_654 = arith.addf %add3A_629, %broadcast_in_dim3A_653 : vector<128x1xf32>
    %dot_general3A_655 = arith.constant dense<0.000000e+00> : vector<1x128xf32>
    %dot_general3A_656 = tpu.matmul %add3A_654, %convert_element_type3A_1, %dot_general3A_655 {dimension_numbers = #tpu.dot_dimension_numbers<[0], [0], [1], [1], [0, 1, 1, 1], [], []>, precision = #tpu.contract_precision<fp32>, transpose_lhs_hint = false} : vector<128x1xf32>, vector<128x128xf32>, vector<1x128xf32> -> vector<1x128xf32>
    %eq3A_657 = vector.broadcast %convert_element_type3A_3 : vector<128x1xf32> to vector<128x128xf32>
    %eq3A_658 = vector.broadcast %dot_general3A_656 : vector<1x128xf32> to vector<128x128xf32>
    %eq3A_659 = arith.cmpf oeq, %eq3A_657, %eq3A_658 : vector<128x128xf32>
    %convert_element_type3A_660 = arith.extui %eq3A_659 : vector<128x128xi1> to vector<128x128xi32>
    %convert_element_type3A_661 = arith.sitofp %convert_element_type3A_660 : vector<128x128xi32> to vector<128x128xf32>
    %concatenate3A_662 = tpu.concatenate %dot_general3A_447, %dot_general3A_452 in 1 : vector<128x1xf32>, vector<128x1xf32> -> vector<128x2xf32>
    %dot_general3A_663 = arith.constant dense<0.000000e+00> : vector<128x2xf32>
    %dot_general3A_664 = tpu.matmul %convert_element_type3A_661, %concatenate3A_662, %dot_general3A_663 {dimension_numbers = #tpu.dot_dimension_numbers<[1], [0], [0], [1], [0, 0, 1, 1], [], []>, precision = #tpu.contract_precision<fp32>, transpose_lhs_hint = false} : vector<128x128xf32>, vector<128x2xf32>, vector<128x2xf32> -> vector<128x2xf32>
    %add3A_665 = arith.addf %add3A_442, %dot_general3A_664 : vector<128x2xf32>
    %get3A_666 = arith.constant 3 : index
    %get3A_667 = arith.constant 0 : index
    %get3A_668 = vector.load %arg0[%get3A_666, %get3A_667] : memref<8x128xf32, #tpu.memory_space<vmem>>, vector<1x128xf32>
    %dot_general3A_669 = arith.constant dense<0.000000e+00> : vector<128x1xf32>
    %dot_general3A_670 = tpu.matmul %convert_element_type3A_1, %get3A_668, %dot_general3A_669 {dimension_numbers = #tpu.dot_dimension_numbers<[1], [1], [0], [0], [0, 0, 1, 0], [], []>, precision = #tpu.contract_precision<fp32>, transpose_lhs_hint = false} : vector<128x128xf32>, vector<1x128xf32>, vector<128x1xf32> -> vector<128x1xf32>
    %get3A_671 = arith.constant 3 : index
    %get3A_672 = arith.constant 0 : index
    %get3A_673 = vector.load %arg1[%get3A_671, %get3A_672] : memref<8x128xf32, #tpu.memory_space<vmem>>, vector<1x128xf32>
    %dot_general3A_674 = arith.constant dense<0.000000e+00> : vector<128x1xf32>
    %dot_general3A_675 = tpu.matmul %convert_element_type3A_1, %get3A_673, %dot_general3A_674 {dimension_numbers = #tpu.dot_dimension_numbers<[1], [1], [0], [0], [0, 0, 1, 0], [], []>, precision = #tpu.contract_precision<fp32>, transpose_lhs_hint = false} : vector<128x128xf32>, vector<1x128xf32>, vector<128x1xf32> -> vector<128x1xf32>
    %broadcast_in_dim3A_676 = arith.constant 0.000000e+00 : f32
    %broadcast_in_dim3A_677 = vector.broadcast %broadcast_in_dim3A_676 : f32 to vector<128x1xf32>
    %get3A_678 = arith.constant 0 : index
    %get3A_679 = arith.constant 0 : index
    %get3A_680 = vector.load %arg0[%get3A_678, %get3A_679] : memref<8x128xf32, #tpu.memory_space<vmem>>, vector<1x128xf32>
    %get3A_681 = arith.constant 0 : index
    %get3A_682 = arith.constant 0 : index
    %get3A_683 = vector.load %arg1[%get3A_681, %get3A_682] : memref<8x128xf32, #tpu.memory_space<vmem>>, vector<1x128xf32>
    %gt3A_684 = vector.broadcast %get3A_680 : vector<1x128xf32> to vector<128x128xf32>
    %gt3A_685 = vector.broadcast %dot_general3A_670 : vector<128x1xf32> to vector<128x128xf32>
    %gt3A_686 = arith.cmpf ogt, %gt3A_684, %gt3A_685 : vector<128x128xf32>
    %convert_element_type3A_687 = arith.extui %gt3A_686 : vector<128x128xi1> to vector<128x128xi32>
    %convert_element_type3A_688 = arith.sitofp %convert_element_type3A_687 : vector<128x128xi32> to vector<128x128xf32>
    %eq3A_689 = vector.broadcast %get3A_680 : vector<1x128xf32> to vector<128x128xf32>
    %eq3A_690 = vector.broadcast %dot_general3A_670 : vector<128x1xf32> to vector<128x128xf32>
    %eq3A_691 = arith.cmpf oeq, %eq3A_689, %eq3A_690 : vector<128x128xf32>
    %lt3A_692 = vector.broadcast %get3A_683 : vector<1x128xf32> to vector<128x128xf32>
    %lt3A_693 = vector.broadcast %dot_general3A_675 : vector<128x1xf32> to vector<128x128xf32>
    %lt3A_694 = arith.cmpf olt, %lt3A_692, %lt3A_693 : vector<128x128xf32>
    %and3A_695 = arith.andi %eq3A_691, %lt3A_694 : vector<128x128xi1>
    %convert_element_type3A_696 = arith.extui %and3A_695 : vector<128x128xi1> to vector<128x128xi32>
    %convert_element_type3A_697 = arith.sitofp %convert_element_type3A_696 : vector<128x128xi32> to vector<128x128xf32>
    %add3A_698 = arith.addf %convert_element_type3A_688, %convert_element_type3A_697 : vector<128x128xf32>
    %reduce_sum3A_699 = arith.constant dense<0.000000e+00> : vector<128xf32>
    %reduce_sum3A_700 = vector.multi_reduction <add>, %add3A_698, %reduce_sum3A_699 [1] : vector<128x128xf32> to vector<128xf32>
    %broadcast_in_dim3A_701 = vector.shape_cast %reduce_sum3A_700 : vector<128xf32> to vector<128x1xf32>
    %add3A_702 = arith.addf %broadcast_in_dim3A_677, %broadcast_in_dim3A_701 : vector<128x1xf32>
    %get3A_703 = arith.constant 1 : index
    %get3A_704 = arith.constant 0 : index
    %get3A_705 = vector.load %arg0[%get3A_703, %get3A_704] : memref<8x128xf32, #tpu.memory_space<vmem>>, vector<1x128xf32>
    %get3A_706 = arith.constant 1 : index
    %get3A_707 = arith.constant 0 : index
    %get3A_708 = vector.load %arg1[%get3A_706, %get3A_707] : memref<8x128xf32, #tpu.memory_space<vmem>>, vector<1x128xf32>
    %gt3A_709 = vector.broadcast %get3A_705 : vector<1x128xf32> to vector<128x128xf32>
    %gt3A_710 = vector.broadcast %dot_general3A_670 : vector<128x1xf32> to vector<128x128xf32>
    %gt3A_711 = arith.cmpf ogt, %gt3A_709, %gt3A_710 : vector<128x128xf32>
    %convert_element_type3A_712 = arith.extui %gt3A_711 : vector<128x128xi1> to vector<128x128xi32>
    %convert_element_type3A_713 = arith.sitofp %convert_element_type3A_712 : vector<128x128xi32> to vector<128x128xf32>
    %eq3A_714 = vector.broadcast %get3A_705 : vector<1x128xf32> to vector<128x128xf32>
    %eq3A_715 = vector.broadcast %dot_general3A_670 : vector<128x1xf32> to vector<128x128xf32>
    %eq3A_716 = arith.cmpf oeq, %eq3A_714, %eq3A_715 : vector<128x128xf32>
    %lt3A_717 = vector.broadcast %get3A_708 : vector<1x128xf32> to vector<128x128xf32>
    %lt3A_718 = vector.broadcast %dot_general3A_675 : vector<128x1xf32> to vector<128x128xf32>
    %lt3A_719 = arith.cmpf olt, %lt3A_717, %lt3A_718 : vector<128x128xf32>
    %and3A_720 = arith.andi %eq3A_716, %lt3A_719 : vector<128x128xi1>
    %convert_element_type3A_721 = arith.extui %and3A_720 : vector<128x128xi1> to vector<128x128xi32>
    %convert_element_type3A_722 = arith.sitofp %convert_element_type3A_721 : vector<128x128xi32> to vector<128x128xf32>
    %add3A_723 = arith.addf %convert_element_type3A_713, %convert_element_type3A_722 : vector<128x128xf32>
    %reduce_sum3A_724 = arith.constant dense<0.000000e+00> : vector<128xf32>
    %reduce_sum3A_725 = vector.multi_reduction <add>, %add3A_723, %reduce_sum3A_724 [1] : vector<128x128xf32> to vector<128xf32>
    %broadcast_in_dim3A_726 = vector.shape_cast %reduce_sum3A_725 : vector<128xf32> to vector<128x1xf32>
    %add3A_727 = arith.addf %add3A_702, %broadcast_in_dim3A_726 : vector<128x1xf32>
    %get3A_728 = arith.constant 2 : index
    %get3A_729 = arith.constant 0 : index
    %get3A_730 = vector.load %arg0[%get3A_728, %get3A_729] : memref<8x128xf32, #tpu.memory_space<vmem>>, vector<1x128xf32>
    %get3A_731 = arith.constant 2 : index
    %get3A_732 = arith.constant 0 : index
    %get3A_733 = vector.load %arg1[%get3A_731, %get3A_732] : memref<8x128xf32, #tpu.memory_space<vmem>>, vector<1x128xf32>
    %gt3A_734 = vector.broadcast %get3A_730 : vector<1x128xf32> to vector<128x128xf32>
    %gt3A_735 = vector.broadcast %dot_general3A_670 : vector<128x1xf32> to vector<128x128xf32>
    %gt3A_736 = arith.cmpf ogt, %gt3A_734, %gt3A_735 : vector<128x128xf32>
    %convert_element_type3A_737 = arith.extui %gt3A_736 : vector<128x128xi1> to vector<128x128xi32>
    %convert_element_type3A_738 = arith.sitofp %convert_element_type3A_737 : vector<128x128xi32> to vector<128x128xf32>
    %eq3A_739 = vector.broadcast %get3A_730 : vector<1x128xf32> to vector<128x128xf32>
    %eq3A_740 = vector.broadcast %dot_general3A_670 : vector<128x1xf32> to vector<128x128xf32>
    %eq3A_741 = arith.cmpf oeq, %eq3A_739, %eq3A_740 : vector<128x128xf32>
    %lt3A_742 = vector.broadcast %get3A_733 : vector<1x128xf32> to vector<128x128xf32>
    %lt3A_743 = vector.broadcast %dot_general3A_675 : vector<128x1xf32> to vector<128x128xf32>
    %lt3A_744 = arith.cmpf olt, %lt3A_742, %lt3A_743 : vector<128x128xf32>
    %and3A_745 = arith.andi %eq3A_741, %lt3A_744 : vector<128x128xi1>
    %convert_element_type3A_746 = arith.extui %and3A_745 : vector<128x128xi1> to vector<128x128xi32>
    %convert_element_type3A_747 = arith.sitofp %convert_element_type3A_746 : vector<128x128xi32> to vector<128x128xf32>
    %add3A_748 = arith.addf %convert_element_type3A_738, %convert_element_type3A_747 : vector<128x128xf32>
    %reduce_sum3A_749 = arith.constant dense<0.000000e+00> : vector<128xf32>
    %reduce_sum3A_750 = vector.multi_reduction <add>, %add3A_748, %reduce_sum3A_749 [1] : vector<128x128xf32> to vector<128xf32>
    %broadcast_in_dim3A_751 = vector.shape_cast %reduce_sum3A_750 : vector<128xf32> to vector<128x1xf32>
    %add3A_752 = arith.addf %add3A_727, %broadcast_in_dim3A_751 : vector<128x1xf32>
    %get3A_753 = arith.constant 3 : index
    %get3A_754 = arith.constant 0 : index
    %get3A_755 = vector.load %arg0[%get3A_753, %get3A_754] : memref<8x128xf32, #tpu.memory_space<vmem>>, vector<1x128xf32>
    %get3A_756 = arith.constant 3 : index
    %get3A_757 = arith.constant 0 : index
    %get3A_758 = vector.load %arg1[%get3A_756, %get3A_757] : memref<8x128xf32, #tpu.memory_space<vmem>>, vector<1x128xf32>
    %gt3A_759 = vector.broadcast %get3A_755 : vector<1x128xf32> to vector<128x128xf32>
    %gt3A_760 = vector.broadcast %dot_general3A_670 : vector<128x1xf32> to vector<128x128xf32>
    %gt3A_761 = arith.cmpf ogt, %gt3A_759, %gt3A_760 : vector<128x128xf32>
    %convert_element_type3A_762 = arith.extui %gt3A_761 : vector<128x128xi1> to vector<128x128xi32>
    %convert_element_type3A_763 = arith.sitofp %convert_element_type3A_762 : vector<128x128xi32> to vector<128x128xf32>
    %eq3A_764 = vector.broadcast %get3A_755 : vector<1x128xf32> to vector<128x128xf32>
    %eq3A_765 = vector.broadcast %dot_general3A_670 : vector<128x1xf32> to vector<128x128xf32>
    %eq3A_766 = arith.cmpf oeq, %eq3A_764, %eq3A_765 : vector<128x128xf32>
    %lt3A_767 = vector.broadcast %get3A_758 : vector<1x128xf32> to vector<128x128xf32>
    %lt3A_768 = vector.broadcast %dot_general3A_675 : vector<128x1xf32> to vector<128x128xf32>
    %lt3A_769 = arith.cmpf olt, %lt3A_767, %lt3A_768 : vector<128x128xf32>
    %and3A_770 = arith.andi %eq3A_766, %lt3A_769 : vector<128x128xi1>
    %convert_element_type3A_771 = arith.extui %and3A_770 : vector<128x128xi1> to vector<128x128xi32>
    %convert_element_type3A_772 = arith.sitofp %convert_element_type3A_771 : vector<128x128xi32> to vector<128x128xf32>
    %add3A_773 = arith.addf %convert_element_type3A_763, %convert_element_type3A_772 : vector<128x128xf32>
    %reduce_sum3A_774 = arith.constant dense<0.000000e+00> : vector<128xf32>
    %reduce_sum3A_775 = vector.multi_reduction <add>, %add3A_773, %reduce_sum3A_774 [1] : vector<128x128xf32> to vector<128xf32>
    %broadcast_in_dim3A_776 = vector.shape_cast %reduce_sum3A_775 : vector<128xf32> to vector<128x1xf32>
    %add3A_777 = arith.addf %add3A_752, %broadcast_in_dim3A_776 : vector<128x1xf32>
    %get3A_778 = arith.constant 4 : index
    %get3A_779 = arith.constant 0 : index
    %get3A_780 = vector.load %arg0[%get3A_778, %get3A_779] : memref<8x128xf32, #tpu.memory_space<vmem>>, vector<1x128xf32>
    %get3A_781 = arith.constant 4 : index
    %get3A_782 = arith.constant 0 : index
    %get3A_783 = vector.load %arg1[%get3A_781, %get3A_782] : memref<8x128xf32, #tpu.memory_space<vmem>>, vector<1x128xf32>
    %gt3A_784 = vector.broadcast %get3A_780 : vector<1x128xf32> to vector<128x128xf32>
    %gt3A_785 = vector.broadcast %dot_general3A_670 : vector<128x1xf32> to vector<128x128xf32>
    %gt3A_786 = arith.cmpf ogt, %gt3A_784, %gt3A_785 : vector<128x128xf32>
    %convert_element_type3A_787 = arith.extui %gt3A_786 : vector<128x128xi1> to vector<128x128xi32>
    %convert_element_type3A_788 = arith.sitofp %convert_element_type3A_787 : vector<128x128xi32> to vector<128x128xf32>
    %eq3A_789 = vector.broadcast %get3A_780 : vector<1x128xf32> to vector<128x128xf32>
    %eq3A_790 = vector.broadcast %dot_general3A_670 : vector<128x1xf32> to vector<128x128xf32>
    %eq3A_791 = arith.cmpf oeq, %eq3A_789, %eq3A_790 : vector<128x128xf32>
    %lt3A_792 = vector.broadcast %get3A_783 : vector<1x128xf32> to vector<128x128xf32>
    %lt3A_793 = vector.broadcast %dot_general3A_675 : vector<128x1xf32> to vector<128x128xf32>
    %lt3A_794 = arith.cmpf olt, %lt3A_792, %lt3A_793 : vector<128x128xf32>
    %and3A_795 = arith.andi %eq3A_791, %lt3A_794 : vector<128x128xi1>
    %convert_element_type3A_796 = arith.extui %and3A_795 : vector<128x128xi1> to vector<128x128xi32>
    %convert_element_type3A_797 = arith.sitofp %convert_element_type3A_796 : vector<128x128xi32> to vector<128x128xf32>
    %add3A_798 = arith.addf %convert_element_type3A_788, %convert_element_type3A_797 : vector<128x128xf32>
    %reduce_sum3A_799 = arith.constant dense<0.000000e+00> : vector<128xf32>
    %reduce_sum3A_800 = vector.multi_reduction <add>, %add3A_798, %reduce_sum3A_799 [1] : vector<128x128xf32> to vector<128xf32>
    %broadcast_in_dim3A_801 = vector.shape_cast %reduce_sum3A_800 : vector<128xf32> to vector<128x1xf32>
    %add3A_802 = arith.addf %add3A_777, %broadcast_in_dim3A_801 : vector<128x1xf32>
    %get3A_803 = arith.constant 5 : index
    %get3A_804 = arith.constant 0 : index
    %get3A_805 = vector.load %arg0[%get3A_803, %get3A_804] : memref<8x128xf32, #tpu.memory_space<vmem>>, vector<1x128xf32>
    %get3A_806 = arith.constant 5 : index
    %get3A_807 = arith.constant 0 : index
    %get3A_808 = vector.load %arg1[%get3A_806, %get3A_807] : memref<8x128xf32, #tpu.memory_space<vmem>>, vector<1x128xf32>
    %gt3A_809 = vector.broadcast %get3A_805 : vector<1x128xf32> to vector<128x128xf32>
    %gt3A_810 = vector.broadcast %dot_general3A_670 : vector<128x1xf32> to vector<128x128xf32>
    %gt3A_811 = arith.cmpf ogt, %gt3A_809, %gt3A_810 : vector<128x128xf32>
    %convert_element_type3A_812 = arith.extui %gt3A_811 : vector<128x128xi1> to vector<128x128xi32>
    %convert_element_type3A_813 = arith.sitofp %convert_element_type3A_812 : vector<128x128xi32> to vector<128x128xf32>
    %eq3A_814 = vector.broadcast %get3A_805 : vector<1x128xf32> to vector<128x128xf32>
    %eq3A_815 = vector.broadcast %dot_general3A_670 : vector<128x1xf32> to vector<128x128xf32>
    %eq3A_816 = arith.cmpf oeq, %eq3A_814, %eq3A_815 : vector<128x128xf32>
    %lt3A_817 = vector.broadcast %get3A_808 : vector<1x128xf32> to vector<128x128xf32>
    %lt3A_818 = vector.broadcast %dot_general3A_675 : vector<128x1xf32> to vector<128x128xf32>
    %lt3A_819 = arith.cmpf olt, %lt3A_817, %lt3A_818 : vector<128x128xf32>
    %and3A_820 = arith.andi %eq3A_816, %lt3A_819 : vector<128x128xi1>
    %convert_element_type3A_821 = arith.extui %and3A_820 : vector<128x128xi1> to vector<128x128xi32>
    %convert_element_type3A_822 = arith.sitofp %convert_element_type3A_821 : vector<128x128xi32> to vector<128x128xf32>
    %add3A_823 = arith.addf %convert_element_type3A_813, %convert_element_type3A_822 : vector<128x128xf32>
    %reduce_sum3A_824 = arith.constant dense<0.000000e+00> : vector<128xf32>
    %reduce_sum3A_825 = vector.multi_reduction <add>, %add3A_823, %reduce_sum3A_824 [1] : vector<128x128xf32> to vector<128xf32>
    %broadcast_in_dim3A_826 = vector.shape_cast %reduce_sum3A_825 : vector<128xf32> to vector<128x1xf32>
    %add3A_827 = arith.addf %add3A_802, %broadcast_in_dim3A_826 : vector<128x1xf32>
    %get3A_828 = arith.constant 6 : index
    %get3A_829 = arith.constant 0 : index
    %get3A_830 = vector.load %arg0[%get3A_828, %get3A_829] : memref<8x128xf32, #tpu.memory_space<vmem>>, vector<1x128xf32>
    %get3A_831 = arith.constant 6 : index
    %get3A_832 = arith.constant 0 : index
    %get3A_833 = vector.load %arg1[%get3A_831, %get3A_832] : memref<8x128xf32, #tpu.memory_space<vmem>>, vector<1x128xf32>
    %gt3A_834 = vector.broadcast %get3A_830 : vector<1x128xf32> to vector<128x128xf32>
    %gt3A_835 = vector.broadcast %dot_general3A_670 : vector<128x1xf32> to vector<128x128xf32>
    %gt3A_836 = arith.cmpf ogt, %gt3A_834, %gt3A_835 : vector<128x128xf32>
    %convert_element_type3A_837 = arith.extui %gt3A_836 : vector<128x128xi1> to vector<128x128xi32>
    %convert_element_type3A_838 = arith.sitofp %convert_element_type3A_837 : vector<128x128xi32> to vector<128x128xf32>
    %eq3A_839 = vector.broadcast %get3A_830 : vector<1x128xf32> to vector<128x128xf32>
    %eq3A_840 = vector.broadcast %dot_general3A_670 : vector<128x1xf32> to vector<128x128xf32>
    %eq3A_841 = arith.cmpf oeq, %eq3A_839, %eq3A_840 : vector<128x128xf32>
    %lt3A_842 = vector.broadcast %get3A_833 : vector<1x128xf32> to vector<128x128xf32>
    %lt3A_843 = vector.broadcast %dot_general3A_675 : vector<128x1xf32> to vector<128x128xf32>
    %lt3A_844 = arith.cmpf olt, %lt3A_842, %lt3A_843 : vector<128x128xf32>
    %and3A_845 = arith.andi %eq3A_841, %lt3A_844 : vector<128x128xi1>
    %convert_element_type3A_846 = arith.extui %and3A_845 : vector<128x128xi1> to vector<128x128xi32>
    %convert_element_type3A_847 = arith.sitofp %convert_element_type3A_846 : vector<128x128xi32> to vector<128x128xf32>
    %add3A_848 = arith.addf %convert_element_type3A_838, %convert_element_type3A_847 : vector<128x128xf32>
    %reduce_sum3A_849 = arith.constant dense<0.000000e+00> : vector<128xf32>
    %reduce_sum3A_850 = vector.multi_reduction <add>, %add3A_848, %reduce_sum3A_849 [1] : vector<128x128xf32> to vector<128xf32>
    %broadcast_in_dim3A_851 = vector.shape_cast %reduce_sum3A_850 : vector<128xf32> to vector<128x1xf32>
    %add3A_852 = arith.addf %add3A_827, %broadcast_in_dim3A_851 : vector<128x1xf32>
    %get3A_853 = arith.constant 7 : index
    %get3A_854 = arith.constant 0 : index
    %get3A_855 = vector.load %arg0[%get3A_853, %get3A_854] : memref<8x128xf32, #tpu.memory_space<vmem>>, vector<1x128xf32>
    %get3A_856 = arith.constant 7 : index
    %get3A_857 = arith.constant 0 : index
    %get3A_858 = vector.load %arg1[%get3A_856, %get3A_857] : memref<8x128xf32, #tpu.memory_space<vmem>>, vector<1x128xf32>
    %gt3A_859 = vector.broadcast %get3A_855 : vector<1x128xf32> to vector<128x128xf32>
    %gt3A_860 = vector.broadcast %dot_general3A_670 : vector<128x1xf32> to vector<128x128xf32>
    %gt3A_861 = arith.cmpf ogt, %gt3A_859, %gt3A_860 : vector<128x128xf32>
    %convert_element_type3A_862 = arith.extui %gt3A_861 : vector<128x128xi1> to vector<128x128xi32>
    %convert_element_type3A_863 = arith.sitofp %convert_element_type3A_862 : vector<128x128xi32> to vector<128x128xf32>
    %eq3A_864 = vector.broadcast %get3A_855 : vector<1x128xf32> to vector<128x128xf32>
    %eq3A_865 = vector.broadcast %dot_general3A_670 : vector<128x1xf32> to vector<128x128xf32>
    %eq3A_866 = arith.cmpf oeq, %eq3A_864, %eq3A_865 : vector<128x128xf32>
    %lt3A_867 = vector.broadcast %get3A_858 : vector<1x128xf32> to vector<128x128xf32>
    %lt3A_868 = vector.broadcast %dot_general3A_675 : vector<128x1xf32> to vector<128x128xf32>
    %lt3A_869 = arith.cmpf olt, %lt3A_867, %lt3A_868 : vector<128x128xf32>
    %and3A_870 = arith.andi %eq3A_866, %lt3A_869 : vector<128x128xi1>
    %convert_element_type3A_871 = arith.extui %and3A_870 : vector<128x128xi1> to vector<128x128xi32>
    %convert_element_type3A_872 = arith.sitofp %convert_element_type3A_871 : vector<128x128xi32> to vector<128x128xf32>
    %add3A_873 = arith.addf %convert_element_type3A_863, %convert_element_type3A_872 : vector<128x128xf32>
    %reduce_sum3A_874 = arith.constant dense<0.000000e+00> : vector<128xf32>
    %reduce_sum3A_875 = vector.multi_reduction <add>, %add3A_873, %reduce_sum3A_874 [1] : vector<128x128xf32> to vector<128xf32>
    %broadcast_in_dim3A_876 = vector.shape_cast %reduce_sum3A_875 : vector<128xf32> to vector<128x1xf32>
    %add3A_877 = arith.addf %add3A_852, %broadcast_in_dim3A_876 : vector<128x1xf32>
    %dot_general3A_878 = arith.constant dense<0.000000e+00> : vector<1x128xf32>
    %dot_general3A_879 = tpu.matmul %add3A_877, %convert_element_type3A_1, %dot_general3A_878 {dimension_numbers = #tpu.dot_dimension_numbers<[0], [0], [1], [1], [0, 1, 1, 1], [], []>, precision = #tpu.contract_precision<fp32>, transpose_lhs_hint = false} : vector<128x1xf32>, vector<128x128xf32>, vector<1x128xf32> -> vector<1x128xf32>
    %eq3A_880 = vector.broadcast %convert_element_type3A_3 : vector<128x1xf32> to vector<128x128xf32>
    %eq3A_881 = vector.broadcast %dot_general3A_879 : vector<1x128xf32> to vector<128x128xf32>
    %eq3A_882 = arith.cmpf oeq, %eq3A_880, %eq3A_881 : vector<128x128xf32>
    %convert_element_type3A_883 = arith.extui %eq3A_882 : vector<128x128xi1> to vector<128x128xi32>
    %convert_element_type3A_884 = arith.sitofp %convert_element_type3A_883 : vector<128x128xi32> to vector<128x128xf32>
    %concatenate3A_885 = tpu.concatenate %dot_general3A_670, %dot_general3A_675 in 1 : vector<128x1xf32>, vector<128x1xf32> -> vector<128x2xf32>
    %dot_general3A_886 = arith.constant dense<0.000000e+00> : vector<128x2xf32>
    %dot_general3A_887 = tpu.matmul %convert_element_type3A_884, %concatenate3A_885, %dot_general3A_886 {dimension_numbers = #tpu.dot_dimension_numbers<[1], [0], [0], [1], [0, 0, 1, 1], [], []>, precision = #tpu.contract_precision<fp32>, transpose_lhs_hint = false} : vector<128x128xf32>, vector<128x2xf32>, vector<128x2xf32> -> vector<128x2xf32>
    %add3A_888 = arith.addf %add3A_665, %dot_general3A_887 : vector<128x2xf32>
    %get3A_889 = arith.constant 4 : index
    %get3A_890 = arith.constant 0 : index
    %get3A_891 = vector.load %arg0[%get3A_889, %get3A_890] : memref<8x128xf32, #tpu.memory_space<vmem>>, vector<1x128xf32>
    %dot_general3A_892 = arith.constant dense<0.000000e+00> : vector<128x1xf32>
    %dot_general3A_893 = tpu.matmul %convert_element_type3A_1, %get3A_891, %dot_general3A_892 {dimension_numbers = #tpu.dot_dimension_numbers<[1], [1], [0], [0], [0, 0, 1, 0], [], []>, precision = #tpu.contract_precision<fp32>, transpose_lhs_hint = false} : vector<128x128xf32>, vector<1x128xf32>, vector<128x1xf32> -> vector<128x1xf32>
    %get3A_894 = arith.constant 4 : index
    %get3A_895 = arith.constant 0 : index
    %get3A_896 = vector.load %arg1[%get3A_894, %get3A_895] : memref<8x128xf32, #tpu.memory_space<vmem>>, vector<1x128xf32>
    %dot_general3A_897 = arith.constant dense<0.000000e+00> : vector<128x1xf32>
    %dot_general3A_898 = tpu.matmul %convert_element_type3A_1, %get3A_896, %dot_general3A_897 {dimension_numbers = #tpu.dot_dimension_numbers<[1], [1], [0], [0], [0, 0, 1, 0], [], []>, precision = #tpu.contract_precision<fp32>, transpose_lhs_hint = false} : vector<128x128xf32>, vector<1x128xf32>, vector<128x1xf32> -> vector<128x1xf32>
    %broadcast_in_dim3A_899 = arith.constant 0.000000e+00 : f32
    %broadcast_in_dim3A_900 = vector.broadcast %broadcast_in_dim3A_899 : f32 to vector<128x1xf32>
    %get3A_901 = arith.constant 0 : index
    %get3A_902 = arith.constant 0 : index
    %get3A_903 = vector.load %arg0[%get3A_901, %get3A_902] : memref<8x128xf32, #tpu.memory_space<vmem>>, vector<1x128xf32>
    %get3A_904 = arith.constant 0 : index
    %get3A_905 = arith.constant 0 : index
    %get3A_906 = vector.load %arg1[%get3A_904, %get3A_905] : memref<8x128xf32, #tpu.memory_space<vmem>>, vector<1x128xf32>
    %gt3A_907 = vector.broadcast %get3A_903 : vector<1x128xf32> to vector<128x128xf32>
    %gt3A_908 = vector.broadcast %dot_general3A_893 : vector<128x1xf32> to vector<128x128xf32>
    %gt3A_909 = arith.cmpf ogt, %gt3A_907, %gt3A_908 : vector<128x128xf32>
    %convert_element_type3A_910 = arith.extui %gt3A_909 : vector<128x128xi1> to vector<128x128xi32>
    %convert_element_type3A_911 = arith.sitofp %convert_element_type3A_910 : vector<128x128xi32> to vector<128x128xf32>
    %eq3A_912 = vector.broadcast %get3A_903 : vector<1x128xf32> to vector<128x128xf32>
    %eq3A_913 = vector.broadcast %dot_general3A_893 : vector<128x1xf32> to vector<128x128xf32>
    %eq3A_914 = arith.cmpf oeq, %eq3A_912, %eq3A_913 : vector<128x128xf32>
    %lt3A_915 = vector.broadcast %get3A_906 : vector<1x128xf32> to vector<128x128xf32>
    %lt3A_916 = vector.broadcast %dot_general3A_898 : vector<128x1xf32> to vector<128x128xf32>
    %lt3A_917 = arith.cmpf olt, %lt3A_915, %lt3A_916 : vector<128x128xf32>
    %and3A_918 = arith.andi %eq3A_914, %lt3A_917 : vector<128x128xi1>
    %convert_element_type3A_919 = arith.extui %and3A_918 : vector<128x128xi1> to vector<128x128xi32>
    %convert_element_type3A_920 = arith.sitofp %convert_element_type3A_919 : vector<128x128xi32> to vector<128x128xf32>
    %add3A_921 = arith.addf %convert_element_type3A_911, %convert_element_type3A_920 : vector<128x128xf32>
    %reduce_sum3A_922 = arith.constant dense<0.000000e+00> : vector<128xf32>
    %reduce_sum3A_923 = vector.multi_reduction <add>, %add3A_921, %reduce_sum3A_922 [1] : vector<128x128xf32> to vector<128xf32>
    %broadcast_in_dim3A_924 = vector.shape_cast %reduce_sum3A_923 : vector<128xf32> to vector<128x1xf32>
    %add3A_925 = arith.addf %broadcast_in_dim3A_900, %broadcast_in_dim3A_924 : vector<128x1xf32>
    %get3A_926 = arith.constant 1 : index
    %get3A_927 = arith.constant 0 : index
    %get3A_928 = vector.load %arg0[%get3A_926, %get3A_927] : memref<8x128xf32, #tpu.memory_space<vmem>>, vector<1x128xf32>
    %get3A_929 = arith.constant 1 : index
    %get3A_930 = arith.constant 0 : index
    %get3A_931 = vector.load %arg1[%get3A_929, %get3A_930] : memref<8x128xf32, #tpu.memory_space<vmem>>, vector<1x128xf32>
    %gt3A_932 = vector.broadcast %get3A_928 : vector<1x128xf32> to vector<128x128xf32>
    %gt3A_933 = vector.broadcast %dot_general3A_893 : vector<128x1xf32> to vector<128x128xf32>
    %gt3A_934 = arith.cmpf ogt, %gt3A_932, %gt3A_933 : vector<128x128xf32>
    %convert_element_type3A_935 = arith.extui %gt3A_934 : vector<128x128xi1> to vector<128x128xi32>
    %convert_element_type3A_936 = arith.sitofp %convert_element_type3A_935 : vector<128x128xi32> to vector<128x128xf32>
    %eq3A_937 = vector.broadcast %get3A_928 : vector<1x128xf32> to vector<128x128xf32>
    %eq3A_938 = vector.broadcast %dot_general3A_893 : vector<128x1xf32> to vector<128x128xf32>
    %eq3A_939 = arith.cmpf oeq, %eq3A_937, %eq3A_938 : vector<128x128xf32>
    %lt3A_940 = vector.broadcast %get3A_931 : vector<1x128xf32> to vector<128x128xf32>
    %lt3A_941 = vector.broadcast %dot_general3A_898 : vector<128x1xf32> to vector<128x128xf32>
    %lt3A_942 = arith.cmpf olt, %lt3A_940, %lt3A_941 : vector<128x128xf32>
    %and3A_943 = arith.andi %eq3A_939, %lt3A_942 : vector<128x128xi1>
    %convert_element_type3A_944 = arith.extui %and3A_943 : vector<128x128xi1> to vector<128x128xi32>
    %convert_element_type3A_945 = arith.sitofp %convert_element_type3A_944 : vector<128x128xi32> to vector<128x128xf32>
    %add3A_946 = arith.addf %convert_element_type3A_936, %convert_element_type3A_945 : vector<128x128xf32>
    %reduce_sum3A_947 = arith.constant dense<0.000000e+00> : vector<128xf32>
    %reduce_sum3A_948 = vector.multi_reduction <add>, %add3A_946, %reduce_sum3A_947 [1] : vector<128x128xf32> to vector<128xf32>
    %broadcast_in_dim3A_949 = vector.shape_cast %reduce_sum3A_948 : vector<128xf32> to vector<128x1xf32>
    %add3A_950 = arith.addf %add3A_925, %broadcast_in_dim3A_949 : vector<128x1xf32>
    %get3A_951 = arith.constant 2 : index
    %get3A_952 = arith.constant 0 : index
    %get3A_953 = vector.load %arg0[%get3A_951, %get3A_952] : memref<8x128xf32, #tpu.memory_space<vmem>>, vector<1x128xf32>
    %get3A_954 = arith.constant 2 : index
    %get3A_955 = arith.constant 0 : index
    %get3A_956 = vector.load %arg1[%get3A_954, %get3A_955] : memref<8x128xf32, #tpu.memory_space<vmem>>, vector<1x128xf32>
    %gt3A_957 = vector.broadcast %get3A_953 : vector<1x128xf32> to vector<128x128xf32>
    %gt3A_958 = vector.broadcast %dot_general3A_893 : vector<128x1xf32> to vector<128x128xf32>
    %gt3A_959 = arith.cmpf ogt, %gt3A_957, %gt3A_958 : vector<128x128xf32>
    %convert_element_type3A_960 = arith.extui %gt3A_959 : vector<128x128xi1> to vector<128x128xi32>
    %convert_element_type3A_961 = arith.sitofp %convert_element_type3A_960 : vector<128x128xi32> to vector<128x128xf32>
    %eq3A_962 = vector.broadcast %get3A_953 : vector<1x128xf32> to vector<128x128xf32>
    %eq3A_963 = vector.broadcast %dot_general3A_893 : vector<128x1xf32> to vector<128x128xf32>
    %eq3A_964 = arith.cmpf oeq, %eq3A_962, %eq3A_963 : vector<128x128xf32>
    %lt3A_965 = vector.broadcast %get3A_956 : vector<1x128xf32> to vector<128x128xf32>
    %lt3A_966 = vector.broadcast %dot_general3A_898 : vector<128x1xf32> to vector<128x128xf32>
    %lt3A_967 = arith.cmpf olt, %lt3A_965, %lt3A_966 : vector<128x128xf32>
    %and3A_968 = arith.andi %eq3A_964, %lt3A_967 : vector<128x128xi1>
    %convert_element_type3A_969 = arith.extui %and3A_968 : vector<128x128xi1> to vector<128x128xi32>
    %convert_element_type3A_970 = arith.sitofp %convert_element_type3A_969 : vector<128x128xi32> to vector<128x128xf32>
    %add3A_971 = arith.addf %convert_element_type3A_961, %convert_element_type3A_970 : vector<128x128xf32>
    %reduce_sum3A_972 = arith.constant dense<0.000000e+00> : vector<128xf32>
    %reduce_sum3A_973 = vector.multi_reduction <add>, %add3A_971, %reduce_sum3A_972 [1] : vector<128x128xf32> to vector<128xf32>
    %broadcast_in_dim3A_974 = vector.shape_cast %reduce_sum3A_973 : vector<128xf32> to vector<128x1xf32>
    %add3A_975 = arith.addf %add3A_950, %broadcast_in_dim3A_974 : vector<128x1xf32>
    %get3A_976 = arith.constant 3 : index
    %get3A_977 = arith.constant 0 : index
    %get3A_978 = vector.load %arg0[%get3A_976, %get3A_977] : memref<8x128xf32, #tpu.memory_space<vmem>>, vector<1x128xf32>
    %get3A_979 = arith.constant 3 : index
    %get3A_980 = arith.constant 0 : index
    %get3A_981 = vector.load %arg1[%get3A_979, %get3A_980] : memref<8x128xf32, #tpu.memory_space<vmem>>, vector<1x128xf32>
    %gt3A_982 = vector.broadcast %get3A_978 : vector<1x128xf32> to vector<128x128xf32>
    %gt3A_983 = vector.broadcast %dot_general3A_893 : vector<128x1xf32> to vector<128x128xf32>
    %gt3A_984 = arith.cmpf ogt, %gt3A_982, %gt3A_983 : vector<128x128xf32>
    %convert_element_type3A_985 = arith.extui %gt3A_984 : vector<128x128xi1> to vector<128x128xi32>
    %convert_element_type3A_986 = arith.sitofp %convert_element_type3A_985 : vector<128x128xi32> to vector<128x128xf32>
    %eq3A_987 = vector.broadcast %get3A_978 : vector<1x128xf32> to vector<128x128xf32>
    %eq3A_988 = vector.broadcast %dot_general3A_893 : vector<128x1xf32> to vector<128x128xf32>
    %eq3A_989 = arith.cmpf oeq, %eq3A_987, %eq3A_988 : vector<128x128xf32>
    %lt3A_990 = vector.broadcast %get3A_981 : vector<1x128xf32> to vector<128x128xf32>
    %lt3A_991 = vector.broadcast %dot_general3A_898 : vector<128x1xf32> to vector<128x128xf32>
    %lt3A_992 = arith.cmpf olt, %lt3A_990, %lt3A_991 : vector<128x128xf32>
    %and3A_993 = arith.andi %eq3A_989, %lt3A_992 : vector<128x128xi1>
    %convert_element_type3A_994 = arith.extui %and3A_993 : vector<128x128xi1> to vector<128x128xi32>
    %convert_element_type3A_995 = arith.sitofp %convert_element_type3A_994 : vector<128x128xi32> to vector<128x128xf32>
    %add3A_996 = arith.addf %convert_element_type3A_986, %convert_element_type3A_995 : vector<128x128xf32>
    %reduce_sum3A_997 = arith.constant dense<0.000000e+00> : vector<128xf32>
    %reduce_sum3A_998 = vector.multi_reduction <add>, %add3A_996, %reduce_sum3A_997 [1] : vector<128x128xf32> to vector<128xf32>
    %broadcast_in_dim3A_999 = vector.shape_cast %reduce_sum3A_998 : vector<128xf32> to vector<128x1xf32>
    %add3A_1000 = arith.addf %add3A_975, %broadcast_in_dim3A_999 : vector<128x1xf32>
    %get3A_1001 = arith.constant 4 : index
    %get3A_1002 = arith.constant 0 : index
    %get3A_1003 = vector.load %arg0[%get3A_1001, %get3A_1002] : memref<8x128xf32, #tpu.memory_space<vmem>>, vector<1x128xf32>
    %get3A_1004 = arith.constant 4 : index
    %get3A_1005 = arith.constant 0 : index
    %get3A_1006 = vector.load %arg1[%get3A_1004, %get3A_1005] : memref<8x128xf32, #tpu.memory_space<vmem>>, vector<1x128xf32>
    %gt3A_1007 = vector.broadcast %get3A_1003 : vector<1x128xf32> to vector<128x128xf32>
    %gt3A_1008 = vector.broadcast %dot_general3A_893 : vector<128x1xf32> to vector<128x128xf32>
    %gt3A_1009 = arith.cmpf ogt, %gt3A_1007, %gt3A_1008 : vector<128x128xf32>
    %convert_element_type3A_1010 = arith.extui %gt3A_1009 : vector<128x128xi1> to vector<128x128xi32>
    %convert_element_type3A_1011 = arith.sitofp %convert_element_type3A_1010 : vector<128x128xi32> to vector<128x128xf32>
    %eq3A_1012 = vector.broadcast %get3A_1003 : vector<1x128xf32> to vector<128x128xf32>
    %eq3A_1013 = vector.broadcast %dot_general3A_893 : vector<128x1xf32> to vector<128x128xf32>
    %eq3A_1014 = arith.cmpf oeq, %eq3A_1012, %eq3A_1013 : vector<128x128xf32>
    %lt3A_1015 = vector.broadcast %get3A_1006 : vector<1x128xf32> to vector<128x128xf32>
    %lt3A_1016 = vector.broadcast %dot_general3A_898 : vector<128x1xf32> to vector<128x128xf32>
    %lt3A_1017 = arith.cmpf olt, %lt3A_1015, %lt3A_1016 : vector<128x128xf32>
    %and3A_1018 = arith.andi %eq3A_1014, %lt3A_1017 : vector<128x128xi1>
    %convert_element_type3A_1019 = arith.extui %and3A_1018 : vector<128x128xi1> to vector<128x128xi32>
    %convert_element_type3A_1020 = arith.sitofp %convert_element_type3A_1019 : vector<128x128xi32> to vector<128x128xf32>
    %add3A_1021 = arith.addf %convert_element_type3A_1011, %convert_element_type3A_1020 : vector<128x128xf32>
    %reduce_sum3A_1022 = arith.constant dense<0.000000e+00> : vector<128xf32>
    %reduce_sum3A_1023 = vector.multi_reduction <add>, %add3A_1021, %reduce_sum3A_1022 [1] : vector<128x128xf32> to vector<128xf32>
    %broadcast_in_dim3A_1024 = vector.shape_cast %reduce_sum3A_1023 : vector<128xf32> to vector<128x1xf32>
    %add3A_1025 = arith.addf %add3A_1000, %broadcast_in_dim3A_1024 : vector<128x1xf32>
    %get3A_1026 = arith.constant 5 : index
    %get3A_1027 = arith.constant 0 : index
    %get3A_1028 = vector.load %arg0[%get3A_1026, %get3A_1027] : memref<8x128xf32, #tpu.memory_space<vmem>>, vector<1x128xf32>
    %get3A_1029 = arith.constant 5 : index
    %get3A_1030 = arith.constant 0 : index
    %get3A_1031 = vector.load %arg1[%get3A_1029, %get3A_1030] : memref<8x128xf32, #tpu.memory_space<vmem>>, vector<1x128xf32>
    %gt3A_1032 = vector.broadcast %get3A_1028 : vector<1x128xf32> to vector<128x128xf32>
    %gt3A_1033 = vector.broadcast %dot_general3A_893 : vector<128x1xf32> to vector<128x128xf32>
    %gt3A_1034 = arith.cmpf ogt, %gt3A_1032, %gt3A_1033 : vector<128x128xf32>
    %convert_element_type3A_1035 = arith.extui %gt3A_1034 : vector<128x128xi1> to vector<128x128xi32>
    %convert_element_type3A_1036 = arith.sitofp %convert_element_type3A_1035 : vector<128x128xi32> to vector<128x128xf32>
    %eq3A_1037 = vector.broadcast %get3A_1028 : vector<1x128xf32> to vector<128x128xf32>
    %eq3A_1038 = vector.broadcast %dot_general3A_893 : vector<128x1xf32> to vector<128x128xf32>
    %eq3A_1039 = arith.cmpf oeq, %eq3A_1037, %eq3A_1038 : vector<128x128xf32>
    %lt3A_1040 = vector.broadcast %get3A_1031 : vector<1x128xf32> to vector<128x128xf32>
    %lt3A_1041 = vector.broadcast %dot_general3A_898 : vector<128x1xf32> to vector<128x128xf32>
    %lt3A_1042 = arith.cmpf olt, %lt3A_1040, %lt3A_1041 : vector<128x128xf32>
    %and3A_1043 = arith.andi %eq3A_1039, %lt3A_1042 : vector<128x128xi1>
    %convert_element_type3A_1044 = arith.extui %and3A_1043 : vector<128x128xi1> to vector<128x128xi32>
    %convert_element_type3A_1045 = arith.sitofp %convert_element_type3A_1044 : vector<128x128xi32> to vector<128x128xf32>
    %add3A_1046 = arith.addf %convert_element_type3A_1036, %convert_element_type3A_1045 : vector<128x128xf32>
    %reduce_sum3A_1047 = arith.constant dense<0.000000e+00> : vector<128xf32>
    %reduce_sum3A_1048 = vector.multi_reduction <add>, %add3A_1046, %reduce_sum3A_1047 [1] : vector<128x128xf32> to vector<128xf32>
    %broadcast_in_dim3A_1049 = vector.shape_cast %reduce_sum3A_1048 : vector<128xf32> to vector<128x1xf32>
    %add3A_1050 = arith.addf %add3A_1025, %broadcast_in_dim3A_1049 : vector<128x1xf32>
    %get3A_1051 = arith.constant 6 : index
    %get3A_1052 = arith.constant 0 : index
    %get3A_1053 = vector.load %arg0[%get3A_1051, %get3A_1052] : memref<8x128xf32, #tpu.memory_space<vmem>>, vector<1x128xf32>
    %get3A_1054 = arith.constant 6 : index
    %get3A_1055 = arith.constant 0 : index
    %get3A_1056 = vector.load %arg1[%get3A_1054, %get3A_1055] : memref<8x128xf32, #tpu.memory_space<vmem>>, vector<1x128xf32>
    %gt3A_1057 = vector.broadcast %get3A_1053 : vector<1x128xf32> to vector<128x128xf32>
    %gt3A_1058 = vector.broadcast %dot_general3A_893 : vector<128x1xf32> to vector<128x128xf32>
    %gt3A_1059 = arith.cmpf ogt, %gt3A_1057, %gt3A_1058 : vector<128x128xf32>
    %convert_element_type3A_1060 = arith.extui %gt3A_1059 : vector<128x128xi1> to vector<128x128xi32>
    %convert_element_type3A_1061 = arith.sitofp %convert_element_type3A_1060 : vector<128x128xi32> to vector<128x128xf32>
    %eq3A_1062 = vector.broadcast %get3A_1053 : vector<1x128xf32> to vector<128x128xf32>
    %eq3A_1063 = vector.broadcast %dot_general3A_893 : vector<128x1xf32> to vector<128x128xf32>
    %eq3A_1064 = arith.cmpf oeq, %eq3A_1062, %eq3A_1063 : vector<128x128xf32>
    %lt3A_1065 = vector.broadcast %get3A_1056 : vector<1x128xf32> to vector<128x128xf32>
    %lt3A_1066 = vector.broadcast %dot_general3A_898 : vector<128x1xf32> to vector<128x128xf32>
    %lt3A_1067 = arith.cmpf olt, %lt3A_1065, %lt3A_1066 : vector<128x128xf32>
    %and3A_1068 = arith.andi %eq3A_1064, %lt3A_1067 : vector<128x128xi1>
    %convert_element_type3A_1069 = arith.extui %and3A_1068 : vector<128x128xi1> to vector<128x128xi32>
    %convert_element_type3A_1070 = arith.sitofp %convert_element_type3A_1069 : vector<128x128xi32> to vector<128x128xf32>
    %add3A_1071 = arith.addf %convert_element_type3A_1061, %convert_element_type3A_1070 : vector<128x128xf32>
    %reduce_sum3A_1072 = arith.constant dense<0.000000e+00> : vector<128xf32>
    %reduce_sum3A_1073 = vector.multi_reduction <add>, %add3A_1071, %reduce_sum3A_1072 [1] : vector<128x128xf32> to vector<128xf32>
    %broadcast_in_dim3A_1074 = vector.shape_cast %reduce_sum3A_1073 : vector<128xf32> to vector<128x1xf32>
    %add3A_1075 = arith.addf %add3A_1050, %broadcast_in_dim3A_1074 : vector<128x1xf32>
    %get3A_1076 = arith.constant 7 : index
    %get3A_1077 = arith.constant 0 : index
    %get3A_1078 = vector.load %arg0[%get3A_1076, %get3A_1077] : memref<8x128xf32, #tpu.memory_space<vmem>>, vector<1x128xf32>
    %get3A_1079 = arith.constant 7 : index
    %get3A_1080 = arith.constant 0 : index
    %get3A_1081 = vector.load %arg1[%get3A_1079, %get3A_1080] : memref<8x128xf32, #tpu.memory_space<vmem>>, vector<1x128xf32>
    %gt3A_1082 = vector.broadcast %get3A_1078 : vector<1x128xf32> to vector<128x128xf32>
    %gt3A_1083 = vector.broadcast %dot_general3A_893 : vector<128x1xf32> to vector<128x128xf32>
    %gt3A_1084 = arith.cmpf ogt, %gt3A_1082, %gt3A_1083 : vector<128x128xf32>
    %convert_element_type3A_1085 = arith.extui %gt3A_1084 : vector<128x128xi1> to vector<128x128xi32>
    %convert_element_type3A_1086 = arith.sitofp %convert_element_type3A_1085 : vector<128x128xi32> to vector<128x128xf32>
    %eq3A_1087 = vector.broadcast %get3A_1078 : vector<1x128xf32> to vector<128x128xf32>
    %eq3A_1088 = vector.broadcast %dot_general3A_893 : vector<128x1xf32> to vector<128x128xf32>
    %eq3A_1089 = arith.cmpf oeq, %eq3A_1087, %eq3A_1088 : vector<128x128xf32>
    %lt3A_1090 = vector.broadcast %get3A_1081 : vector<1x128xf32> to vector<128x128xf32>
    %lt3A_1091 = vector.broadcast %dot_general3A_898 : vector<128x1xf32> to vector<128x128xf32>
    %lt3A_1092 = arith.cmpf olt, %lt3A_1090, %lt3A_1091 : vector<128x128xf32>
    %and3A_1093 = arith.andi %eq3A_1089, %lt3A_1092 : vector<128x128xi1>
    %convert_element_type3A_1094 = arith.extui %and3A_1093 : vector<128x128xi1> to vector<128x128xi32>
    %convert_element_type3A_1095 = arith.sitofp %convert_element_type3A_1094 : vector<128x128xi32> to vector<128x128xf32>
    %add3A_1096 = arith.addf %convert_element_type3A_1086, %convert_element_type3A_1095 : vector<128x128xf32>
    %reduce_sum3A_1097 = arith.constant dense<0.000000e+00> : vector<128xf32>
    %reduce_sum3A_1098 = vector.multi_reduction <add>, %add3A_1096, %reduce_sum3A_1097 [1] : vector<128x128xf32> to vector<128xf32>
    %broadcast_in_dim3A_1099 = vector.shape_cast %reduce_sum3A_1098 : vector<128xf32> to vector<128x1xf32>
    %add3A_1100 = arith.addf %add3A_1075, %broadcast_in_dim3A_1099 : vector<128x1xf32>
    %dot_general3A_1101 = arith.constant dense<0.000000e+00> : vector<1x128xf32>
    %dot_general3A_1102 = tpu.matmul %add3A_1100, %convert_element_type3A_1, %dot_general3A_1101 {dimension_numbers = #tpu.dot_dimension_numbers<[0], [0], [1], [1], [0, 1, 1, 1], [], []>, precision = #tpu.contract_precision<fp32>, transpose_lhs_hint = false} : vector<128x1xf32>, vector<128x128xf32>, vector<1x128xf32> -> vector<1x128xf32>
    %eq3A_1103 = vector.broadcast %convert_element_type3A_3 : vector<128x1xf32> to vector<128x128xf32>
    %eq3A_1104 = vector.broadcast %dot_general3A_1102 : vector<1x128xf32> to vector<128x128xf32>
    %eq3A_1105 = arith.cmpf oeq, %eq3A_1103, %eq3A_1104 : vector<128x128xf32>
    %convert_element_type3A_1106 = arith.extui %eq3A_1105 : vector<128x128xi1> to vector<128x128xi32>
    %convert_element_type3A_1107 = arith.sitofp %convert_element_type3A_1106 : vector<128x128xi32> to vector<128x128xf32>
    %concatenate3A_1108 = tpu.concatenate %dot_general3A_893, %dot_general3A_898 in 1 : vector<128x1xf32>, vector<128x1xf32> -> vector<128x2xf32>
    %dot_general3A_1109 = arith.constant dense<0.000000e+00> : vector<128x2xf32>
    %dot_general3A_1110 = tpu.matmul %convert_element_type3A_1107, %concatenate3A_1108, %dot_general3A_1109 {dimension_numbers = #tpu.dot_dimension_numbers<[1], [0], [0], [1], [0, 0, 1, 1], [], []>, precision = #tpu.contract_precision<fp32>, transpose_lhs_hint = false} : vector<128x128xf32>, vector<128x2xf32>, vector<128x2xf32> -> vector<128x2xf32>
    %add3A_1111 = arith.addf %add3A_888, %dot_general3A_1110 : vector<128x2xf32>
    %get3A_1112 = arith.constant 5 : index
    %get3A_1113 = arith.constant 0 : index
    %get3A_1114 = vector.load %arg0[%get3A_1112, %get3A_1113] : memref<8x128xf32, #tpu.memory_space<vmem>>, vector<1x128xf32>
    %dot_general3A_1115 = arith.constant dense<0.000000e+00> : vector<128x1xf32>
    %dot_general3A_1116 = tpu.matmul %convert_element_type3A_1, %get3A_1114, %dot_general3A_1115 {dimension_numbers = #tpu.dot_dimension_numbers<[1], [1], [0], [0], [0, 0, 1, 0], [], []>, precision = #tpu.contract_precision<fp32>, transpose_lhs_hint = false} : vector<128x128xf32>, vector<1x128xf32>, vector<128x1xf32> -> vector<128x1xf32>
    %get3A_1117 = arith.constant 5 : index
    %get3A_1118 = arith.constant 0 : index
    %get3A_1119 = vector.load %arg1[%get3A_1117, %get3A_1118] : memref<8x128xf32, #tpu.memory_space<vmem>>, vector<1x128xf32>
    %dot_general3A_1120 = arith.constant dense<0.000000e+00> : vector<128x1xf32>
    %dot_general3A_1121 = tpu.matmul %convert_element_type3A_1, %get3A_1119, %dot_general3A_1120 {dimension_numbers = #tpu.dot_dimension_numbers<[1], [1], [0], [0], [0, 0, 1, 0], [], []>, precision = #tpu.contract_precision<fp32>, transpose_lhs_hint = false} : vector<128x128xf32>, vector<1x128xf32>, vector<128x1xf32> -> vector<128x1xf32>
    %broadcast_in_dim3A_1122 = arith.constant 0.000000e+00 : f32
    %broadcast_in_dim3A_1123 = vector.broadcast %broadcast_in_dim3A_1122 : f32 to vector<128x1xf32>
    %get3A_1124 = arith.constant 0 : index
    %get3A_1125 = arith.constant 0 : index
    %get3A_1126 = vector.load %arg0[%get3A_1124, %get3A_1125] : memref<8x128xf32, #tpu.memory_space<vmem>>, vector<1x128xf32>
    %get3A_1127 = arith.constant 0 : index
    %get3A_1128 = arith.constant 0 : index
    %get3A_1129 = vector.load %arg1[%get3A_1127, %get3A_1128] : memref<8x128xf32, #tpu.memory_space<vmem>>, vector<1x128xf32>
    %gt3A_1130 = vector.broadcast %get3A_1126 : vector<1x128xf32> to vector<128x128xf32>
    %gt3A_1131 = vector.broadcast %dot_general3A_1116 : vector<128x1xf32> to vector<128x128xf32>
    %gt3A_1132 = arith.cmpf ogt, %gt3A_1130, %gt3A_1131 : vector<128x128xf32>
    %convert_element_type3A_1133 = arith.extui %gt3A_1132 : vector<128x128xi1> to vector<128x128xi32>
    %convert_element_type3A_1134 = arith.sitofp %convert_element_type3A_1133 : vector<128x128xi32> to vector<128x128xf32>
    %eq3A_1135 = vector.broadcast %get3A_1126 : vector<1x128xf32> to vector<128x128xf32>
    %eq3A_1136 = vector.broadcast %dot_general3A_1116 : vector<128x1xf32> to vector<128x128xf32>
    %eq3A_1137 = arith.cmpf oeq, %eq3A_1135, %eq3A_1136 : vector<128x128xf32>
    %lt3A_1138 = vector.broadcast %get3A_1129 : vector<1x128xf32> to vector<128x128xf32>
    %lt3A_1139 = vector.broadcast %dot_general3A_1121 : vector<128x1xf32> to vector<128x128xf32>
    %lt3A_1140 = arith.cmpf olt, %lt3A_1138, %lt3A_1139 : vector<128x128xf32>
    %and3A_1141 = arith.andi %eq3A_1137, %lt3A_1140 : vector<128x128xi1>
    %convert_element_type3A_1142 = arith.extui %and3A_1141 : vector<128x128xi1> to vector<128x128xi32>
    %convert_element_type3A_1143 = arith.sitofp %convert_element_type3A_1142 : vector<128x128xi32> to vector<128x128xf32>
    %add3A_1144 = arith.addf %convert_element_type3A_1134, %convert_element_type3A_1143 : vector<128x128xf32>
    %reduce_sum3A_1145 = arith.constant dense<0.000000e+00> : vector<128xf32>
    %reduce_sum3A_1146 = vector.multi_reduction <add>, %add3A_1144, %reduce_sum3A_1145 [1] : vector<128x128xf32> to vector<128xf32>
    %broadcast_in_dim3A_1147 = vector.shape_cast %reduce_sum3A_1146 : vector<128xf32> to vector<128x1xf32>
    %add3A_1148 = arith.addf %broadcast_in_dim3A_1123, %broadcast_in_dim3A_1147 : vector<128x1xf32>
    %get3A_1149 = arith.constant 1 : index
    %get3A_1150 = arith.constant 0 : index
    %get3A_1151 = vector.load %arg0[%get3A_1149, %get3A_1150] : memref<8x128xf32, #tpu.memory_space<vmem>>, vector<1x128xf32>
    %get3A_1152 = arith.constant 1 : index
    %get3A_1153 = arith.constant 0 : index
    %get3A_1154 = vector.load %arg1[%get3A_1152, %get3A_1153] : memref<8x128xf32, #tpu.memory_space<vmem>>, vector<1x128xf32>
    %gt3A_1155 = vector.broadcast %get3A_1151 : vector<1x128xf32> to vector<128x128xf32>
    %gt3A_1156 = vector.broadcast %dot_general3A_1116 : vector<128x1xf32> to vector<128x128xf32>
    %gt3A_1157 = arith.cmpf ogt, %gt3A_1155, %gt3A_1156 : vector<128x128xf32>
    %convert_element_type3A_1158 = arith.extui %gt3A_1157 : vector<128x128xi1> to vector<128x128xi32>
    %convert_element_type3A_1159 = arith.sitofp %convert_element_type3A_1158 : vector<128x128xi32> to vector<128x128xf32>
    %eq3A_1160 = vector.broadcast %get3A_1151 : vector<1x128xf32> to vector<128x128xf32>
    %eq3A_1161 = vector.broadcast %dot_general3A_1116 : vector<128x1xf32> to vector<128x128xf32>
    %eq3A_1162 = arith.cmpf oeq, %eq3A_1160, %eq3A_1161 : vector<128x128xf32>
    %lt3A_1163 = vector.broadcast %get3A_1154 : vector<1x128xf32> to vector<128x128xf32>
    %lt3A_1164 = vector.broadcast %dot_general3A_1121 : vector<128x1xf32> to vector<128x128xf32>
    %lt3A_1165 = arith.cmpf olt, %lt3A_1163, %lt3A_1164 : vector<128x128xf32>
    %and3A_1166 = arith.andi %eq3A_1162, %lt3A_1165 : vector<128x128xi1>
    %convert_element_type3A_1167 = arith.extui %and3A_1166 : vector<128x128xi1> to vector<128x128xi32>
    %convert_element_type3A_1168 = arith.sitofp %convert_element_type3A_1167 : vector<128x128xi32> to vector<128x128xf32>
    %add3A_1169 = arith.addf %convert_element_type3A_1159, %convert_element_type3A_1168 : vector<128x128xf32>
    %reduce_sum3A_1170 = arith.constant dense<0.000000e+00> : vector<128xf32>
    %reduce_sum3A_1171 = vector.multi_reduction <add>, %add3A_1169, %reduce_sum3A_1170 [1] : vector<128x128xf32> to vector<128xf32>
    %broadcast_in_dim3A_1172 = vector.shape_cast %reduce_sum3A_1171 : vector<128xf32> to vector<128x1xf32>
    %add3A_1173 = arith.addf %add3A_1148, %broadcast_in_dim3A_1172 : vector<128x1xf32>
    %get3A_1174 = arith.constant 2 : index
    %get3A_1175 = arith.constant 0 : index
    %get3A_1176 = vector.load %arg0[%get3A_1174, %get3A_1175] : memref<8x128xf32, #tpu.memory_space<vmem>>, vector<1x128xf32>
    %get3A_1177 = arith.constant 2 : index
    %get3A_1178 = arith.constant 0 : index
    %get3A_1179 = vector.load %arg1[%get3A_1177, %get3A_1178] : memref<8x128xf32, #tpu.memory_space<vmem>>, vector<1x128xf32>
    %gt3A_1180 = vector.broadcast %get3A_1176 : vector<1x128xf32> to vector<128x128xf32>
    %gt3A_1181 = vector.broadcast %dot_general3A_1116 : vector<128x1xf32> to vector<128x128xf32>
    %gt3A_1182 = arith.cmpf ogt, %gt3A_1180, %gt3A_1181 : vector<128x128xf32>
    %convert_element_type3A_1183 = arith.extui %gt3A_1182 : vector<128x128xi1> to vector<128x128xi32>
    %convert_element_type3A_1184 = arith.sitofp %convert_element_type3A_1183 : vector<128x128xi32> to vector<128x128xf32>
    %eq3A_1185 = vector.broadcast %get3A_1176 : vector<1x128xf32> to vector<128x128xf32>
    %eq3A_1186 = vector.broadcast %dot_general3A_1116 : vector<128x1xf32> to vector<128x128xf32>
    %eq3A_1187 = arith.cmpf oeq, %eq3A_1185, %eq3A_1186 : vector<128x128xf32>
    %lt3A_1188 = vector.broadcast %get3A_1179 : vector<1x128xf32> to vector<128x128xf32>
    %lt3A_1189 = vector.broadcast %dot_general3A_1121 : vector<128x1xf32> to vector<128x128xf32>
    %lt3A_1190 = arith.cmpf olt, %lt3A_1188, %lt3A_1189 : vector<128x128xf32>
    %and3A_1191 = arith.andi %eq3A_1187, %lt3A_1190 : vector<128x128xi1>
    %convert_element_type3A_1192 = arith.extui %and3A_1191 : vector<128x128xi1> to vector<128x128xi32>
    %convert_element_type3A_1193 = arith.sitofp %convert_element_type3A_1192 : vector<128x128xi32> to vector<128x128xf32>
    %add3A_1194 = arith.addf %convert_element_type3A_1184, %convert_element_type3A_1193 : vector<128x128xf32>
    %reduce_sum3A_1195 = arith.constant dense<0.000000e+00> : vector<128xf32>
    %reduce_sum3A_1196 = vector.multi_reduction <add>, %add3A_1194, %reduce_sum3A_1195 [1] : vector<128x128xf32> to vector<128xf32>
    %broadcast_in_dim3A_1197 = vector.shape_cast %reduce_sum3A_1196 : vector<128xf32> to vector<128x1xf32>
    %add3A_1198 = arith.addf %add3A_1173, %broadcast_in_dim3A_1197 : vector<128x1xf32>
    %get3A_1199 = arith.constant 3 : index
    %get3A_1200 = arith.constant 0 : index
    %get3A_1201 = vector.load %arg0[%get3A_1199, %get3A_1200] : memref<8x128xf32, #tpu.memory_space<vmem>>, vector<1x128xf32>
    %get3A_1202 = arith.constant 3 : index
    %get3A_1203 = arith.constant 0 : index
    %get3A_1204 = vector.load %arg1[%get3A_1202, %get3A_1203] : memref<8x128xf32, #tpu.memory_space<vmem>>, vector<1x128xf32>
    %gt3A_1205 = vector.broadcast %get3A_1201 : vector<1x128xf32> to vector<128x128xf32>
    %gt3A_1206 = vector.broadcast %dot_general3A_1116 : vector<128x1xf32> to vector<128x128xf32>
    %gt3A_1207 = arith.cmpf ogt, %gt3A_1205, %gt3A_1206 : vector<128x128xf32>
    %convert_element_type3A_1208 = arith.extui %gt3A_1207 : vector<128x128xi1> to vector<128x128xi32>
    %convert_element_type3A_1209 = arith.sitofp %convert_element_type3A_1208 : vector<128x128xi32> to vector<128x128xf32>
    %eq3A_1210 = vector.broadcast %get3A_1201 : vector<1x128xf32> to vector<128x128xf32>
    %eq3A_1211 = vector.broadcast %dot_general3A_1116 : vector<128x1xf32> to vector<128x128xf32>
    %eq3A_1212 = arith.cmpf oeq, %eq3A_1210, %eq3A_1211 : vector<128x128xf32>
    %lt3A_1213 = vector.broadcast %get3A_1204 : vector<1x128xf32> to vector<128x128xf32>
    %lt3A_1214 = vector.broadcast %dot_general3A_1121 : vector<128x1xf32> to vector<128x128xf32>
    %lt3A_1215 = arith.cmpf olt, %lt3A_1213, %lt3A_1214 : vector<128x128xf32>
    %and3A_1216 = arith.andi %eq3A_1212, %lt3A_1215 : vector<128x128xi1>
    %convert_element_type3A_1217 = arith.extui %and3A_1216 : vector<128x128xi1> to vector<128x128xi32>
    %convert_element_type3A_1218 = arith.sitofp %convert_element_type3A_1217 : vector<128x128xi32> to vector<128x128xf32>
    %add3A_1219 = arith.addf %convert_element_type3A_1209, %convert_element_type3A_1218 : vector<128x128xf32>
    %reduce_sum3A_1220 = arith.constant dense<0.000000e+00> : vector<128xf32>
    %reduce_sum3A_1221 = vector.multi_reduction <add>, %add3A_1219, %reduce_sum3A_1220 [1] : vector<128x128xf32> to vector<128xf32>
    %broadcast_in_dim3A_1222 = vector.shape_cast %reduce_sum3A_1221 : vector<128xf32> to vector<128x1xf32>
    %add3A_1223 = arith.addf %add3A_1198, %broadcast_in_dim3A_1222 : vector<128x1xf32>
    %get3A_1224 = arith.constant 4 : index
    %get3A_1225 = arith.constant 0 : index
    %get3A_1226 = vector.load %arg0[%get3A_1224, %get3A_1225] : memref<8x128xf32, #tpu.memory_space<vmem>>, vector<1x128xf32>
    %get3A_1227 = arith.constant 4 : index
    %get3A_1228 = arith.constant 0 : index
    %get3A_1229 = vector.load %arg1[%get3A_1227, %get3A_1228] : memref<8x128xf32, #tpu.memory_space<vmem>>, vector<1x128xf32>
    %gt3A_1230 = vector.broadcast %get3A_1226 : vector<1x128xf32> to vector<128x128xf32>
    %gt3A_1231 = vector.broadcast %dot_general3A_1116 : vector<128x1xf32> to vector<128x128xf32>
    %gt3A_1232 = arith.cmpf ogt, %gt3A_1230, %gt3A_1231 : vector<128x128xf32>
    %convert_element_type3A_1233 = arith.extui %gt3A_1232 : vector<128x128xi1> to vector<128x128xi32>
    %convert_element_type3A_1234 = arith.sitofp %convert_element_type3A_1233 : vector<128x128xi32> to vector<128x128xf32>
    %eq3A_1235 = vector.broadcast %get3A_1226 : vector<1x128xf32> to vector<128x128xf32>
    %eq3A_1236 = vector.broadcast %dot_general3A_1116 : vector<128x1xf32> to vector<128x128xf32>
    %eq3A_1237 = arith.cmpf oeq, %eq3A_1235, %eq3A_1236 : vector<128x128xf32>
    %lt3A_1238 = vector.broadcast %get3A_1229 : vector<1x128xf32> to vector<128x128xf32>
    %lt3A_1239 = vector.broadcast %dot_general3A_1121 : vector<128x1xf32> to vector<128x128xf32>
    %lt3A_1240 = arith.cmpf olt, %lt3A_1238, %lt3A_1239 : vector<128x128xf32>
    %and3A_1241 = arith.andi %eq3A_1237, %lt3A_1240 : vector<128x128xi1>
    %convert_element_type3A_1242 = arith.extui %and3A_1241 : vector<128x128xi1> to vector<128x128xi32>
    %convert_element_type3A_1243 = arith.sitofp %convert_element_type3A_1242 : vector<128x128xi32> to vector<128x128xf32>
    %add3A_1244 = arith.addf %convert_element_type3A_1234, %convert_element_type3A_1243 : vector<128x128xf32>
    %reduce_sum3A_1245 = arith.constant dense<0.000000e+00> : vector<128xf32>
    %reduce_sum3A_1246 = vector.multi_reduction <add>, %add3A_1244, %reduce_sum3A_1245 [1] : vector<128x128xf32> to vector<128xf32>
    %broadcast_in_dim3A_1247 = vector.shape_cast %reduce_sum3A_1246 : vector<128xf32> to vector<128x1xf32>
    %add3A_1248 = arith.addf %add3A_1223, %broadcast_in_dim3A_1247 : vector<128x1xf32>
    %get3A_1249 = arith.constant 5 : index
    %get3A_1250 = arith.constant 0 : index
    %get3A_1251 = vector.load %arg0[%get3A_1249, %get3A_1250] : memref<8x128xf32, #tpu.memory_space<vmem>>, vector<1x128xf32>
    %get3A_1252 = arith.constant 5 : index
    %get3A_1253 = arith.constant 0 : index
    %get3A_1254 = vector.load %arg1[%get3A_1252, %get3A_1253] : memref<8x128xf32, #tpu.memory_space<vmem>>, vector<1x128xf32>
    %gt3A_1255 = vector.broadcast %get3A_1251 : vector<1x128xf32> to vector<128x128xf32>
    %gt3A_1256 = vector.broadcast %dot_general3A_1116 : vector<128x1xf32> to vector<128x128xf32>
    %gt3A_1257 = arith.cmpf ogt, %gt3A_1255, %gt3A_1256 : vector<128x128xf32>
    %convert_element_type3A_1258 = arith.extui %gt3A_1257 : vector<128x128xi1> to vector<128x128xi32>
    %convert_element_type3A_1259 = arith.sitofp %convert_element_type3A_1258 : vector<128x128xi32> to vector<128x128xf32>
    %eq3A_1260 = vector.broadcast %get3A_1251 : vector<1x128xf32> to vector<128x128xf32>
    %eq3A_1261 = vector.broadcast %dot_general3A_1116 : vector<128x1xf32> to vector<128x128xf32>
    %eq3A_1262 = arith.cmpf oeq, %eq3A_1260, %eq3A_1261 : vector<128x128xf32>
    %lt3A_1263 = vector.broadcast %get3A_1254 : vector<1x128xf32> to vector<128x128xf32>
    %lt3A_1264 = vector.broadcast %dot_general3A_1121 : vector<128x1xf32> to vector<128x128xf32>
    %lt3A_1265 = arith.cmpf olt, %lt3A_1263, %lt3A_1264 : vector<128x128xf32>
    %and3A_1266 = arith.andi %eq3A_1262, %lt3A_1265 : vector<128x128xi1>
    %convert_element_type3A_1267 = arith.extui %and3A_1266 : vector<128x128xi1> to vector<128x128xi32>
    %convert_element_type3A_1268 = arith.sitofp %convert_element_type3A_1267 : vector<128x128xi32> to vector<128x128xf32>
    %add3A_1269 = arith.addf %convert_element_type3A_1259, %convert_element_type3A_1268 : vector<128x128xf32>
    %reduce_sum3A_1270 = arith.constant dense<0.000000e+00> : vector<128xf32>
    %reduce_sum3A_1271 = vector.multi_reduction <add>, %add3A_1269, %reduce_sum3A_1270 [1] : vector<128x128xf32> to vector<128xf32>
    %broadcast_in_dim3A_1272 = vector.shape_cast %reduce_sum3A_1271 : vector<128xf32> to vector<128x1xf32>
    %add3A_1273 = arith.addf %add3A_1248, %broadcast_in_dim3A_1272 : vector<128x1xf32>
    %get3A_1274 = arith.constant 6 : index
    %get3A_1275 = arith.constant 0 : index
    %get3A_1276 = vector.load %arg0[%get3A_1274, %get3A_1275] : memref<8x128xf32, #tpu.memory_space<vmem>>, vector<1x128xf32>
    %get3A_1277 = arith.constant 6 : index
    %get3A_1278 = arith.constant 0 : index
    %get3A_1279 = vector.load %arg1[%get3A_1277, %get3A_1278] : memref<8x128xf32, #tpu.memory_space<vmem>>, vector<1x128xf32>
    %gt3A_1280 = vector.broadcast %get3A_1276 : vector<1x128xf32> to vector<128x128xf32>
    %gt3A_1281 = vector.broadcast %dot_general3A_1116 : vector<128x1xf32> to vector<128x128xf32>
    %gt3A_1282 = arith.cmpf ogt, %gt3A_1280, %gt3A_1281 : vector<128x128xf32>
    %convert_element_type3A_1283 = arith.extui %gt3A_1282 : vector<128x128xi1> to vector<128x128xi32>
    %convert_element_type3A_1284 = arith.sitofp %convert_element_type3A_1283 : vector<128x128xi32> to vector<128x128xf32>
    %eq3A_1285 = vector.broadcast %get3A_1276 : vector<1x128xf32> to vector<128x128xf32>
    %eq3A_1286 = vector.broadcast %dot_general3A_1116 : vector<128x1xf32> to vector<128x128xf32>
    %eq3A_1287 = arith.cmpf oeq, %eq3A_1285, %eq3A_1286 : vector<128x128xf32>
    %lt3A_1288 = vector.broadcast %get3A_1279 : vector<1x128xf32> to vector<128x128xf32>
    %lt3A_1289 = vector.broadcast %dot_general3A_1121 : vector<128x1xf32> to vector<128x128xf32>
    %lt3A_1290 = arith.cmpf olt, %lt3A_1288, %lt3A_1289 : vector<128x128xf32>
    %and3A_1291 = arith.andi %eq3A_1287, %lt3A_1290 : vector<128x128xi1>
    %convert_element_type3A_1292 = arith.extui %and3A_1291 : vector<128x128xi1> to vector<128x128xi32>
    %convert_element_type3A_1293 = arith.sitofp %convert_element_type3A_1292 : vector<128x128xi32> to vector<128x128xf32>
    %add3A_1294 = arith.addf %convert_element_type3A_1284, %convert_element_type3A_1293 : vector<128x128xf32>
    %reduce_sum3A_1295 = arith.constant dense<0.000000e+00> : vector<128xf32>
    %reduce_sum3A_1296 = vector.multi_reduction <add>, %add3A_1294, %reduce_sum3A_1295 [1] : vector<128x128xf32> to vector<128xf32>
    %broadcast_in_dim3A_1297 = vector.shape_cast %reduce_sum3A_1296 : vector<128xf32> to vector<128x1xf32>
    %add3A_1298 = arith.addf %add3A_1273, %broadcast_in_dim3A_1297 : vector<128x1xf32>
    %get3A_1299 = arith.constant 7 : index
    %get3A_1300 = arith.constant 0 : index
    %get3A_1301 = vector.load %arg0[%get3A_1299, %get3A_1300] : memref<8x128xf32, #tpu.memory_space<vmem>>, vector<1x128xf32>
    %get3A_1302 = arith.constant 7 : index
    %get3A_1303 = arith.constant 0 : index
    %get3A_1304 = vector.load %arg1[%get3A_1302, %get3A_1303] : memref<8x128xf32, #tpu.memory_space<vmem>>, vector<1x128xf32>
    %gt3A_1305 = vector.broadcast %get3A_1301 : vector<1x128xf32> to vector<128x128xf32>
    %gt3A_1306 = vector.broadcast %dot_general3A_1116 : vector<128x1xf32> to vector<128x128xf32>
    %gt3A_1307 = arith.cmpf ogt, %gt3A_1305, %gt3A_1306 : vector<128x128xf32>
    %convert_element_type3A_1308 = arith.extui %gt3A_1307 : vector<128x128xi1> to vector<128x128xi32>
    %convert_element_type3A_1309 = arith.sitofp %convert_element_type3A_1308 : vector<128x128xi32> to vector<128x128xf32>
    %eq3A_1310 = vector.broadcast %get3A_1301 : vector<1x128xf32> to vector<128x128xf32>
    %eq3A_1311 = vector.broadcast %dot_general3A_1116 : vector<128x1xf32> to vector<128x128xf32>
    %eq3A_1312 = arith.cmpf oeq, %eq3A_1310, %eq3A_1311 : vector<128x128xf32>
    %lt3A_1313 = vector.broadcast %get3A_1304 : vector<1x128xf32> to vector<128x128xf32>
    %lt3A_1314 = vector.broadcast %dot_general3A_1121 : vector<128x1xf32> to vector<128x128xf32>
    %lt3A_1315 = arith.cmpf olt, %lt3A_1313, %lt3A_1314 : vector<128x128xf32>
    %and3A_1316 = arith.andi %eq3A_1312, %lt3A_1315 : vector<128x128xi1>
    %convert_element_type3A_1317 = arith.extui %and3A_1316 : vector<128x128xi1> to vector<128x128xi32>
    %convert_element_type3A_1318 = arith.sitofp %convert_element_type3A_1317 : vector<128x128xi32> to vector<128x128xf32>
    %add3A_1319 = arith.addf %convert_element_type3A_1309, %convert_element_type3A_1318 : vector<128x128xf32>
    %reduce_sum3A_1320 = arith.constant dense<0.000000e+00> : vector<128xf32>
    %reduce_sum3A_1321 = vector.multi_reduction <add>, %add3A_1319, %reduce_sum3A_1320 [1] : vector<128x128xf32> to vector<128xf32>
    %broadcast_in_dim3A_1322 = vector.shape_cast %reduce_sum3A_1321 : vector<128xf32> to vector<128x1xf32>
    %add3A_1323 = arith.addf %add3A_1298, %broadcast_in_dim3A_1322 : vector<128x1xf32>
    %dot_general3A_1324 = arith.constant dense<0.000000e+00> : vector<1x128xf32>
    %dot_general3A_1325 = tpu.matmul %add3A_1323, %convert_element_type3A_1, %dot_general3A_1324 {dimension_numbers = #tpu.dot_dimension_numbers<[0], [0], [1], [1], [0, 1, 1, 1], [], []>, precision = #tpu.contract_precision<fp32>, transpose_lhs_hint = false} : vector<128x1xf32>, vector<128x128xf32>, vector<1x128xf32> -> vector<1x128xf32>
    %eq3A_1326 = vector.broadcast %convert_element_type3A_3 : vector<128x1xf32> to vector<128x128xf32>
    %eq3A_1327 = vector.broadcast %dot_general3A_1325 : vector<1x128xf32> to vector<128x128xf32>
    %eq3A_1328 = arith.cmpf oeq, %eq3A_1326, %eq3A_1327 : vector<128x128xf32>
    %convert_element_type3A_1329 = arith.extui %eq3A_1328 : vector<128x128xi1> to vector<128x128xi32>
    %convert_element_type3A_1330 = arith.sitofp %convert_element_type3A_1329 : vector<128x128xi32> to vector<128x128xf32>
    %concatenate3A_1331 = tpu.concatenate %dot_general3A_1116, %dot_general3A_1121 in 1 : vector<128x1xf32>, vector<128x1xf32> -> vector<128x2xf32>
    %dot_general3A_1332 = arith.constant dense<0.000000e+00> : vector<128x2xf32>
    %dot_general3A_1333 = tpu.matmul %convert_element_type3A_1330, %concatenate3A_1331, %dot_general3A_1332 {dimension_numbers = #tpu.dot_dimension_numbers<[1], [0], [0], [1], [0, 0, 1, 1], [], []>, precision = #tpu.contract_precision<fp32>, transpose_lhs_hint = false} : vector<128x128xf32>, vector<128x2xf32>, vector<128x2xf32> -> vector<128x2xf32>
    %add3A_1334 = arith.addf %add3A_1111, %dot_general3A_1333 : vector<128x2xf32>
    %get3A_1335 = arith.constant 6 : index
    %get3A_1336 = arith.constant 0 : index
    %get3A_1337 = vector.load %arg0[%get3A_1335, %get3A_1336] : memref<8x128xf32, #tpu.memory_space<vmem>>, vector<1x128xf32>
    %dot_general3A_1338 = arith.constant dense<0.000000e+00> : vector<128x1xf32>
    %dot_general3A_1339 = tpu.matmul %convert_element_type3A_1, %get3A_1337, %dot_general3A_1338 {dimension_numbers = #tpu.dot_dimension_numbers<[1], [1], [0], [0], [0, 0, 1, 0], [], []>, precision = #tpu.contract_precision<fp32>, transpose_lhs_hint = false} : vector<128x128xf32>, vector<1x128xf32>, vector<128x1xf32> -> vector<128x1xf32>
    %get3A_1340 = arith.constant 6 : index
    %get3A_1341 = arith.constant 0 : index
    %get3A_1342 = vector.load %arg1[%get3A_1340, %get3A_1341] : memref<8x128xf32, #tpu.memory_space<vmem>>, vector<1x128xf32>
    %dot_general3A_1343 = arith.constant dense<0.000000e+00> : vector<128x1xf32>
    %dot_general3A_1344 = tpu.matmul %convert_element_type3A_1, %get3A_1342, %dot_general3A_1343 {dimension_numbers = #tpu.dot_dimension_numbers<[1], [1], [0], [0], [0, 0, 1, 0], [], []>, precision = #tpu.contract_precision<fp32>, transpose_lhs_hint = false} : vector<128x128xf32>, vector<1x128xf32>, vector<128x1xf32> -> vector<128x1xf32>
    %broadcast_in_dim3A_1345 = arith.constant 0.000000e+00 : f32
    %broadcast_in_dim3A_1346 = vector.broadcast %broadcast_in_dim3A_1345 : f32 to vector<128x1xf32>
    %get3A_1347 = arith.constant 0 : index
    %get3A_1348 = arith.constant 0 : index
    %get3A_1349 = vector.load %arg0[%get3A_1347, %get3A_1348] : memref<8x128xf32, #tpu.memory_space<vmem>>, vector<1x128xf32>
    %get3A_1350 = arith.constant 0 : index
    %get3A_1351 = arith.constant 0 : index
    %get3A_1352 = vector.load %arg1[%get3A_1350, %get3A_1351] : memref<8x128xf32, #tpu.memory_space<vmem>>, vector<1x128xf32>
    %gt3A_1353 = vector.broadcast %get3A_1349 : vector<1x128xf32> to vector<128x128xf32>
    %gt3A_1354 = vector.broadcast %dot_general3A_1339 : vector<128x1xf32> to vector<128x128xf32>
    %gt3A_1355 = arith.cmpf ogt, %gt3A_1353, %gt3A_1354 : vector<128x128xf32>
    %convert_element_type3A_1356 = arith.extui %gt3A_1355 : vector<128x128xi1> to vector<128x128xi32>
    %convert_element_type3A_1357 = arith.sitofp %convert_element_type3A_1356 : vector<128x128xi32> to vector<128x128xf32>
    %eq3A_1358 = vector.broadcast %get3A_1349 : vector<1x128xf32> to vector<128x128xf32>
    %eq3A_1359 = vector.broadcast %dot_general3A_1339 : vector<128x1xf32> to vector<128x128xf32>
    %eq3A_1360 = arith.cmpf oeq, %eq3A_1358, %eq3A_1359 : vector<128x128xf32>
    %lt3A_1361 = vector.broadcast %get3A_1352 : vector<1x128xf32> to vector<128x128xf32>
    %lt3A_1362 = vector.broadcast %dot_general3A_1344 : vector<128x1xf32> to vector<128x128xf32>
    %lt3A_1363 = arith.cmpf olt, %lt3A_1361, %lt3A_1362 : vector<128x128xf32>
    %and3A_1364 = arith.andi %eq3A_1360, %lt3A_1363 : vector<128x128xi1>
    %convert_element_type3A_1365 = arith.extui %and3A_1364 : vector<128x128xi1> to vector<128x128xi32>
    %convert_element_type3A_1366 = arith.sitofp %convert_element_type3A_1365 : vector<128x128xi32> to vector<128x128xf32>
    %add3A_1367 = arith.addf %convert_element_type3A_1357, %convert_element_type3A_1366 : vector<128x128xf32>
    %reduce_sum3A_1368 = arith.constant dense<0.000000e+00> : vector<128xf32>
    %reduce_sum3A_1369 = vector.multi_reduction <add>, %add3A_1367, %reduce_sum3A_1368 [1] : vector<128x128xf32> to vector<128xf32>
    %broadcast_in_dim3A_1370 = vector.shape_cast %reduce_sum3A_1369 : vector<128xf32> to vector<128x1xf32>
    %add3A_1371 = arith.addf %broadcast_in_dim3A_1346, %broadcast_in_dim3A_1370 : vector<128x1xf32>
    %get3A_1372 = arith.constant 1 : index
    %get3A_1373 = arith.constant 0 : index
    %get3A_1374 = vector.load %arg0[%get3A_1372, %get3A_1373] : memref<8x128xf32, #tpu.memory_space<vmem>>, vector<1x128xf32>
    %get3A_1375 = arith.constant 1 : index
    %get3A_1376 = arith.constant 0 : index
    %get3A_1377 = vector.load %arg1[%get3A_1375, %get3A_1376] : memref<8x128xf32, #tpu.memory_space<vmem>>, vector<1x128xf32>
    %gt3A_1378 = vector.broadcast %get3A_1374 : vector<1x128xf32> to vector<128x128xf32>
    %gt3A_1379 = vector.broadcast %dot_general3A_1339 : vector<128x1xf32> to vector<128x128xf32>
    %gt3A_1380 = arith.cmpf ogt, %gt3A_1378, %gt3A_1379 : vector<128x128xf32>
    %convert_element_type3A_1381 = arith.extui %gt3A_1380 : vector<128x128xi1> to vector<128x128xi32>
    %convert_element_type3A_1382 = arith.sitofp %convert_element_type3A_1381 : vector<128x128xi32> to vector<128x128xf32>
    %eq3A_1383 = vector.broadcast %get3A_1374 : vector<1x128xf32> to vector<128x128xf32>
    %eq3A_1384 = vector.broadcast %dot_general3A_1339 : vector<128x1xf32> to vector<128x128xf32>
    %eq3A_1385 = arith.cmpf oeq, %eq3A_1383, %eq3A_1384 : vector<128x128xf32>
    %lt3A_1386 = vector.broadcast %get3A_1377 : vector<1x128xf32> to vector<128x128xf32>
    %lt3A_1387 = vector.broadcast %dot_general3A_1344 : vector<128x1xf32> to vector<128x128xf32>
    %lt3A_1388 = arith.cmpf olt, %lt3A_1386, %lt3A_1387 : vector<128x128xf32>
    %and3A_1389 = arith.andi %eq3A_1385, %lt3A_1388 : vector<128x128xi1>
    %convert_element_type3A_1390 = arith.extui %and3A_1389 : vector<128x128xi1> to vector<128x128xi32>
    %convert_element_type3A_1391 = arith.sitofp %convert_element_type3A_1390 : vector<128x128xi32> to vector<128x128xf32>
    %add3A_1392 = arith.addf %convert_element_type3A_1382, %convert_element_type3A_1391 : vector<128x128xf32>
    %reduce_sum3A_1393 = arith.constant dense<0.000000e+00> : vector<128xf32>
    %reduce_sum3A_1394 = vector.multi_reduction <add>, %add3A_1392, %reduce_sum3A_1393 [1] : vector<128x128xf32> to vector<128xf32>
    %broadcast_in_dim3A_1395 = vector.shape_cast %reduce_sum3A_1394 : vector<128xf32> to vector<128x1xf32>
    %add3A_1396 = arith.addf %add3A_1371, %broadcast_in_dim3A_1395 : vector<128x1xf32>
    %get3A_1397 = arith.constant 2 : index
    %get3A_1398 = arith.constant 0 : index
    %get3A_1399 = vector.load %arg0[%get3A_1397, %get3A_1398] : memref<8x128xf32, #tpu.memory_space<vmem>>, vector<1x128xf32>
    %get3A_1400 = arith.constant 2 : index
    %get3A_1401 = arith.constant 0 : index
    %get3A_1402 = vector.load %arg1[%get3A_1400, %get3A_1401] : memref<8x128xf32, #tpu.memory_space<vmem>>, vector<1x128xf32>
    %gt3A_1403 = vector.broadcast %get3A_1399 : vector<1x128xf32> to vector<128x128xf32>
    %gt3A_1404 = vector.broadcast %dot_general3A_1339 : vector<128x1xf32> to vector<128x128xf32>
    %gt3A_1405 = arith.cmpf ogt, %gt3A_1403, %gt3A_1404 : vector<128x128xf32>
    %convert_element_type3A_1406 = arith.extui %gt3A_1405 : vector<128x128xi1> to vector<128x128xi32>
    %convert_element_type3A_1407 = arith.sitofp %convert_element_type3A_1406 : vector<128x128xi32> to vector<128x128xf32>
    %eq3A_1408 = vector.broadcast %get3A_1399 : vector<1x128xf32> to vector<128x128xf32>
    %eq3A_1409 = vector.broadcast %dot_general3A_1339 : vector<128x1xf32> to vector<128x128xf32>
    %eq3A_1410 = arith.cmpf oeq, %eq3A_1408, %eq3A_1409 : vector<128x128xf32>
    %lt3A_1411 = vector.broadcast %get3A_1402 : vector<1x128xf32> to vector<128x128xf32>
    %lt3A_1412 = vector.broadcast %dot_general3A_1344 : vector<128x1xf32> to vector<128x128xf32>
    %lt3A_1413 = arith.cmpf olt, %lt3A_1411, %lt3A_1412 : vector<128x128xf32>
    %and3A_1414 = arith.andi %eq3A_1410, %lt3A_1413 : vector<128x128xi1>
    %convert_element_type3A_1415 = arith.extui %and3A_1414 : vector<128x128xi1> to vector<128x128xi32>
    %convert_element_type3A_1416 = arith.sitofp %convert_element_type3A_1415 : vector<128x128xi32> to vector<128x128xf32>
    %add3A_1417 = arith.addf %convert_element_type3A_1407, %convert_element_type3A_1416 : vector<128x128xf32>
    %reduce_sum3A_1418 = arith.constant dense<0.000000e+00> : vector<128xf32>
    %reduce_sum3A_1419 = vector.multi_reduction <add>, %add3A_1417, %reduce_sum3A_1418 [1] : vector<128x128xf32> to vector<128xf32>
    %broadcast_in_dim3A_1420 = vector.shape_cast %reduce_sum3A_1419 : vector<128xf32> to vector<128x1xf32>
    %add3A_1421 = arith.addf %add3A_1396, %broadcast_in_dim3A_1420 : vector<128x1xf32>
    %get3A_1422 = arith.constant 3 : index
    %get3A_1423 = arith.constant 0 : index
    %get3A_1424 = vector.load %arg0[%get3A_1422, %get3A_1423] : memref<8x128xf32, #tpu.memory_space<vmem>>, vector<1x128xf32>
    %get3A_1425 = arith.constant 3 : index
    %get3A_1426 = arith.constant 0 : index
    %get3A_1427 = vector.load %arg1[%get3A_1425, %get3A_1426] : memref<8x128xf32, #tpu.memory_space<vmem>>, vector<1x128xf32>
    %gt3A_1428 = vector.broadcast %get3A_1424 : vector<1x128xf32> to vector<128x128xf32>
    %gt3A_1429 = vector.broadcast %dot_general3A_1339 : vector<128x1xf32> to vector<128x128xf32>
    %gt3A_1430 = arith.cmpf ogt, %gt3A_1428, %gt3A_1429 : vector<128x128xf32>
    %convert_element_type3A_1431 = arith.extui %gt3A_1430 : vector<128x128xi1> to vector<128x128xi32>
    %convert_element_type3A_1432 = arith.sitofp %convert_element_type3A_1431 : vector<128x128xi32> to vector<128x128xf32>
    %eq3A_1433 = vector.broadcast %get3A_1424 : vector<1x128xf32> to vector<128x128xf32>
    %eq3A_1434 = vector.broadcast %dot_general3A_1339 : vector<128x1xf32> to vector<128x128xf32>
    %eq3A_1435 = arith.cmpf oeq, %eq3A_1433, %eq3A_1434 : vector<128x128xf32>
    %lt3A_1436 = vector.broadcast %get3A_1427 : vector<1x128xf32> to vector<128x128xf32>
    %lt3A_1437 = vector.broadcast %dot_general3A_1344 : vector<128x1xf32> to vector<128x128xf32>
    %lt3A_1438 = arith.cmpf olt, %lt3A_1436, %lt3A_1437 : vector<128x128xf32>
    %and3A_1439 = arith.andi %eq3A_1435, %lt3A_1438 : vector<128x128xi1>
    %convert_element_type3A_1440 = arith.extui %and3A_1439 : vector<128x128xi1> to vector<128x128xi32>
    %convert_element_type3A_1441 = arith.sitofp %convert_element_type3A_1440 : vector<128x128xi32> to vector<128x128xf32>
    %add3A_1442 = arith.addf %convert_element_type3A_1432, %convert_element_type3A_1441 : vector<128x128xf32>
    %reduce_sum3A_1443 = arith.constant dense<0.000000e+00> : vector<128xf32>
    %reduce_sum3A_1444 = vector.multi_reduction <add>, %add3A_1442, %reduce_sum3A_1443 [1] : vector<128x128xf32> to vector<128xf32>
    %broadcast_in_dim3A_1445 = vector.shape_cast %reduce_sum3A_1444 : vector<128xf32> to vector<128x1xf32>
    %add3A_1446 = arith.addf %add3A_1421, %broadcast_in_dim3A_1445 : vector<128x1xf32>
    %get3A_1447 = arith.constant 4 : index
    %get3A_1448 = arith.constant 0 : index
    %get3A_1449 = vector.load %arg0[%get3A_1447, %get3A_1448] : memref<8x128xf32, #tpu.memory_space<vmem>>, vector<1x128xf32>
    %get3A_1450 = arith.constant 4 : index
    %get3A_1451 = arith.constant 0 : index
    %get3A_1452 = vector.load %arg1[%get3A_1450, %get3A_1451] : memref<8x128xf32, #tpu.memory_space<vmem>>, vector<1x128xf32>
    %gt3A_1453 = vector.broadcast %get3A_1449 : vector<1x128xf32> to vector<128x128xf32>
    %gt3A_1454 = vector.broadcast %dot_general3A_1339 : vector<128x1xf32> to vector<128x128xf32>
    %gt3A_1455 = arith.cmpf ogt, %gt3A_1453, %gt3A_1454 : vector<128x128xf32>
    %convert_element_type3A_1456 = arith.extui %gt3A_1455 : vector<128x128xi1> to vector<128x128xi32>
    %convert_element_type3A_1457 = arith.sitofp %convert_element_type3A_1456 : vector<128x128xi32> to vector<128x128xf32>
    %eq3A_1458 = vector.broadcast %get3A_1449 : vector<1x128xf32> to vector<128x128xf32>
    %eq3A_1459 = vector.broadcast %dot_general3A_1339 : vector<128x1xf32> to vector<128x128xf32>
    %eq3A_1460 = arith.cmpf oeq, %eq3A_1458, %eq3A_1459 : vector<128x128xf32>
    %lt3A_1461 = vector.broadcast %get3A_1452 : vector<1x128xf32> to vector<128x128xf32>
    %lt3A_1462 = vector.broadcast %dot_general3A_1344 : vector<128x1xf32> to vector<128x128xf32>
    %lt3A_1463 = arith.cmpf olt, %lt3A_1461, %lt3A_1462 : vector<128x128xf32>
    %and3A_1464 = arith.andi %eq3A_1460, %lt3A_1463 : vector<128x128xi1>
    %convert_element_type3A_1465 = arith.extui %and3A_1464 : vector<128x128xi1> to vector<128x128xi32>
    %convert_element_type3A_1466 = arith.sitofp %convert_element_type3A_1465 : vector<128x128xi32> to vector<128x128xf32>
    %add3A_1467 = arith.addf %convert_element_type3A_1457, %convert_element_type3A_1466 : vector<128x128xf32>
    %reduce_sum3A_1468 = arith.constant dense<0.000000e+00> : vector<128xf32>
    %reduce_sum3A_1469 = vector.multi_reduction <add>, %add3A_1467, %reduce_sum3A_1468 [1] : vector<128x128xf32> to vector<128xf32>
    %broadcast_in_dim3A_1470 = vector.shape_cast %reduce_sum3A_1469 : vector<128xf32> to vector<128x1xf32>
    %add3A_1471 = arith.addf %add3A_1446, %broadcast_in_dim3A_1470 : vector<128x1xf32>
    %get3A_1472 = arith.constant 5 : index
    %get3A_1473 = arith.constant 0 : index
    %get3A_1474 = vector.load %arg0[%get3A_1472, %get3A_1473] : memref<8x128xf32, #tpu.memory_space<vmem>>, vector<1x128xf32>
    %get3A_1475 = arith.constant 5 : index
    %get3A_1476 = arith.constant 0 : index
    %get3A_1477 = vector.load %arg1[%get3A_1475, %get3A_1476] : memref<8x128xf32, #tpu.memory_space<vmem>>, vector<1x128xf32>
    %gt3A_1478 = vector.broadcast %get3A_1474 : vector<1x128xf32> to vector<128x128xf32>
    %gt3A_1479 = vector.broadcast %dot_general3A_1339 : vector<128x1xf32> to vector<128x128xf32>
    %gt3A_1480 = arith.cmpf ogt, %gt3A_1478, %gt3A_1479 : vector<128x128xf32>
    %convert_element_type3A_1481 = arith.extui %gt3A_1480 : vector<128x128xi1> to vector<128x128xi32>
    %convert_element_type3A_1482 = arith.sitofp %convert_element_type3A_1481 : vector<128x128xi32> to vector<128x128xf32>
    %eq3A_1483 = vector.broadcast %get3A_1474 : vector<1x128xf32> to vector<128x128xf32>
    %eq3A_1484 = vector.broadcast %dot_general3A_1339 : vector<128x1xf32> to vector<128x128xf32>
    %eq3A_1485 = arith.cmpf oeq, %eq3A_1483, %eq3A_1484 : vector<128x128xf32>
    %lt3A_1486 = vector.broadcast %get3A_1477 : vector<1x128xf32> to vector<128x128xf32>
    %lt3A_1487 = vector.broadcast %dot_general3A_1344 : vector<128x1xf32> to vector<128x128xf32>
    %lt3A_1488 = arith.cmpf olt, %lt3A_1486, %lt3A_1487 : vector<128x128xf32>
    %and3A_1489 = arith.andi %eq3A_1485, %lt3A_1488 : vector<128x128xi1>
    %convert_element_type3A_1490 = arith.extui %and3A_1489 : vector<128x128xi1> to vector<128x128xi32>
    %convert_element_type3A_1491 = arith.sitofp %convert_element_type3A_1490 : vector<128x128xi32> to vector<128x128xf32>
    %add3A_1492 = arith.addf %convert_element_type3A_1482, %convert_element_type3A_1491 : vector<128x128xf32>
    %reduce_sum3A_1493 = arith.constant dense<0.000000e+00> : vector<128xf32>
    %reduce_sum3A_1494 = vector.multi_reduction <add>, %add3A_1492, %reduce_sum3A_1493 [1] : vector<128x128xf32> to vector<128xf32>
    %broadcast_in_dim3A_1495 = vector.shape_cast %reduce_sum3A_1494 : vector<128xf32> to vector<128x1xf32>
    %add3A_1496 = arith.addf %add3A_1471, %broadcast_in_dim3A_1495 : vector<128x1xf32>
    %get3A_1497 = arith.constant 6 : index
    %get3A_1498 = arith.constant 0 : index
    %get3A_1499 = vector.load %arg0[%get3A_1497, %get3A_1498] : memref<8x128xf32, #tpu.memory_space<vmem>>, vector<1x128xf32>
    %get3A_1500 = arith.constant 6 : index
    %get3A_1501 = arith.constant 0 : index
    %get3A_1502 = vector.load %arg1[%get3A_1500, %get3A_1501] : memref<8x128xf32, #tpu.memory_space<vmem>>, vector<1x128xf32>
    %gt3A_1503 = vector.broadcast %get3A_1499 : vector<1x128xf32> to vector<128x128xf32>
    %gt3A_1504 = vector.broadcast %dot_general3A_1339 : vector<128x1xf32> to vector<128x128xf32>
    %gt3A_1505 = arith.cmpf ogt, %gt3A_1503, %gt3A_1504 : vector<128x128xf32>
    %convert_element_type3A_1506 = arith.extui %gt3A_1505 : vector<128x128xi1> to vector<128x128xi32>
    %convert_element_type3A_1507 = arith.sitofp %convert_element_type3A_1506 : vector<128x128xi32> to vector<128x128xf32>
    %eq3A_1508 = vector.broadcast %get3A_1499 : vector<1x128xf32> to vector<128x128xf32>
    %eq3A_1509 = vector.broadcast %dot_general3A_1339 : vector<128x1xf32> to vector<128x128xf32>
    %eq3A_1510 = arith.cmpf oeq, %eq3A_1508, %eq3A_1509 : vector<128x128xf32>
    %lt3A_1511 = vector.broadcast %get3A_1502 : vector<1x128xf32> to vector<128x128xf32>
    %lt3A_1512 = vector.broadcast %dot_general3A_1344 : vector<128x1xf32> to vector<128x128xf32>
    %lt3A_1513 = arith.cmpf olt, %lt3A_1511, %lt3A_1512 : vector<128x128xf32>
    %and3A_1514 = arith.andi %eq3A_1510, %lt3A_1513 : vector<128x128xi1>
    %convert_element_type3A_1515 = arith.extui %and3A_1514 : vector<128x128xi1> to vector<128x128xi32>
    %convert_element_type3A_1516 = arith.sitofp %convert_element_type3A_1515 : vector<128x128xi32> to vector<128x128xf32>
    %add3A_1517 = arith.addf %convert_element_type3A_1507, %convert_element_type3A_1516 : vector<128x128xf32>
    %reduce_sum3A_1518 = arith.constant dense<0.000000e+00> : vector<128xf32>
    %reduce_sum3A_1519 = vector.multi_reduction <add>, %add3A_1517, %reduce_sum3A_1518 [1] : vector<128x128xf32> to vector<128xf32>
    %broadcast_in_dim3A_1520 = vector.shape_cast %reduce_sum3A_1519 : vector<128xf32> to vector<128x1xf32>
    %add3A_1521 = arith.addf %add3A_1496, %broadcast_in_dim3A_1520 : vector<128x1xf32>
    %get3A_1522 = arith.constant 7 : index
    %get3A_1523 = arith.constant 0 : index
    %get3A_1524 = vector.load %arg0[%get3A_1522, %get3A_1523] : memref<8x128xf32, #tpu.memory_space<vmem>>, vector<1x128xf32>
    %get3A_1525 = arith.constant 7 : index
    %get3A_1526 = arith.constant 0 : index
    %get3A_1527 = vector.load %arg1[%get3A_1525, %get3A_1526] : memref<8x128xf32, #tpu.memory_space<vmem>>, vector<1x128xf32>
    %gt3A_1528 = vector.broadcast %get3A_1524 : vector<1x128xf32> to vector<128x128xf32>
    %gt3A_1529 = vector.broadcast %dot_general3A_1339 : vector<128x1xf32> to vector<128x128xf32>
    %gt3A_1530 = arith.cmpf ogt, %gt3A_1528, %gt3A_1529 : vector<128x128xf32>
    %convert_element_type3A_1531 = arith.extui %gt3A_1530 : vector<128x128xi1> to vector<128x128xi32>
    %convert_element_type3A_1532 = arith.sitofp %convert_element_type3A_1531 : vector<128x128xi32> to vector<128x128xf32>
    %eq3A_1533 = vector.broadcast %get3A_1524 : vector<1x128xf32> to vector<128x128xf32>
    %eq3A_1534 = vector.broadcast %dot_general3A_1339 : vector<128x1xf32> to vector<128x128xf32>
    %eq3A_1535 = arith.cmpf oeq, %eq3A_1533, %eq3A_1534 : vector<128x128xf32>
    %lt3A_1536 = vector.broadcast %get3A_1527 : vector<1x128xf32> to vector<128x128xf32>
    %lt3A_1537 = vector.broadcast %dot_general3A_1344 : vector<128x1xf32> to vector<128x128xf32>
    %lt3A_1538 = arith.cmpf olt, %lt3A_1536, %lt3A_1537 : vector<128x128xf32>
    %and3A_1539 = arith.andi %eq3A_1535, %lt3A_1538 : vector<128x128xi1>
    %convert_element_type3A_1540 = arith.extui %and3A_1539 : vector<128x128xi1> to vector<128x128xi32>
    %convert_element_type3A_1541 = arith.sitofp %convert_element_type3A_1540 : vector<128x128xi32> to vector<128x128xf32>
    %add3A_1542 = arith.addf %convert_element_type3A_1532, %convert_element_type3A_1541 : vector<128x128xf32>
    %reduce_sum3A_1543 = arith.constant dense<0.000000e+00> : vector<128xf32>
    %reduce_sum3A_1544 = vector.multi_reduction <add>, %add3A_1542, %reduce_sum3A_1543 [1] : vector<128x128xf32> to vector<128xf32>
    %broadcast_in_dim3A_1545 = vector.shape_cast %reduce_sum3A_1544 : vector<128xf32> to vector<128x1xf32>
    %add3A_1546 = arith.addf %add3A_1521, %broadcast_in_dim3A_1545 : vector<128x1xf32>
    %dot_general3A_1547 = arith.constant dense<0.000000e+00> : vector<1x128xf32>
    %dot_general3A_1548 = tpu.matmul %add3A_1546, %convert_element_type3A_1, %dot_general3A_1547 {dimension_numbers = #tpu.dot_dimension_numbers<[0], [0], [1], [1], [0, 1, 1, 1], [], []>, precision = #tpu.contract_precision<fp32>, transpose_lhs_hint = false} : vector<128x1xf32>, vector<128x128xf32>, vector<1x128xf32> -> vector<1x128xf32>
    %eq3A_1549 = vector.broadcast %convert_element_type3A_3 : vector<128x1xf32> to vector<128x128xf32>
    %eq3A_1550 = vector.broadcast %dot_general3A_1548 : vector<1x128xf32> to vector<128x128xf32>
    %eq3A_1551 = arith.cmpf oeq, %eq3A_1549, %eq3A_1550 : vector<128x128xf32>
    %convert_element_type3A_1552 = arith.extui %eq3A_1551 : vector<128x128xi1> to vector<128x128xi32>
    %convert_element_type3A_1553 = arith.sitofp %convert_element_type3A_1552 : vector<128x128xi32> to vector<128x128xf32>
    %concatenate3A_1554 = tpu.concatenate %dot_general3A_1339, %dot_general3A_1344 in 1 : vector<128x1xf32>, vector<128x1xf32> -> vector<128x2xf32>
    %dot_general3A_1555 = arith.constant dense<0.000000e+00> : vector<128x2xf32>
    %dot_general3A_1556 = tpu.matmul %convert_element_type3A_1553, %concatenate3A_1554, %dot_general3A_1555 {dimension_numbers = #tpu.dot_dimension_numbers<[1], [0], [0], [1], [0, 0, 1, 1], [], []>, precision = #tpu.contract_precision<fp32>, transpose_lhs_hint = false} : vector<128x128xf32>, vector<128x2xf32>, vector<128x2xf32> -> vector<128x2xf32>
    %add3A_1557 = arith.addf %add3A_1334, %dot_general3A_1556 : vector<128x2xf32>
    %get3A_1558 = arith.constant 7 : index
    %get3A_1559 = arith.constant 0 : index
    %get3A_1560 = vector.load %arg0[%get3A_1558, %get3A_1559] : memref<8x128xf32, #tpu.memory_space<vmem>>, vector<1x128xf32>
    %dot_general3A_1561 = arith.constant dense<0.000000e+00> : vector<128x1xf32>
    %dot_general3A_1562 = tpu.matmul %convert_element_type3A_1, %get3A_1560, %dot_general3A_1561 {dimension_numbers = #tpu.dot_dimension_numbers<[1], [1], [0], [0], [0, 0, 1, 0], [], []>, precision = #tpu.contract_precision<fp32>, transpose_lhs_hint = false} : vector<128x128xf32>, vector<1x128xf32>, vector<128x1xf32> -> vector<128x1xf32>
    %get3A_1563 = arith.constant 7 : index
    %get3A_1564 = arith.constant 0 : index
    %get3A_1565 = vector.load %arg1[%get3A_1563, %get3A_1564] : memref<8x128xf32, #tpu.memory_space<vmem>>, vector<1x128xf32>
    %dot_general3A_1566 = arith.constant dense<0.000000e+00> : vector<128x1xf32>
    %dot_general3A_1567 = tpu.matmul %convert_element_type3A_1, %get3A_1565, %dot_general3A_1566 {dimension_numbers = #tpu.dot_dimension_numbers<[1], [1], [0], [0], [0, 0, 1, 0], [], []>, precision = #tpu.contract_precision<fp32>, transpose_lhs_hint = false} : vector<128x128xf32>, vector<1x128xf32>, vector<128x1xf32> -> vector<128x1xf32>
    %broadcast_in_dim3A_1568 = arith.constant 0.000000e+00 : f32
    %broadcast_in_dim3A_1569 = vector.broadcast %broadcast_in_dim3A_1568 : f32 to vector<128x1xf32>
    %get3A_1570 = arith.constant 0 : index
    %get3A_1571 = arith.constant 0 : index
    %get3A_1572 = vector.load %arg0[%get3A_1570, %get3A_1571] : memref<8x128xf32, #tpu.memory_space<vmem>>, vector<1x128xf32>
    %get3A_1573 = arith.constant 0 : index
    %get3A_1574 = arith.constant 0 : index
    %get3A_1575 = vector.load %arg1[%get3A_1573, %get3A_1574] : memref<8x128xf32, #tpu.memory_space<vmem>>, vector<1x128xf32>
    %gt3A_1576 = vector.broadcast %get3A_1572 : vector<1x128xf32> to vector<128x128xf32>
    %gt3A_1577 = vector.broadcast %dot_general3A_1562 : vector<128x1xf32> to vector<128x128xf32>
    %gt3A_1578 = arith.cmpf ogt, %gt3A_1576, %gt3A_1577 : vector<128x128xf32>
    %convert_element_type3A_1579 = arith.extui %gt3A_1578 : vector<128x128xi1> to vector<128x128xi32>
    %convert_element_type3A_1580 = arith.sitofp %convert_element_type3A_1579 : vector<128x128xi32> to vector<128x128xf32>
    %eq3A_1581 = vector.broadcast %get3A_1572 : vector<1x128xf32> to vector<128x128xf32>
    %eq3A_1582 = vector.broadcast %dot_general3A_1562 : vector<128x1xf32> to vector<128x128xf32>
    %eq3A_1583 = arith.cmpf oeq, %eq3A_1581, %eq3A_1582 : vector<128x128xf32>
    %lt3A_1584 = vector.broadcast %get3A_1575 : vector<1x128xf32> to vector<128x128xf32>
    %lt3A_1585 = vector.broadcast %dot_general3A_1567 : vector<128x1xf32> to vector<128x128xf32>
    %lt3A_1586 = arith.cmpf olt, %lt3A_1584, %lt3A_1585 : vector<128x128xf32>
    %and3A_1587 = arith.andi %eq3A_1583, %lt3A_1586 : vector<128x128xi1>
    %convert_element_type3A_1588 = arith.extui %and3A_1587 : vector<128x128xi1> to vector<128x128xi32>
    %convert_element_type3A_1589 = arith.sitofp %convert_element_type3A_1588 : vector<128x128xi32> to vector<128x128xf32>
    %add3A_1590 = arith.addf %convert_element_type3A_1580, %convert_element_type3A_1589 : vector<128x128xf32>
    %reduce_sum3A_1591 = arith.constant dense<0.000000e+00> : vector<128xf32>
    %reduce_sum3A_1592 = vector.multi_reduction <add>, %add3A_1590, %reduce_sum3A_1591 [1] : vector<128x128xf32> to vector<128xf32>
    %broadcast_in_dim3A_1593 = vector.shape_cast %reduce_sum3A_1592 : vector<128xf32> to vector<128x1xf32>
    %add3A_1594 = arith.addf %broadcast_in_dim3A_1569, %broadcast_in_dim3A_1593 : vector<128x1xf32>
    %get3A_1595 = arith.constant 1 : index
    %get3A_1596 = arith.constant 0 : index
    %get3A_1597 = vector.load %arg0[%get3A_1595, %get3A_1596] : memref<8x128xf32, #tpu.memory_space<vmem>>, vector<1x128xf32>
    %get3A_1598 = arith.constant 1 : index
    %get3A_1599 = arith.constant 0 : index
    %get3A_1600 = vector.load %arg1[%get3A_1598, %get3A_1599] : memref<8x128xf32, #tpu.memory_space<vmem>>, vector<1x128xf32>
    %gt3A_1601 = vector.broadcast %get3A_1597 : vector<1x128xf32> to vector<128x128xf32>
    %gt3A_1602 = vector.broadcast %dot_general3A_1562 : vector<128x1xf32> to vector<128x128xf32>
    %gt3A_1603 = arith.cmpf ogt, %gt3A_1601, %gt3A_1602 : vector<128x128xf32>
    %convert_element_type3A_1604 = arith.extui %gt3A_1603 : vector<128x128xi1> to vector<128x128xi32>
    %convert_element_type3A_1605 = arith.sitofp %convert_element_type3A_1604 : vector<128x128xi32> to vector<128x128xf32>
    %eq3A_1606 = vector.broadcast %get3A_1597 : vector<1x128xf32> to vector<128x128xf32>
    %eq3A_1607 = vector.broadcast %dot_general3A_1562 : vector<128x1xf32> to vector<128x128xf32>
    %eq3A_1608 = arith.cmpf oeq, %eq3A_1606, %eq3A_1607 : vector<128x128xf32>
    %lt3A_1609 = vector.broadcast %get3A_1600 : vector<1x128xf32> to vector<128x128xf32>
    %lt3A_1610 = vector.broadcast %dot_general3A_1567 : vector<128x1xf32> to vector<128x128xf32>
    %lt3A_1611 = arith.cmpf olt, %lt3A_1609, %lt3A_1610 : vector<128x128xf32>
    %and3A_1612 = arith.andi %eq3A_1608, %lt3A_1611 : vector<128x128xi1>
    %convert_element_type3A_1613 = arith.extui %and3A_1612 : vector<128x128xi1> to vector<128x128xi32>
    %convert_element_type3A_1614 = arith.sitofp %convert_element_type3A_1613 : vector<128x128xi32> to vector<128x128xf32>
    %add3A_1615 = arith.addf %convert_element_type3A_1605, %convert_element_type3A_1614 : vector<128x128xf32>
    %reduce_sum3A_1616 = arith.constant dense<0.000000e+00> : vector<128xf32>
    %reduce_sum3A_1617 = vector.multi_reduction <add>, %add3A_1615, %reduce_sum3A_1616 [1] : vector<128x128xf32> to vector<128xf32>
    %broadcast_in_dim3A_1618 = vector.shape_cast %reduce_sum3A_1617 : vector<128xf32> to vector<128x1xf32>
    %add3A_1619 = arith.addf %add3A_1594, %broadcast_in_dim3A_1618 : vector<128x1xf32>
    %get3A_1620 = arith.constant 2 : index
    %get3A_1621 = arith.constant 0 : index
    %get3A_1622 = vector.load %arg0[%get3A_1620, %get3A_1621] : memref<8x128xf32, #tpu.memory_space<vmem>>, vector<1x128xf32>
    %get3A_1623 = arith.constant 2 : index
    %get3A_1624 = arith.constant 0 : index
    %get3A_1625 = vector.load %arg1[%get3A_1623, %get3A_1624] : memref<8x128xf32, #tpu.memory_space<vmem>>, vector<1x128xf32>
    %gt3A_1626 = vector.broadcast %get3A_1622 : vector<1x128xf32> to vector<128x128xf32>
    %gt3A_1627 = vector.broadcast %dot_general3A_1562 : vector<128x1xf32> to vector<128x128xf32>
    %gt3A_1628 = arith.cmpf ogt, %gt3A_1626, %gt3A_1627 : vector<128x128xf32>
    %convert_element_type3A_1629 = arith.extui %gt3A_1628 : vector<128x128xi1> to vector<128x128xi32>
    %convert_element_type3A_1630 = arith.sitofp %convert_element_type3A_1629 : vector<128x128xi32> to vector<128x128xf32>
    %eq3A_1631 = vector.broadcast %get3A_1622 : vector<1x128xf32> to vector<128x128xf32>
    %eq3A_1632 = vector.broadcast %dot_general3A_1562 : vector<128x1xf32> to vector<128x128xf32>
    %eq3A_1633 = arith.cmpf oeq, %eq3A_1631, %eq3A_1632 : vector<128x128xf32>
    %lt3A_1634 = vector.broadcast %get3A_1625 : vector<1x128xf32> to vector<128x128xf32>
    %lt3A_1635 = vector.broadcast %dot_general3A_1567 : vector<128x1xf32> to vector<128x128xf32>
    %lt3A_1636 = arith.cmpf olt, %lt3A_1634, %lt3A_1635 : vector<128x128xf32>
    %and3A_1637 = arith.andi %eq3A_1633, %lt3A_1636 : vector<128x128xi1>
    %convert_element_type3A_1638 = arith.extui %and3A_1637 : vector<128x128xi1> to vector<128x128xi32>
    %convert_element_type3A_1639 = arith.sitofp %convert_element_type3A_1638 : vector<128x128xi32> to vector<128x128xf32>
    %add3A_1640 = arith.addf %convert_element_type3A_1630, %convert_element_type3A_1639 : vector<128x128xf32>
    %reduce_sum3A_1641 = arith.constant dense<0.000000e+00> : vector<128xf32>
    %reduce_sum3A_1642 = vector.multi_reduction <add>, %add3A_1640, %reduce_sum3A_1641 [1] : vector<128x128xf32> to vector<128xf32>
    %broadcast_in_dim3A_1643 = vector.shape_cast %reduce_sum3A_1642 : vector<128xf32> to vector<128x1xf32>
    %add3A_1644 = arith.addf %add3A_1619, %broadcast_in_dim3A_1643 : vector<128x1xf32>
    %get3A_1645 = arith.constant 3 : index
    %get3A_1646 = arith.constant 0 : index
    %get3A_1647 = vector.load %arg0[%get3A_1645, %get3A_1646] : memref<8x128xf32, #tpu.memory_space<vmem>>, vector<1x128xf32>
    %get3A_1648 = arith.constant 3 : index
    %get3A_1649 = arith.constant 0 : index
    %get3A_1650 = vector.load %arg1[%get3A_1648, %get3A_1649] : memref<8x128xf32, #tpu.memory_space<vmem>>, vector<1x128xf32>
    %gt3A_1651 = vector.broadcast %get3A_1647 : vector<1x128xf32> to vector<128x128xf32>
    %gt3A_1652 = vector.broadcast %dot_general3A_1562 : vector<128x1xf32> to vector<128x128xf32>
    %gt3A_1653 = arith.cmpf ogt, %gt3A_1651, %gt3A_1652 : vector<128x128xf32>
    %convert_element_type3A_1654 = arith.extui %gt3A_1653 : vector<128x128xi1> to vector<128x128xi32>
    %convert_element_type3A_1655 = arith.sitofp %convert_element_type3A_1654 : vector<128x128xi32> to vector<128x128xf32>
    %eq3A_1656 = vector.broadcast %get3A_1647 : vector<1x128xf32> to vector<128x128xf32>
    %eq3A_1657 = vector.broadcast %dot_general3A_1562 : vector<128x1xf32> to vector<128x128xf32>
    %eq3A_1658 = arith.cmpf oeq, %eq3A_1656, %eq3A_1657 : vector<128x128xf32>
    %lt3A_1659 = vector.broadcast %get3A_1650 : vector<1x128xf32> to vector<128x128xf32>
    %lt3A_1660 = vector.broadcast %dot_general3A_1567 : vector<128x1xf32> to vector<128x128xf32>
    %lt3A_1661 = arith.cmpf olt, %lt3A_1659, %lt3A_1660 : vector<128x128xf32>
    %and3A_1662 = arith.andi %eq3A_1658, %lt3A_1661 : vector<128x128xi1>
    %convert_element_type3A_1663 = arith.extui %and3A_1662 : vector<128x128xi1> to vector<128x128xi32>
    %convert_element_type3A_1664 = arith.sitofp %convert_element_type3A_1663 : vector<128x128xi32> to vector<128x128xf32>
    %add3A_1665 = arith.addf %convert_element_type3A_1655, %convert_element_type3A_1664 : vector<128x128xf32>
    %reduce_sum3A_1666 = arith.constant dense<0.000000e+00> : vector<128xf32>
    %reduce_sum3A_1667 = vector.multi_reduction <add>, %add3A_1665, %reduce_sum3A_1666 [1] : vector<128x128xf32> to vector<128xf32>
    %broadcast_in_dim3A_1668 = vector.shape_cast %reduce_sum3A_1667 : vector<128xf32> to vector<128x1xf32>
    %add3A_1669 = arith.addf %add3A_1644, %broadcast_in_dim3A_1668 : vector<128x1xf32>
    %get3A_1670 = arith.constant 4 : index
    %get3A_1671 = arith.constant 0 : index
    %get3A_1672 = vector.load %arg0[%get3A_1670, %get3A_1671] : memref<8x128xf32, #tpu.memory_space<vmem>>, vector<1x128xf32>
    %get3A_1673 = arith.constant 4 : index
    %get3A_1674 = arith.constant 0 : index
    %get3A_1675 = vector.load %arg1[%get3A_1673, %get3A_1674] : memref<8x128xf32, #tpu.memory_space<vmem>>, vector<1x128xf32>
    %gt3A_1676 = vector.broadcast %get3A_1672 : vector<1x128xf32> to vector<128x128xf32>
    %gt3A_1677 = vector.broadcast %dot_general3A_1562 : vector<128x1xf32> to vector<128x128xf32>
    %gt3A_1678 = arith.cmpf ogt, %gt3A_1676, %gt3A_1677 : vector<128x128xf32>
    %convert_element_type3A_1679 = arith.extui %gt3A_1678 : vector<128x128xi1> to vector<128x128xi32>
    %convert_element_type3A_1680 = arith.sitofp %convert_element_type3A_1679 : vector<128x128xi32> to vector<128x128xf32>
    %eq3A_1681 = vector.broadcast %get3A_1672 : vector<1x128xf32> to vector<128x128xf32>
    %eq3A_1682 = vector.broadcast %dot_general3A_1562 : vector<128x1xf32> to vector<128x128xf32>
    %eq3A_1683 = arith.cmpf oeq, %eq3A_1681, %eq3A_1682 : vector<128x128xf32>
    %lt3A_1684 = vector.broadcast %get3A_1675 : vector<1x128xf32> to vector<128x128xf32>
    %lt3A_1685 = vector.broadcast %dot_general3A_1567 : vector<128x1xf32> to vector<128x128xf32>
    %lt3A_1686 = arith.cmpf olt, %lt3A_1684, %lt3A_1685 : vector<128x128xf32>
    %and3A_1687 = arith.andi %eq3A_1683, %lt3A_1686 : vector<128x128xi1>
    %convert_element_type3A_1688 = arith.extui %and3A_1687 : vector<128x128xi1> to vector<128x128xi32>
    %convert_element_type3A_1689 = arith.sitofp %convert_element_type3A_1688 : vector<128x128xi32> to vector<128x128xf32>
    %add3A_1690 = arith.addf %convert_element_type3A_1680, %convert_element_type3A_1689 : vector<128x128xf32>
    %reduce_sum3A_1691 = arith.constant dense<0.000000e+00> : vector<128xf32>
    %reduce_sum3A_1692 = vector.multi_reduction <add>, %add3A_1690, %reduce_sum3A_1691 [1] : vector<128x128xf32> to vector<128xf32>
    %broadcast_in_dim3A_1693 = vector.shape_cast %reduce_sum3A_1692 : vector<128xf32> to vector<128x1xf32>
    %add3A_1694 = arith.addf %add3A_1669, %broadcast_in_dim3A_1693 : vector<128x1xf32>
    %get3A_1695 = arith.constant 5 : index
    %get3A_1696 = arith.constant 0 : index
    %get3A_1697 = vector.load %arg0[%get3A_1695, %get3A_1696] : memref<8x128xf32, #tpu.memory_space<vmem>>, vector<1x128xf32>
    %get3A_1698 = arith.constant 5 : index
    %get3A_1699 = arith.constant 0 : index
    %get3A_1700 = vector.load %arg1[%get3A_1698, %get3A_1699] : memref<8x128xf32, #tpu.memory_space<vmem>>, vector<1x128xf32>
    %gt3A_1701 = vector.broadcast %get3A_1697 : vector<1x128xf32> to vector<128x128xf32>
    %gt3A_1702 = vector.broadcast %dot_general3A_1562 : vector<128x1xf32> to vector<128x128xf32>
    %gt3A_1703 = arith.cmpf ogt, %gt3A_1701, %gt3A_1702 : vector<128x128xf32>
    %convert_element_type3A_1704 = arith.extui %gt3A_1703 : vector<128x128xi1> to vector<128x128xi32>
    %convert_element_type3A_1705 = arith.sitofp %convert_element_type3A_1704 : vector<128x128xi32> to vector<128x128xf32>
    %eq3A_1706 = vector.broadcast %get3A_1697 : vector<1x128xf32> to vector<128x128xf32>
    %eq3A_1707 = vector.broadcast %dot_general3A_1562 : vector<128x1xf32> to vector<128x128xf32>
    %eq3A_1708 = arith.cmpf oeq, %eq3A_1706, %eq3A_1707 : vector<128x128xf32>
    %lt3A_1709 = vector.broadcast %get3A_1700 : vector<1x128xf32> to vector<128x128xf32>
    %lt3A_1710 = vector.broadcast %dot_general3A_1567 : vector<128x1xf32> to vector<128x128xf32>
    %lt3A_1711 = arith.cmpf olt, %lt3A_1709, %lt3A_1710 : vector<128x128xf32>
    %and3A_1712 = arith.andi %eq3A_1708, %lt3A_1711 : vector<128x128xi1>
    %convert_element_type3A_1713 = arith.extui %and3A_1712 : vector<128x128xi1> to vector<128x128xi32>
    %convert_element_type3A_1714 = arith.sitofp %convert_element_type3A_1713 : vector<128x128xi32> to vector<128x128xf32>
    %add3A_1715 = arith.addf %convert_element_type3A_1705, %convert_element_type3A_1714 : vector<128x128xf32>
    %reduce_sum3A_1716 = arith.constant dense<0.000000e+00> : vector<128xf32>
    %reduce_sum3A_1717 = vector.multi_reduction <add>, %add3A_1715, %reduce_sum3A_1716 [1] : vector<128x128xf32> to vector<128xf32>
    %broadcast_in_dim3A_1718 = vector.shape_cast %reduce_sum3A_1717 : vector<128xf32> to vector<128x1xf32>
    %add3A_1719 = arith.addf %add3A_1694, %broadcast_in_dim3A_1718 : vector<128x1xf32>
    %get3A_1720 = arith.constant 6 : index
    %get3A_1721 = arith.constant 0 : index
    %get3A_1722 = vector.load %arg0[%get3A_1720, %get3A_1721] : memref<8x128xf32, #tpu.memory_space<vmem>>, vector<1x128xf32>
    %get3A_1723 = arith.constant 6 : index
    %get3A_1724 = arith.constant 0 : index
    %get3A_1725 = vector.load %arg1[%get3A_1723, %get3A_1724] : memref<8x128xf32, #tpu.memory_space<vmem>>, vector<1x128xf32>
    %gt3A_1726 = vector.broadcast %get3A_1722 : vector<1x128xf32> to vector<128x128xf32>
    %gt3A_1727 = vector.broadcast %dot_general3A_1562 : vector<128x1xf32> to vector<128x128xf32>
    %gt3A_1728 = arith.cmpf ogt, %gt3A_1726, %gt3A_1727 : vector<128x128xf32>
    %convert_element_type3A_1729 = arith.extui %gt3A_1728 : vector<128x128xi1> to vector<128x128xi32>
    %convert_element_type3A_1730 = arith.sitofp %convert_element_type3A_1729 : vector<128x128xi32> to vector<128x128xf32>
    %eq3A_1731 = vector.broadcast %get3A_1722 : vector<1x128xf32> to vector<128x128xf32>
    %eq3A_1732 = vector.broadcast %dot_general3A_1562 : vector<128x1xf32> to vector<128x128xf32>
    %eq3A_1733 = arith.cmpf oeq, %eq3A_1731, %eq3A_1732 : vector<128x128xf32>
    %lt3A_1734 = vector.broadcast %get3A_1725 : vector<1x128xf32> to vector<128x128xf32>
    %lt3A_1735 = vector.broadcast %dot_general3A_1567 : vector<128x1xf32> to vector<128x128xf32>
    %lt3A_1736 = arith.cmpf olt, %lt3A_1734, %lt3A_1735 : vector<128x128xf32>
    %and3A_1737 = arith.andi %eq3A_1733, %lt3A_1736 : vector<128x128xi1>
    %convert_element_type3A_1738 = arith.extui %and3A_1737 : vector<128x128xi1> to vector<128x128xi32>
    %convert_element_type3A_1739 = arith.sitofp %convert_element_type3A_1738 : vector<128x128xi32> to vector<128x128xf32>
    %add3A_1740 = arith.addf %convert_element_type3A_1730, %convert_element_type3A_1739 : vector<128x128xf32>
    %reduce_sum3A_1741 = arith.constant dense<0.000000e+00> : vector<128xf32>
    %reduce_sum3A_1742 = vector.multi_reduction <add>, %add3A_1740, %reduce_sum3A_1741 [1] : vector<128x128xf32> to vector<128xf32>
    %broadcast_in_dim3A_1743 = vector.shape_cast %reduce_sum3A_1742 : vector<128xf32> to vector<128x1xf32>
    %add3A_1744 = arith.addf %add3A_1719, %broadcast_in_dim3A_1743 : vector<128x1xf32>
    %get3A_1745 = arith.constant 7 : index
    %get3A_1746 = arith.constant 0 : index
    %get3A_1747 = vector.load %arg0[%get3A_1745, %get3A_1746] : memref<8x128xf32, #tpu.memory_space<vmem>>, vector<1x128xf32>
    %get3A_1748 = arith.constant 7 : index
    %get3A_1749 = arith.constant 0 : index
    %get3A_1750 = vector.load %arg1[%get3A_1748, %get3A_1749] : memref<8x128xf32, #tpu.memory_space<vmem>>, vector<1x128xf32>
    %gt3A_1751 = vector.broadcast %get3A_1747 : vector<1x128xf32> to vector<128x128xf32>
    %gt3A_1752 = vector.broadcast %dot_general3A_1562 : vector<128x1xf32> to vector<128x128xf32>
    %gt3A_1753 = arith.cmpf ogt, %gt3A_1751, %gt3A_1752 : vector<128x128xf32>
    %convert_element_type3A_1754 = arith.extui %gt3A_1753 : vector<128x128xi1> to vector<128x128xi32>
    %convert_element_type3A_1755 = arith.sitofp %convert_element_type3A_1754 : vector<128x128xi32> to vector<128x128xf32>
    %eq3A_1756 = vector.broadcast %get3A_1747 : vector<1x128xf32> to vector<128x128xf32>
    %eq3A_1757 = vector.broadcast %dot_general3A_1562 : vector<128x1xf32> to vector<128x128xf32>
    %eq3A_1758 = arith.cmpf oeq, %eq3A_1756, %eq3A_1757 : vector<128x128xf32>
    %lt3A_1759 = vector.broadcast %get3A_1750 : vector<1x128xf32> to vector<128x128xf32>
    %lt3A_1760 = vector.broadcast %dot_general3A_1567 : vector<128x1xf32> to vector<128x128xf32>
    %lt3A_1761 = arith.cmpf olt, %lt3A_1759, %lt3A_1760 : vector<128x128xf32>
    %and3A_1762 = arith.andi %eq3A_1758, %lt3A_1761 : vector<128x128xi1>
    %convert_element_type3A_1763 = arith.extui %and3A_1762 : vector<128x128xi1> to vector<128x128xi32>
    %convert_element_type3A_1764 = arith.sitofp %convert_element_type3A_1763 : vector<128x128xi32> to vector<128x128xf32>
    %add3A_1765 = arith.addf %convert_element_type3A_1755, %convert_element_type3A_1764 : vector<128x128xf32>
    %reduce_sum3A_1766 = arith.constant dense<0.000000e+00> : vector<128xf32>
    %reduce_sum3A_1767 = vector.multi_reduction <add>, %add3A_1765, %reduce_sum3A_1766 [1] : vector<128x128xf32> to vector<128xf32>
    %broadcast_in_dim3A_1768 = vector.shape_cast %reduce_sum3A_1767 : vector<128xf32> to vector<128x1xf32>
    %add3A_1769 = arith.addf %add3A_1744, %broadcast_in_dim3A_1768 : vector<128x1xf32>
    %dot_general3A_1770 = arith.constant dense<0.000000e+00> : vector<1x128xf32>
    %dot_general3A_1771 = tpu.matmul %add3A_1769, %convert_element_type3A_1, %dot_general3A_1770 {dimension_numbers = #tpu.dot_dimension_numbers<[0], [0], [1], [1], [0, 1, 1, 1], [], []>, precision = #tpu.contract_precision<fp32>, transpose_lhs_hint = false} : vector<128x1xf32>, vector<128x128xf32>, vector<1x128xf32> -> vector<1x128xf32>
    %eq3A_1772 = vector.broadcast %convert_element_type3A_3 : vector<128x1xf32> to vector<128x128xf32>
    %eq3A_1773 = vector.broadcast %dot_general3A_1771 : vector<1x128xf32> to vector<128x128xf32>
    %eq3A_1774 = arith.cmpf oeq, %eq3A_1772, %eq3A_1773 : vector<128x128xf32>
    %convert_element_type3A_1775 = arith.extui %eq3A_1774 : vector<128x128xi1> to vector<128x128xi32>
    %convert_element_type3A_1776 = arith.sitofp %convert_element_type3A_1775 : vector<128x128xi32> to vector<128x128xf32>
    %concatenate3A_1777 = tpu.concatenate %dot_general3A_1562, %dot_general3A_1567 in 1 : vector<128x1xf32>, vector<128x1xf32> -> vector<128x2xf32>
    %dot_general3A_1778 = arith.constant dense<0.000000e+00> : vector<128x2xf32>
    %dot_general3A_1779 = tpu.matmul %convert_element_type3A_1776, %concatenate3A_1777, %dot_general3A_1778 {dimension_numbers = #tpu.dot_dimension_numbers<[1], [0], [0], [1], [0, 0, 1, 1], [], []>, precision = #tpu.contract_precision<fp32>, transpose_lhs_hint = false} : vector<128x128xf32>, vector<128x2xf32>, vector<128x2xf32> -> vector<128x2xf32>
    %add3A_1780 = arith.addf %add3A_1557, %dot_general3A_1779 : vector<128x2xf32>
    %slice3A = vector.extract_strided_slice %add3A_1780 {offsets = [0, 0], sizes = [128, 1], strides = [1, 1]} : vector<128x2xf32> to vector<128x1xf32>
    %slice3A_1781 = vector.extract_strided_slice %add3A_1780 {offsets = [0, 1], sizes = [128, 1], strides = [1, 1]} : vector<128x2xf32> to vector<128x1xf32>
    %mul3A = arith.constant 6.10351563E-5 : f32
    %mul3A_1782 = vector.broadcast %mul3A : f32 to vector<128x1xf32>
    %mul3A_1783 = arith.mulf %slice3A_1781, %mul3A_1782 : vector<128x1xf32>
    %floor3A = math.floor %mul3A_1783 : vector<128x1xf32>
    %mul3A_1784 = arith.constant 1.638400e+04 : f32
    %mul3A_1785 = vector.broadcast %mul3A_1784 : f32 to vector<128x1xf32>
    %mul3A_1786 = arith.mulf %floor3A, %mul3A_1785 : vector<128x1xf32>
    %sub3A = arith.subf %slice3A_1781, %mul3A_1786 : vector<128x1xf32>
    %mul3A_1787 = arith.constant 7.812500e-03 : f32
    %mul3A_1788 = vector.broadcast %mul3A_1787 : f32 to vector<128x1xf32>
    %mul3A_1789 = arith.mulf %sub3A, %mul3A_1788 : vector<128x1xf32>
    %floor3A_1790 = math.floor %mul3A_1789 : vector<128x1xf32>
    %mul3A_1791 = arith.constant 1.280000e+02 : f32
    %mul3A_1792 = vector.broadcast %mul3A_1791 : f32 to vector<128x1xf32>
    %mul3A_1793 = arith.mulf %floor3A_1790, %mul3A_1792 : vector<128x1xf32>
    %sub3A_1794 = arith.subf %sub3A, %mul3A_1793 : vector<128x1xf32>
    %iota3A_1795 = tpu.iota {dimensions = array<i32: 1>} : vector<128x128xi32>
    %convert_element_type3A_1796 = arith.sitofp %iota3A_1795 : vector<128x128xi32> to vector<128x128xf32>
    %eq3A_1797 = vector.broadcast %floor3A_1790 : vector<128x1xf32> to vector<128x128xf32>
    %eq3A_1798 = arith.cmpf oeq, %convert_element_type3A_1796, %eq3A_1797 : vector<128x128xf32>
    %convert_element_type3A_1799 = arith.extui %eq3A_1798 : vector<128x128xi1> to vector<128x128xi32>
    %convert_element_type3A_1800 = arith.sitofp %convert_element_type3A_1799 : vector<128x128xi32> to vector<128x128xf32>
    %eq3A_1801 = vector.broadcast %sub3A_1794 : vector<128x1xf32> to vector<128x128xf32>
    %eq3A_1802 = arith.cmpf oeq, %convert_element_type3A_1796, %eq3A_1801 : vector<128x128xf32>
    %convert_element_type3A_1803 = arith.extui %eq3A_1802 : vector<128x128xi1> to vector<128x128xi32>
    %convert_element_type3A_1804 = arith.sitofp %convert_element_type3A_1803 : vector<128x128xi32> to vector<128x128xf32>
    %get3A_1805 = arith.constant 0 : index
    %get3A_1806 = arith.constant 0 : index
    %get3A_1807 = arith.constant 0 : index
    %get3A_1808 = vector.load %arg2[%get3A_1805, %get3A_1806, %get3A_1807] : memref<4x128x128xf32, #tpu.memory_space<vmem>>, vector<1x128x128xf32>
    %get3A_1809 = vector.shape_cast %get3A_1808 : vector<1x128x128xf32> to vector<128x128xf32>
    %dot_general3A_1810 = arith.constant dense<0.000000e+00> : vector<128x128xf32>
    %dot_general3A_1811 = tpu.matmul %convert_element_type3A_1800, %get3A_1809, %dot_general3A_1810 {dimension_numbers = #tpu.dot_dimension_numbers<[1], [0], [0], [1], [0, 0, 1, 1], [], []>, precision = #tpu.contract_precision<fp32>, transpose_lhs_hint = false} : vector<128x128xf32>, vector<128x128xf32>, vector<128x128xf32> -> vector<128x128xf32>
    %mul3A_1812 = arith.mulf %dot_general3A_1811, %convert_element_type3A_1804 : vector<128x128xf32>
    %reduce_sum3A_1813 = arith.constant dense<0.000000e+00> : vector<128xf32>
    %reduce_sum3A_1814 = vector.multi_reduction <add>, %mul3A_1812, %reduce_sum3A_1813 [1] : vector<128x128xf32> to vector<128xf32>
    %broadcast_in_dim3A_1815 = vector.shape_cast %reduce_sum3A_1814 : vector<128xf32> to vector<128x1xf32>
    %get3A_1816 = arith.constant 1 : index
    %get3A_1817 = arith.constant 0 : index
    %get3A_1818 = arith.constant 0 : index
    %get3A_1819 = vector.load %arg2[%get3A_1816, %get3A_1817, %get3A_1818] : memref<4x128x128xf32, #tpu.memory_space<vmem>>, vector<1x128x128xf32>
    %get3A_1820 = vector.shape_cast %get3A_1819 : vector<1x128x128xf32> to vector<128x128xf32>
    %dot_general3A_1821 = arith.constant dense<0.000000e+00> : vector<128x128xf32>
    %dot_general3A_1822 = tpu.matmul %convert_element_type3A_1800, %get3A_1820, %dot_general3A_1821 {dimension_numbers = #tpu.dot_dimension_numbers<[1], [0], [0], [1], [0, 0, 1, 1], [], []>, precision = #tpu.contract_precision<fp32>, transpose_lhs_hint = false} : vector<128x128xf32>, vector<128x128xf32>, vector<128x128xf32> -> vector<128x128xf32>
    %mul3A_1823 = arith.mulf %dot_general3A_1822, %convert_element_type3A_1804 : vector<128x128xf32>
    %reduce_sum3A_1824 = arith.constant dense<0.000000e+00> : vector<128xf32>
    %reduce_sum3A_1825 = vector.multi_reduction <add>, %mul3A_1823, %reduce_sum3A_1824 [1] : vector<128x128xf32> to vector<128xf32>
    %broadcast_in_dim3A_1826 = vector.shape_cast %reduce_sum3A_1825 : vector<128xf32> to vector<128x1xf32>
    %get3A_1827 = arith.constant 2 : index
    %get3A_1828 = arith.constant 0 : index
    %get3A_1829 = arith.constant 0 : index
    %get3A_1830 = vector.load %arg2[%get3A_1827, %get3A_1828, %get3A_1829] : memref<4x128x128xf32, #tpu.memory_space<vmem>>, vector<1x128x128xf32>
    %get3A_1831 = vector.shape_cast %get3A_1830 : vector<1x128x128xf32> to vector<128x128xf32>
    %dot_general3A_1832 = arith.constant dense<0.000000e+00> : vector<128x128xf32>
    %dot_general3A_1833 = tpu.matmul %convert_element_type3A_1800, %get3A_1831, %dot_general3A_1832 {dimension_numbers = #tpu.dot_dimension_numbers<[1], [0], [0], [1], [0, 0, 1, 1], [], []>, precision = #tpu.contract_precision<fp32>, transpose_lhs_hint = false} : vector<128x128xf32>, vector<128x128xf32>, vector<128x128xf32> -> vector<128x128xf32>
    %mul3A_1834 = arith.mulf %dot_general3A_1833, %convert_element_type3A_1804 : vector<128x128xf32>
    %reduce_sum3A_1835 = arith.constant dense<0.000000e+00> : vector<128xf32>
    %reduce_sum3A_1836 = vector.multi_reduction <add>, %mul3A_1834, %reduce_sum3A_1835 [1] : vector<128x128xf32> to vector<128xf32>
    %broadcast_in_dim3A_1837 = vector.shape_cast %reduce_sum3A_1836 : vector<128xf32> to vector<128x1xf32>
    %get3A_1838 = arith.constant 3 : index
    %get3A_1839 = arith.constant 0 : index
    %get3A_1840 = arith.constant 0 : index
    %get3A_1841 = vector.load %arg2[%get3A_1838, %get3A_1839, %get3A_1840] : memref<4x128x128xf32, #tpu.memory_space<vmem>>, vector<1x128x128xf32>
    %get3A_1842 = vector.shape_cast %get3A_1841 : vector<1x128x128xf32> to vector<128x128xf32>
    %dot_general3A_1843 = arith.constant dense<0.000000e+00> : vector<128x128xf32>
    %dot_general3A_1844 = tpu.matmul %convert_element_type3A_1800, %get3A_1842, %dot_general3A_1843 {dimension_numbers = #tpu.dot_dimension_numbers<[1], [0], [0], [1], [0, 0, 1, 1], [], []>, precision = #tpu.contract_precision<fp32>, transpose_lhs_hint = false} : vector<128x128xf32>, vector<128x128xf32>, vector<128x128xf32> -> vector<128x128xf32>
    %mul3A_1845 = arith.mulf %dot_general3A_1844, %convert_element_type3A_1804 : vector<128x128xf32>
    %reduce_sum3A_1846 = arith.constant dense<0.000000e+00> : vector<128xf32>
    %reduce_sum3A_1847 = vector.multi_reduction <add>, %mul3A_1845, %reduce_sum3A_1846 [1] : vector<128x128xf32> to vector<128xf32>
    %broadcast_in_dim3A_1848 = vector.shape_cast %reduce_sum3A_1847 : vector<128xf32> to vector<128x1xf32>
    %add3A_1849 = arith.addf %sub3A_1794, %broadcast_in_dim3A_1815 : vector<128x1xf32>
    %add3A_1850 = arith.addf %floor3A_1790, %broadcast_in_dim3A_1826 : vector<128x1xf32>
    %div3A = arith.constant 2.000000e+00 : f32
    %div3A_1851 = vector.broadcast %div3A : f32 to vector<128x1xf32>
    %div3A_1852 = arith.divf %broadcast_in_dim3A_1837, %div3A_1851 : vector<128x1xf32>
    %sub3A_1853 = arith.subf %add3A_1849, %div3A_1852 : vector<128x1xf32>
    %mul3A_1854 = arith.constant 4.000000e+00 : f32
    %mul3A_1855 = vector.broadcast %mul3A_1854 : f32 to vector<128x1xf32>
    %mul3A_1856 = arith.mulf %sub3A_1853, %mul3A_1855 : vector<128x1xf32>
    %div3A_1857 = arith.constant 2.000000e+00 : f32
    %div3A_1858 = vector.broadcast %div3A_1857 : f32 to vector<128x1xf32>
    %div3A_1859 = arith.divf %broadcast_in_dim3A_1848, %div3A_1858 : vector<128x1xf32>
    %sub3A_1860 = arith.subf %add3A_1850, %div3A_1859 : vector<128x1xf32>
    %mul3A_1861 = arith.constant 4.000000e+00 : f32
    %mul3A_1862 = vector.broadcast %mul3A_1861 : f32 to vector<128x1xf32>
    %mul3A_1863 = arith.mulf %sub3A_1860, %mul3A_1862 : vector<128x1xf32>
    %div3A_1864 = arith.constant 2.000000e+00 : f32
    %div3A_1865 = vector.broadcast %div3A_1864 : f32 to vector<128x1xf32>
    %div3A_1866 = arith.divf %broadcast_in_dim3A_1837, %div3A_1865 : vector<128x1xf32>
    %add3A_1867 = arith.addf %add3A_1849, %div3A_1866 : vector<128x1xf32>
    %mul3A_1868 = arith.constant 4.000000e+00 : f32
    %mul3A_1869 = vector.broadcast %mul3A_1868 : f32 to vector<128x1xf32>
    %mul3A_1870 = arith.mulf %add3A_1867, %mul3A_1869 : vector<128x1xf32>
    %div3A_1871 = arith.constant 2.000000e+00 : f32
    %div3A_1872 = vector.broadcast %div3A_1871 : f32 to vector<128x1xf32>
    %div3A_1873 = arith.divf %broadcast_in_dim3A_1848, %div3A_1872 : vector<128x1xf32>
    %add3A_1874 = arith.addf %add3A_1850, %div3A_1873 : vector<128x1xf32>
    %mul3A_1875 = arith.constant 4.000000e+00 : f32
    %mul3A_1876 = vector.broadcast %mul3A_1875 : f32 to vector<128x1xf32>
    %mul3A_1877 = arith.mulf %add3A_1874, %mul3A_1876 : vector<128x1xf32>
    %broadcast_in_dim3A_1878 = arith.constant 0.000000e+00 : f32
    %broadcast_in_dim3A_1879 = vector.broadcast %broadcast_in_dim3A_1878 : f32 to vector<128x2xf32>
    %concatenate3A_1880 = tpu.concatenate %mul3A_1856, %mul3A_1863, %mul3A_1870, %mul3A_1877, %slice3A, %floor3A, %broadcast_in_dim3A_1879 in 1 : vector<128x1xf32>, vector<128x1xf32>, vector<128x1xf32>, vector<128x1xf32>, vector<128x1xf32>, vector<128x1xf32>, vector<128x2xf32> -> vector<128x8xf32>
    %swap3A = arith.constant 0 : index
    %swap3A_1881 = arith.constant 0 : index
    %swap3A_1882 = vector.load %arg3[%swap3A, %swap3A_1881] : memref<128x8xf32, #tpu.memory_space<vmem>>, vector<128x8xf32>
    tpu.vector_store %arg3[%swap3A, %swap3A_1881], %concatenate3A_1880 {strides = array<i32>} : memref<128x8xf32, #tpu.memory_space<vmem>>, vector<128x8xf32>,
    return
  }
}

</mosaic_0001>

<sc_bundles>
// kernel: kernel.5.cloned.1.call-start
scs
__scs_entry_jumppad:
0x0: {  	(pc) =	sbr.rel $0x88, $3  }
0x1: {  	(tag) =	ssettag $0x0;
	lr =	simm.s32 $0x1  }
0x2: {  	[smem:$0x3F9E] =	sst lr;
	_ =	strace $0xD0000000  }
0x3: {  	_ = 	snop  }
0x4: {  	_ = 	snop  }
0x5: {  	_ = 	snop  }
0x6: {  	_ = 	snop  }
0x7: {  	_ = 	snop  }
__scs_overlays_trampoline_lowered:
0x8: {  	[smem:$0x3FAD] =	sst s0  }
0x9: {  	[smem:$0x3FAE] =	sst s1  }
0xa: {  	[smem:$0x3FAF] =	sst s2  }
0xb: {  	[smem:$0x3FB0] =	sst s3  }
0xc: {  	[smem:$0x3FB1] =	sst s4  }
0xd: {  	[smem:$0x3FB2] =	sst s5  }
0xe: {  	[smem:$0x3FB3] =	sst s6  }
0xf: {  	[smem:$0x3FB4] =	sst s7  }
0x10: {  	[smem:$0x3FB5] =	sst s8  }
0x11: {  	[smem:$0x3FB6] =	sst s9;
	s0 =	simm.s32 @!p0 $0x0  }
0x12: {  	s1 =	sld [smem:$0x3F9C];
	s0 =	simm.s32 @p0 $0x1  }
0x13: {  	[smem:$0x3FB7] =	sst s0;
	s0 =	simm.s32 @!p1 $0x0  }
0x14: {  	s2 =	sld [smem:$0x3F9B];
	s0 =	simm.s32 @p1 $0x1  }
0x15: {  	[smem:$0x3FB8] =	sst s0;
	s0 =	simm.s32 @!p2 $0x0  }
0x16: {  	s3 =	sld [smem:$0x3FDB];
	s0 =	simm.s32 @p2 $0x1  }
0x17: {  	s4 =	simm.s32 $0x1BF5;
	[smem:$0x3FBA] =	sst s0  }
0x18: {  	s0 =	sld [smem:$0x3F9D];
	_ =	swait.ge [sflag:s4], $0x0  }
0x19: {  	s7 =	sld [smem:$0x3F9E]  }
0x1a: {  	s8 =	sadd.s32 $0xFFFFE003, lr  }
0x1b: {  	s9 =	sadd.s32 $0xFFFFFEF7, lr;
	s5 =	simm.s32 $0xFFFFFFFF;
	p2 =	slt.u32 s8, $0xFFFFF086  }
0x1c: {  	p1 =	slt.u32 s9, $0xF7A;
	s5 =	simm.s32 @!p2 $0x0  }
0x1d: {  	s5 =	simm.s32 @p1 $0x1;
	p0 =	seq.s32 s7, s2  }
0x1e: {  	s7 =	smul.u32 @!p0 $0xF7A, s2;
	p2 =	seq.s32 @!p0 s5, $0x0  }
0x1f: {  	s9 =	smul.u32 $0xF7A, s1;
	s8 =	simm.s32 @!p0 $0x1BF5;
	p2 =	por !p2, p0  }
0x20: {  	[sflag:s8] =	ssyncset.s32 @!p0 $0xFFFFF086;
	s6 =	sadd.s32 @!p0 s3, s7;
	s7 =	simm.s32 @!p0 $0x108  }
0x21: {  	s3 =	sadd.s32 s3, s9;
	s6 =	sadd.s32 @!p0 $0x88, s6;
	s7 =	simm.s32 @p2 $0x1082  }
0x22: {  	[simem:s7], [sflag:s8] =	dma.local @!p0 [hbm:s6], $0xF7A  }
0x23: {  	s9 =	sor.u32 $0xD0000000, s2;
	s6 =	simm.s32 $0x108;
	_ =	swait.ge @!p0 [sflag:s8], $0x0  }
0x24: {  	s3 =	sadd.s32 $0x88, s3;
	s6 =	simm.s32 @!p1 $0x1082;
	[sflag:s4] =	ssyncset.s32 $0xFFFFF086  }
0x25: {  	[simem:s6], [sflag:s4] =	dma.local [hbm:s3], $0xF7A  }
0x26: {  	[smem:$0x3F9E] =	sst s1;
	(tag) =	ssettag s2;
	_ =	strace s9  }
0x27: {  	s1 =	sld [smem:$0x3FAE]  }
0x28: {  	s2 =	sld [smem:$0x3FAF]  }
0x29: {  	s4 =	sld [smem:$0x3FB1]  }
0x2a: {  	p0 =	seq.s32 s5, $0x0;
	s5 =	sld [smem:$0x3FB2]  }
0x2b: {  	s6 =	sld [smem:$0x3FB3]  }
0x2c: {  	s7 =	sld [smem:$0x3FB4]  }
0x2d: {  	s3 =	simm.s32 $0x108;
	s8 =	sld [smem:$0x3FB5]  }
0x2e: {  	s3 =	simm.s32 @!p0 $0x1082;
	s9 =	sld [smem:$0x3FB6]  }
0x2f: {  	lr =	sadd.s32 s0, s3;
	s0 =	sld [smem:$0x3FAD]  }
0x30: {  	s3 =	sld [smem:$0x3FB0]  }
0x31: {  	[smem:$0x3FB9] =	sst s10  }
0x32: {  	s10 =	sld [smem:$0x3FB7];
	_ =	sdelay $0x3  }
0x33: {  	p0 =	seq.s32 s10, $0x1;
	s10 =	sld [smem:$0x3FB9];
	_ =	sdelay $0x3  }
0x34: {  	[smem:$0x3FB9] =	sst s10  }
0x35: {  	s10 =	sld [smem:$0x3FB8];
	_ =	sdelay $0x3  }
0x36: {  	p1 =	seq.s32 s10, $0x1;
	s10 =	sld [smem:$0x3FB9];
	_ =	sdelay $0x3  }
0x37: {  	[smem:$0x3FB9] =	sst s10  }
0x38: {  	s10 =	sld [smem:$0x3FBA]  }
0x39: {  	_ = 	snop;
	(pc) =	sbr.ind lr, $3  }
0x3a: {  	_ = 	snop  }
0x3b: {  	_ = 	snop  }
0x3c: {  	p2 =	seq.s32 s10, $0x1;
	s10 =	sld [smem:$0x3FB9]  }
0x3d: {  	_ =	shalt  }
0x3e: {  	_ =	shalt  }
0x3f: {  	_ =	shalt  }
0x40: {  	_ =	shalt  }
0x41: {  	_ =	shalt  }
0x42: {  	_ =	shalt  }
0x43: {  	_ =	shalt  }
0x44: {  	_ =	shalt  }
0x45: {  	_ =	shalt  }
0x46: {  	_ =	shalt  }
0x47: {  	_ =	shalt  }
0x48: {  	_ =	shalt  }
0x49: {  	_ =	shalt  }
0x4a: {  	_ =	shalt  }
0x4b: {  	_ =	shalt  }
0x4c: {  	_ =	shalt  }
0x4d: {  	_ =	shalt  }
0x4e: {  	_ =	shalt  }
0x4f: {  	_ =	shalt  }
0x50: {  	_ =	shalt  }
0x51: {  	_ =	shalt  }
0x52: {  	_ =	shalt  }
0x53: {  	_ =	shalt  }
0x54: {  	_ =	shalt  }
0x55: {  	_ =	shalt  }
0x56: {  	_ =	shalt  }
0x57: {  	_ =	shalt  }
0x58: {  	_ =	shalt  }
0x59: {  	_ =	shalt  }
0x5a: {  	_ =	shalt  }
0x5b: {  	_ =	shalt  }
0x5c: {  	_ =	shalt  }
0x5d: {  	_ =	shalt  }
0x5e: {  	_ =	shalt  }
0x5f: {  	_ =	shalt  }
0x60: {  	_ =	shalt  }
0x61: {  	_ =	shalt  }
0x62: {  	_ =	shalt  }
0x63: {  	_ =	shalt  }
0x64: {  	_ =	shalt  }
0x65: {  	_ =	shalt  }
0x66: {  	_ =	shalt  }
0x67: {  	_ =	shalt  }
0x68: {  	_ =	shalt  }
0x69: {  	_ =	shalt  }
0x6a: {  	_ =	shalt  }
0x6b: {  	_ =	shalt  }
0x6c: {  	_ =	shalt  }
0x6d: {  	_ =	shalt  }
0x6e: {  	_ =	shalt  }
0x6f: {  	_ =	shalt  }
0x70: {  	_ =	shalt  }
0x71: {  	_ =	shalt  }
0x72: {  	_ =	shalt  }
0x73: {  	_ =	shalt  }
0x74: {  	_ =	shalt  }
0x75: {  	_ =	shalt  }
0x76: {  	_ =	shalt  }
0x77: {  	_ =	shalt  }
0x78: {  	_ =	shalt  }
0x79: {  	_ =	shalt  }
0x7a: {  	_ =	shalt  }
0x7b: {  	_ =	shalt  }
0x7c: {  	_ =	shalt  }
0x7d: {  	_ =	shalt  }
0x7e: {  	_ =	shalt  }
0x7f: {  	_ =	shalt  }
0x80: {  	_ =	shalt  }
0x81: {  	_ =	shalt  }
0x82: {  	_ =	shalt  }
0x83: {  	_ =	shalt  }
0x84: {  	_ =	shalt  }
0x85: {  	_ =	shalt  }
0x86: {  	_ =	shalt  }
0x87: {  	_ =	shalt  }
.Lfunc_end0:
.L_simem_size_0:
called_computation_lowered:
.L_overlay_start_0:
0x88: {  	s2 =	sld [smem:$0x3FD9]  }
0x89: {  	s3 =	sld [smem:$0x3FFE];
	_ =	sdelay $0x1  }
0x8a: {  	s1 =	srdreg.scid  }
0x8b: {  	s0 =	sand.u32 $0x1, s1  }
0x8c: {  	s14 =	sshll.u32 s0, $0xA;
	s2 =	sadd.s32 s3, s2  }
0x8d: {  	s2 =	sadd.s32 s2, s14  }
0x8e: {  	[smem:$0x3FC5] =	sst s2  }
0x8f: {  	_ = 	snop  }
0x90: {  	s2 =	sld [smem:$0x3FD0];
	_ =	sdelay $0x2  }
0x91: {  	s15 =	simm.s32 $0xA;
	s4 =	simm.s32 $0x10  }
0x92: {  	[smem:s4], [sflag:s15] =	dma.local [hbm:s2], $0x1  }
0x93: {  	_ =	swait.eq [sflag:s15], $0x1  }
0x94: {  	[sflag:s15] =	ssyncset.done $0x0  }
0x95: {  	[sflag:s15] =	ssyncadd.s32 $0xFFFFFFFF  }
0x96: {  	s16 =	sld [smem:$0x10];
	(tm) =	ssettm $0x1  }
0x97: {  	s17 =	sld [smem:$0x3FFB];
	_ =	sdelay $0x3  }
0x98: {  	_ =	strace s17  }
0x99: {  	s3 =	sld [smem:$0x3FFC];
	_ =	sdelay $0x3  }
0x9a: {  	_ =	strace s3  }
0x9b: {  	s3 =	sld [smem:$0x3FFD];
	_ =	sdelay $0x3  }
0x9c: {  	_ =	strace s3  }
0x9d: {  	_ =	strace $0x8FFFFFFF  }
0x9e: {  	s18 =	sld [smem:$0x3FDB];
	_ =	sdelay $0x1  }
0x9f: {  	s19 =	simm.s32 $_scs_section_size  }
0xa0: {  	s5 =	simm.s32 $_size__tile_overlayer_lowered;
	s6 =	simm.s32 $_tile_overlayer_lowered  }
0xa1: {  	s22 =	simm.s32 $0x1BFF;
	s21 =	sshll.u32 s6, $0x1;
	s3 =	sadd.s32 s19, s18  }
0xa2: {  	s7 =	simm.s32 $0x0;
	s20 =	sshll.u32 s5, $0x1;
	s5 =	sadd.s32 s21, s3  }
0xa3: {  	[timem:s7], [sflag:s22] =	dma.local [hbm:s5], s20  }
0xa4: {  	_ =	swait.ge [sflag:s22], s20  }
0xa5: {  	s4 =	ssub.s32 $0x0, s20;
	[sflag:s22] =	ssyncset.done $0x0  }
0xa6: {  	[sflag:s22] =	ssyncadd.s32 s4;
	_ =	sdelay $0x1  }
0xa7: {  	s23 =	simm.s32 $0x1B8B  }
0xa8: {  	_ =	swait.ge [sflag:s23], $0x1  }
0xa9: {  	[sflag:s23] =	ssyncset.done $0x0  }
0xaa: {  	s25 =	simm.s32 $0x1B8E;
	s24 =	sld [smem:$0x3FFE];
	[sflag:s23] =	ssyncadd.s32 $0xFFFFFFFF  }
0xab: {  	s26 =	simm.s32 $execute0_lowered;
	[smem:$0x3FD2] =	sst s25  }
0xac: {  	s5 =	sshll.u32 s26, $0x1;
	_ =	strace $0x80000046;
	[dreg:$0x1] =	wrdreg $0xFFFFFFFF  }
0xad: {  	s28 =	simm.s32 $_size_execute0_lowered;
	s3 =	sadd.s32 s3, s5;
	[dreg:$0x0] =	wrdreg $0x0  }
0xae: {  	s5 =	sshll.u32 s28, $0x1;
	[dreg:$0x2] =	wrdreg s3  }
0xaf: {  	[dreg:$0x3] =	wrdreg s5  }
0xb0: {  	[dreg:$0x4] =	wrdreg $0xC0  }
0xb1: {  	_ =	task [dreg:s7], $0x5FFFF  }
0xb2: {  	[dreg:$0x1] =	wrdreg $0xFFFFFFFF  }
0xb3: {  	[dreg:$0x0] =	wrdreg $0x60  }
0xb4: {  	[dreg:$0x2] =	wrdreg s24  }
0xb5: {  	[dreg:$0x3] =	wrdreg s16  }
0xb6: {  	[dreg:$0x4] =	wrdreg $0x41000  }
0xb7: {  	[dreg:$0x5] =	wrdreg $0x43000  }
0xb8: {  	[dreg:$0x6] =	wrdreg $0x9  }
0xb9: {  	_ =	task.clear_ibuf [dreg:s7], $0x7FFFF;
	_ =	strace $0x90000046  }
0xba: {  	s29 =	simm.s32 $0x9;
	_ =	strace $0x80000048  }
0xbb: {  	_ =	swait.ge [sflag:s29], $0x1  }
0xbc: {  	[sflag:s29] =	ssyncadd.s32 $0xFFFFFFFF  }
0xbd: {  	_ =	strace $0x90000048  }
0xbe: {  	_ =	sfence  }
0xbf: {  	s30 =	sld [smem:$0x0];
	_ =	sdelay $0x2  }
0xc0: {  	s31 =	sshll.u32 s1, $0xD;
	s1 =	sshrl.u32 s1, $0x2  }
0xc1: {  	s3 =	sand.u32 $0x4000, s31;
	s1 =	sadd.s32 s1, s30  }
0xc2: {  	s0 =	sor.u32 s3, s0;
	s1 =	sshll.u32 s1, $0x11  }
0xc3: {  	s0 =	sor.u32 s1, s0  }
0xc4: {  	s0 =	sadd.s32 $0x8F2B, s0  }
0xc5: {  	[sflag:s0] =	ssyncadd.remote.s32 $0x1  }
0xc6: {  	_ =	sfence.sel $0xFFFF  }
0xc7: {  	[dreg:$0x0] =	wrdreg $0xFFFFFFFF;
	(pc) =	sbr.abs _section_cstart, $3  }
0xc8: {  	[dreg:$0x1] =	wrdreg $0xFFFFFFFF  }
0xc9: {  	_ =	task.clear_ibuf [dreg:s7], $0x2FFFF;
	_ =	strace $0x9FFFFFFF  }
0xca: {  	(tm) =	ssettm $0x7FFFFFFF  }
0xcb: {  	_ =	shalt  }
tec
execute0_lowered:
.L_overlay_start_1:
0x0: {  	(tag) =	ssettag $0x1  }
0x1: {  	s0 =	srdreg.scid;
	s5 =	rddreg [dreg:$0x2]  }
0x2: {  	s1 =	simm.s32 $0x0;
	s8 =	stileid.u32;
	s0 =	sand.u32 $0x1, s0  }
0x3: {  	[smem:$0x7FF] =	sst s1;
	s3 =	sshll.u32 s8, $0x1;
	s2 =	sshll.u32 s8, $0x5  }
0x4: {  	p0 =	slt.s32 s8, $0xA;
	s22 =	sshll.u32 s8, $0x9;
	s7 =	sshll.u32 s8, $0x7  }
0x5: {  	s8 =	sshll.u32 s8, $0x8;
	s4 =	ssub.s32 $0x2, s0;
	s3 =	sor.u32 s0, s3  }
0x6: {  	s21 =	sand.u32 $0x60, s2;
	s7 =	sand.u32 $0x380, s7;
	s9 =	sand.u32 $0xC00, s8  }
0x7: {  	s6 =	sshrl.u32 s4, $0x1;
	s8 =	sor.u32 s8, s21;
	s23 =	sadd.s32 s9, s5  }
0x8: {  	s28 =	sshll.u32 s3, $0x5;
	s0 =	ssub.s32 s4, s6;
	s6 =	sand.u32 $0x1000, s22  }
0x9: {  	s24 =	sor.u32 $0x300, s8;
	s4 =	sadd.s32 s21, s23;
	s26 =	sor.u32 $0x380, s8  }
0xa: {  	s30 =	sor.u32 $0x800000, s28;
	s31 =	sor.u32 $0x800010, s28;
	s25 =	sadd.s32 s24, s5  }
0xb: {  	s6 =	sadd.s32 s6, s5;
	s5 =	sadd.s32 s26, s5;
	[dreg:$0x7] =	wrdreg s25  }
0xc: {  	s6 =	sadd.s32 s7, s6;
	[dreg:$0x8] =	wrdreg s5;
	s7 =	sshll.u32 s3, $0x4  }
0xd: {  	[dreg:$0x6] =	wrdreg s6;
	s10 =	sor.u32 $0x200, s7;
	s5 =	sand.u32 $0x70, s7  }
0xe: {  	s12 =	sor.u32 $0x400, s7;
	s6 =	sadd.s32 $0x800020, s28;
	s13 =	sor.u32 $0x800, s7  }
0xf: {  	v0 =	vlaneseq.u32;
	s16 =	sor.u32 $0xA00, s7;
	s19 =	sor.u32 $0x1000, s7;
	s22 =	sor.u32 $0x1600, s7  }
0x10: {  	v22 =	vor.u32 s31, v0;
	s25 =	sor.u32 $0x1800, s7;
	s26 =	sor.u32 $0x1A00, s7;
	s31 =	sor.u32 $0x1C00, s7  }
0x11: {  	s11 =	sand.u32 $0x380, s10;
	s14 =	sand.u32 $0x580, s12;
	s15 =	sand.u32 $0x980, s13  }
0x12: {  	s17 =	sand.u32 $0xB80, s16;
	s20 =	sand.u32 $0x1180, s19;
	s23 =	sand.u32 $0x1780, s22  }
0x13: {  	v21 =	vor.u32 s30, v0;
	s28 =	sand.u32 $0x1980, s25;
	s30 =	sand.u32 $0x1B80, s26;
	v12 =	vor.u32 s25, v0;
	s25 =	rddreg [dreg:$0x0]  }
0x14: {  	v23 =	vor.u32 s6, v0;
	s11 =	sor.u32 s5, s11;
	s6 =	sor.u32 s5, s28;
	s28 =	rddreg [dreg:$0x1]  }
0x15: {  	v4 =	vor.u32 s13, v0;
	s13 =	sand.u32 $0x1D80, s31;
	s15 =	sor.u32 s5, s15;
	[dreg:$0x9] =	wrdreg s11  }
0x16: {  	v5 =	vor.u32 s16, v0;
	s16 =	sor.u32 $0x2000, s7;
	s24 =	sor.u32 s5, s23;
	[dreg:$0xc] =	wrdreg s15  }
0x17: {  	v13 =	vor.u32 s26, v0;
	v14 =	vor.u32 s31, v0;
	s26 =	sor.u32 $0x2400, s7;
	s31 =	sor.u32 $0x2600, s7;
	[dreg:$0x13] =	wrdreg s24  }
0x18: {  	v8 =	vor.u32 s19, v0;
	s19 =	sand.u32 $0x2180, s16;
	s11 =	sor.u32 s5, s14;
	[dreg:$0x14] =	wrdreg s6  }
0x19: {  	s6 =	sor.u32 s5, s13;
	[dreg:$0xa] =	wrdreg s11;
	s11 =	sor.u32 $0x600, s7  }
0x1a: {  	v11 =	vor.u32 s22, v0;
	s22 =	sor.u32 s5, s19;
	[dreg:$0x16] =	wrdreg s6;
	s14 =	sand.u32 $0x780, s11  }
0x1b: {  	s15 =	sor.u32 $0xE00, s7;
	[dreg:$0x18] =	wrdreg s22;
	s14 =	sor.u32 s5, s14  }
0x1c: {  	s18 =	sand.u32 $0xF80, s15;
	[dreg:$0xb] =	wrdreg s14;
	s14 =	sor.u32 s5, s17  }
0x1d: {  	s18 =	sor.u32 s5, s18;
	[dreg:$0xd] =	wrdreg s14;
	s14 =	sor.u32 $0xC00, s7  }
0x1e: {  	v3 =	vor.u32 s11, v0;
	s11 =	sor.u32 s5, s30;
	[dreg:$0xf] =	wrdreg s18;
	s17 =	sand.u32 $0xD80, s14  }
0x1f: {  	v7 =	vor.u32 s15, v0;
	s15 =	sor.u32 $0x1E00, s7;
	[dreg:$0x15] =	wrdreg s11;
	s17 =	sor.u32 s5, s17  }
0x20: {  	s30 =	sand.u32 $0x2580, s26;
	[dreg:$0xe] =	wrdreg s17;
	s17 =	sor.u32 s5, s20  }
0x21: {  	s18 =	sor.u32 $0x1400, s7;
	[dreg:$0x10] =	wrdreg s17;
	s17 =	sor.u32 $0x1200, s7  }
0x22: {  	v2 =	vor.u32 s12, v0;
	s12 =	sor.u32 s5, s30;
	s21 =	sand.u32 $0x1580, s18;
	s20 =	sand.u32 $0x1380, s17  }
0x23: {  	v10 =	vor.u32 s18, v0;
	s18 =	sand.u32 $0x1F80, s15;
	[dreg:$0x1a] =	wrdreg s12;
	s20 =	sor.u32 s5, s20  }
0x24: {  	vm0 =	vmxor vm0, vm0;
	s21 =	sor.u32 s5, s21;
	[dreg:$0x11] =	wrdreg s20;
	s20 =	sor.u32 $0x2200, s7  }
0x25: {  	vm1 =	vmmov $0x1;
	vm0 =	vmneg @p0 vm0;
	[dreg:$0x12] =	wrdreg s21;
	s21 =	sor.u32 s5, s18;
	s23 =	sand.u32 $0x2380, s20  }
0x26: {  	v19 =	vimm.s32 $0x0;
	vm11 =	vcmask $0x704;
	vm1 =	vmand vm0, vm1;
	s13 =	sand.u32 $0x2780, s31;
	[dreg:$0x17] =	wrdreg s21;
	s24 =	sor.u32 s5, s23  }
0x27: {  	v20 =	vimm.s32 $0x0;
	v19 =	vsel vm1, $0xFFFFFFFF, v19;
	vm1 =	vmand vm0, vm11;
	s5 =	sor.u32 s5, s13;
	[dreg:$0x19] =	wrdreg s24  }
0x28: {  	vm3 =	vcmask $0xB08;
	[tilespmem:$0x1FF00] =	vst v19;
	v20 =	vsel vm1, $0xFFFFFFFF, v20;
	[dreg:$0x1b] =	wrdreg s5  }
0x29: {  	vm12 =	vmand vm0, vm3;
	v6 =	vor.u32 s14, v0;
	s14 =	rddreg [dreg:$0x3];
	_ =	strace $0x80000047;
	[tilespmem:$0x1FF10] =	vst v20;
	v20 =	vimm.s32 $0x0  }
0x2a: {  	vm4 =	vcmask $0xF0C;
	v20 =	vsel vm12, $0xFFFFFFFF, v20  }
0x2b: {  	vm13 =	vmand vm0, vm4;
	[tilespmem:$0x1FF20] =	vst v20;
	v20 =	vimm.s32 $0x0  }
0x2c: {  	vm14 =	vcmask $0x1310;
	v20 =	vsel vm13, $0xFFFFFFFF, v20  }
0x2d: {  	vm1 =	vmand vm0, vm14;
	[tilespmem:$0x1FF30] =	vst v20;
	v20 =	vimm.s32 $0x0  }
0x2e: {  	vm6 =	vcmask $0x1714;
	v20 =	vsel vm1, $0xFFFFFFFF, v20  }
0x2f: {  	vm15 =	vmand vm0, vm6;
	[tilespmem:$0x1FF40] =	vst v20;
	v20 =	vimm.s32 $0x0  }
0x30: {  	vm7 =	vcmask $0x1B18;
	v20 =	vsel vm15, $0xFFFFFFFF, v20  }
0x31: {  	vm4 =	vmand vm0, vm7;
	[tilespmem:$0x1FF50] =	vst v20;
	v20 =	vimm.s32 $0x0  }
0x32: {  	vm5 =	vcmask $0x1F1C;
	s3 =	sshll.u32 s3, $0x2;
	v20 =	vsel vm4, $0xFFFFFFFF, v20  }
0x33: {  	v9 =	vor.u32 s17, v0;
	s17 =	sadd.s32 s28, s3;
	vm1 =	vmand vm0, vm5;
	[tilespmem:$0x1FF60] =	vst v20;
	v20 =	vimm.s32 $0x0  }
0x34: {  	vm9 =	vcmask $0x2320;
	s18 =	sadd.s32 $0x29A00, s25;
	[dreg:$0x1c] =	wrdreg s17;
	v20 =	vsel vm1, $0xFFFFFFFF, v20  }
0x35: {  	vm6 =	vmand vm0, vm9;
	s19 =	sadd.s32 $0x29400, s25;
	[dreg:$0x1d] =	wrdreg s18;
	[tilespmem:$0x1FF70] =	vst v20;
	v20 =	vimm.s32 $0x0  }
0x36: {  	vm10 =	vcmask $0x2724;
	s3 =	sadd.s32 s3, s25;
	v17 =	vor.u32 s20, v0;
	s20 =	sadd.s32 $0x1400, s25;
	[dreg:$0x1e] =	wrdreg s19;
	v20 =	vsel vm6, $0xFFFFFFFF, v20  }
0x37: {  	vm7 =	vmand vm0, vm10;
	s3 =	sadd.s32 $0x29C00, s3;
	[dreg:$0x1f] =	wrdreg s20;
	[tilespmem:$0x1FF80] =	vst v20;
	v20 =	vimm.s32 $0x0  }
0x38: {  	vm8 =	vcmask $0x2B28;
	s0 =	smax.u32 s0, $0x1;
	[smem:$0x7F3] =	sst s3;
	v20 =	vsel vm7, $0xFFFFFFFF, v20  }
0x39: {  	s21 =	sadd.s32 $0x80, s4;
	[smem:$0x7F4] =	sst s0;
	vm1 =	vmand vm0, vm8;
	[tilespmem:$0x1FF90] =	vst v20;
	v20 =	vimm.s32 $0x0  }
0x3a: {  	s22 =	sadd.s32 $0x100, s4;
	[smem:$0x7F5] =	sst s21;
	vm12 =	vcmask $0x2F2C;
	v20 =	vsel vm1, $0xFFFFFFFF, v20  }
0x3b: {  	vm2 =	vcmask $0x3F3C;
	s23 =	sadd.s32 $0x180, s4;
	[smem:$0x7F6] =	sst s22;
	vm9 =	vmand vm0, vm12;
	[tilespmem:$0x1FFA0] =	vst v20;
	v20 =	vimm.s32 $0x0  }
0x3c: {  	v25 =	vimm.s32 $0x0;
	s24 =	sadd.s32 $0x200, s4;
	[smem:$0x7F7] =	sst s23;
	vm13 =	vcmask $0x3330;
	v20 =	vsel vm9, $0xFFFFFFFF, v20  }
0x3d: {  	v26 =	vmul.u32 $0xFFFFFFFF, v0;
	s25 =	sadd.s32 $0x280, s4;
	[smem:$0x7F8] =	sst s24;
	vm10 =	vmand vm0, vm13;
	[tilespmem:$0x1FFB0] =	vst v20;
	v20 =	vimm.s32 $0x0  }
0x3e: {  	vm11 =	vcmask $0x3734;
	v18 =	vor.u32 s26, v0;
	s26 =	sadd.s32 $0x1000, s4;
	[smem:$0x7F9] =	sst s25;
	v20 =	vsel vm10, $0xFFFFFFFF, v20  }
0x3f: {  	v27 =	vimm.f32 $0.0e+00;
	s28 =	sadd.s32 $0x1080, s4;
	[smem:$0x7FA] =	sst s26;
	vm1 =	vmand vm0, vm11;
	[tilespmem:$0x1FFC0] =	vst v20;
	v20 =	vimm.s32 $0x0  }
0x40: {  	v26 =	vadd.s32 $0xF, v26;
	s30 =	sadd.s32 $0x1100, s4;
	[smem:$0x7FB] =	sst s28;
	vm15 =	vcmask $0x3B38;
	v20 =	vsel vm1, $0xFFFFFFFF, v20  }
0x41: {  	s29 =	simm.s32 $0x0;
	v19 =	vor.u32 s31, v0;
	s31 =	sadd.s32 $0x1180, s4;
	[smem:$0x7FC] =	sst s30;
	vm15 =	vmand vm0, vm15;
	[tilespmem:$0x1FFD0] =	vst v20;
	v20 =	vimm.s32 $0x0  }
0x42: {  	v16 =	vor.u32 s16, v0;
	s16 =	sadd.s32 $0x1280, s4;
	v15 =	vor.u32 s15, v0;
	s15 =	sadd.s32 $0x1200, s4;
	[smem:$0x7FD] =	sst s31;
	v20 =	vsel vm15, $0xFFFFFFFF, v20  }
0x43: {  	v21 =	vcvt.s32.f32 v21;
	s17 =	sadd.s32 $0x1300, s4;
	s18 =	sadd.s32 $0x1380, s4;
	s19 =	sadd.s32 s2, s14;
	vm0 =	vmand vm0, vm2;
	[tilespmem:$0x1FFE0] =	vst v20;
	v20 =	vimm.s32 $0x0  }
0x44: {  	v22 =	vcvt.s32.f32 v22;
	v24 =	vor.u32 s7, v0;
	s20 =	simm.s32 $0x2;
	s21 =	simm.s32 $0x2A80;
	s22 =	simm.s32 $0x2D00;
	v20 =	vsel vm0, $0xFFFFFFFF, v20  }
0x45: {  	v1 =	vor.u32 s10, v0;
	v23 =	vcvt.s32.f32 v23;
	s23 =	simm.s32 $0x1;
	s24 =	simm.s32 $0x4000;
	s25 =	simm.s32 $0x4080;
	[tilespmem:$0x1FFF0] =	vst v20;
	v20 =	vmov s7  }
.LBB2_1:
0x46: {  	s0 =	rddreg [dreg:$0x1d]  }
0x47: {  	[tilespmem:s1], [sflag:$0x2] =	stream.linear.gather [hbm4b:s0+s1], $0x140, $0x38;
	[tilespmem:$0x4320] =	vst v63  }
0x48: {  	_ =	swait.ge [sflag:s20], $0x140  }
0x49: {  	[sflag:s20] =	ssyncset.done $0x0  }
0x4a: {  	s3 =	simm.s32 $0x180;
	s13 =	rddreg [dreg:$0x1e];
	[sflag:s20] =	ssyncadd.s32 $0xFFFFFEC0  }
0x4b: {  	[tilespmem:s3], [sflag:$0x2] =	stream.linear.gather [hbm4b:s13+s1], $0x2800, $0x38;
	[tilespmem:$0x4320] =	vst v63  }
0x4c: {  	_ =	swait.ge [sflag:s20], $0x2800  }
0x4d: {  	[sflag:s20] =	ssyncset.done $0x0  }
0x4e: {  	[sflag:s20] =	ssyncadd.s32 $0xFFFFD800  }
0x4f: {  	v28 =	vld [tilespmem:s2+$0x0];
	_ =	sdelay $0x4  }
0x50: {  	v28 =	vmul.f32 $5.120000000e+02, v28;
	_ =	sdelay $0x1  }
0x51: {  	v28 =	vtrunc.f32 v28  }
0x52: {  	v28 =	vcvt.f32.s32 v28;
	_ =	sdelay $0x1  }
0x53: {  	vm0 =	vgt.s32 v28, $0x0  }
0x54: {  	v28 =	vnsel vm0, $0x0, v28  }
0x55: {  	v28 =	vmin.u32 v28, $0x1FF  }
0x56: {  	[tilespmem:$0x2A00] =	vst v28  }
0x57: {  	v28 =	vld [tilespmem:s2+$0x10];
	[tilespmem:$0x2A80] =	vst v25  }
0x58: {  	[tilespmem:$0x2A90] =	vst v25  }
0x59: {  	[tilespmem:$0x2AA0] =	vst v25  }
0x5a: {  	[tilespmem:$0x2AB0] =	vst v25  }
0x5b: {  	[tilespmem:$0x2AC0] =	vst v25  }
0x5c: {  	[tilespmem:$0x2AD0] =	vst v25  }
0x5d: {  	[tilespmem:$0x2AE0] =	vst v25  }
0x5e: {  	[tilespmem:$0x2AF0] =	vst v25  }
0x5f: {  	[tilespmem:$0x2B00] =	vst v25  }
0x60: {  	[tilespmem:$0x2B10] =	vst v25  }
0x61: {  	[tilespmem:$0x2B20] =	vst v25  }
0x62: {  	[tilespmem:$0x2B30] =	vst v25  }
0x63: {  	[tilespmem:$0x2B40] =	vst v25  }
0x64: {  	[tilespmem:$0x2B50] =	vst v25  }
0x65: {  	[tilespmem:$0x2B60] =	vst v25  }
0x66: {  	[tilespmem:$0x2B70] =	vst v25  }
0x67: {  	[tilespmem:$0x2B80] =	vst v25  }
0x68: {  	[tilespmem:$0x2B90] =	vst v25;
	v28 =	vmul.f32 $5.120000000e+02, v28  }
0x69: {  	[tilespmem:$0x2BA0] =	vst v25  }
0x6a: {  	[tilespmem:$0x2BB0] =	vst v25;
	v28 =	vtrunc.f32 v28  }
0x6b: {  	[tilespmem:$0x2BC0] =	vst v25;
	v28 =	vcvt.f32.s32 v28  }
0x6c: {  	[tilespmem:$0x2BD0] =	vst v25  }
0x6d: {  	v29 =	vld [tilespmem:$0x1FF00];
	[tilespmem:$0x2BE0] =	vst v25;
	vm15 =	vgt.s32 v28, $0x0  }
0x6e: {  	[tilespmem:$0x2BF0] =	vst v25;
	v28 =	vnsel vm15, $0x0, v28  }
0x6f: {  	[tilespmem:$0x2C00] =	vst v25;
	v28 =	vmin.u32 v28, $0x1FF  }
0x70: {  	[tilespmem:$0x2A10] =	vst v28;
	v28 =	vld [tilespmem:$0x2A00]  }
0x71: {  	[tilespmem:$0x2C10] =	vst v25  }
0x72: {  	vm0 =	vnez.u8 v29;
	[tilespmem:$0x2C20] =	vst v25  }
0x73: {  	[tilespmem:$0x2C30] =	vst v25  }
0x74: {  	[tilespmem:$0x2C40] =	vst v25  }
0x75: {  	[tilespmem:$0x2C50] =	vst v25  }
0x76: {  	[tilespmem:$0x2C60] =	vst v25  }
0x77: {  	[tilespmem:$0x2C70] =	vst v25  }
0x78: {  	v29 =	vld.idx.msk [tilespmem:v28+s21+$0x0], vm0;
	_ =	sdelay $0x4  }
0x79: {  	v29 =	vadd.s32 $0x1, v29  }
0x7a: {  	[tilespmem:v28+s21+$0x0] =	vst.idx.msk vm0, v29;
	v29 =	vld [tilespmem:$0x1FF10];
	_ =	sdelay $0x4  }
0x7b: {  	vm3 =	vnez.u8 v29;
	_ =	sdelay $0x5  }
0x7c: {  	v29 =	vld.idx.msk [tilespmem:v28+s21+$0x0], vm3;
	_ =	sdelay $0x4  }
0x7d: {  	v29 =	vadd.s32 $0x1, v29  }
0x7e: {  	[tilespmem:v28+s21+$0x0] =	vst.idx.msk vm3, v29;
	v29 =	vld [tilespmem:$0x1FF20];
	_ =	sdelay $0x4  }
0x7f: {  	vm4 =	vnez.u8 v29;
	_ =	sdelay $0x5  }
0x80: {  	v29 =	vld.idx.msk [tilespmem:v28+s21+$0x0], vm4;
	_ =	sdelay $0x4  }
0x81: {  	v29 =	vadd.s32 $0x1, v29  }
0x82: {  	[tilespmem:v28+s21+$0x0] =	vst.idx.msk vm4, v29;
	v29 =	vld [tilespmem:$0x1FF30];
	_ =	sdelay $0x4  }
0x83: {  	vm5 =	vnez.u8 v29;
	_ =	sdelay $0x5  }
0x84: {  	v29 =	vld.idx.msk [tilespmem:v28+s21+$0x0], vm5;
	_ =	sdelay $0x4  }
0x85: {  	v29 =	vadd.s32 $0x1, v29  }
0x86: {  	[tilespmem:v28+s21+$0x0] =	vst.idx.msk vm5, v29;
	v29 =	vld [tilespmem:$0x1FF40];
	_ =	sdelay $0x4  }
0x87: {  	vm6 =	vnez.u8 v29;
	_ =	sdelay $0x5  }
0x88: {  	v29 =	vld.idx.msk [tilespmem:v28+s21+$0x0], vm6;
	_ =	sdelay $0x4  }
0x89: {  	v29 =	vadd.s32 $0x1, v29  }
0x8a: {  	[tilespmem:v28+s21+$0x0] =	vst.idx.msk vm6, v29;
	v29 =	vld [tilespmem:$0x1FF50];
	_ =	sdelay $0x4  }
0x8b: {  	vm7 =	vnez.u8 v29;
	_ =	sdelay $0x5  }
0x8c: {  	v29 =	vld.idx.msk [tilespmem:v28+s21+$0x0], vm7;
	_ =	sdelay $0x4  }
0x8d: {  	v29 =	vadd.s32 $0x1, v29  }
0x8e: {  	[tilespmem:v28+s21+$0x0] =	vst.idx.msk vm7, v29;
	v29 =	vld [tilespmem:$0x1FF60];
	_ =	sdelay $0x4  }
0x8f: {  	vm8 =	vnez.u8 v29;
	_ =	sdelay $0x5  }
0x90: {  	v29 =	vld.idx.msk [tilespmem:v28+s21+$0x0], vm8;
	_ =	sdelay $0x4  }
0x91: {  	v29 =	vadd.s32 $0x1, v29  }
0x92: {  	[tilespmem:v28+s21+$0x0] =	vst.idx.msk vm8, v29;
	v29 =	vld [tilespmem:$0x1FF70];
	_ =	sdelay $0x4  }
0x93: {  	vm9 =	vnez.u8 v29;
	_ =	sdelay $0x5  }
0x94: {  	v29 =	vld.idx.msk [tilespmem:v28+s21+$0x0], vm9;
	_ =	sdelay $0x4  }
0x95: {  	v29 =	vadd.s32 $0x1, v29  }
0x96: {  	[tilespmem:v28+s21+$0x0] =	vst.idx.msk vm9, v29;
	v29 =	vld [tilespmem:$0x1FF80];
	_ =	sdelay $0x4  }
0x97: {  	vm10 =	vnez.u8 v29;
	_ =	sdelay $0x5  }
0x98: {  	v29 =	vld.idx.msk [tilespmem:v28+s21+$0x0], vm10;
	_ =	sdelay $0x4  }
0x99: {  	v29 =	vadd.s32 $0x1, v29  }
0x9a: {  	[tilespmem:v28+s21+$0x0] =	vst.idx.msk vm10, v29;
	v29 =	vld [tilespmem:$0x1FF90];
	_ =	sdelay $0x4  }
0x9b: {  	vm11 =	vnez.u8 v29;
	_ =	sdelay $0x5  }
0x9c: {  	v29 =	vld.idx.msk [tilespmem:v28+s21+$0x0], vm11;
	_ =	sdelay $0x4  }
0x9d: {  	v29 =	vadd.s32 $0x1, v29  }
0x9e: {  	[tilespmem:v28+s21+$0x0] =	vst.idx.msk vm11, v29;
	v29 =	vld [tilespmem:$0x1FFA0];
	_ =	sdelay $0x4  }
0x9f: {  	vm12 =	vnez.u8 v29;
	_ =	sdelay $0x5  }
0xa0: {  	v29 =	vld.idx.msk [tilespmem:v28+s21+$0x0], vm12;
	_ =	sdelay $0x4  }
0xa1: {  	v29 =	vadd.s32 $0x1, v29  }
0xa2: {  	[tilespmem:v28+s21+$0x0] =	vst.idx.msk vm12, v29;
	v29 =	vld [tilespmem:$0x1FFB0];
	_ =	sdelay $0x4  }
0xa3: {  	vm13 =	vnez.u8 v29;
	_ =	sdelay $0x5  }
0xa4: {  	v29 =	vld.idx.msk [tilespmem:v28+s21+$0x0], vm13;
	_ =	sdelay $0x4  }
0xa5: {  	v29 =	vadd.s32 $0x1, v29  }
0xa6: {  	[tilespmem:v28+s21+$0x0] =	vst.idx.msk vm13, v29;
	v29 =	vld [tilespmem:$0x1FFC0];
	_ =	sdelay $0x4  }
0xa7: {  	vm14 =	vnez.u8 v29;
	_ =	sdelay $0x5  }
0xa8: {  	v29 =	vld.idx.msk [tilespmem:v28+s21+$0x0], vm14;
	_ =	sdelay $0x4  }
0xa9: {  	v29 =	vadd.s32 $0x1, v29  }
0xaa: {  	[tilespmem:v28+s21+$0x0] =	vst.idx.msk vm14, v29;
	v29 =	vld [tilespmem:$0x1FFD0];
	_ =	sdelay $0x4  }
0xab: {  	vm15 =	vnez.u8 v29;
	_ =	sdelay $0x5  }
0xac: {  	v29 =	vld.idx.msk [tilespmem:v28+s21+$0x0], vm15;
	_ =	sdelay $0x4  }
0xad: {  	v29 =	vadd.s32 $0x1, v29  }
0xae: {  	[tilespmem:v28+s21+$0x0] =	vst.idx.msk vm15, v29;
	v29 =	vld [tilespmem:$0x1FFE0];
	_ =	sdelay $0x4  }
0xaf: {  	vm1 =	vnez.u8 v29;
	_ =	sdelay $0x5  }
0xb0: {  	v29 =	vld.idx.msk [tilespmem:v28+s21+$0x0], vm1;
	_ =	sdelay $0x4  }
0xb1: {  	v29 =	vadd.s32 $0x1, v29  }
0xb2: {  	[tilespmem:v28+s21+$0x0] =	vst.idx.msk vm1, v29;
	v29 =	vld [tilespmem:$0x1FFF0];
	_ =	sdelay $0x4  }
0xb3: {  	vm2 =	vnez.u8 v29;
	_ =	sdelay $0x5  }
0xb4: {  	v29 =	vld.idx.msk [tilespmem:v28+s21+$0x0], vm2;
	_ =	sdelay $0x4  }
0xb5: {  	v29 =	vadd.s32 $0x1, v29  }
0xb6: {  	[tilespmem:v28+s21+$0x0] =	vst.idx.msk vm2, v29  }
0xb7: {  	v28 =	vld [tilespmem:$0x2A10];
	_ =	sdelay $0x7  }
0xb8: {  	v29 =	vld.idx.msk [tilespmem:v28+s21+$0x0], vm0;
	_ =	sdelay $0x4  }
0xb9: {  	v29 =	vadd.s32 $0x1, v29  }
0xba: {  	[tilespmem:v28+s21+$0x0] =	vst.idx.msk vm0, v29  }
0xbb: {  	v29 =	vld.idx.msk [tilespmem:v28+s21+$0x0], vm3;
	_ =	sdelay $0x4  }
0xbc: {  	v29 =	vadd.s32 $0x1, v29  }
0xbd: {  	[tilespmem:v28+s21+$0x0] =	vst.idx.msk vm3, v29  }
0xbe: {  	v29 =	vld.idx.msk [tilespmem:v28+s21+$0x0], vm4;
	_ =	sdelay $0x4  }
0xbf: {  	v29 =	vadd.s32 $0x1, v29  }
0xc0: {  	[tilespmem:v28+s21+$0x0] =	vst.idx.msk vm4, v29  }
0xc1: {  	v29 =	vld.idx.msk [tilespmem:v28+s21+$0x0], vm5;
	_ =	sdelay $0x4  }
0xc2: {  	v29 =	vadd.s32 $0x1, v29  }
0xc3: {  	[tilespmem:v28+s21+$0x0] =	vst.idx.msk vm5, v29  }
0xc4: {  	v29 =	vld.idx.msk [tilespmem:v28+s21+$0x0], vm6;
	_ =	sdelay $0x4  }
0xc5: {  	v29 =	vadd.s32 $0x1, v29  }
0xc6: {  	[tilespmem:v28+s21+$0x0] =	vst.idx.msk vm6, v29  }
0xc7: {  	v29 =	vld.idx.msk [tilespmem:v28+s21+$0x0], vm7;
	_ =	sdelay $0x4  }
0xc8: {  	v29 =	vadd.s32 $0x1, v29  }
0xc9: {  	[tilespmem:v28+s21+$0x0] =	vst.idx.msk vm7, v29  }
0xca: {  	v29 =	vld.idx.msk [tilespmem:v28+s21+$0x0], vm8;
	_ =	sdelay $0x4  }
0xcb: {  	v29 =	vadd.s32 $0x1, v29  }
0xcc: {  	[tilespmem:v28+s21+$0x0] =	vst.idx.msk vm8, v29  }
0xcd: {  	v29 =	vld.idx.msk [tilespmem:v28+s21+$0x0], vm9;
	_ =	sdelay $0x4  }
0xce: {  	v29 =	vadd.s32 $0x1, v29  }
0xcf: {  	[tilespmem:v28+s21+$0x0] =	vst.idx.msk vm9, v29  }
0xd0: {  	v29 =	vld.idx.msk [tilespmem:v28+s21+$0x0], vm10;
	_ =	sdelay $0x4  }
0xd1: {  	v29 =	vadd.s32 $0x1, v29  }
0xd2: {  	[tilespmem:v28+s21+$0x0] =	vst.idx.msk vm10, v29  }
0xd3: {  	v29 =	vld.idx.msk [tilespmem:v28+s21+$0x0], vm11;
	_ =	sdelay $0x4  }
0xd4: {  	v29 =	vadd.s32 $0x1, v29  }
0xd5: {  	[tilespmem:v28+s21+$0x0] =	vst.idx.msk vm11, v29  }
0xd6: {  	v29 =	vld.idx.msk [tilespmem:v28+s21+$0x0], vm12;
	_ =	sdelay $0x4  }
0xd7: {  	v29 =	vadd.s32 $0x1, v29  }
0xd8: {  	[tilespmem:v28+s21+$0x0] =	vst.idx.msk vm12, v29  }
0xd9: {  	v29 =	vld.idx.msk [tilespmem:v28+s21+$0x0], vm13;
	_ =	sdelay $0x4  }
0xda: {  	v29 =	vadd.s32 $0x1, v29  }
0xdb: {  	[tilespmem:v28+s21+$0x0] =	vst.idx.msk vm13, v29  }
0xdc: {  	v29 =	vld.idx.msk [tilespmem:v28+s21+$0x0], vm14;
	_ =	sdelay $0x4  }
0xdd: {  	v29 =	vadd.s32 $0x1, v29  }
0xde: {  	[tilespmem:v28+s21+$0x0] =	vst.idx.msk vm14, v29  }
0xdf: {  	v29 =	vld.idx.msk [tilespmem:v28+s21+$0x0], vm15;
	_ =	sdelay $0x4  }
0xe0: {  	v29 =	vadd.s32 $0x1, v29  }
0xe1: {  	[tilespmem:v28+s21+$0x0] =	vst.idx.msk vm15, v29  }
0xe2: {  	v29 =	vld.idx.msk [tilespmem:v28+s21+$0x0], vm1;
	_ =	sdelay $0x4  }
0xe3: {  	v29 =	vadd.s32 $0x1, v29  }
0xe4: {  	[tilespmem:v28+s21+$0x0] =	vst.idx.msk vm1, v29  }
0xe5: {  	v29 =	vld.idx.msk [tilespmem:v28+s21+$0x0], vm2;
	_ =	sdelay $0x4  }
0xe6: {  	v29 =	vadd.s32 $0x1, v29  }
0xe7: {  	s26 =	simm.s32 $0x80;
	s5 =	simm.s32 $0x400;
	s14 =	rddreg [dreg:$0x6];
	[tilespmem:v28+s21+$0x0] =	vst.idx.msk vm2, v29  }
0xe8: {  	[spmem:s14] =	stream.strided.scatter [tilespmem:s21], [sflag:$0x2], $0x200, s5, s26, $0x38;
	[tilespmem:$0x4320] =	vst v63  }
0xe9: {  	_ =	swait.ge [sflag:s20], $0x200  }
0xea: {  	[sflag:s20] =	ssyncset.done $0x0  }
0xeb: {  	[sflag:s20] =	ssyncadd.s32 $0xFFFFFE00  }
0xec: {  	[bflag:$0x0] =	sbarrier.arrive $0xFFFF  }
0xed: {  	[tilespmem:$0x2C80] =	vst v25  }
0xee: {  	[tilespmem:$0x2C90] =	vst v25  }
0xef: {  	[tilespmem:s22], [sflag:$0x2] =	stream.linear.gather [spmem:s4], $0x20, $0x38;
	[tilespmem:$0x4320] =	vst v63  }
0xf0: {  	_ =	swait.ge [sflag:s20], $0x20  }
0xf1: {  	[sflag:s20] =	ssyncset.done $0x0  }
0xf2: {  	[sflag:s20] =	ssyncadd.s32 $0xFFFFFFE0  }
0xf3: {  	v28 =	vld [tilespmem:$0x2C80]  }
0xf4: {  	v29 =	vld [tilespmem:$0x2D00]  }
0xf5: {  	v30 =	vld [tilespmem:$0x2C90]  }
0xf6: {  	v31 =	vld [tilespmem:$0x2D10];
	_ =	sdelay $0x3  }
0xf7: {  	s6 =	sld [smem:$0x7F5];
	v28 =	vadd.s32 v28, v29  }
0xf8: {  	[tilespmem:$0x2C80] =	vst v28;
	v28 =	vadd.s32 v30, v31  }
0xf9: {  	[tilespmem:$0x2C90] =	vst v28  }
0xfa: {  	[tilespmem:s22], [sflag:$0x2] =	stream.linear.gather [spmem:s6], $0x20, $0x38;
	[tilespmem:$0x4320] =	vst v63  }
0xfb: {  	_ =	swait.ge [sflag:s20], $0x20  }
0xfc: {  	[sflag:s20] =	ssyncset.done $0x0  }
0xfd: {  	[sflag:s20] =	ssyncadd.s32 $0xFFFFFFE0  }
0xfe: {  	v28 =	vld [tilespmem:$0x2C80]  }
0xff: {  	v29 =	vld [tilespmem:$0x2D00]  }
0x100: {  	v30 =	vld [tilespmem:$0x2C90]  }
0x101: {  	v31 =	vld [tilespmem:$0x2D10];
	_ =	sdelay $0x3  }
0x102: {  	s8 =	sld [smem:$0x7F6];
	v28 =	vadd.s32 v28, v29  }
0x103: {  	[tilespmem:$0x2C80] =	vst v28;
	v28 =	vadd.s32 v30, v31  }
0x104: {  	[tilespmem:$0x2C90] =	vst v28  }
0x105: {  	[tilespmem:s22], [sflag:$0x2] =	stream.linear.gather [spmem:s8], $0x20, $0x38;
	[tilespmem:$0x4320] =	vst v63  }
0x106: {  	_ =	swait.ge [sflag:s20], $0x20  }
0x107: {  	[sflag:s20] =	ssyncset.done $0x0  }
0x108: {  	[sflag:s20] =	ssyncadd.s32 $0xFFFFFFE0  }
0x109: {  	v28 =	vld [tilespmem:$0x2C80]  }
0x10a: {  	v29 =	vld [tilespmem:$0x2D00]  }
0x10b: {  	v30 =	vld [tilespmem:$0x2C90]  }
0x10c: {  	v31 =	vld [tilespmem:$0x2D10];
	_ =	sdelay $0x3  }
0x10d: {  	s9 =	sld [smem:$0x7F7];
	v28 =	vadd.s32 v28, v29  }
0x10e: {  	[tilespmem:$0x2C80] =	vst v28;
	v28 =	vadd.s32 v30, v31  }
0x10f: {  	[tilespmem:$0x2C90] =	vst v28  }
0x110: {  	[tilespmem:s22], [sflag:$0x2] =	stream.linear.gather [spmem:s9], $0x20, $0x38;
	[tilespmem:$0x4320] =	vst v63  }
0x111: {  	_ =	swait.ge [sflag:s20], $0x20  }
0x112: {  	[sflag:s20] =	ssyncset.done $0x0  }
0x113: {  	[sflag:s20] =	ssyncadd.s32 $0xFFFFFFE0  }
0x114: {  	v28 =	vld [tilespmem:$0x2C80]  }
0x115: {  	v29 =	vld [tilespmem:$0x2D00]  }
0x116: {  	v30 =	vld [tilespmem:$0x2C90]  }
0x117: {  	v31 =	vld [tilespmem:$0x2D10];
	_ =	sdelay $0x3  }
0x118: {  	s10 =	sld [smem:$0x7F8];
	v28 =	vadd.s32 v28, v29  }
0x119: {  	[tilespmem:$0x2C80] =	vst v28;
	v28 =	vadd.s32 v30, v31  }
0x11a: {  	[tilespmem:$0x2C90] =	vst v28  }
0x11b: {  	[tilespmem:s22], [sflag:$0x2] =	stream.linear.gather [spmem:s10], $0x20, $0x38;
	[tilespmem:$0x4320] =	vst v63  }
0x11c: {  	_ =	swait.ge [sflag:s20], $0x20  }
0x11d: {  	[sflag:s20] =	ssyncset.done $0x0  }
0x11e: {  	[sflag:s20] =	ssyncadd.s32 $0xFFFFFFE0  }
0x11f: {  	v28 =	vld [tilespmem:$0x2C80]  }
0x120: {  	v29 =	vld [tilespmem:$0x2D00]  }
0x121: {  	v30 =	vld [tilespmem:$0x2C90]  }
0x122: {  	v31 =	vld [tilespmem:$0x2D10];
	_ =	sdelay $0x3  }
0x123: {  	s11 =	sld [smem:$0x7F9];
	v28 =	vadd.s32 v28, v29  }
0x124: {  	[tilespmem:$0x2C80] =	vst v28;
	v28 =	vadd.s32 v30, v31  }
0x125: {  	[tilespmem:$0x2C90] =	vst v28  }
0x126: {  	[tilespmem:s22], [sflag:$0x2] =	stream.linear.gather [spmem:s11], $0x20, $0x38;
	[tilespmem:$0x4320] =	vst v63  }
0x127: {  	_ =	swait.ge [sflag:s20], $0x20  }
0x128: {  	[sflag:s20] =	ssyncset.done $0x0  }
0x129: {  	[sflag:s20] =	ssyncadd.s32 $0xFFFFFFE0  }
0x12a: {  	v28 =	vld [tilespmem:$0x2C80]  }
0x12b: {  	v29 =	vld [tilespmem:$0x2D00]  }
0x12c: {  	v30 =	vld [tilespmem:$0x2C90]  }
0x12d: {  	v31 =	vld [tilespmem:$0x2D10];
	_ =	sdelay $0x3  }
0x12e: {  	v28 =	vadd.s32 v28, v29  }
0x12f: {  	[tilespmem:$0x2C80] =	vst v28;
	v28 =	vadd.s32 v30, v31  }
0x130: {  	s12 =	rddreg [dreg:$0x7];
	[tilespmem:$0x2C90] =	vst v28  }
0x131: {  	[tilespmem:s22], [sflag:$0x2] =	stream.linear.gather [spmem:s12], $0x20, $0x38;
	[tilespmem:$0x4320] =	vst v63  }
0x132: {  	_ =	swait.ge [sflag:s20], $0x20  }
0x133: {  	[sflag:s20] =	ssyncset.done $0x0  }
0x134: {  	[sflag:s20] =	ssyncadd.s32 $0xFFFFFFE0  }
0x135: {  	v28 =	vld [tilespmem:$0x2C80]  }
0x136: {  	v29 =	vld [tilespmem:$0x2D00]  }
0x137: {  	v30 =	vld [tilespmem:$0x2C90]  }
0x138: {  	v31 =	vld [tilespmem:$0x2D10];
	_ =	sdelay $0x3  }
0x139: {  	v28 =	vadd.s32 v28, v29  }
0x13a: {  	[tilespmem:$0x2C80] =	vst v28;
	v28 =	vadd.s32 v30, v31  }
0x13b: {  	s13 =	rddreg [dreg:$0x8];
	[tilespmem:$0x2C90] =	vst v28  }
0x13c: {  	[tilespmem:s22], [sflag:$0x2] =	stream.linear.gather [spmem:s13], $0x20, $0x38;
	[tilespmem:$0x4320] =	vst v63  }
0x13d: {  	_ =	swait.ge [sflag:s20], $0x20  }
0x13e: {  	[sflag:s20] =	ssyncset.done $0x0  }
0x13f: {  	[sflag:s20] =	ssyncadd.s32 $0xFFFFFFE0  }
0x140: {  	v28 =	vld [tilespmem:$0x2C80]  }
0x141: {  	v29 =	vld [tilespmem:$0x2D00]  }
0x142: {  	v30 =	vld [tilespmem:$0x2C90]  }
0x143: {  	v31 =	vld [tilespmem:$0x2D10];
	_ =	sdelay $0x3  }
0x144: {  	s14 =	sld [smem:$0x7FA];
	v28 =	vadd.s32 v28, v29  }
0x145: {  	[tilespmem:$0x2C80] =	vst v28;
	v28 =	vadd.s32 v30, v31  }
0x146: {  	[tilespmem:$0x2C90] =	vst v28  }
0x147: {  	[tilespmem:s22], [sflag:$0x2] =	stream.linear.gather [spmem:s14], $0x20, $0x38;
	[tilespmem:$0x4320] =	vst v63  }
0x148: {  	_ =	swait.ge [sflag:s20], $0x20  }
0x149: {  	[sflag:s20] =	ssyncset.done $0x0  }
0x14a: {  	[sflag:s20] =	ssyncadd.s32 $0xFFFFFFE0  }
0x14b: {  	v28 =	vld [tilespmem:$0x2C80]  }
0x14c: {  	v29 =	vld [tilespmem:$0x2D00]  }
0x14d: {  	v30 =	vld [tilespmem:$0x2C90]  }
0x14e: {  	v31 =	vld [tilespmem:$0x2D10];
	_ =	sdelay $0x3  }
0x14f: {  	s26 =	sld [smem:$0x7FB];
	v28 =	vadd.s32 v28, v29  }
0x150: {  	[tilespmem:$0x2C80] =	vst v28;
	v28 =	vadd.s32 v30, v31  }
0x151: {  	[tilespmem:$0x2C90] =	vst v28  }
0x152: {  	[tilespmem:s22], [sflag:$0x2] =	stream.linear.gather [spmem:s26], $0x20, $0x38;
	[tilespmem:$0x4320] =	vst v63  }
0x153: {  	_ =	swait.ge [sflag:s20], $0x20  }
0x154: {  	[sflag:s20] =	ssyncset.done $0x0  }
0x155: {  	[sflag:s20] =	ssyncadd.s32 $0xFFFFFFE0  }
0x156: {  	v28 =	vld [tilespmem:$0x2C80]  }
0x157: {  	v29 =	vld [tilespmem:$0x2D00]  }
0x158: {  	v30 =	vld [tilespmem:$0x2C90]  }
0x159: {  	v31 =	vld [tilespmem:$0x2D10];
	_ =	sdelay $0x3  }
0x15a: {  	s3 =	sld [smem:$0x7FC];
	v28 =	vadd.s32 v28, v29  }
0x15b: {  	[tilespmem:$0x2C80] =	vst v28;
	v28 =	vadd.s32 v30, v31  }
0x15c: {  	[tilespmem:$0x2C90] =	vst v28  }
0x15d: {  	[tilespmem:s22], [sflag:$0x2] =	stream.linear.gather [spmem:s3], $0x20, $0x38;
	[tilespmem:$0x4320] =	vst v63  }
0x15e: {  	_ =	swait.ge [sflag:s20], $0x20  }
0x15f: {  	[sflag:s20] =	ssyncset.done $0x0  }
0x160: {  	[sflag:s20] =	ssyncadd.s32 $0xFFFFFFE0  }
0x161: {  	v28 =	vld [tilespmem:$0x2C80]  }
0x162: {  	v29 =	vld [tilespmem:$0x2D00]  }
0x163: {  	v30 =	vld [tilespmem:$0x2C90]  }
0x164: {  	v31 =	vld [tilespmem:$0x2D10];
	_ =	sdelay $0x3  }
0x165: {  	s5 =	sld [smem:$0x7FD];
	v28 =	vadd.s32 v28, v29  }
0x166: {  	[tilespmem:$0x2C80] =	vst v28;
	v28 =	vadd.s32 v30, v31  }
0x167: {  	[tilespmem:$0x2C90] =	vst v28  }
0x168: {  	[tilespmem:s22], [sflag:$0x2] =	stream.linear.gather [spmem:s5], $0x20, $0x38;
	[tilespmem:$0x4320] =	vst v63  }
0x169: {  	_ =	swait.ge [sflag:s20], $0x20  }
0x16a: {  	[sflag:s20] =	ssyncset.done $0x0  }
0x16b: {  	[sflag:s20] =	ssyncadd.s32 $0xFFFFFFE0  }
0x16c: {  	v28 =	vld [tilespmem:$0x2C80]  }
0x16d: {  	v29 =	vld [tilespmem:$0x2D00]  }
0x16e: {  	v30 =	vld [tilespmem:$0x2C90]  }
0x16f: {  	v31 =	vld [tilespmem:$0x2D10];
	_ =	sdelay $0x3  }
0x170: {  	v28 =	vadd.s32 v28, v29  }
0x171: {  	[tilespmem:$0x2C80] =	vst v28;
	v28 =	vadd.s32 v30, v31  }
0x172: {  	[tilespmem:$0x2C90] =	vst v28  }
0x173: {  	[tilespmem:s22], [sflag:$0x2] =	stream.linear.gather [spmem:s15], $0x20, $0x38;
	[tilespmem:$0x4320] =	vst v63  }
0x174: {  	_ =	swait.ge [sflag:s20], $0x20  }
0x175: {  	[sflag:s20] =	ssyncset.done $0x0  }
0x176: {  	[sflag:s20] =	ssyncadd.s32 $0xFFFFFFE0  }
0x177: {  	v28 =	vld [tilespmem:$0x2C80]  }
0x178: {  	v29 =	vld [tilespmem:$0x2D00]  }
0x179: {  	v30 =	vld [tilespmem:$0x2C90]  }
0x17a: {  	v31 =	vld [tilespmem:$0x2D10];
	_ =	sdelay $0x3  }
0x17b: {  	v28 =	vadd.s32 v28, v29  }
0x17c: {  	[tilespmem:$0x2C80] =	vst v28;
	v28 =	vadd.s32 v30, v31  }
0x17d: {  	[tilespmem:$0x2C90] =	vst v28  }
0x17e: {  	[tilespmem:s22], [sflag:$0x2] =	stream.linear.gather [spmem:s16], $0x20, $0x38;
	[tilespmem:$0x4320] =	vst v63  }
0x17f: {  	_ =	swait.ge [sflag:s20], $0x20  }
0x180: {  	[sflag:s20] =	ssyncset.done $0x0  }
0x181: {  	[sflag:s20] =	ssyncadd.s32 $0xFFFFFFE0  }
0x182: {  	v28 =	vld [tilespmem:$0x2C80]  }
0x183: {  	v29 =	vld [tilespmem:$0x2D00]  }
0x184: {  	v30 =	vld [tilespmem:$0x2C90]  }
0x185: {  	v31 =	vld [tilespmem:$0x2D10];
	_ =	sdelay $0x3  }
0x186: {  	v28 =	vadd.s32 v28, v29  }
0x187: {  	[tilespmem:$0x2C80] =	vst v28;
	v28 =	vadd.s32 v30, v31  }
0x188: {  	[tilespmem:$0x2C90] =	vst v28  }
0x189: {  	[tilespmem:s22], [sflag:$0x2] =	stream.linear.gather [spmem:s17], $0x20, $0x38;
	[tilespmem:$0x4320] =	vst v63  }
0x18a: {  	_ =	swait.ge [sflag:s20], $0x20  }
0x18b: {  	[sflag:s20] =	ssyncset.done $0x0  }
0x18c: {  	[sflag:s20] =	ssyncadd.s32 $0xFFFFFFE0  }
0x18d: {  	v28 =	vld [tilespmem:$0x2C80]  }
0x18e: {  	v29 =	vld [tilespmem:$0x2D00]  }
0x18f: {  	v30 =	vld [tilespmem:$0x2C90]  }
0x190: {  	v31 =	vld [tilespmem:$0x2D10];
	_ =	sdelay $0x3  }
0x191: {  	v28 =	vadd.s32 v28, v29  }
0x192: {  	[tilespmem:$0x2C80] =	vst v28;
	v28 =	vadd.s32 v30, v31  }
0x193: {  	[tilespmem:$0x2C90] =	vst v28  }
0x194: {  	[tilespmem:s22], [sflag:$0x2] =	stream.linear.gather [spmem:s18], $0x20, $0x38;
	[tilespmem:$0x4320] =	vst v63  }
0x195: {  	_ =	swait.ge [sflag:s20], $0x20  }
0x196: {  	[sflag:s20] =	ssyncset.done $0x0  }
0x197: {  	[sflag:s20] =	ssyncadd.s32 $0xFFFFFFE0  }
0x198: {  	v28 =	vld [tilespmem:$0x2C80]  }
0x199: {  	v29 =	vld [tilespmem:$0x2D00]  }
0x19a: {  	v30 =	vld [tilespmem:$0x2C90]  }
0x19b: {  	v31 =	vld [tilespmem:$0x2D10];
	_ =	sdelay $0x3  }
0x19c: {  	v28 =	vadd.s32 v28, v29  }
0x19d: {  	[tilespmem:$0x2C80] =	vst v28;
	v28 =	vadd.s32 v30, v31  }
0x19e: {  	s6 =	simm.s32 $0x2C80;
	[tilespmem:$0x2C90] =	vst v28  }
0x19f: {  	[spmem:s19] =	stream.linear.scatter [tilespmem:s6], [sflag:$0x2], $0x20, $0x38;
	[tilespmem:$0x4320] =	vst v63  }
0x1a0: {  	_ =	swait.ge [sflag:s20], $0x20  }
0x1a1: {  	[sflag:s20] =	ssyncset.done $0x0  }
0x1a2: {  	[sflag:s20] =	ssyncadd.s32 $0xFFFFFFE0  }
0x1a3: {  	[bflag:$0x0] =	sbarrier.arrive $0xFFFF  }
0x1a4: {  	s9 =	simm.s32 $0x2D80;
	s8 =	rddreg [dreg:$0x3]  }
0x1a5: {  	[tilespmem:s9], [sflag:$0x2] =	stream.linear.gather [spmem:s8], $0x200, $0x38;
	[tilespmem:$0x4320] =	vst v63  }
0x1a6: {  	_ =	swait.ge [sflag:s20], $0x200  }
0x1a7: {  	[sflag:s20] =	ssyncset.done $0x0  }
0x1a8: {  	s10 =	simm.s32 $0x2F70;
	[sflag:s20] =	ssyncadd.s32 $0xFFFFFE00  }
0x1a9: {  	v28 =	vld [tilespmem:s10+$0x0];
	_ =	sdelay $0x4  }
0x1aa: {  	(xrf0) =	vadd.scan.msk.s32 $0xffff, v28;
	_ =	sdelay $0x5  }
0x1ab: {  	v28, _, _ =	vpop (xrf0)  }
0x1ac: {  	s11 =	simm.s32 $0x2F60;
	(v2sf) =	vpush v28, $0xF  }
0x1ad: {  	v28 =	vld [tilespmem:s11+$0x0]  }
0x1ae: {  	s12 =	simm.s32 $0x2F50  }
0x1af: {  	v29 =	vld [tilespmem:s12+$0x0];
	_ =	sdelay $0x2  }
0x1b0: {  	(xrf0) =	vadd.scan.msk.s32 $0xffff, v28;
	_ =	sdelay $0x1  }
0x1b1: {  	(xrf0) =	vadd.scan.msk.s32 $0xffff, v29;
	_ =	sdelay $0x2  }
0x1b2: {  	s13 =	simm.s32 $0x2F40  }
0x1b3: {  	v30 =	vld [tilespmem:s13+$0x0];
	v29, _, _ =	vpop (xrf0)  }
0x1b4: {  	(v2sf) =	vpush v29, $0xF  }
0x1b5: {  	v29, _, _ =	vpop (xrf0)  }
0x1b6: {  	s26 =	spop (v2sf);
	(v2sf) =	vpush v29, $0xF;
	_ =	sdelay $0x1  }
0x1b7: {  	s14 =	simm.s32 $0x2F30;
	(xrf0) =	vadd.scan.msk.s32 $0xffff, v30  }
0x1b8: {  	v28 =	vld [tilespmem:s14+$0x0]  }
0x1b9: {  	s28 =	simm.s32 $0x1D;
	s31 =	simm.s32 $0x1C  }
0x1ba: {  	s30 =	simm.s32 $0x1B;
	p1 =	por $0x1, $0x1;
	s0 =	simm.s32 $0x0  }
0x1bb: {  	s3 =	simm.s32 $0x0;
	s5 =	simm.s32 $0x0;
	s6 =	simm.s32 $0x1F  }
0x1bc: {  	s8 =	simm.s32 $0x1E;
	s9 =	simm.s32 $0x0;
	s26 =	sadd.s32 $0x0, s26  }
0x1bd: {  	s10 =	simm.s32 $0x1A;
	s11 =	simm.s32 $0x2F20;
	(xrf0) =	vadd.scan.msk.s32 $0xffff, v28;
	v28, _, _ =	vpop (xrf0);
	p2 =	sgt.s32 s26, $0x63  }
.LBB2_2:
0x1be: {  	p0 =	sne.s32 s10, $0x0;
	p1 =	por !p1, !p2;
	s12 =	smov.u32 s30  }
0x1bf: {  	v29 =	vld [tilespmem:s11+$0x0];
	(v2sf) =	vpush v28, $0xF;
	s30 =	smov.u32 s10;
	s10 =	sadd.s32 $0xFFFFFFFF, s10;
	s13 =	smov.u32 s5  }
.Ltmp0:
0x1c0: {  	s5 =	smov.u32 s26;
	p1 =	por !p1, !p1;
	(pc) =	sbr.rel @p0 .LBB2_2-.Ltmp0, $4  }
0x1c1: {  	s9 =	smov.u32 @p1 s6;
	s0 =	simm.s32 @p1 $0x1;
	s6 =	smov.u32 s8  }
0x1c2: {  	s3 =	smov.u32 @p1 s13;
	s8 =	smov.u32 s28;
	s14 =	spop (v2sf)  }
0x1c3: {  	s28 =	smov.u32 s31;
	s31 =	smov.u32 s12;
	s26 =	sadd.s32 s26, s14  }
0x1c4: {  	s11 =	sadd.s32 $0xFFFFFFF0, s11;
	p1 =	seq.s32 s0, $0x0;
	(xrf0) =	vadd.scan.msk.s32 $0xffff, v29;
	v28, _, _ =	vpop (xrf0);
	p2 =	sgt.s32 s26, $0x63  }
0x1c5: {  	_ =	sdelay $0x1  }
0x1c6: {  	(v2sf) =	vpush v28, $0xF;
	_ =	sdelay $0x2  }
0x1c7: {  	v28, _, _ =	vpop (xrf0)  }
0x1c8: {  	(v2sf) =	vpush v28, $0xF;
	_ =	sdelay $0x1  }
0x1c9: {  	p0 =	por !p1, !p2  }
0x1ca: {  	s10 =	spop (v2sf);
	p0 =	por !p0, !p0  }
0x1cb: {  	s10 =	sadd.s32 s26, s10;
	s0 =	simm.s32 @p0 $0x1  }
0x1cc: {  	p3 =	sgt.s32 s10, $0x63;
	p2 =	seq.s32 s0, $0x0  }
0x1cd: {  	p1 =	por !p2, !p3  }
0x1ce: {  	p1 =	por !p1, !p1;
	s11 =	spop (v2sf)  }
0x1cf: {  	s0 =	simm.s32 @p1 $0x1;
	s11 =	sadd.s32 s10, s11  }
0x1d0: {  	p4 =	seq.s32 s0, $0x0;
	p3 =	sgt.s32 s11, $0x63  }
0x1d1: {  	p2 =	por !p4, !p3  }
0x1d2: {  	p3 =	por !p2, !p2;
	s12 =	spop (v2sf)  }
0x1d3: {  	s0 =	simm.s32 @p3 $0x1;
	s12 =	sadd.s32 s11, s12  }
0x1d4: {  	p5 =	seq.s32 s0, $0x0;
	p4 =	sgt.s32 s12, $0x63  }
0x1d5: {  	p2 =	por !p5, !p4  }
0x1d6: {  	p4 =	por !p2, !p2;
	s13 =	spop (v2sf)  }
0x1d7: {  	s9 =	smov.u32 @p0 s6;
	s0 =	simm.s32 @p4 $0x1;
	s14 =	sadd.s32 s12, s13  }
0x1d8: {  	s9 =	smov.u32 @p1 s8;
	p5 =	seq.s32 s0, $0x0;
	p6 =	sgt.s32 s14, $0x63  }
0x1d9: {  	s9 =	smov.u32 @p3 s28;
	p2 =	por !p5, !p6  }
0x1da: {  	s9 =	smov.u32 @p4 s31;
	p2 =	por !p2, !p2  }
0x1db: {  	s9 =	smov.u32 @p2 s30  }
0x1dc: {  	s28 =	sshll.u32 s9, $0x4  }
0x1dd: {  	v28 =	vld [tilespmem:s28+$0x2D80];
	_ =	sdelay $0x4  }
0x1de: {  	v28 =	vperm.xlane v28, v26;
	_ =	sdelay $0x1  }
0x1df: {  	(xrf0) =	vadd.scan.msk.s32 $0xffff, v28  }
0x1e0: {  	s3 =	smov.u32 @p0 s5  }
0x1e1: {  	s3 =	smov.u32 @p1 s26  }
0x1e2: {  	s3 =	smov.u32 @p3 s10  }
0x1e3: {  	s3 =	smov.u32 @p4 s11  }
0x1e4: {  	s3 =	smov.u32 @p2 s12  }
0x1e5: {  	s3 =	ssub.s32 $0x64, s3;
	v28, _, _ =	vpop (xrf0)  }
0x1e6: {  	vm0 =	vge.s32 v28, s3  }
0x1e7: {  	v28 =	vmctz.xlane vm0;
	_ =	sdelay $0x1  }
0x1e8: {  	v28 =	vxor.u32 $0x80000000, v28  }
0x1e9: {  	(xrf0) =	vmax.scan.msk.u32 $0xffff, v28;
	_ =	sdelay $0x5  }
0x1ea: {  	v28, _, _ =	vpop (xrf0)  }
0x1eb: {  	(v2sf) =	vpush v28, $0xF;
	_ =	sdelay $0x9  }
0x1ec: {  	[tilespmem:$0x2F80] =	vst v20  }
0x1ed: {  	[tilespmem:$0x2F90] =	vst v20  }
0x1ee: {  	[tilespmem:$0x2FA0] =	vst v20  }
0x1ef: {  	[tilespmem:$0x4000] =	vst v27  }
0x1f0: {  	[tilespmem:$0x4080] =	vst v21  }
0x1f1: {  	[tilespmem:$0x4010] =	vst v27;
	s5 =	spop (v2sf)  }
0x1f2: {  	[tilespmem:$0x4090] =	vst v22;
	s3 =	sxor.u32 $0x7FFFFFFF, s5  }
0x1f3: {  	s0 =	simm.s32 @p2 $0x1;
	[tilespmem:$0x4020] =	vst v27;
	s3 =	sadd.s32 s28, s3  }
0x1f4: {  	p0 =	seq.s32 s0, $0x0;
	[tilespmem:$0x40A0] =	vst v23;
	s3 =	sadd.s32 $0x10, s3  }
0x1f5: {  	v28 =	vld [tilespmem:s7+$0x180];
	s3 =	simm.s32 @p0 $0x0  }
0x1f6: {  	s8 =	scvt.s32.f32 s3;
	_ =	sdelay $0x1  }
0x1f7: {  	s31 =	smul.f32 $1.953125000e-03, s8;
	_ =	sdelay $0x1  }
0x1f8: {  	vm0 =	vge.f32 v28, s31  }
0x1f9: {  	v28 =	vsel vm0, $0x1, v25  }
0x1fa: {  	(xrf0) =	vadd.scan.msk.s32 $0xffff, v28;
	_ =	sdelay $0x5  }
0x1fb: {  	v29, _, _ =	vpop (xrf0)  }
0x1fc: {  	v28 =	vsub.s32 v29, v28  }
0x1fd: {  	vm3 =	vlt.s32 v28, $0x20  }
0x1fe: {  	vm0 =	vmand vm0, vm3;
	_ =	sdelay $0x3  }
0x1ff: {  	(v2sf) =	vpush v29, $0xF  }
0x200: {  	s30 =	simm.s32 $0x2F80  }
0x201: {  	s9 =	rddreg [dreg:$0x9];
	[tilespmem:v28+s30+$0x0] =	vst.idx.msk vm0, v24  }
0x202: {  	v28 =	vld [tilespmem:s9+$0x180];
	_ =	sdelay $0x4  }
0x203: {  	vm0 =	vge.f32 v28, s31  }
0x204: {  	v28 =	vsel vm0, $0x1, v25  }
0x205: {  	(xrf0) =	vadd.scan.msk.s32 $0xffff, v28;
	_ =	sdelay $0x4  }
0x206: {  	s0 =	spop (v2sf)  }
0x207: {  	p0 =	slt.s32 s0, $0x20;
	v28 =	vsel vm0, $0xFFFFFFFF, v25;
	v29, _, _ =	vpop (xrf0)  }
0x208: {  	s0 =	simm.s32 @!p0 $0x20;
	v28 =	vadd.s32 v28, v29  }
0x209: {  	v28 =	vadd.s32 s0, v28  }
0x20a: {  	vm3 =	vlt.s32 v28, $0x20  }
0x20b: {  	vm0 =	vmand vm0, vm3;
	_ =	sdelay $0x2  }
0x20c: {  	(v2sf) =	vpush v29, $0xF;
	_ =	sdelay $0x2  }
0x20d: {  	s10 =	rddreg [dreg:$0xa];
	[tilespmem:v28+s30+$0x0] =	vst.idx.msk vm0, v1  }
0x20e: {  	v28 =	vld [tilespmem:s10+$0x180];
	_ =	sdelay $0x4  }
0x20f: {  	vm0 =	vge.f32 v28, s31  }
0x210: {  	v28 =	vsel vm0, $0x1, v25  }
0x211: {  	(xrf0) =	vadd.scan.msk.s32 $0xffff, v28;
	_ =	sdelay $0x3  }
0x212: {  	s11 =	spop (v2sf)  }
0x213: {  	s0 =	sadd.s32 s11, s0  }
0x214: {  	p0 =	slt.s32 s0, $0x20;
	v28 =	vsel vm0, $0xFFFFFFFF, v25;
	v29, _, _ =	vpop (xrf0)  }
0x215: {  	s0 =	simm.s32 @!p0 $0x20;
	v28 =	vadd.s32 v28, v29  }
0x216: {  	v28 =	vadd.s32 s0, v28  }
0x217: {  	vm3 =	vlt.s32 v28, $0x20  }
0x218: {  	vm0 =	vmand vm0, vm3;
	_ =	sdelay $0x2  }
0x219: {  	(v2sf) =	vpush v29, $0xF;
	_ =	sdelay $0x2  }
0x21a: {  	s12 =	rddreg [dreg:$0xb];
	[tilespmem:v28+s30+$0x0] =	vst.idx.msk vm0, v2  }
0x21b: {  	v28 =	vld [tilespmem:s12+$0x180];
	_ =	sdelay $0x4  }
0x21c: {  	vm0 =	vge.f32 v28, s31  }
0x21d: {  	v28 =	vsel vm0, $0x1, v25  }
0x21e: {  	(xrf0) =	vadd.scan.msk.s32 $0xffff, v28;
	_ =	sdelay $0x3  }
0x21f: {  	s13 =	spop (v2sf)  }
0x220: {  	s0 =	sadd.s32 s13, s0  }
0x221: {  	p0 =	slt.s32 s0, $0x20;
	v28 =	vsel vm0, $0xFFFFFFFF, v25;
	v29, _, _ =	vpop (xrf0)  }
0x222: {  	s0 =	simm.s32 @!p0 $0x20;
	v28 =	vadd.s32 v28, v29  }
0x223: {  	v28 =	vadd.s32 s0, v28  }
0x224: {  	vm3 =	vlt.s32 v28, $0x20  }
0x225: {  	vm0 =	vmand vm0, vm3;
	_ =	sdelay $0x2  }
0x226: {  	(v2sf) =	vpush v29, $0xF;
	_ =	sdelay $0x2  }
0x227: {  	s14 =	rddreg [dreg:$0xc];
	[tilespmem:v28+s30+$0x0] =	vst.idx.msk vm0, v3  }
0x228: {  	v28 =	vld [tilespmem:s14+$0x180];
	_ =	sdelay $0x4  }
0x229: {  	vm0 =	vge.f32 v28, s31  }
0x22a: {  	v28 =	vsel vm0, $0x1, v25  }
0x22b: {  	(xrf0) =	vadd.scan.msk.s32 $0xffff, v28;
	_ =	sdelay $0x3  }
0x22c: {  	s26 =	spop (v2sf)  }
0x22d: {  	s0 =	sadd.s32 s26, s0  }
0x22e: {  	p0 =	slt.s32 s0, $0x20;
	v28 =	vsel vm0, $0xFFFFFFFF, v25;
	v29, _, _ =	vpop (xrf0)  }
0x22f: {  	s0 =	simm.s32 @!p0 $0x20;
	v28 =	vadd.s32 v28, v29  }
0x230: {  	v28 =	vadd.s32 s0, v28  }
0x231: {  	vm3 =	vlt.s32 v28, $0x20  }
0x232: {  	vm0 =	vmand vm0, vm3;
	_ =	sdelay $0x2  }
0x233: {  	(v2sf) =	vpush v29, $0xF;
	_ =	sdelay $0x2  }
0x234: {  	s28 =	rddreg [dreg:$0xd];
	[tilespmem:v28+s30+$0x0] =	vst.idx.msk vm0, v4  }
0x235: {  	v28 =	vld [tilespmem:s28+$0x180];
	_ =	sdelay $0x4  }
0x236: {  	vm0 =	vge.f32 v28, s31  }
0x237: {  	v28 =	vsel vm0, $0x1, v25  }
0x238: {  	(xrf0) =	vadd.scan.msk.s32 $0xffff, v28;
	_ =	sdelay $0x3  }
0x239: {  	s5 =	spop (v2sf)  }
0x23a: {  	s0 =	sadd.s32 s5, s0  }
0x23b: {  	p0 =	slt.s32 s0, $0x20;
	v28 =	vsel vm0, $0xFFFFFFFF, v25;
	v29, _, _ =	vpop (xrf0)  }
0x23c: {  	s0 =	simm.s32 @!p0 $0x20;
	v28 =	vadd.s32 v28, v29  }
0x23d: {  	v28 =	vadd.s32 s0, v28  }
0x23e: {  	vm3 =	vlt.s32 v28, $0x20  }
0x23f: {  	vm0 =	vmand vm0, vm3;
	_ =	sdelay $0x2  }
0x240: {  	(v2sf) =	vpush v29, $0xF;
	_ =	sdelay $0x2  }
0x241: {  	s6 =	rddreg [dreg:$0xe];
	[tilespmem:v28+s30+$0x0] =	vst.idx.msk vm0, v5  }
0x242: {  	v28 =	vld [tilespmem:s6+$0x180];
	_ =	sdelay $0x4  }
0x243: {  	vm0 =	vge.f32 v28, s31  }
0x244: {  	v28 =	vsel vm0, $0x1, v25  }
0x245: {  	(xrf0) =	vadd.scan.msk.s32 $0xffff, v28;
	_ =	sdelay $0x3  }
0x246: {  	s8 =	spop (v2sf)  }
0x247: {  	s0 =	sadd.s32 s8, s0  }
0x248: {  	p0 =	slt.s32 s0, $0x20;
	v28 =	vsel vm0, $0xFFFFFFFF, v25;
	v29, _, _ =	vpop (xrf0)  }
0x249: {  	s0 =	simm.s32 @!p0 $0x20;
	v28 =	vadd.s32 v28, v29  }
0x24a: {  	v28 =	vadd.s32 s0, v28  }
0x24b: {  	vm3 =	vlt.s32 v28, $0x20  }
0x24c: {  	vm0 =	vmand vm0, vm3;
	_ =	sdelay $0x2  }
0x24d: {  	(v2sf) =	vpush v29, $0xF;
	_ =	sdelay $0x2  }
0x24e: {  	s9 =	rddreg [dreg:$0xf];
	[tilespmem:v28+s30+$0x0] =	vst.idx.msk vm0, v6  }
0x24f: {  	v28 =	vld [tilespmem:s9+$0x180];
	_ =	sdelay $0x4  }
0x250: {  	vm0 =	vge.f32 v28, s31  }
0x251: {  	v28 =	vsel vm0, $0x1, v25  }
0x252: {  	(xrf0) =	vadd.scan.msk.s32 $0xffff, v28;
	_ =	sdelay $0x3  }
0x253: {  	s10 =	spop (v2sf)  }
0x254: {  	s0 =	sadd.s32 s10, s0  }
0x255: {  	p0 =	slt.s32 s0, $0x20;
	v28 =	vsel vm0, $0xFFFFFFFF, v25;
	v29, _, _ =	vpop (xrf0)  }
0x256: {  	s0 =	simm.s32 @!p0 $0x20;
	v28 =	vadd.s32 v28, v29  }
0x257: {  	v28 =	vadd.s32 s0, v28  }
0x258: {  	vm3 =	vlt.s32 v28, $0x20  }
0x259: {  	vm0 =	vmand vm0, vm3;
	_ =	sdelay $0x2  }
0x25a: {  	(v2sf) =	vpush v29, $0xF;
	_ =	sdelay $0x2  }
0x25b: {  	s11 =	rddreg [dreg:$0x10];
	[tilespmem:v28+s30+$0x0] =	vst.idx.msk vm0, v7  }
0x25c: {  	v28 =	vld [tilespmem:s11+$0x180];
	_ =	sdelay $0x4  }
0x25d: {  	vm0 =	vge.f32 v28, s31  }
0x25e: {  	v28 =	vsel vm0, $0x1, v25  }
0x25f: {  	(xrf0) =	vadd.scan.msk.s32 $0xffff, v28;
	_ =	sdelay $0x3  }
0x260: {  	s12 =	spop (v2sf)  }
0x261: {  	s0 =	sadd.s32 s12, s0  }
0x262: {  	p0 =	slt.s32 s0, $0x20;
	v28 =	vsel vm0, $0xFFFFFFFF, v25;
	v29, _, _ =	vpop (xrf0)  }
0x263: {  	s0 =	simm.s32 @!p0 $0x20;
	v28 =	vadd.s32 v28, v29  }
0x264: {  	v28 =	vadd.s32 s0, v28  }
0x265: {  	vm3 =	vlt.s32 v28, $0x20  }
0x266: {  	vm0 =	vmand vm0, vm3;
	_ =	sdelay $0x2  }
0x267: {  	(v2sf) =	vpush v29, $0xF;
	_ =	sdelay $0x2  }
0x268: {  	s13 =	rddreg [dreg:$0x11];
	[tilespmem:v28+s30+$0x0] =	vst.idx.msk vm0, v8  }
0x269: {  	v28 =	vld [tilespmem:s13+$0x180];
	_ =	sdelay $0x4  }
0x26a: {  	vm0 =	vge.f32 v28, s31  }
0x26b: {  	v28 =	vsel vm0, $0x1, v25  }
0x26c: {  	(xrf0) =	vadd.scan.msk.s32 $0xffff, v28;
	_ =	sdelay $0x3  }
0x26d: {  	s14 =	spop (v2sf)  }
0x26e: {  	s0 =	sadd.s32 s14, s0  }
0x26f: {  	p0 =	slt.s32 s0, $0x20;
	v28 =	vsel vm0, $0xFFFFFFFF, v25;
	v29, _, _ =	vpop (xrf0)  }
0x270: {  	s0 =	simm.s32 @!p0 $0x20;
	v28 =	vadd.s32 v28, v29  }
0x271: {  	v28 =	vadd.s32 s0, v28  }
0x272: {  	vm3 =	vlt.s32 v28, $0x20  }
0x273: {  	vm0 =	vmand vm0, vm3;
	_ =	sdelay $0x2  }
0x274: {  	(v2sf) =	vpush v29, $0xF;
	_ =	sdelay $0x2  }
0x275: {  	s26 =	rddreg [dreg:$0x12];
	[tilespmem:v28+s30+$0x0] =	vst.idx.msk vm0, v9  }
0x276: {  	v28 =	vld [tilespmem:s26+$0x180];
	_ =	sdelay $0x4  }
0x277: {  	vm0 =	vge.f32 v28, s31  }
0x278: {  	v28 =	vsel vm0, $0x1, v25  }
0x279: {  	(xrf0) =	vadd.scan.msk.s32 $0xffff, v28;
	_ =	sdelay $0x3  }
0x27a: {  	s28 =	spop (v2sf)  }
0x27b: {  	s0 =	sadd.s32 s28, s0  }
0x27c: {  	p0 =	slt.s32 s0, $0x20;
	v28 =	vsel vm0, $0xFFFFFFFF, v25;
	v29, _, _ =	vpop (xrf0)  }
0x27d: {  	s0 =	simm.s32 @!p0 $0x20;
	v28 =	vadd.s32 v28, v29  }
0x27e: {  	v28 =	vadd.s32 s0, v28  }
0x27f: {  	vm3 =	vlt.s32 v28, $0x20  }
0x280: {  	vm0 =	vmand vm0, vm3;
	_ =	sdelay $0x2  }
0x281: {  	(v2sf) =	vpush v29, $0xF;
	_ =	sdelay $0x2  }
0x282: {  	s5 =	rddreg [dreg:$0x13];
	[tilespmem:v28+s30+$0x0] =	vst.idx.msk vm0, v10  }
0x283: {  	v28 =	vld [tilespmem:s5+$0x180];
	_ =	sdelay $0x4  }
0x284: {  	vm0 =	vge.f32 v28, s31  }
0x285: {  	v28 =	vsel vm0, $0x1, v25  }
0x286: {  	(xrf0) =	vadd.scan.msk.s32 $0xffff, v28;
	_ =	sdelay $0x3  }
0x287: {  	s6 =	spop (v2sf)  }
0x288: {  	s0 =	sadd.s32 s6, s0  }
0x289: {  	p0 =	slt.s32 s0, $0x20;
	v28 =	vsel vm0, $0xFFFFFFFF, v25;
	v29, _, _ =	vpop (xrf0)  }
0x28a: {  	s0 =	simm.s32 @!p0 $0x20;
	v28 =	vadd.s32 v28, v29  }
0x28b: {  	v28 =	vadd.s32 s0, v28  }
0x28c: {  	vm3 =	vlt.s32 v28, $0x20  }
0x28d: {  	vm0 =	vmand vm0, vm3;
	_ =	sdelay $0x2  }
0x28e: {  	(v2sf) =	vpush v29, $0xF;
	_ =	sdelay $0x2  }
0x28f: {  	s8 =	rddreg [dreg:$0x14];
	[tilespmem:v28+s30+$0x0] =	vst.idx.msk vm0, v11  }
0x290: {  	v28 =	vld [tilespmem:s8+$0x180];
	_ =	sdelay $0x4  }
0x291: {  	vm0 =	vge.f32 v28, s31  }
0x292: {  	v28 =	vsel vm0, $0x1, v25  }
0x293: {  	(xrf0) =	vadd.scan.msk.s32 $0xffff, v28;
	_ =	sdelay $0x3  }
0x294: {  	s9 =	spop (v2sf)  }
0x295: {  	s0 =	sadd.s32 s9, s0  }
0x296: {  	p0 =	slt.s32 s0, $0x20;
	v28 =	vsel vm0, $0xFFFFFFFF, v25;
	v29, _, _ =	vpop (xrf0)  }
0x297: {  	s0 =	simm.s32 @!p0 $0x20;
	v28 =	vadd.s32 v28, v29  }
0x298: {  	v28 =	vadd.s32 s0, v28  }
0x299: {  	vm3 =	vlt.s32 v28, $0x20  }
0x29a: {  	vm0 =	vmand vm0, vm3;
	_ =	sdelay $0x2  }
0x29b: {  	(v2sf) =	vpush v29, $0xF;
	_ =	sdelay $0x2  }
0x29c: {  	s10 =	rddreg [dreg:$0x15];
	[tilespmem:v28+s30+$0x0] =	vst.idx.msk vm0, v12  }
0x29d: {  	v28 =	vld [tilespmem:s10+$0x180];
	_ =	sdelay $0x4  }
0x29e: {  	vm0 =	vge.f32 v28, s31  }
0x29f: {  	v28 =	vsel vm0, $0x1, v25  }
0x2a0: {  	(xrf0) =	vadd.scan.msk.s32 $0xffff, v28;
	_ =	sdelay $0x3  }
0x2a1: {  	s11 =	spop (v2sf)  }
0x2a2: {  	s0 =	sadd.s32 s11, s0  }
0x2a3: {  	p0 =	slt.s32 s0, $0x20;
	v28 =	vsel vm0, $0xFFFFFFFF, v25;
	v29, _, _ =	vpop (xrf0)  }
0x2a4: {  	s0 =	simm.s32 @!p0 $0x20;
	v28 =	vadd.s32 v28, v29  }
0x2a5: {  	v28 =	vadd.s32 s0, v28  }
0x2a6: {  	vm3 =	vlt.s32 v28, $0x20  }
0x2a7: {  	vm0 =	vmand vm0, vm3;
	_ =	sdelay $0x2  }
0x2a8: {  	(v2sf) =	vpush v29, $0xF;
	_ =	sdelay $0x2  }
0x2a9: {  	s12 =	rddreg [dreg:$0x16];
	[tilespmem:v28+s30+$0x0] =	vst.idx.msk vm0, v13  }
0x2aa: {  	v28 =	vld [tilespmem:s12+$0x180];
	_ =	sdelay $0x4  }
0x2ab: {  	vm0 =	vge.f32 v28, s31  }
0x2ac: {  	v28 =	vsel vm0, $0x1, v25  }
0x2ad: {  	(xrf0) =	vadd.scan.msk.s32 $0xffff, v28;
	_ =	sdelay $0x3  }
0x2ae: {  	s13 =	spop (v2sf)  }
0x2af: {  	s0 =	sadd.s32 s13, s0  }
0x2b0: {  	p0 =	slt.s32 s0, $0x20;
	v28 =	vsel vm0, $0xFFFFFFFF, v25;
	v29, _, _ =	vpop (xrf0)  }
0x2b1: {  	s0 =	simm.s32 @!p0 $0x20;
	v28 =	vadd.s32 v28, v29  }
0x2b2: {  	v28 =	vadd.s32 s0, v28  }
0x2b3: {  	vm3 =	vlt.s32 v28, $0x20  }
0x2b4: {  	vm0 =	vmand vm0, vm3;
	_ =	sdelay $0x2  }
0x2b5: {  	(v2sf) =	vpush v29, $0xF;
	_ =	sdelay $0x2  }
0x2b6: {  	s14 =	rddreg [dreg:$0x17];
	[tilespmem:v28+s30+$0x0] =	vst.idx.msk vm0, v14  }
0x2b7: {  	v28 =	vld [tilespmem:s14+$0x180];
	_ =	sdelay $0x4  }
0x2b8: {  	vm0 =	vge.f32 v28, s31  }
0x2b9: {  	v28 =	vsel vm0, $0x1, v25  }
0x2ba: {  	(xrf0) =	vadd.scan.msk.s32 $0xffff, v28;
	_ =	sdelay $0x3  }
0x2bb: {  	s26 =	spop (v2sf)  }
0x2bc: {  	s0 =	sadd.s32 s26, s0  }
0x2bd: {  	p0 =	slt.s32 s0, $0x20;
	v28 =	vsel vm0, $0xFFFFFFFF, v25;
	v29, _, _ =	vpop (xrf0)  }
0x2be: {  	s0 =	simm.s32 @!p0 $0x20;
	v28 =	vadd.s32 v28, v29  }
0x2bf: {  	v28 =	vadd.s32 s0, v28  }
0x2c0: {  	vm3 =	vlt.s32 v28, $0x20  }
0x2c1: {  	vm0 =	vmand vm0, vm3;
	_ =	sdelay $0x2  }
0x2c2: {  	(v2sf) =	vpush v29, $0xF;
	_ =	sdelay $0x2  }
0x2c3: {  	s28 =	rddreg [dreg:$0x18];
	[tilespmem:v28+s30+$0x0] =	vst.idx.msk vm0, v15  }
0x2c4: {  	v28 =	vld [tilespmem:s28+$0x180];
	_ =	sdelay $0x4  }
0x2c5: {  	vm0 =	vge.f32 v28, s31  }
0x2c6: {  	v28 =	vsel vm0, $0x1, v25  }
0x2c7: {  	(xrf0) =	vadd.scan.msk.s32 $0xffff, v28;
	_ =	sdelay $0x3  }
0x2c8: {  	s5 =	spop (v2sf)  }
0x2c9: {  	s0 =	sadd.s32 s5, s0  }
0x2ca: {  	p0 =	slt.s32 s0, $0x20;
	v28 =	vsel vm0, $0xFFFFFFFF, v25;
	v29, _, _ =	vpop (xrf0)  }
0x2cb: {  	s0 =	simm.s32 @!p0 $0x20;
	v28 =	vadd.s32 v28, v29  }
0x2cc: {  	v28 =	vadd.s32 s0, v28  }
0x2cd: {  	vm3 =	vlt.s32 v28, $0x20  }
0x2ce: {  	vm0 =	vmand vm0, vm3;
	_ =	sdelay $0x2  }
0x2cf: {  	(v2sf) =	vpush v29, $0xF;
	_ =	sdelay $0x2  }
0x2d0: {  	s6 =	rddreg [dreg:$0x19];
	[tilespmem:v28+s30+$0x0] =	vst.idx.msk vm0, v16  }
0x2d1: {  	v28 =	vld [tilespmem:s6+$0x180];
	_ =	sdelay $0x4  }
0x2d2: {  	vm0 =	vge.f32 v28, s31  }
0x2d3: {  	v28 =	vsel vm0, $0x1, v25  }
0x2d4: {  	(xrf0) =	vadd.scan.msk.s32 $0xffff, v28;
	_ =	sdelay $0x3  }
0x2d5: {  	s8 =	spop (v2sf)  }
0x2d6: {  	s0 =	sadd.s32 s8, s0  }
0x2d7: {  	p0 =	slt.s32 s0, $0x20;
	v28 =	vsel vm0, $0xFFFFFFFF, v25;
	v29, _, _ =	vpop (xrf0)  }
0x2d8: {  	s0 =	simm.s32 @!p0 $0x20;
	v28 =	vadd.s32 v28, v29  }
0x2d9: {  	v28 =	vadd.s32 s0, v28  }
0x2da: {  	vm3 =	vlt.s32 v28, $0x20  }
0x2db: {  	vm0 =	vmand vm0, vm3;
	_ =	sdelay $0x2  }
0x2dc: {  	(v2sf) =	vpush v29, $0xF;
	_ =	sdelay $0x2  }
0x2dd: {  	s9 =	rddreg [dreg:$0x1a];
	[tilespmem:v28+s30+$0x0] =	vst.idx.msk vm0, v17  }
0x2de: {  	v28 =	vld [tilespmem:s9+$0x180];
	_ =	sdelay $0x4  }
0x2df: {  	vm0 =	vge.f32 v28, s31  }
0x2e0: {  	v28 =	vsel vm0, $0x1, v25  }
0x2e1: {  	(xrf0) =	vadd.scan.msk.s32 $0xffff, v28;
	_ =	sdelay $0x3  }
0x2e2: {  	s10 =	spop (v2sf)  }
0x2e3: {  	s0 =	sadd.s32 s10, s0  }
0x2e4: {  	p0 =	slt.s32 s0, $0x20;
	v28 =	vsel vm0, $0xFFFFFFFF, v25;
	v29, _, _ =	vpop (xrf0)  }
0x2e5: {  	s0 =	simm.s32 @!p0 $0x20;
	v28 =	vadd.s32 v28, v29  }
0x2e6: {  	v28 =	vadd.s32 s0, v28  }
0x2e7: {  	vm3 =	vlt.s32 v28, $0x20  }
0x2e8: {  	vm0 =	vmand vm0, vm3;
	_ =	sdelay $0x5  }
0x2e9: {  	s11 =	rddreg [dreg:$0x1b];
	[tilespmem:v28+s30+$0x0] =	vst.idx.msk vm0, v18  }
0x2ea: {  	(v2sf) =	vpush v29, $0xF;
	v28 =	vld [tilespmem:s11+$0x180];
	_ =	sdelay $0x4  }
0x2eb: {  	vm0 =	vge.f32 v28, s31  }
0x2ec: {  	v28 =	vsel vm0, $0x1, v25  }
0x2ed: {  	(xrf0) =	vadd.scan.msk.s32 $0xffff, v28;
	_ =	sdelay $0x5  }
0x2ee: {  	v28, _, _ =	vpop (xrf0)  }
0x2ef: {  	(v2sf) =	vpush v28, $0xF  }
0x2f0: {  	s12 =	spop (v2sf)  }
0x2f1: {  	s0 =	sadd.s32 s12, s0  }
0x2f2: {  	v29 =	vsel vm0, $0xFFFFFFFF, v25;
	p0 =	slt.s32 s0, $0x20  }
0x2f3: {  	s0 =	simm.s32 @!p0 $0x20;
	v28 =	vadd.s32 v29, v28  }
0x2f4: {  	v28 =	vadd.s32 s0, v28  }
0x2f5: {  	vm3 =	vlt.s32 v28, $0x20  }
0x2f6: {  	vm0 =	vmand vm0, vm3;
	_ =	sdelay $0x5  }
0x2f7: {  	s14 =	rddreg [dreg:$0x1f];
	s26 =	simm.s32 $0x20;
	s28 =	simm.s32 $0x3000;
	[tilespmem:v28+s30+$0x0] =	vst.idx.msk vm0, v19  }
0x2f8: {  	[tilespmem:s28], [sflag:$0x1] =	stream.indirect.gather [hbm4b:s14+s26], $0x80, s30, s26, $0xb8;
	[tilespmem:$0x4320] =	vst v63  }
0x2f9: {  	s13 =	spop (v2sf)  }
0x2fa: {  	s0 =	sadd.s32 s13, s0  }
0x2fb: {  	p0 =	slt.s32 s0, $0x20  }
0x2fc: {  	s0 =	simm.s32 @!p0 $0x20  }
0x2fd: {  	[dreg:$0x5] =	wrdreg s0  }
0x2fe: {  	_ =	swait.ge [sflag:s23], $0x1000  }
0x2ff: {  	s3 =	simm.s32 $0x0;
	[sflag:s23] =	ssyncset.done $0x0  }
0x300: {  	vm1 =	vmxor vm1, vm1;
	v28 =	vmov s31;
	s31 =	simm.s32 $0x3040;
	s26 =	simm.s32 $0x0;
	[sflag:s23] =	ssyncadd.s32 $0xFFFFF000  }
.LBB2_4:
0x301: {  	v29 =	vld [tilespmem:s30+$0x0]  }
0x302: {  	v30 =	vld [tilespmem:s31+$0xFFFFFFC0];
	_ =	sdelay $0x2  }
0x303: {  	s0 =	rddreg [dreg:$0x5]  }
0x304: {  	vm0 =	vmmov vm1;
	p0 =	slt.s32 s26, s0;
	(v2sf) =	vpush v29, $0x0  }
0x305: {  	vm0 =	vmneg @p0 vm0;
	vm3 =	vge.f32 v30, v28  }
0x306: {  	vm3 =	vmand vm0, vm3  }
0x307: {  	v29 =	vsel vm3, $0x1, v25  }
0x308: {  	(xrf0) =	vadd.scan.msk.s32 $0xffff, v29;
	_ =	sdelay $0x4  }
0x309: {  	v29 =	vsel vm3, $0xFFFFFFFF, v25  }
0x30a: {  	v29 =	vadd.s32 s3, v29;
	v31, _, _ =	vpop (xrf0)  }
0x30b: {  	v29 =	vadd.s32 v31, v29  }
0x30c: {  	vm4 =	vlt.s32 v29, $0x20  }
0x30d: {  	vm3 =	vmand vm3, vm4;
	_ =	sdelay $0x1  }
0x30e: {  	s11 =	spop (v2sf)  }
0x30f: {  	s0 =	sshll.u32 s11, $0x7  }
0x310: {  	v32 =	vor.u32 s0, v0  }
0x311: {  	(v2sf) =	vpush v31, $0xF;
	v32 =	vcvt.s32.f32 v32  }
0x312: {  	[tilespmem:v29+s24+$0x0] =	vst.idx.msk vm3, v30  }
0x313: {  	[tilespmem:v29+s25+$0x0] =	vst.idx.msk vm3, v32  }
0x314: {  	v29 =	vld [tilespmem:s31+$0xFFFFFFD0];
	_ =	sdelay $0x4  }
0x315: {  	vm3 =	vge.f32 v29, v28  }
0x316: {  	vm3 =	vmand vm0, vm3  }
0x317: {  	v30 =	vsel vm3, $0x1, v25  }
0x318: {  	(xrf0) =	vadd.scan.msk.s32 $0xffff, v30;
	_ =	sdelay $0x3  }
0x319: {  	s5 =	spop (v2sf)  }
0x31a: {  	s3 =	sadd.s32 s3, s5  }
0x31b: {  	p0 =	slt.s32 s3, $0x20;
	v30 =	vsel vm3, $0xFFFFFFFF, v25;
	v31, _, _ =	vpop (xrf0)  }
0x31c: {  	s3 =	simm.s32 @!p0 $0x20;
	v30 =	vadd.s32 v30, v31  }
0x31d: {  	v30 =	vadd.s32 s3, v30  }
0x31e: {  	vm10 =	vlt.s32 v30, $0x20  }
0x31f: {  	vm3 =	vmand vm3, vm10;
	_ =	sdelay $0x2  }
0x320: {  	s12 =	sor.u32 $0x10, s0  }
0x321: {  	v58 =	vor.u32 s12, v0  }
0x322: {  	v32 =	vcvt.s32.f32 v58;
	(v2sf) =	vpush v31, $0xF  }
0x323: {  	[tilespmem:v30+s24+$0x0] =	vst.idx.msk vm3, v29  }
0x324: {  	[tilespmem:v30+s25+$0x0] =	vst.idx.msk vm3, v32  }
0x325: {  	v29 =	vld [tilespmem:s31+$0xFFFFFFE0];
	_ =	sdelay $0x4  }
0x326: {  	vm3 =	vge.f32 v29, v28  }
0x327: {  	vm3 =	vmand vm0, vm3  }
0x328: {  	v30 =	vsel vm3, $0x1, v25  }
0x329: {  	(xrf0) =	vadd.scan.msk.s32 $0xffff, v30;
	_ =	sdelay $0x3  }
0x32a: {  	s13 =	spop (v2sf)  }
0x32b: {  	s3 =	sadd.s32 s3, s13  }
0x32c: {  	p0 =	slt.s32 s3, $0x20;
	v30 =	vsel vm3, $0xFFFFFFFF, v25;
	v31, _, _ =	vpop (xrf0)  }
0x32d: {  	s3 =	simm.s32 @!p0 $0x20;
	v30 =	vadd.s32 v30, v31  }
0x32e: {  	v30 =	vadd.s32 s3, v30  }
0x32f: {  	vm11 =	vlt.s32 v30, $0x20  }
0x330: {  	vm3 =	vmand vm3, vm11;
	_ =	sdelay $0x2  }
0x331: {  	s14 =	sor.u32 $0x20, s0  }
0x332: {  	v59 =	vor.u32 s14, v0  }
0x333: {  	v32 =	vcvt.s32.f32 v59;
	(v2sf) =	vpush v31, $0xF  }
0x334: {  	[tilespmem:v30+s24+$0x0] =	vst.idx.msk vm3, v29  }
0x335: {  	[tilespmem:v30+s25+$0x0] =	vst.idx.msk vm3, v32  }
0x336: {  	v29 =	vld [tilespmem:s31+$0xFFFFFFF0];
	_ =	sdelay $0x4  }
0x337: {  	vm3 =	vge.f32 v29, v28  }
0x338: {  	vm3 =	vmand vm0, vm3  }
0x339: {  	v30 =	vsel vm3, $0x1, v25  }
0x33a: {  	(xrf0) =	vadd.scan.msk.s32 $0xffff, v30;
	_ =	sdelay $0x3  }
0x33b: {  	s28 =	spop (v2sf)  }
0x33c: {  	s3 =	sadd.s32 s3, s28  }
0x33d: {  	p0 =	slt.s32 s3, $0x20;
	v30 =	vsel vm3, $0xFFFFFFFF, v25;
	v31, _, _ =	vpop (xrf0)  }
0x33e: {  	s3 =	simm.s32 @!p0 $0x20;
	v30 =	vadd.s32 v30, v31  }
0x33f: {  	v30 =	vadd.s32 s3, v30  }
0x340: {  	vm12 =	vlt.s32 v30, $0x20  }
0x341: {  	vm3 =	vmand vm3, vm12;
	_ =	sdelay $0x2  }
0x342: {  	s6 =	sor.u32 $0x30, s0  }
0x343: {  	v60 =	vor.u32 s6, v0  }
0x344: {  	v32 =	vcvt.s32.f32 v60;
	(v2sf) =	vpush v31, $0xF  }
0x345: {  	[tilespmem:v30+s24+$0x0] =	vst.idx.msk vm3, v29  }
0x346: {  	[tilespmem:v30+s25+$0x0] =	vst.idx.msk vm3, v32  }
0x347: {  	v29 =	vld [tilespmem:s31+$0x0];
	_ =	sdelay $0x4  }
0x348: {  	vm3 =	vge.f32 v29, v28  }
0x349: {  	vm3 =	vmand vm0, vm3  }
0x34a: {  	v30 =	vsel vm3, $0x1, v25  }
0x34b: {  	(xrf0) =	vadd.scan.msk.s32 $0xffff, v30;
	_ =	sdelay $0x3  }
0x34c: {  	s8 =	spop (v2sf)  }
0x34d: {  	s3 =	sadd.s32 s3, s8  }
0x34e: {  	p0 =	slt.s32 s3, $0x20;
	v30 =	vsel vm3, $0xFFFFFFFF, v25;
	v31, _, _ =	vpop (xrf0)  }
0x34f: {  	s3 =	simm.s32 @!p0 $0x20;
	v30 =	vadd.s32 v30, v31  }
0x350: {  	v30 =	vadd.s32 s3, v30  }
0x351: {  	vm13 =	vlt.s32 v30, $0x20  }
0x352: {  	vm3 =	vmand vm3, vm13;
	_ =	sdelay $0x2  }
0x353: {  	s9 =	sor.u32 $0x40, s0  }
0x354: {  	v61 =	vor.u32 s9, v0  }
0x355: {  	v32 =	vcvt.s32.f32 v61;
	(v2sf) =	vpush v31, $0xF  }
0x356: {  	[tilespmem:v30+s24+$0x0] =	vst.idx.msk vm3, v29  }
0x357: {  	[tilespmem:v30+s25+$0x0] =	vst.idx.msk vm3, v32  }
0x358: {  	v29 =	vld [tilespmem:s31+$0x10];
	_ =	sdelay $0x4  }
0x359: {  	vm3 =	vge.f32 v29, v28  }
0x35a: {  	vm3 =	vmand vm0, vm3  }
0x35b: {  	v30 =	vsel vm3, $0x1, v25  }
0x35c: {  	(xrf0) =	vadd.scan.msk.s32 $0xffff, v30;
	_ =	sdelay $0x3  }
0x35d: {  	s10 =	spop (v2sf)  }
0x35e: {  	s3 =	sadd.s32 s3, s10  }
0x35f: {  	p0 =	slt.s32 s3, $0x20;
	v30 =	vsel vm3, $0xFFFFFFFF, v25;
	v31, _, _ =	vpop (xrf0)  }
0x360: {  	s3 =	simm.s32 @!p0 $0x20;
	v30 =	vadd.s32 v30, v31  }
0x361: {  	v30 =	vadd.s32 s3, v30  }
0x362: {  	vm14 =	vlt.s32 v30, $0x20  }
0x363: {  	vm3 =	vmand vm3, vm14;
	_ =	sdelay $0x2  }
0x364: {  	s11 =	sor.u32 $0x50, s0  }
0x365: {  	v62 =	vor.u32 s11, v0  }
0x366: {  	v32 =	vcvt.s32.f32 v62;
	(v2sf) =	vpush v31, $0xF  }
0x367: {  	[tilespmem:v30+s24+$0x0] =	vst.idx.msk vm3, v29  }
0x368: {  	[tilespmem:v30+s25+$0x0] =	vst.idx.msk vm3, v32  }
0x369: {  	v29 =	vld [tilespmem:s31+$0x20];
	_ =	sdelay $0x4  }
0x36a: {  	vm3 =	vge.f32 v29, v28  }
0x36b: {  	vm3 =	vmand vm0, vm3  }
0x36c: {  	v30 =	vsel vm3, $0x1, v25  }
0x36d: {  	(xrf0) =	vadd.scan.msk.s32 $0xffff, v30;
	_ =	sdelay $0x3  }
0x36e: {  	s12 =	spop (v2sf)  }
0x36f: {  	s3 =	sadd.s32 s3, s12  }
0x370: {  	p0 =	slt.s32 s3, $0x20;
	v30 =	vsel vm3, $0xFFFFFFFF, v25;
	v31, _, _ =	vpop (xrf0)  }
0x371: {  	s3 =	simm.s32 @!p0 $0x20;
	v30 =	vadd.s32 v30, v31  }
0x372: {  	v30 =	vadd.s32 s3, v30  }
0x373: {  	vm15 =	vlt.s32 v30, $0x20  }
0x374: {  	vm3 =	vmand vm3, vm15;
	_ =	sdelay $0x2  }
0x375: {  	s13 =	sor.u32 $0x60, s0  }
0x376: {  	v63 =	vor.u32 s13, v0  }
0x377: {  	v32 =	vcvt.s32.f32 v63  }
0x378: {  	[tilespmem:v30+s24+$0x0] =	vst.idx.msk vm3, v29  }
0x379: {  	[tilespmem:v30+s25+$0x0] =	vst.idx.msk vm3, v32  }
0x37a: {  	v29 =	vld [tilespmem:s31+$0x30];
	_ =	sdelay $0x4  }
0x37b: {  	vm3 =	vge.f32 v29, v28  }
0x37c: {  	vm0 =	vmand vm0, vm3  }
0x37d: {  	v30 =	vsel vm0, $0x1, v25  }
0x37e: {  	(xrf0) =	vadd.scan.msk.s32 $0xffff, v30;
	_ =	sdelay $0x1  }
0x37f: {  	(v2sf) =	vpush v31, $0xF;
	_ =	sdelay $0x3  }
0x380: {  	v30, _, _ =	vpop (xrf0)  }
0x381: {  	(v2sf) =	vpush v30, $0xF;
	_ =	sdelay $0x9  }
0x382: {  	s14 =	spop (v2sf)  }
0x383: {  	s3 =	sadd.s32 s3, s14  }
0x384: {  	p0 =	slt.s32 s3, $0x20;
	v31 =	vsel vm0, $0xFFFFFFFF, v25  }
0x385: {  	s3 =	simm.s32 @!p0 $0x20;
	v30 =	vadd.s32 v31, v30  }
0x386: {  	v30 =	vadd.s32 s3, v30  }
0x387: {  	vm3 =	vlt.s32 v30, $0x20;
	s28 =	spop (v2sf)  }
0x388: {  	vm0 =	vmand vm0, vm3;
	s3 =	sadd.s32 s3, s28  }
0x389: {  	p0 =	slt.s32 s3, $0x20  }
0x38a: {  	s3 =	simm.s32 @!p0 $0x20;
	p0 =	sne.s32 s26, $0x1F  }
.Ltmp1:
0x38b: {  	s0 =	sor.u32 $0x70, s0;
	(pc) =	sbr.rel @p0 .LBB2_4-.Ltmp1, $4  }
0x38c: {  	v31 =	vor.u32 s0, v0  }
0x38d: {  	v31 =	vcvt.s32.f32 v31  }
0x38e: {  	[tilespmem:v30+s24+$0x0] =	vst.idx.msk vm0, v29  }
0x38f: {  	s30 =	sadd.s32 $0x1, s30;
	s31 =	sadd.s32 $0x80, s31;
	[tilespmem:v30+s25+$0x0] =	vst.idx.msk vm0, v31;
	s26 =	sadd.s32 $0x1, s26  }
0x390: {  	s0 =	rddreg [dreg:$0x1c]  }
0x391: {  	[hbm4b:s0+s1] =	stream.linear.scatter [tilespmem:s24], [sflag:$0x2], $0x20, $0x38;
	[tilespmem:$0x4320] =	vst v63  }
0x392: {  	_ =	swait.ge [sflag:s20], $0x20  }
0x393: {  	s30 =	sld [smem:$0x7F3]  }
0x394: {  	[sflag:s20] =	ssyncset.done $0x0  }
0x395: {  	[sflag:s20] =	ssyncadd.s32 $0xFFFFFFE0  }
0x396: {  	[hbm4b:s30+s1] =	stream.linear.scatter [tilespmem:s25], [sflag:$0x2], $0x20, $0x38;
	[tilespmem:$0x4320] =	vst v63  }
0x397: {  	_ =	swait.ge [sflag:s20], $0x20  }
0x398: {  	s31 =	sld [smem:$0x7F4];
	_ =	sdelay $0x1  }
0x399: {  	s29 =	sadd.s32 $0x1, s29  }
0x39a: {  	p0 =	sne.s32 s29, s31  }
.Ltmp2:
0x39b: {  	_ = 	snop;
	(pc) =	sbr.rel @p0 .LBB2_1-.Ltmp2, $3  }
0x39c: {  	_ =	sdelay $0x1  }
0x39d: {  	[sflag:s20] =	ssyncset.done $0x0  }
0x39e: {  	[sflag:s20] =	ssyncadd.s32 $0xFFFFFFE0  }
0x39f: {  	_ =	sfence.sel $0x180000  }
0x3a0: {  	[bflag:$0x0] =	sbarrier.arrive $0xFFFF  }
0x3a1: {  	_ =	strace $0x90000047  }
0x3a2: {  	s0 =	stileid.u32;
	[bflag:$0x2] =	sbarrier.arrive $0xFFFF  }
0x3a3: {  	p0 =	sne.s32 s0, $0x0;
	s0 =	rddreg [dreg:$0x4]  }
0x3a4: {  	s0 =	sadd.s32 @!p0 $0x100000, s0  }
0x3a5: {  	[sflag:s0] =	ssyncadd.tile.s32 @!p0 $0x1;
	_ =	shalt  }
.Lfunc_end2:
_tile_overlayer_lowered:
.L_overlay_start_2:
0x3a6: {  	(tag) =	ssettag $0x2  }
0x3a7: {  	s0 =	rddreg [dreg:$0x0];
	s2 =	stileid.u32  }
0x3a8: {  	s1 =	rddreg [dreg:$0x1];
	p0 =	sne.s32 s2, $0x0  }
0x3a9: {  	s3 =	rddreg [dreg:$0x2];
	[bflag:$0x3] =	sbarrier.arrive $0xFFFF;
	s2 =	simm.s32 @!p0 $0x1C02  }
0x3aa: {  	[timem:s3], [sflag:s2] =	dma.local @!p0 [hbm:s0], s1  }
0x3ab: {  	s0 =	simm.s32 @!p0 $0x2  }
0x3ac: {  	_ =	swait.ge @!p0 [sflag:s0], s1  }
0x3ad: {  	s1 =	ssub.s32 @!p0 $0x0, s1;
	[sflag:s0] =	ssyncset.done @!p0 $0x0  }
0x3ae: {  	[sflag:s0] =	ssyncadd.s32 @!p0 s1  }
0x3af: {  	[bflag:$0x3] =	sbarrier.arrive $0xFFFF  }
0x3b0: {  	_ =	shalt  }

</sc_bundles>
